<compile_context>
chip_gen: v7x
topology: tpu7x:2x2x1
jax: 0.10.2.dev20260603
libtpu: 0.0.44.dev20260713+nightly
codegen_flags: <defaults>
</compile_context>

<pallas_src>
import functools

import jax
import jax.numpy as jnp
from jax.experimental import pallas as pl
from jax.experimental.pallas import tpu as pltpu
from jax.experimental.pallas import tpu_sc as plsc

_B = 2
_N = 8192
_C_IN = 32
_NPOINT = 2048
_RADII = (0.5, 1.0)
_NSAMPLES = (16, 32)
_EPS = 1e-5

_SUB = 8
_LANE = _N // _SUB


def _fps_body(xq_ref, out_ref):
    flat = (jax.lax.broadcasted_iota(jnp.int32, (_SUB, _LANE), 0) * _LANE
            + jax.lax.broadcasted_iota(jnp.int32, (_SUB, _LANE), 1))
    slot = (jax.lax.broadcasted_iota(jnp.int32, (16, _NPOINT // 16), 0)
            * (_NPOINT // 16)
            + jax.lax.broadcasted_iota(jnp.int32, (16, _NPOINT // 16), 1))
    big = jnp.int32(_N)

    def one_batch(b):
        x = xq_ref[b, 0]
        y = xq_ref[b, 1]
        z = xq_ref[b, 2]

        def body(i, st):
            dist, far, nx, ny, nz = st
            sel = (flat == far).astype(jnp.float32)
            cx = jnp.sum(x * sel)
            cy = jnp.sum(y * sel)
            cz = jnp.sum(z * sel)
            here = slot == i
            nx = jnp.where(here, cx, nx)
            ny = jnp.where(here, cy, ny)
            nz = jnp.where(here, cz, nz)
            dx = x - cx
            dy = y - cy
            dz = z - cz
            d = dx * dx + dy * dy + dz * dz
            dist = jnp.minimum(dist, d)
            m = jnp.max(dist)
            far = jnp.min(jnp.where(dist == m, flat, big))
            return dist, far, nx, ny, nz

        dist0 = jnp.full((_SUB, _LANE), 1e10, jnp.float32)
        zeros = jnp.zeros((16, _NPOINT // 16), jnp.float32)
        _, _, nx, ny, nz = jax.lax.fori_loop(
            0, _NPOINT, body, (dist0, jnp.int32(0), zeros, zeros, zeros))
        out_ref[b, 0] = nx
        out_ref[b, 1] = ny
        out_ref[b, 2] = nz

    one_batch(0)
    one_batch(1)


def _fps(xq):
    out = pl.pallas_call(
        _fps_body,
        out_shape=jax.ShapeDtypeStruct((_B, 3, 16, _NPOINT // 16), jnp.float32),
        in_specs=[pl.BlockSpec(memory_space=pltpu.VMEM)],
        out_specs=pl.BlockSpec(memory_space=pltpu.VMEM),
    )(xq)
    return jnp.transpose(out.reshape(_B, 3, _NPOINT), (0, 2, 1))


_BQ_CB = 256
_BQ_CHUNK = 1024
_BIG = 1 << 30


def _bq_body(xq_ref, nxyz_ref, idx0_ref, idx1_ref, v0_ref, v1_ref, d2_ref):
    CB = _BQ_CB
    lane = jax.lax.broadcasted_iota(jnp.int32, (1, _BQ_CHUNK), 1)
    col16 = jax.lax.broadcasted_iota(jnp.int32, (CB, 16), 1)
    col32 = jax.lax.broadcasted_iota(jnp.int32, (CB, 32), 1)
    nchunks = _N // _BQ_CHUNK

    def wcond(st):
        k, _, cnt0, _, _, cnt1, _ = st
        todo = (jnp.min(cnt0) < 16) | (jnp.min(cnt1) < 32)
        return (k < nchunks) & todo

    def wbody(st):
        k, cur0, cnt0, reg0, cur1, cnt1, reg1 = st
        base = k * _BQ_CHUNK
        acc = jnp.zeros((CB, _BQ_CHUNK), jnp.float32)
        for c in range(3):
            row = xq_ref[0, c, pl.ds(k, 1), :]
            colv = nxyz_ref[0, c, :, :]
            dfc = colv - row
            acc = acc + dfc * dfc
        d2_ref[:, :] = acc
        pidx = lane + base

        def mk(ns, r2, col_iota):
            def sbody(_, sst):
                cur, cnt, reg = sst
                d2v = d2_ref[:, :]
                okm = (d2v < r2) & (pidx > cur)
                cand = jnp.where(okm, pidx, _BIG)
                nxt = jnp.min(cand, axis=1, keepdims=True)
                found = (nxt < _BIG) & (cnt < ns)
                reg = jnp.where((col_iota == cnt) & found, nxt, reg)
                cnt = cnt + found.astype(jnp.int32)
                cur = jnp.where(found, nxt, cur)
                return cur, cnt, reg
            return sbody

        cur0, cnt0, reg0 = jax.lax.fori_loop(
            0, 16, mk(16, jnp.float32(_RADII[0] * _RADII[0]), col16),
            (cur0, cnt0, reg0))
        cur1, cnt1, reg1 = jax.lax.fori_loop(
            0, 32, mk(32, jnp.float32(_RADII[1] * _RADII[1]), col32),
            (cur1, cnt1, reg1))
        return k + 1, cur0, cnt0, reg0, cur1, cnt1, reg1

    colz = jnp.full((CB, 1), -1, jnp.int32)
    cntz = jnp.zeros((CB, 1), jnp.int32)
    st = (jnp.int32(0), colz, cntz, jnp.full((CB, 16), _BIG, jnp.int32),
          colz, cntz, jnp.full((CB, 32), _BIG, jnp.int32))
    _, _, cnt0, reg0, _, cnt1, reg1 = jax.lax.while_loop(wcond, wbody, st)

    boff = pl.program_id(0) * _N
    pad0 = jnp.where(cnt0 > 0, reg0[:, 0:1], 0)
    idx0_ref[0] = jnp.where(col16 < cnt0, reg0, pad0) + boff
    v0_ref[0] = (cnt0 > 0).astype(jnp.float32)
    pad1 = jnp.where(cnt1 > 0, reg1[:, 0:1], 0)
    idx1_ref[0] = jnp.where(col32 < cnt1, reg1, pad1) + boff
    v1_ref[0] = (cnt1 > 0).astype(jnp.float32)


def _ball_query(xq, new_xyz):
    nxyz4 = jnp.transpose(new_xyz, (0, 2, 1))[..., None]
    nblk = _NPOINT // _BQ_CB
    idx0, idx1, v0, v1 = pl.pallas_call(
        _bq_body,
        grid=(_B, nblk),
        in_specs=[
            pl.BlockSpec((1, 3, _SUB, _LANE), lambda b, j: (b, 0, 0, 0)),
            pl.BlockSpec((1, 3, _BQ_CB, 1), lambda b, j: (b, 0, j, 0)),
        ],
        out_specs=[
            pl.BlockSpec((1, _BQ_CB, 16), lambda b, j: (b, j, 0)),
            pl.BlockSpec((1, _BQ_CB, 32), lambda b, j: (b, j, 0)),
            pl.BlockSpec((1, _BQ_CB, 1), lambda b, j: (b, j, 0)),
            pl.BlockSpec((1, _BQ_CB, 1), lambda b, j: (b, j, 0)),
        ],
        out_shape=[
            jax.ShapeDtypeStruct((_B, _NPOINT, 16), jnp.int32),
            jax.ShapeDtypeStruct((_B, _NPOINT, 32), jnp.int32),
            jax.ShapeDtypeStruct((_B, _NPOINT, 1), jnp.float32),
            jax.ShapeDtypeStruct((_B, _NPOINT, 1), jnp.float32),
        ],
        scratch_shapes=[pltpu.VMEM((_BQ_CB, _BQ_CHUNK), jnp.float32)],
    )(xq, nxyz4)
    return idx0, idx1, v0[..., 0], v1[..., 0]



_NC = 2
_NS = 16
_NW = _NC * _NS


def _sc_gather(table, idxw, d):
    k_per_w = idxw.shape[1]
    per_w = k_per_w * 128
    mesh = plsc.VectorSubcoreMesh(core_axis_name="c", subcore_axis_name="s",
                                  num_cores=_NC, num_subcores=_NS)

    @functools.partial(
        pl.kernel, mesh=mesh,
        out_type=jax.ShapeDtypeStruct((_NW * per_w, d), jnp.float32),
        scratch_types=[
            pltpu.VMEM((k_per_w, 128), jnp.int32),
            pltpu.VMEM((128, d), jnp.float32),
            pltpu.VMEM((128, d), jnp.float32),
            pltpu.SemaphoreType.DMA,
            pltpu.SemaphoreType.DMA,
        ],
    )
    def gk(idx_hbm, table_hbm, out_hbm, idx_v, buf0, buf1, sem0, sem1):
        cid = jax.lax.axis_index("c")
        sid = jax.lax.axis_index("s")
        wid = sid * _NC + cid
        base = wid * per_w
        pltpu.sync_copy(idx_hbm.at[wid], idx_v)
        bufs = (buf0, buf1)
        sems = (sem0, sem1)
        handles = [None, None]
        handles[0] = pltpu.async_copy(table_hbm.at[idx_v.at[0]], buf0, sem0)
        for j in range(k_per_w):
            nx = j + 1
            if nx < k_per_w:
                handles[nx % 2] = pltpu.async_copy(
                    table_hbm.at[idx_v.at[nx]], bufs[nx % 2], sems[nx % 2])
            handles[j % 2].wait()
            pltpu.sync_copy(bufs[j % 2], out_hbm.at[pl.ds(base + j * 128, 128)])

    return gk(idxw, table)



_CBM = 128


def _mk_z0_body(ns):
    def body(g_ref, nx_ref, w_ref, z_ref, st_ref):
        j = pl.program_id(0)
        g = g_ref[...]
        dx = g[:, :, 0:3] - nx_ref[...][:, None, :]
        x = jnp.concatenate([dx, g[:, :, 3:35]], axis=2)
        xb = x.reshape(_CBM * ns, 35).astype(jnp.bfloat16)
        z = jnp.dot(xb, w_ref[...].astype(jnp.bfloat16),
                    preferred_element_type=jnp.float32)
        z = z.reshape(_CBM, ns, -1)
        z_ref[...] = z

        @pl.when(j == 0)
        def _():
            st_ref[...] = jnp.zeros_like(st_ref)

        st_ref[0:1, :] += jnp.sum(z, axis=(0, 1))[None]
        st_ref[1:2, :] += jnp.sum(z * z, axis=(0, 1))[None]
    return body


def _layer0(g, nxf, wt, ns, o):
    grid = (_B * _NPOINT) // _CBM
    return pl.pallas_call(
        _mk_z0_body(ns),
        grid=(grid,),
        in_specs=[
            pl.BlockSpec((_CBM, ns, 128), lambda j: (j, 0, 0)),
            pl.BlockSpec((_CBM, 3), lambda j: (j, 0)),
            pl.BlockSpec((35, o), lambda j: (0, 0)),
        ],
        out_specs=[
            pl.BlockSpec((_CBM, ns, o), lambda j: (j, 0, 0)),
            pl.BlockSpec((2, o), lambda j: (0, 0)),
        ],
        out_shape=[
            jax.ShapeDtypeStruct((_B * _NPOINT, ns, o), jnp.float32),
            jax.ShapeDtypeStruct((2, o), jnp.float32),
        ],
    )(g, nxf, wt)


def _mk_l1_body(ns, o, o1):
    def body(z_ref, ab_ref, w1_ref, z1_ref, st_ref):
        j = pl.program_id(0)
        a = ab_ref[0:1, :]
        b = ab_ref[1:2, :]
        h = jnp.maximum(z_ref[...] * a[None] + b[None], 0.0)
        z1 = jnp.dot(h.reshape(_CBM * ns, o).astype(jnp.bfloat16),
                     w1_ref[...].astype(jnp.bfloat16),
                     preferred_element_type=jnp.float32)
        z1 = z1.reshape(_CBM, ns, o1)
        z1_ref[...] = z1

        @pl.when(j == 0)
        def _():
            st_ref[...] = jnp.zeros_like(st_ref)

        st_ref[0:1, :] += jnp.sum(z1, axis=(0, 1))[None]
        st_ref[1:2, :] += jnp.sum(z1 * z1, axis=(0, 1))[None]
    return body


def _layer1(z, ab, w1t, ns, o, o1):
    grid = (_B * _NPOINT) // _CBM
    return pl.pallas_call(
        _mk_l1_body(ns, o, o1),
        grid=(grid,),
        in_specs=[
            pl.BlockSpec((_CBM, ns, o), lambda j: (j, 0, 0)),
            pl.BlockSpec((2, o), lambda j: (0, 0)),
            pl.BlockSpec((o, o1), lambda j: (0, 0)),
        ],
        out_specs=[
            pl.BlockSpec((_CBM, ns, o1), lambda j: (j, 0, 0)),
            pl.BlockSpec((2, o1), lambda j: (0, 0)),
        ],
        out_shape=[
            jax.ShapeDtypeStruct((_B * _NPOINT, ns, o1), jnp.float32),
            jax.ShapeDtypeStruct((2, o1), jnp.float32),
        ],
    )(z, ab, w1t)


def _pool_body(z_ref, ab_ref, v_ref, out_ref):
    a = ab_ref[0:1, :]
    b = ab_ref[1:2, :]
    h = jnp.maximum(z_ref[...] * a[None] + b[None], 0.0)
    h = h * v_ref[...][:, :, None]
    out_ref[...] = jnp.max(h, axis=1)


def _pool(z1, ab, valid, ns, o1):
    grid = (_B * _NPOINT) // _CBM
    return pl.pallas_call(
        _pool_body,
        grid=(grid,),
        in_specs=[
            pl.BlockSpec((_CBM, ns, o1), lambda j: (j, 0, 0)),
            pl.BlockSpec((2, o1), lambda j: (0, 0)),
            pl.BlockSpec((_CBM, 1), lambda j: (j, 0)),
        ],
        out_specs=pl.BlockSpec((_CBM, o1), lambda j: (j, 0)),
        out_shape=jax.ShapeDtypeStruct((_B * _NPOINT, o1), jnp.float32),
    )(z1, ab, valid)


def _agg_body(x_ref, w_ref, z_ref, st_ref):
    j = pl.program_id(0)
    z = jnp.dot(x_ref[...].astype(jnp.bfloat16),
                w_ref[...].astype(jnp.bfloat16),
                preferred_element_type=jnp.float32)
    z_ref[...] = z

    @pl.when(j == 0)
    def _():
        st_ref[...] = jnp.zeros_like(st_ref)

    st_ref[0:1, :] += jnp.sum(z, axis=0)[None]
    st_ref[1:2, :] += jnp.sum(z * z, axis=0)[None]


def _agg(x, wt):
    grid = (_B * _NPOINT) // 512
    return pl.pallas_call(
        _agg_body,
        grid=(grid,),
        in_specs=[
            pl.BlockSpec((512, 128), lambda j: (j, 0)),
            pl.BlockSpec((128, 128), lambda j: (0, 0)),
        ],
        out_specs=[
            pl.BlockSpec((512, 128), lambda j: (j, 0)),
            pl.BlockSpec((2, 128), lambda j: (0, 0)),
        ],
        out_shape=[
            jax.ShapeDtypeStruct((_B * _NPOINT, 128), jnp.float32),
            jax.ShapeDtypeStruct((2, 128), jnp.float32),
        ],
    )(x, wt)


def _fin_body(z_ref, ab_ref, y_ref):
    a = ab_ref[0:1, :]
    b = ab_ref[1:2, :]
    y_ref[...] = jnp.maximum(z_ref[...] * a + b, 0.0)


def _finalize(z, ab):
    grid = (_B * _NPOINT) // 512
    return pl.pallas_call(
        _fin_body,
        grid=(grid,),
        in_specs=[
            pl.BlockSpec((512, 128), lambda j: (j, 0)),
            pl.BlockSpec((2, 128), lambda j: (0, 0)),
        ],
        out_specs=pl.BlockSpec((512, 128), lambda j: (j, 0)),
        out_shape=jax.ShapeDtypeStruct((_B * _NPOINT, 128), jnp.float32),
    )(z, ab)


def _moments_to_affine(st, g, b, count):
    mean = st[0] / count
    var = jnp.maximum(st[1] / count - mean * mean, 0.0)
    a = g / jnp.sqrt(var + _EPS)
    return jnp.stack([a, b - mean * a])


def kernel(xyz, features, w_s0_0, g_s0_0, b_s0_0, w_s0_1, g_s0_1, b_s0_1,
           w_s1_0, g_s1_0, b_s1_0, w_s1_1, g_s1_1, b_s1_1, w_agg, g_agg, b_agg):
    xq = jnp.transpose(xyz, (0, 2, 1)).reshape(_B, 3, _SUB, _LANE)
    new_xyz = _fps(xq)
    idx0, idx1, v0, v1 = _ball_query(xq, new_xyz)

    feat_t = jnp.transpose(features, (0, 2, 1))
    a_all = jnp.concatenate([xyz, feat_t], axis=-1).reshape(_B * _N, 35)
    tab = jnp.pad(a_all, ((0, 0), (0, 93)))

    idxw0 = idx0.reshape(_NW, -1, 128)
    idxw1 = idx1.reshape(_NW, -1, 128)
    g0 = _sc_gather(tab, idxw0, 128).reshape(_B * _NPOINT, 16, 128)
    g1 = _sc_gather(tab, idxw1, 128).reshape(_B * _NPOINT, 32, 128)

    nxf = new_xyz.reshape(_B * _NPOINT, 3)
    vf0 = v0.reshape(_B * _NPOINT, 1)
    vf1 = v1.reshape(_B * _NPOINT, 1)

    m0 = float(_B * _NPOINT * 16)
    m1 = float(_B * _NPOINT * 32)

    z0, st = _layer0(g0, nxf, w_s0_0.T, 16, 32)
    ab = _moments_to_affine(st, g_s0_0, b_s0_0, m0)
    z0b, st = _layer1(z0, ab, w_s0_1.T, 16, 32, 64)
    ab = _moments_to_affine(st, g_s0_1, b_s0_1, m0)
    pooled0 = _pool(z0b, ab, vf0, 16, 64)

    z1, st = _layer0(g1, nxf, w_s1_0.T, 32, 64)
    ab = _moments_to_affine(st, g_s1_0, b_s1_0, m1)
    z1b, st = _layer1(z1, ab, w_s1_1.T, 32, 64, 64)
    ab = _moments_to_affine(st, g_s1_1, b_s1_1, m1)
    pooled1 = _pool(z1b, ab, vf1, 32, 64)

    x = jnp.concatenate([pooled0, pooled1], axis=1)
    z2, st = _agg(x, w_agg.T)
    ab = _moments_to_affine(st, g_agg, b_agg, float(_B * _NPOINT))
    y = _finalize(z2, ab)
    y = jnp.transpose(y.reshape(_B, _NPOINT, 128), (0, 2, 1))
    return new_xyz, y

# --- scband reference (transcript-rebuilt; emitter-appended) ---
"""Pipeline reference for scband-pointnet-samodule-fsmsgwith-image-49469433315934 (READ-ONLY COPY).

The authoritative reference and input builder live on the scoring server;
editing this copy changes nothing except your own understanding.
"""

import jax, jax.numpy as jnp
import numpy as np

B = 2
N = 8192
C_IN = 32
NPOINT = 2048
RADII = (0.5, 1.0)
NSAMPLES = (16, 32)
EPS = 1e-5


def fps(xyz, npoint):
    b, n, _ = xyz.shape
    idxs0 = jnp.zeros((b, npoint), dtype=jnp.int32)
    dist0 = jnp.full((b, n), 1e10, dtype=xyz.dtype)
    far0 = jnp.zeros((b,), dtype=jnp.int32)

    def body(i, state):
        idxs, dist, far = state
        idxs = idxs.at[:, i].set(far)
        centroid = xyz[jnp.arange(b), far][:, None, :]
        d = jnp.sum((xyz - centroid) ** 2, axis=-1)
        dist = jnp.minimum(dist, d)
        far = jnp.argmax(dist, axis=-1).astype(jnp.int32)
        return (idxs, dist, far)

    idxs, _, _ = jax.lax.fori_loop(0, npoint, body, (idxs0, dist0, far0))
    return idxs


def ball_group(xyz, new_xyz, features, radius, nsample):
    b, n, _ = xyz.shape
    d2 = jnp.sum((new_xyz[:, :, None, :] - xyz[:, None, :, :]) ** 2, axis=-1)
    mask = d2 < radius * radius
    ar = jnp.arange(n, dtype=jnp.int32)
    vals = jnp.where(mask, ar[None, None, :], n)
    idx_sorted = jnp.sort(vals, axis=-1)[:, :, :nsample]
    idx_cnt = jnp.minimum(jnp.sum(mask, axis=-1), nsample)
    first = idx_sorted[:, :, :1]
    idx = jnp.where(idx_sorted >= n, jnp.broadcast_to(first, idx_sorted.shape), idx_sorted)
    idx = jnp.where(idx >= n, 0, idx).astype(jnp.int32)
    bids = jnp.arange(b)[:, None, None]
    grouped_xyz = xyz[bids, idx] - new_xyz[:, :, None, :]
    feat_t = jnp.transpose(features, (0, 2, 1))
    grouped_feat = jnp.transpose(feat_t[bids, idx], (0, 3, 1, 2))
    gx = jnp.transpose(grouped_xyz, (0, 3, 1, 2))
    return idx_cnt, jnp.concatenate([gx, grouped_feat], axis=1)


def conv_bn_relu_2d(x, w, g, b):
    y = jnp.einsum('bcsn,oc->bosn', x, w)
    mean = jnp.mean(y, axis=(0, 2, 3), keepdims=True)
    var = jnp.var(y, axis=(0, 2, 3), keepdims=True)
    y = (y - mean) / jnp.sqrt(var + EPS) * g[None, :, None, None] + b[None, :, None, None]
    return jnp.maximum(y, 0.0)


def _forward(xyz, features, w_s0_0, g_s0_0, b_s0_0, w_s0_1, g_s0_1, b_s0_1,
             w_s1_0, g_s1_0, b_s1_0, w_s1_1, g_s1_1, b_s1_1, w_agg, g_agg, b_agg):
    sample_idx = fps(jax.lax.stop_gradient(xyz), NPOINT)
    bids = jnp.arange(xyz.shape[0])[:, None]
    new_xyz = xyz[bids, sample_idx]
    params = [[(w_s0_0, g_s0_0, b_s0_0), (w_s0_1, g_s0_1, b_s0_1)],
              [(w_s1_0, g_s1_0, b_s1_0), (w_s1_1, g_s1_1, b_s1_1)]]
    outs = []
    for i in range(2):
        idx_cnt, nf = ball_group(xyz, new_xyz, features, RADII[i], NSAMPLES[i])
        for (w, g, b) in params[i]:
            nf = conv_bn_relu_2d(nf, w, g, b)
        maskc = (idx_cnt > 0).astype(nf.dtype)[:, None, :, None]
        nf = nf * maskc
        outs.append(jnp.max(nf, axis=3))
    nf = jnp.concatenate(outs, axis=1)
    y = jnp.einsum('bcs,oc->bos', nf, w_agg)
    mean = jnp.mean(y, axis=(0, 2), keepdims=True)
    var = jnp.var(y, axis=(0, 2), keepdims=True)
    y = (y - mean) / jnp.sqrt(var + EPS) * g_agg[None, :, None] + b_agg[None, :, None]
    y = jnp.maximum(y, 0.0)
    return new_xyz, y


def setup_inputs(seed: int = 0):
    key = jax.random.key(seed)
    ks = jax.random.split(key, 8)

    def w(k, o, i):
        return jax.random.normal(k, (o, i), dtype=jnp.float32) * 0.1

    return {
        'xyz': jax.random.uniform(ks[0], (B, N, 3), dtype=jnp.float32),
        'features': jax.random.normal(ks[1], (B, C_IN, N), dtype=jnp.float32),
        'w_s0_0': w(ks[2], 32, 35), 'g_s0_0': jnp.ones(32, jnp.float32), 'b_s0_0': jnp.zeros(32, jnp.float32),
        'w_s0_1': w(ks[3], 64, 32), 'g_s0_1': jnp.ones(64, jnp.float32), 'b_s0_1': jnp.zeros(64, jnp.float32),
        'w_s1_0': w(ks[4], 64, 35), 'g_s1_0': jnp.ones(64, jnp.float32), 'b_s1_0': jnp.zeros(64, jnp.float32),
        'w_s1_1': w(ks[5], 64, 64), 'g_s1_1': jnp.ones(64, jnp.float32), 'b_s1_1': jnp.zeros(64, jnp.float32),
        'w_agg': w(ks[6], 128, 128), 'g_agg': jnp.ones(128, jnp.float32), 'b_agg': jnp.zeros(128, jnp.float32),
    }


def reference(xyz, features, w_s0_0, g_s0_0, b_s0_0, w_s0_1, g_s0_1, b_s0_1,
              w_s1_0, g_s1_0, b_s1_0, w_s1_1, g_s1_1, b_s1_1, w_agg, g_agg, b_agg):
    new_xyz, new_features = _forward(xyz, features, w_s0_0, g_s0_0, b_s0_0, w_s0_1, g_s0_1, b_s0_1,
                                     w_s1_0, g_s1_0, b_s1_0, w_s1_1, g_s1_1, b_s1_1, w_agg, g_agg, b_agg)
    return (new_xyz, new_features)

if __name__ == "__main__":
    import jax
    _d = setup_inputs()
    print(jax.jit(kernel)(*tuple(_d.values())))

</pallas_src>

<mosaic_0001>
#map = affine_map<(d0, d1) -> (0, 0, 0)>
#map1 = affine_map<(d0, d1) -> (0, 0)>
module attributes {stable_mosaic.version = 14 : i64} {
  func.func @gk(%arg0: i32, %arg1: i32, %arg2: memref<32x16x128xi32, #tpu.memory_space<hbm>>, %arg3: memref<16384x128xf32, #tpu.memory_space<hbm>>, %arg4: memref<65536x128xf32, #tpu.memory_space<hbm>>, %arg5: memref<16x128xi32, #tpu.memory_space<vmem>>, %arg6: memref<128x128xf32, #tpu.memory_space<vmem>>, %arg7: memref<128x128xf32, #tpu.memory_space<vmem>>, %arg8: memref<!tpu.dma_semaphore, #tpu.memory_space<semaphore_mem>>, %arg9: memref<!tpu.dma_semaphore, #tpu.memory_space<semaphore_mem>>) attributes {dimension_semantics = [#tpu.dimension_semantics<core_parallel>, #tpu.dimension_semantics<subcore_parallel>], iteration_bounds = array<i64: 2, 16>, scalar_prefetch = 0 : i64, scratch_operands = 5 : i64, tpu.core_type = #tpu.core_type<sc_vector_subcore>, window_params = [{transform_indices = #map}, {transform_indices = #map1}, {transform_indices = #map1}]} {
    %mul3A = arith.constant 2 : i32
    %mul3A_0 = arith.muli %arg1, %mul3A : i32
    %add3A = arith.addi %mul3A_0, %arg0 : i32
    %mul3A_1 = arith.constant 2048 : i32
    %mul3A_2 = arith.muli %add3A, %mul3A_1 : i32
    "tpu.region"() ({
      %run_scoped3A = tpu.sem_alloc : memref<!tpu.dma_semaphore, #tpu.memory_space<semaphore_mem>>
      %dma_start3A_257 = arith.constant 0 : i32
      %dma_start3A_258 = arith.constant 0 : i32
      %dma_start3A_259 = tpu.memref_slice %arg2[%add3A, %dma_start3A_257, %dma_start3A_258] : memref<32x16x128xi32, #tpu.memory_space<hbm>> -> memref<1x16x128xi32, #tpu.memory_space<hbm>>
      %dma_start3A_260 = tpu.memref_squeeze %dma_start3A_259 : memref<1x16x128xi32, #tpu.memory_space<hbm>> -> memref<16x128xi32, #tpu.memory_space<hbm>>
      %dma_start3A_261 = arith.constant 0 : i32
      %dma_start3A_262 = arith.constant 0 : i32
      %dma_start3A_263 = tpu.memref_slice %arg2[%add3A, %dma_start3A_261, %dma_start3A_262] : memref<32x16x128xi32, #tpu.memory_space<hbm>> -> memref<1x16x128xi32, #tpu.memory_space<hbm>>
      %dma_start3A_264 = tpu.memref_squeeze %dma_start3A_263 : memref<1x16x128xi32, #tpu.memory_space<hbm>> -> memref<16x128xi32, #tpu.memory_space<hbm>>
      tpu.enqueue_dma source(%dma_start3A_264 : memref<16x128xi32, #tpu.memory_space<hbm>>) target(%arg5 : memref<16x128xi32, #tpu.memory_space<vmem>>) target_semaphore(%run_scoped3A : memref<!tpu.dma_semaphore, #tpu.memory_space<semaphore_mem>>)
      %dma_wait3A_265 = arith.constant 0 : i32
      %dma_wait3A_266 = arith.constant 0 : i32
      %dma_wait3A_267 = tpu.memref_slice %arg2[%add3A, %dma_wait3A_265, %dma_wait3A_266] : memref<32x16x128xi32, #tpu.memory_space<hbm>> -> memref<1x16x128xi32, #tpu.memory_space<hbm>>
      %dma_wait3A_268 = tpu.memref_squeeze %dma_wait3A_267 : memref<1x16x128xi32, #tpu.memory_space<hbm>> -> memref<16x128xi32, #tpu.memory_space<hbm>>
      %dma_wait3A_269 = arith.constant 0 : i32
      %dma_wait3A_270 = arith.constant 0 : i32
      %dma_wait3A_271 = tpu.memref_slice %arg2[%add3A, %dma_wait3A_269, %dma_wait3A_270] : memref<32x16x128xi32, #tpu.memory_space<hbm>> -> memref<1x16x128xi32, #tpu.memory_space<hbm>>
      %dma_wait3A_272 = tpu.memref_squeeze %dma_wait3A_271 : memref<1x16x128xi32, #tpu.memory_space<hbm>> -> memref<16x128xi32, #tpu.memory_space<hbm>>
      tpu.wait_dma2 semaphore(%run_scoped3A : memref<!tpu.dma_semaphore, #tpu.memory_space<semaphore_mem>>) src(%dma_wait3A_272 : memref<16x128xi32, #tpu.memory_space<hbm>>) dst(%arg5 : memref<16x128xi32, #tpu.memory_space<vmem>>)
      tpu.yield
    }) : () -> ()
    %dma_start3A = arith.constant 0 : i32
    %dma_start3A_3 = arith.constant 0 : i32
    %dma_start3A_4 = tpu.memref_slice %arg5[%dma_start3A, %dma_start3A_3] : memref<16x128xi32, #tpu.memory_space<vmem>> -> memref<1x128xi32, #tpu.memory_space<vmem>>
    %dma_start3A_5 = tpu.memref_squeeze %dma_start3A_4 : memref<1x128xi32, #tpu.memory_space<vmem>> -> memref<128xi32, #tpu.memory_space<vmem>>
    %dma_start3A_6 = arith.constant 0 : i32
    %dma_start3A_7 = arith.constant 0 : i32
    %dma_start3A_8 = tpu.memref_slice %arg3[%dma_start3A_6, %dma_start3A_7] : memref<16384x128xf32, #tpu.memory_space<hbm>> -> memref<16384x128xf32, #tpu.memory_space<hbm>>
    tpu.enqueue_indirect_dma source(%dma_start3A_8 : memref<16384x128xf32, #tpu.memory_space<hbm>>) target(%arg6 : memref<128x128xf32, #tpu.memory_space<vmem>>) offsets(%dma_start3A_5 : memref<128xi32, #tpu.memory_space<vmem>>) semaphore(%arg8 : memref<!tpu.dma_semaphore, #tpu.memory_space<semaphore_mem>>)
    %dma_start3A_9 = arith.constant 1 : i32
    %dma_start3A_10 = arith.constant 0 : i32
    %dma_start3A_11 = tpu.memref_slice %arg5[%dma_start3A_9, %dma_start3A_10] : memref<16x128xi32, #tpu.memory_space<vmem>> -> memref<1x128xi32, #tpu.memory_space<vmem>>
    %dma_start3A_12 = tpu.memref_squeeze %dma_start3A_11 : memref<1x128xi32, #tpu.memory_space<vmem>> -> memref<128xi32, #tpu.memory_space<vmem>>
    %dma_start3A_13 = arith.constant 0 : i32
    %dma_start3A_14 = arith.constant 0 : i32
    %dma_start3A_15 = tpu.memref_slice %arg3[%dma_start3A_13, %dma_start3A_14] : memref<16384x128xf32, #tpu.memory_space<hbm>> -> memref<16384x128xf32, #tpu.memory_space<hbm>>
    tpu.enqueue_indirect_dma source(%dma_start3A_15 : memref<16384x128xf32, #tpu.memory_space<hbm>>) target(%arg7 : memref<128x128xf32, #tpu.memory_space<vmem>>) offsets(%dma_start3A_12 : memref<128xi32, #tpu.memory_space<vmem>>) semaphore(%arg9 : memref<!tpu.dma_semaphore, #tpu.memory_space<semaphore_mem>>)
    %dma_wait3A = arith.constant 0 : i32
    %dma_wait3A_16 = arith.constant 0 : i32
    %dma_wait3A_17 = tpu.memref_slice %arg5[%dma_wait3A, %dma_wait3A_16] : memref<16x128xi32, #tpu.memory_space<vmem>> -> memref<1x128xi32, #tpu.memory_space<vmem>>
    %dma_wait3A_18 = tpu.memref_squeeze %dma_wait3A_17 : memref<1x128xi32, #tpu.memory_space<vmem>> -> memref<128xi32, #tpu.memory_space<vmem>>
    %dma_wait3A_19 = arith.constant 0 : i32
    %dma_wait3A_20 = arith.constant 0 : i32
    %dma_wait3A_21 = tpu.memref_slice %arg3[%dma_wait3A_19, %dma_wait3A_20] : memref<16384x128xf32, #tpu.memory_space<hbm>> -> memref<16384x128xf32, #tpu.memory_space<hbm>>
    tpu.wait_indirect_dma semaphore(%arg8 : memref<!tpu.dma_semaphore, #tpu.memory_space<semaphore_mem>>) src(%dma_wait3A_21 : memref<16384x128xf32, #tpu.memory_space<hbm>>) dst(%arg6 : memref<128x128xf32, #tpu.memory_space<vmem>>)
    %add3A_22 = arith.constant 0 : i32
    %add3A_23 = arith.addi %mul3A_2, %add3A_22 : i32
    "tpu.region"() ({
      %run_scoped3A = tpu.sem_alloc : memref<!tpu.dma_semaphore, #tpu.memory_space<semaphore_mem>>
      %dma_start3A_257 = arith.constant 0 : i32
      %dma_start3A_258 = tpu.memref_slice %arg4[%add3A_23, %dma_start3A_257] : memref<65536x128xf32, #tpu.memory_space<hbm>> -> memref<128x128xf32, #tpu.memory_space<hbm>>
      %dma_start3A_259 = arith.constant 0 : i32
      %dma_start3A_260 = tpu.memref_slice %arg4[%add3A_23, %dma_start3A_259] : memref<65536x128xf32, #tpu.memory_space<hbm>> -> memref<128x128xf32, #tpu.memory_space<hbm>>
      tpu.enqueue_dma source(%arg6 : memref<128x128xf32, #tpu.memory_space<vmem>>) target(%dma_start3A_260 : memref<128x128xf32, #tpu.memory_space<hbm>>) target_semaphore(%run_scoped3A : memref<!tpu.dma_semaphore, #tpu.memory_space<semaphore_mem>>)
      %dma_wait3A_261 = arith.constant 0 : i32
      %dma_wait3A_262 = tpu.memref_slice %arg4[%add3A_23, %dma_wait3A_261] : memref<65536x128xf32, #tpu.memory_space<hbm>> -> memref<128x128xf32, #tpu.memory_space<hbm>>
      %dma_wait3A_263 = arith.constant 0 : i32
      %dma_wait3A_264 = tpu.memref_slice %arg4[%add3A_23, %dma_wait3A_263] : memref<65536x128xf32, #tpu.memory_space<hbm>> -> memref<128x128xf32, #tpu.memory_space<hbm>>
      tpu.wait_dma2 semaphore(%run_scoped3A : memref<!tpu.dma_semaphore, #tpu.memory_space<semaphore_mem>>) src(%arg6 : memref<128x128xf32, #tpu.memory_space<vmem>>) dst(%dma_wait3A_264 : memref<128x128xf32, #tpu.memory_space<hbm>>)
      tpu.yield
    }) : () -> ()
    %dma_start3A_24 = arith.constant 2 : i32
    %dma_start3A_25 = arith.constant 0 : i32
    %dma_start3A_26 = tpu.memref_slice %arg5[%dma_start3A_24, %dma_start3A_25] : memref<16x128xi32, #tpu.memory_space<vmem>> -> memref<1x128xi32, #tpu.memory_space<vmem>>
    %dma_start3A_27 = tpu.memref_squeeze %dma_start3A_26 : memref<1x128xi32, #tpu.memory_space<vmem>> -> memref<128xi32, #tpu.memory_space<vmem>>
    %dma_start3A_28 = arith.constant 0 : i32
    %dma_start3A_29 = arith.constant 0 : i32
    %dma_start3A_30 = tpu.memref_slice %arg3[%dma_start3A_28, %dma_start3A_29] : memref<16384x128xf32, #tpu.memory_space<hbm>> -> memref<16384x128xf32, #tpu.memory_space<hbm>>
    tpu.enqueue_indirect_dma source(%dma_start3A_30 : memref<16384x128xf32, #tpu.memory_space<hbm>>) target(%arg6 : memref<128x128xf32, #tpu.memory_space<vmem>>) offsets(%dma_start3A_27 : memref<128xi32, #tpu.memory_space<vmem>>) semaphore(%arg8 : memref<!tpu.dma_semaphore, #tpu.memory_space<semaphore_mem>>)
    %dma_wait3A_31 = arith.constant 1 : i32
    %dma_wait3A_32 = arith.constant 0 : i32
    %dma_wait3A_33 = tpu.memref_slice %arg5[%dma_wait3A_31, %dma_wait3A_32] : memref<16x128xi32, #tpu.memory_space<vmem>> -> memref<1x128xi32, #tpu.memory_space<vmem>>
    %dma_wait3A_34 = tpu.memref_squeeze %dma_wait3A_33 : memref<1x128xi32, #tpu.memory_space<vmem>> -> memref<128xi32, #tpu.memory_space<vmem>>
    %dma_wait3A_35 = arith.constant 0 : i32
    %dma_wait3A_36 = arith.constant 0 : i32
    %dma_wait3A_37 = tpu.memref_slice %arg3[%dma_wait3A_35, %dma_wait3A_36] : memref<16384x128xf32, #tpu.memory_space<hbm>> -> memref<16384x128xf32, #tpu.memory_space<hbm>>
    tpu.wait_indirect_dma semaphore(%arg9 : memref<!tpu.dma_semaphore, #tpu.memory_space<semaphore_mem>>) src(%dma_wait3A_37 : memref<16384x128xf32, #tpu.memory_space<hbm>>) dst(%arg7 : memref<128x128xf32, #tpu.memory_space<vmem>>)
    %add3A_38 = arith.constant 128 : i32
    %add3A_39 = arith.addi %mul3A_2, %add3A_38 : i32
    "tpu.region"() ({
      %run_scoped3A = tpu.sem_alloc : memref<!tpu.dma_semaphore, #tpu.memory_space<semaphore_mem>>
      %dma_start3A_257 = arith.constant 0 : i32
      %dma_start3A_258 = tpu.memref_slice %arg4[%add3A_39, %dma_start3A_257] : memref<65536x128xf32, #tpu.memory_space<hbm>> -> memref<128x128xf32, #tpu.memory_space<hbm>>
      %dma_start3A_259 = arith.constant 0 : i32
      %dma_start3A_260 = tpu.memref_slice %arg4[%add3A_39, %dma_start3A_259] : memref<65536x128xf32, #tpu.memory_space<hbm>> -> memref<128x128xf32, #tpu.memory_space<hbm>>
      tpu.enqueue_dma source(%arg7 : memref<128x128xf32, #tpu.memory_space<vmem>>) target(%dma_start3A_260 : memref<128x128xf32, #tpu.memory_space<hbm>>) target_semaphore(%run_scoped3A : memref<!tpu.dma_semaphore, #tpu.memory_space<semaphore_mem>>)
      %dma_wait3A_261 = arith.constant 0 : i32
      %dma_wait3A_262 = tpu.memref_slice %arg4[%add3A_39, %dma_wait3A_261] : memref<65536x128xf32, #tpu.memory_space<hbm>> -> memref<128x128xf32, #tpu.memory_space<hbm>>
      %dma_wait3A_263 = arith.constant 0 : i32
      %dma_wait3A_264 = tpu.memref_slice %arg4[%add3A_39, %dma_wait3A_263] : memref<65536x128xf32, #tpu.memory_space<hbm>> -> memref<128x128xf32, #tpu.memory_space<hbm>>
      tpu.wait_dma2 semaphore(%run_scoped3A : memref<!tpu.dma_semaphore, #tpu.memory_space<semaphore_mem>>) src(%arg7 : memref<128x128xf32, #tpu.memory_space<vmem>>) dst(%dma_wait3A_264 : memref<128x128xf32, #tpu.memory_space<hbm>>)
      tpu.yield
    }) : () -> ()
    %dma_start3A_40 = arith.constant 3 : i32
    %dma_start3A_41 = arith.constant 0 : i32
    %dma_start3A_42 = tpu.memref_slice %arg5[%dma_start3A_40, %dma_start3A_41] : memref<16x128xi32, #tpu.memory_space<vmem>> -> memref<1x128xi32, #tpu.memory_space<vmem>>
    %dma_start3A_43 = tpu.memref_squeeze %dma_start3A_42 : memref<1x128xi32, #tpu.memory_space<vmem>> -> memref<128xi32, #tpu.memory_space<vmem>>
    %dma_start3A_44 = arith.constant 0 : i32
    %dma_start3A_45 = arith.constant 0 : i32
    %dma_start3A_46 = tpu.memref_slice %arg3[%dma_start3A_44, %dma_start3A_45] : memref<16384x128xf32, #tpu.memory_space<hbm>> -> memref<16384x128xf32, #tpu.memory_space<hbm>>
    tpu.enqueue_indirect_dma source(%dma_start3A_46 : memref<16384x128xf32, #tpu.memory_space<hbm>>) target(%arg7 : memref<128x128xf32, #tpu.memory_space<vmem>>) offsets(%dma_start3A_43 : memref<128xi32, #tpu.memory_space<vmem>>) semaphore(%arg9 : memref<!tpu.dma_semaphore, #tpu.memory_space<semaphore_mem>>)
    %dma_wait3A_47 = arith.constant 2 : i32
    %dma_wait3A_48 = arith.constant 0 : i32
    %dma_wait3A_49 = tpu.memref_slice %arg5[%dma_wait3A_47, %dma_wait3A_48] : memref<16x128xi32, #tpu.memory_space<vmem>> -> memref<1x128xi32, #tpu.memory_space<vmem>>
    %dma_wait3A_50 = tpu.memref_squeeze %dma_wait3A_49 : memref<1x128xi32, #tpu.memory_space<vmem>> -> memref<128xi32, #tpu.memory_space<vmem>>
    %dma_wait3A_51 = arith.constant 0 : i32
    %dma_wait3A_52 = arith.constant 0 : i32
    %dma_wait3A_53 = tpu.memref_slice %arg3[%dma_wait3A_51, %dma_wait3A_52] : memref<16384x128xf32, #tpu.memory_space<hbm>> -> memref<16384x128xf32, #tpu.memory_space<hbm>>
    tpu.wait_indirect_dma semaphore(%arg8 : memref<!tpu.dma_semaphore, #tpu.memory_space<semaphore_mem>>) src(%dma_wait3A_53 : memref<16384x128xf32, #tpu.memory_space<hbm>>) dst(%arg6 : memref<128x128xf32, #tpu.memory_space<vmem>>)
    %add3A_54 = arith.constant 256 : i32
    %add3A_55 = arith.addi %mul3A_2, %add3A_54 : i32
    "tpu.region"() ({
      %run_scoped3A = tpu.sem_alloc : memref<!tpu.dma_semaphore, #tpu.memory_space<semaphore_mem>>
      %dma_start3A_257 = arith.constant 0 : i32
      %dma_start3A_258 = tpu.memref_slice %arg4[%add3A_55, %dma_start3A_257] : memref<65536x128xf32, #tpu.memory_space<hbm>> -> memref<128x128xf32, #tpu.memory_space<hbm>>
      %dma_start3A_259 = arith.constant 0 : i32
      %dma_start3A_260 = tpu.memref_slice %arg4[%add3A_55, %dma_start3A_259] : memref<65536x128xf32, #tpu.memory_space<hbm>> -> memref<128x128xf32, #tpu.memory_space<hbm>>
      tpu.enqueue_dma source(%arg6 : memref<128x128xf32, #tpu.memory_space<vmem>>) target(%dma_start3A_260 : memref<128x128xf32, #tpu.memory_space<hbm>>) target_semaphore(%run_scoped3A : memref<!tpu.dma_semaphore, #tpu.memory_space<semaphore_mem>>)
      %dma_wait3A_261 = arith.constant 0 : i32
      %dma_wait3A_262 = tpu.memref_slice %arg4[%add3A_55, %dma_wait3A_261] : memref<65536x128xf32, #tpu.memory_space<hbm>> -> memref<128x128xf32, #tpu.memory_space<hbm>>
      %dma_wait3A_263 = arith.constant 0 : i32
      %dma_wait3A_264 = tpu.memref_slice %arg4[%add3A_55, %dma_wait3A_263] : memref<65536x128xf32, #tpu.memory_space<hbm>> -> memref<128x128xf32, #tpu.memory_space<hbm>>
      tpu.wait_dma2 semaphore(%run_scoped3A : memref<!tpu.dma_semaphore, #tpu.memory_space<semaphore_mem>>) src(%arg6 : memref<128x128xf32, #tpu.memory_space<vmem>>) dst(%dma_wait3A_264 : memref<128x128xf32, #tpu.memory_space<hbm>>)
      tpu.yield
    }) : () -> ()
    %dma_start3A_56 = arith.constant 4 : i32
    %dma_start3A_57 = arith.constant 0 : i32
    %dma_start3A_58 = tpu.memref_slice %arg5[%dma_start3A_56, %dma_start3A_57] : memref<16x128xi32, #tpu.memory_space<vmem>> -> memref<1x128xi32, #tpu.memory_space<vmem>>
    %dma_start3A_59 = tpu.memref_squeeze %dma_start3A_58 : memref<1x128xi32, #tpu.memory_space<vmem>> -> memref<128xi32, #tpu.memory_space<vmem>>
    %dma_start3A_60 = arith.constant 0 : i32
    %dma_start3A_61 = arith.constant 0 : i32
    %dma_start3A_62 = tpu.memref_slice %arg3[%dma_start3A_60, %dma_start3A_61] : memref<16384x128xf32, #tpu.memory_space<hbm>> -> memref<16384x128xf32, #tpu.memory_space<hbm>>
    tpu.enqueue_indirect_dma source(%dma_start3A_62 : memref<16384x128xf32, #tpu.memory_space<hbm>>) target(%arg6 : memref<128x128xf32, #tpu.memory_space<vmem>>) offsets(%dma_start3A_59 : memref<128xi32, #tpu.memory_space<vmem>>) semaphore(%arg8 : memref<!tpu.dma_semaphore, #tpu.memory_space<semaphore_mem>>)
    %dma_wait3A_63 = arith.constant 3 : i32
    %dma_wait3A_64 = arith.constant 0 : i32
    %dma_wait3A_65 = tpu.memref_slice %arg5[%dma_wait3A_63, %dma_wait3A_64] : memref<16x128xi32, #tpu.memory_space<vmem>> -> memref<1x128xi32, #tpu.memory_space<vmem>>
    %dma_wait3A_66 = tpu.memref_squeeze %dma_wait3A_65 : memref<1x128xi32, #tpu.memory_space<vmem>> -> memref<128xi32, #tpu.memory_space<vmem>>
    %dma_wait3A_67 = arith.constant 0 : i32
    %dma_wait3A_68 = arith.constant 0 : i32
    %dma_wait3A_69 = tpu.memref_slice %arg3[%dma_wait3A_67, %dma_wait3A_68] : memref<16384x128xf32, #tpu.memory_space<hbm>> -> memref<16384x128xf32, #tpu.memory_space<hbm>>
    tpu.wait_indirect_dma semaphore(%arg9 : memref<!tpu.dma_semaphore, #tpu.memory_space<semaphore_mem>>) src(%dma_wait3A_69 : memref<16384x128xf32, #tpu.memory_space<hbm>>) dst(%arg7 : memref<128x128xf32, #tpu.memory_space<vmem>>)
    %add3A_70 = arith.constant 384 : i32
    %add3A_71 = arith.addi %mul3A_2, %add3A_70 : i32
    "tpu.region"() ({
      %run_scoped3A = tpu.sem_alloc : memref<!tpu.dma_semaphore, #tpu.memory_space<semaphore_mem>>
      %dma_start3A_257 = arith.constant 0 : i32
      %dma_start3A_258 = tpu.memref_slice %arg4[%add3A_71, %dma_start3A_257] : memref<65536x128xf32, #tpu.memory_space<hbm>> -> memref<128x128xf32, #tpu.memory_space<hbm>>
      %dma_start3A_259 = arith.constant 0 : i32
      %dma_start3A_260 = tpu.memref_slice %arg4[%add3A_71, %dma_start3A_259] : memref<65536x128xf32, #tpu.memory_space<hbm>> -> memref<128x128xf32, #tpu.memory_space<hbm>>
      tpu.enqueue_dma source(%arg7 : memref<128x128xf32, #tpu.memory_space<vmem>>) target(%dma_start3A_260 : memref<128x128xf32, #tpu.memory_space<hbm>>) target_semaphore(%run_scoped3A : memref<!tpu.dma_semaphore, #tpu.memory_space<semaphore_mem>>)
      %dma_wait3A_261 = arith.constant 0 : i32
      %dma_wait3A_262 = tpu.memref_slice %arg4[%add3A_71, %dma_wait3A_261] : memref<65536x128xf32, #tpu.memory_space<hbm>> -> memref<128x128xf32, #tpu.memory_space<hbm>>
      %dma_wait3A_263 = arith.constant 0 : i32
      %dma_wait3A_264 = tpu.memref_slice %arg4[%add3A_71, %dma_wait3A_263] : memref<65536x128xf32, #tpu.memory_space<hbm>> -> memref<128x128xf32, #tpu.memory_space<hbm>>
      tpu.wait_dma2 semaphore(%run_scoped3A : memref<!tpu.dma_semaphore, #tpu.memory_space<semaphore_mem>>) src(%arg7 : memref<128x128xf32, #tpu.memory_space<vmem>>) dst(%dma_wait3A_264 : memref<128x128xf32, #tpu.memory_space<hbm>>)
      tpu.yield
    }) : () -> ()
    %dma_start3A_72 = arith.constant 5 : i32
    %dma_start3A_73 = arith.constant 0 : i32
    %dma_start3A_74 = tpu.memref_slice %arg5[%dma_start3A_72, %dma_start3A_73] : memref<16x128xi32, #tpu.memory_space<vmem>> -> memref<1x128xi32, #tpu.memory_space<vmem>>
    %dma_start3A_75 = tpu.memref_squeeze %dma_start3A_74 : memref<1x128xi32, #tpu.memory_space<vmem>> -> memref<128xi32, #tpu.memory_space<vmem>>
    %dma_start3A_76 = arith.constant 0 : i32
    %dma_start3A_77 = arith.constant 0 : i32
    %dma_start3A_78 = tpu.memref_slice %arg3[%dma_start3A_76, %dma_start3A_77] : memref<16384x128xf32, #tpu.memory_space<hbm>> -> memref<16384x128xf32, #tpu.memory_space<hbm>>
    tpu.enqueue_indirect_dma source(%dma_start3A_78 : memref<16384x128xf32, #tpu.memory_space<hbm>>) target(%arg7 : memref<128x128xf32, #tpu.memory_space<vmem>>) offsets(%dma_start3A_75 : memref<128xi32, #tpu.memory_space<vmem>>) semaphore(%arg9 : memref<!tpu.dma_semaphore, #tpu.memory_space<semaphore_mem>>)
    %dma_wait3A_79 = arith.constant 4 : i32
    %dma_wait3A_80 = arith.constant 0 : i32
    %dma_wait3A_81 = tpu.memref_slice %arg5[%dma_wait3A_79, %dma_wait3A_80] : memref<16x128xi32, #tpu.memory_space<vmem>> -> memref<1x128xi32, #tpu.memory_space<vmem>>
    %dma_wait3A_82 = tpu.memref_squeeze %dma_wait3A_81 : memref<1x128xi32, #tpu.memory_space<vmem>> -> memref<128xi32, #tpu.memory_space<vmem>>
    %dma_wait3A_83 = arith.constant 0 : i32
    %dma_wait3A_84 = arith.constant 0 : i32
    %dma_wait3A_85 = tpu.memref_slice %arg3[%dma_wait3A_83, %dma_wait3A_84] : memref<16384x128xf32, #tpu.memory_space<hbm>> -> memref<16384x128xf32, #tpu.memory_space<hbm>>
    tpu.wait_indirect_dma semaphore(%arg8 : memref<!tpu.dma_semaphore, #tpu.memory_space<semaphore_mem>>) src(%dma_wait3A_85 : memref<16384x128xf32, #tpu.memory_space<hbm>>) dst(%arg6 : memref<128x128xf32, #tpu.memory_space<vmem>>)
    %add3A_86 = arith.constant 512 : i32
    %add3A_87 = arith.addi %mul3A_2, %add3A_86 : i32
    "tpu.region"() ({
      %run_scoped3A = tpu.sem_alloc : memref<!tpu.dma_semaphore, #tpu.memory_space<semaphore_mem>>
      %dma_start3A_257 = arith.constant 0 : i32
      %dma_start3A_258 = tpu.memref_slice %arg4[%add3A_87, %dma_start3A_257] : memref<65536x128xf32, #tpu.memory_space<hbm>> -> memref<128x128xf32, #tpu.memory_space<hbm>>
      %dma_start3A_259 = arith.constant 0 : i32
      %dma_start3A_260 = tpu.memref_slice %arg4[%add3A_87, %dma_start3A_259] : memref<65536x128xf32, #tpu.memory_space<hbm>> -> memref<128x128xf32, #tpu.memory_space<hbm>>
      tpu.enqueue_dma source(%arg6 : memref<128x128xf32, #tpu.memory_space<vmem>>) target(%dma_start3A_260 : memref<128x128xf32, #tpu.memory_space<hbm>>) target_semaphore(%run_scoped3A : memref<!tpu.dma_semaphore, #tpu.memory_space<semaphore_mem>>)
      %dma_wait3A_261 = arith.constant 0 : i32
      %dma_wait3A_262 = tpu.memref_slice %arg4[%add3A_87, %dma_wait3A_261] : memref<65536x128xf32, #tpu.memory_space<hbm>> -> memref<128x128xf32, #tpu.memory_space<hbm>>
      %dma_wait3A_263 = arith.constant 0 : i32
      %dma_wait3A_264 = tpu.memref_slice %arg4[%add3A_87, %dma_wait3A_263] : memref<65536x128xf32, #tpu.memory_space<hbm>> -> memref<128x128xf32, #tpu.memory_space<hbm>>
      tpu.wait_dma2 semaphore(%run_scoped3A : memref<!tpu.dma_semaphore, #tpu.memory_space<semaphore_mem>>) src(%arg6 : memref<128x128xf32, #tpu.memory_space<vmem>>) dst(%dma_wait3A_264 : memref<128x128xf32, #tpu.memory_space<hbm>>)
      tpu.yield
    }) : () -> ()
    %dma_start3A_88 = arith.constant 6 : i32
    %dma_start3A_89 = arith.constant 0 : i32
    %dma_start3A_90 = tpu.memref_slice %arg5[%dma_start3A_88, %dma_start3A_89] : memref<16x128xi32, #tpu.memory_space<vmem>> -> memref<1x128xi32, #tpu.memory_space<vmem>>
    %dma_start3A_91 = tpu.memref_squeeze %dma_start3A_90 : memref<1x128xi32, #tpu.memory_space<vmem>> -> memref<128xi32, #tpu.memory_space<vmem>>
    %dma_start3A_92 = arith.constant 0 : i32
    %dma_start3A_93 = arith.constant 0 : i32
    %dma_start3A_94 = tpu.memref_slice %arg3[%dma_start3A_92, %dma_start3A_93] : memref<16384x128xf32, #tpu.memory_space<hbm>> -> memref<16384x128xf32, #tpu.memory_space<hbm>>
    tpu.enqueue_indirect_dma source(%dma_start3A_94 : memref<16384x128xf32, #tpu.memory_space<hbm>>) target(%arg6 : memref<128x128xf32, #tpu.memory_space<vmem>>) offsets(%dma_start3A_91 : memref<128xi32, #tpu.memory_space<vmem>>) semaphore(%arg8 : memref<!tpu.dma_semaphore, #tpu.memory_space<semaphore_mem>>)
    %dma_wait3A_95 = arith.constant 5 : i32
    %dma_wait3A_96 = arith.constant 0 : i32
    %dma_wait3A_97 = tpu.memref_slice %arg5[%dma_wait3A_95, %dma_wait3A_96] : memref<16x128xi32, #tpu.memory_space<vmem>> -> memref<1x128xi32, #tpu.memory_space<vmem>>
    %dma_wait3A_98 = tpu.memref_squeeze %dma_wait3A_97 : memref<1x128xi32, #tpu.memory_space<vmem>> -> memref<128xi32, #tpu.memory_space<vmem>>
    %dma_wait3A_99 = arith.constant 0 : i32
    %dma_wait3A_100 = arith.constant 0 : i32
    %dma_wait3A_101 = tpu.memref_slice %arg3[%dma_wait3A_99, %dma_wait3A_100] : memref<16384x128xf32, #tpu.memory_space<hbm>> -> memref<16384x128xf32, #tpu.memory_space<hbm>>
    tpu.wait_indirect_dma semaphore(%arg9 : memref<!tpu.dma_semaphore, #tpu.memory_space<semaphore_mem>>) src(%dma_wait3A_101 : memref<16384x128xf32, #tpu.memory_space<hbm>>) dst(%arg7 : memref<128x128xf32, #tpu.memory_space<vmem>>)
    %add3A_102 = arith.constant 640 : i32
    %add3A_103 = arith.addi %mul3A_2, %add3A_102 : i32
    "tpu.region"() ({
      %run_scoped3A = tpu.sem_alloc : memref<!tpu.dma_semaphore, #tpu.memory_space<semaphore_mem>>
      %dma_start3A_257 = arith.constant 0 : i32
      %dma_start3A_258 = tpu.memref_slice %arg4[%add3A_103, %dma_start3A_257] : memref<65536x128xf32, #tpu.memory_space<hbm>> -> memref<128x128xf32, #tpu.memory_space<hbm>>
      %dma_start3A_259 = arith.constant 0 : i32
      %dma_start3A_260 = tpu.memref_slice %arg4[%add3A_103, %dma_start3A_259] : memref<65536x128xf32, #tpu.memory_space<hbm>> -> memref<128x128xf32, #tpu.memory_space<hbm>>
      tpu.enqueue_dma source(%arg7 : memref<128x128xf32, #tpu.memory_space<vmem>>) target(%dma_start3A_260 : memref<128x128xf32, #tpu.memory_space<hbm>>) target_semaphore(%run_scoped3A : memref<!tpu.dma_semaphore, #tpu.memory_space<semaphore_mem>>)
      %dma_wait3A_261 = arith.constant 0 : i32
      %dma_wait3A_262 = tpu.memref_slice %arg4[%add3A_103, %dma_wait3A_261] : memref<65536x128xf32, #tpu.memory_space<hbm>> -> memref<128x128xf32, #tpu.memory_space<hbm>>
      %dma_wait3A_263 = arith.constant 0 : i32
      %dma_wait3A_264 = tpu.memref_slice %arg4[%add3A_103, %dma_wait3A_263] : memref<65536x128xf32, #tpu.memory_space<hbm>> -> memref<128x128xf32, #tpu.memory_space<hbm>>
      tpu.wait_dma2 semaphore(%run_scoped3A : memref<!tpu.dma_semaphore, #tpu.memory_space<semaphore_mem>>) src(%arg7 : memref<128x128xf32, #tpu.memory_space<vmem>>) dst(%dma_wait3A_264 : memref<128x128xf32, #tpu.memory_space<hbm>>)
      tpu.yield
    }) : () -> ()
    %dma_start3A_104 = arith.constant 7 : i32
    %dma_start3A_105 = arith.constant 0 : i32
    %dma_start3A_106 = tpu.memref_slice %arg5[%dma_start3A_104, %dma_start3A_105] : memref<16x128xi32, #tpu.memory_space<vmem>> -> memref<1x128xi32, #tpu.memory_space<vmem>>
    %dma_start3A_107 = tpu.memref_squeeze %dma_start3A_106 : memref<1x128xi32, #tpu.memory_space<vmem>> -> memref<128xi32, #tpu.memory_space<vmem>>
    %dma_start3A_108 = arith.constant 0 : i32
    %dma_start3A_109 = arith.constant 0 : i32
    %dma_start3A_110 = tpu.memref_slice %arg3[%dma_start3A_108, %dma_start3A_109] : memref<16384x128xf32, #tpu.memory_space<hbm>> -> memref<16384x128xf32, #tpu.memory_space<hbm>>
    tpu.enqueue_indirect_dma source(%dma_start3A_110 : memref<16384x128xf32, #tpu.memory_space<hbm>>) target(%arg7 : memref<128x128xf32, #tpu.memory_space<vmem>>) offsets(%dma_start3A_107 : memref<128xi32, #tpu.memory_space<vmem>>) semaphore(%arg9 : memref<!tpu.dma_semaphore, #tpu.memory_space<semaphore_mem>>)
    %dma_wait3A_111 = arith.constant 6 : i32
    %dma_wait3A_112 = arith.constant 0 : i32
    %dma_wait3A_113 = tpu.memref_slice %arg5[%dma_wait3A_111, %dma_wait3A_112] : memref<16x128xi32, #tpu.memory_space<vmem>> -> memref<1x128xi32, #tpu.memory_space<vmem>>
    %dma_wait3A_114 = tpu.memref_squeeze %dma_wait3A_113 : memref<1x128xi32, #tpu.memory_space<vmem>> -> memref<128xi32, #tpu.memory_space<vmem>>
    %dma_wait3A_115 = arith.constant 0 : i32
    %dma_wait3A_116 = arith.constant 0 : i32
    %dma_wait3A_117 = tpu.memref_slice %arg3[%dma_wait3A_115, %dma_wait3A_116] : memref<16384x128xf32, #tpu.memory_space<hbm>> -> memref<16384x128xf32, #tpu.memory_space<hbm>>
    tpu.wait_indirect_dma semaphore(%arg8 : memref<!tpu.dma_semaphore, #tpu.memory_space<semaphore_mem>>) src(%dma_wait3A_117 : memref<16384x128xf32, #tpu.memory_space<hbm>>) dst(%arg6 : memref<128x128xf32, #tpu.memory_space<vmem>>)
    %add3A_118 = arith.constant 768 : i32
    %add3A_119 = arith.addi %mul3A_2, %add3A_118 : i32
    "tpu.region"() ({
      %run_scoped3A = tpu.sem_alloc : memref<!tpu.dma_semaphore, #tpu.memory_space<semaphore_mem>>
      %dma_start3A_257 = arith.constant 0 : i32
      %dma_start3A_258 = tpu.memref_slice %arg4[%add3A_119, %dma_start3A_257] : memref<65536x128xf32, #tpu.memory_space<hbm>> -> memref<128x128xf32, #tpu.memory_space<hbm>>
      %dma_start3A_259 = arith.constant 0 : i32
      %dma_start3A_260 = tpu.memref_slice %arg4[%add3A_119, %dma_start3A_259] : memref<65536x128xf32, #tpu.memory_space<hbm>> -> memref<128x128xf32, #tpu.memory_space<hbm>>
      tpu.enqueue_dma source(%arg6 : memref<128x128xf32, #tpu.memory_space<vmem>>) target(%dma_start3A_260 : memref<128x128xf32, #tpu.memory_space<hbm>>) target_semaphore(%run_scoped3A : memref<!tpu.dma_semaphore, #tpu.memory_space<semaphore_mem>>)
      %dma_wait3A_261 = arith.constant 0 : i32
      %dma_wait3A_262 = tpu.memref_slice %arg4[%add3A_119, %dma_wait3A_261] : memref<65536x128xf32, #tpu.memory_space<hbm>> -> memref<128x128xf32, #tpu.memory_space<hbm>>
      %dma_wait3A_263 = arith.constant 0 : i32
      %dma_wait3A_264 = tpu.memref_slice %arg4[%add3A_119, %dma_wait3A_263] : memref<65536x128xf32, #tpu.memory_space<hbm>> -> memref<128x128xf32, #tpu.memory_space<hbm>>
      tpu.wait_dma2 semaphore(%run_scoped3A : memref<!tpu.dma_semaphore, #tpu.memory_space<semaphore_mem>>) src(%arg6 : memref<128x128xf32, #tpu.memory_space<vmem>>) dst(%dma_wait3A_264 : memref<128x128xf32, #tpu.memory_space<hbm>>)
      tpu.yield
    }) : () -> ()
    %dma_start3A_120 = arith.constant 8 : i32
    %dma_start3A_121 = arith.constant 0 : i32
    %dma_start3A_122 = tpu.memref_slice %arg5[%dma_start3A_120, %dma_start3A_121] : memref<16x128xi32, #tpu.memory_space<vmem>> -> memref<1x128xi32, #tpu.memory_space<vmem>>
    %dma_start3A_123 = tpu.memref_squeeze %dma_start3A_122 : memref<1x128xi32, #tpu.memory_space<vmem>> -> memref<128xi32, #tpu.memory_space<vmem>>
    %dma_start3A_124 = arith.constant 0 : i32
    %dma_start3A_125 = arith.constant 0 : i32
    %dma_start3A_126 = tpu.memref_slice %arg3[%dma_start3A_124, %dma_start3A_125] : memref<16384x128xf32, #tpu.memory_space<hbm>> -> memref<16384x128xf32, #tpu.memory_space<hbm>>
    tpu.enqueue_indirect_dma source(%dma_start3A_126 : memref<16384x128xf32, #tpu.memory_space<hbm>>) target(%arg6 : memref<128x128xf32, #tpu.memory_space<vmem>>) offsets(%dma_start3A_123 : memref<128xi32, #tpu.memory_space<vmem>>) semaphore(%arg8 : memref<!tpu.dma_semaphore, #tpu.memory_space<semaphore_mem>>)
    %dma_wait3A_127 = arith.constant 7 : i32
    %dma_wait3A_128 = arith.constant 0 : i32
    %dma_wait3A_129 = tpu.memref_slice %arg5[%dma_wait3A_127, %dma_wait3A_128] : memref<16x128xi32, #tpu.memory_space<vmem>> -> memref<1x128xi32, #tpu.memory_space<vmem>>
    %dma_wait3A_130 = tpu.memref_squeeze %dma_wait3A_129 : memref<1x128xi32, #tpu.memory_space<vmem>> -> memref<128xi32, #tpu.memory_space<vmem>>
    %dma_wait3A_131 = arith.constant 0 : i32
    %dma_wait3A_132 = arith.constant 0 : i32
    %dma_wait3A_133 = tpu.memref_slice %arg3[%dma_wait3A_131, %dma_wait3A_132] : memref<16384x128xf32, #tpu.memory_space<hbm>> -> memref<16384x128xf32, #tpu.memory_space<hbm>>
    tpu.wait_indirect_dma semaphore(%arg9 : memref<!tpu.dma_semaphore, #tpu.memory_space<semaphore_mem>>) src(%dma_wait3A_133 : memref<16384x128xf32, #tpu.memory_space<hbm>>) dst(%arg7 : memref<128x128xf32, #tpu.memory_space<vmem>>)
    %add3A_134 = arith.constant 896 : i32
    %add3A_135 = arith.addi %mul3A_2, %add3A_134 : i32
    "tpu.region"() ({
      %run_scoped3A = tpu.sem_alloc : memref<!tpu.dma_semaphore, #tpu.memory_space<semaphore_mem>>
      %dma_start3A_257 = arith.constant 0 : i32
      %dma_start3A_258 = tpu.memref_slice %arg4[%add3A_135, %dma_start3A_257] : memref<65536x128xf32, #tpu.memory_space<hbm>> -> memref<128x128xf32, #tpu.memory_space<hbm>>
      %dma_start3A_259 = arith.constant 0 : i32
      %dma_start3A_260 = tpu.memref_slice %arg4[%add3A_135, %dma_start3A_259] : memref<65536x128xf32, #tpu.memory_space<hbm>> -> memref<128x128xf32, #tpu.memory_space<hbm>>
      tpu.enqueue_dma source(%arg7 : memref<128x128xf32, #tpu.memory_space<vmem>>) target(%dma_start3A_260 : memref<128x128xf32, #tpu.memory_space<hbm>>) target_semaphore(%run_scoped3A : memref<!tpu.dma_semaphore, #tpu.memory_space<semaphore_mem>>)
      %dma_wait3A_261 = arith.constant 0 : i32
      %dma_wait3A_262 = tpu.memref_slice %arg4[%add3A_135, %dma_wait3A_261] : memref<65536x128xf32, #tpu.memory_space<hbm>> -> memref<128x128xf32, #tpu.memory_space<hbm>>
      %dma_wait3A_263 = arith.constant 0 : i32
      %dma_wait3A_264 = tpu.memref_slice %arg4[%add3A_135, %dma_wait3A_263] : memref<65536x128xf32, #tpu.memory_space<hbm>> -> memref<128x128xf32, #tpu.memory_space<hbm>>
      tpu.wait_dma2 semaphore(%run_scoped3A : memref<!tpu.dma_semaphore, #tpu.memory_space<semaphore_mem>>) src(%arg7 : memref<128x128xf32, #tpu.memory_space<vmem>>) dst(%dma_wait3A_264 : memref<128x128xf32, #tpu.memory_space<hbm>>)
      tpu.yield
    }) : () -> ()
    %dma_start3A_136 = arith.constant 9 : i32
    %dma_start3A_137 = arith.constant 0 : i32
    %dma_start3A_138 = tpu.memref_slice %arg5[%dma_start3A_136, %dma_start3A_137] : memref<16x128xi32, #tpu.memory_space<vmem>> -> memref<1x128xi32, #tpu.memory_space<vmem>>
    %dma_start3A_139 = tpu.memref_squeeze %dma_start3A_138 : memref<1x128xi32, #tpu.memory_space<vmem>> -> memref<128xi32, #tpu.memory_space<vmem>>
    %dma_start3A_140 = arith.constant 0 : i32
    %dma_start3A_141 = arith.constant 0 : i32
    %dma_start3A_142 = tpu.memref_slice %arg3[%dma_start3A_140, %dma_start3A_141] : memref<16384x128xf32, #tpu.memory_space<hbm>> -> memref<16384x128xf32, #tpu.memory_space<hbm>>
    tpu.enqueue_indirect_dma source(%dma_start3A_142 : memref<16384x128xf32, #tpu.memory_space<hbm>>) target(%arg7 : memref<128x128xf32, #tpu.memory_space<vmem>>) offsets(%dma_start3A_139 : memref<128xi32, #tpu.memory_space<vmem>>) semaphore(%arg9 : memref<!tpu.dma_semaphore, #tpu.memory_space<semaphore_mem>>)
    %dma_wait3A_143 = arith.constant 8 : i32
    %dma_wait3A_144 = arith.constant 0 : i32
    %dma_wait3A_145 = tpu.memref_slice %arg5[%dma_wait3A_143, %dma_wait3A_144] : memref<16x128xi32, #tpu.memory_space<vmem>> -> memref<1x128xi32, #tpu.memory_space<vmem>>
    %dma_wait3A_146 = tpu.memref_squeeze %dma_wait3A_145 : memref<1x128xi32, #tpu.memory_space<vmem>> -> memref<128xi32, #tpu.memory_space<vmem>>
    %dma_wait3A_147 = arith.constant 0 : i32
    %dma_wait3A_148 = arith.constant 0 : i32
    %dma_wait3A_149 = tpu.memref_slice %arg3[%dma_wait3A_147, %dma_wait3A_148] : memref<16384x128xf32, #tpu.memory_space<hbm>> -> memref<16384x128xf32, #tpu.memory_space<hbm>>
    tpu.wait_indirect_dma semaphore(%arg8 : memref<!tpu.dma_semaphore, #tpu.memory_space<semaphore_mem>>) src(%dma_wait3A_149 : memref<16384x128xf32, #tpu.memory_space<hbm>>) dst(%arg6 : memref<128x128xf32, #tpu.memory_space<vmem>>)
    %add3A_150 = arith.constant 1024 : i32
    %add3A_151 = arith.addi %mul3A_2, %add3A_150 : i32
    "tpu.region"() ({
      %run_scoped3A = tpu.sem_alloc : memref<!tpu.dma_semaphore, #tpu.memory_space<semaphore_mem>>
      %dma_start3A_257 = arith.constant 0 : i32
      %dma_start3A_258 = tpu.memref_slice %arg4[%add3A_151, %dma_start3A_257] : memref<65536x128xf32, #tpu.memory_space<hbm>> -> memref<128x128xf32, #tpu.memory_space<hbm>>
      %dma_start3A_259 = arith.constant 0 : i32
      %dma_start3A_260 = tpu.memref_slice %arg4[%add3A_151, %dma_start3A_259] : memref<65536x128xf32, #tpu.memory_space<hbm>> -> memref<128x128xf32, #tpu.memory_space<hbm>>
      tpu.enqueue_dma source(%arg6 : memref<128x128xf32, #tpu.memory_space<vmem>>) target(%dma_start3A_260 : memref<128x128xf32, #tpu.memory_space<hbm>>) target_semaphore(%run_scoped3A : memref<!tpu.dma_semaphore, #tpu.memory_space<semaphore_mem>>)
      %dma_wait3A_261 = arith.constant 0 : i32
      %dma_wait3A_262 = tpu.memref_slice %arg4[%add3A_151, %dma_wait3A_261] : memref<65536x128xf32, #tpu.memory_space<hbm>> -> memref<128x128xf32, #tpu.memory_space<hbm>>
      %dma_wait3A_263 = arith.constant 0 : i32
      %dma_wait3A_264 = tpu.memref_slice %arg4[%add3A_151, %dma_wait3A_263] : memref<65536x128xf32, #tpu.memory_space<hbm>> -> memref<128x128xf32, #tpu.memory_space<hbm>>
      tpu.wait_dma2 semaphore(%run_scoped3A : memref<!tpu.dma_semaphore, #tpu.memory_space<semaphore_mem>>) src(%arg6 : memref<128x128xf32, #tpu.memory_space<vmem>>) dst(%dma_wait3A_264 : memref<128x128xf32, #tpu.memory_space<hbm>>)
      tpu.yield
    }) : () -> ()
    %dma_start3A_152 = arith.constant 10 : i32
    %dma_start3A_153 = arith.constant 0 : i32
    %dma_start3A_154 = tpu.memref_slice %arg5[%dma_start3A_152, %dma_start3A_153] : memref<16x128xi32, #tpu.memory_space<vmem>> -> memref<1x128xi32, #tpu.memory_space<vmem>>
    %dma_start3A_155 = tpu.memref_squeeze %dma_start3A_154 : memref<1x128xi32, #tpu.memory_space<vmem>> -> memref<128xi32, #tpu.memory_space<vmem>>
    %dma_start3A_156 = arith.constant 0 : i32
    %dma_start3A_157 = arith.constant 0 : i32
    %dma_start3A_158 = tpu.memref_slice %arg3[%dma_start3A_156, %dma_start3A_157] : memref<16384x128xf32, #tpu.memory_space<hbm>> -> memref<16384x128xf32, #tpu.memory_space<hbm>>
    tpu.enqueue_indirect_dma source(%dma_start3A_158 : memref<16384x128xf32, #tpu.memory_space<hbm>>) target(%arg6 : memref<128x128xf32, #tpu.memory_space<vmem>>) offsets(%dma_start3A_155 : memref<128xi32, #tpu.memory_space<vmem>>) semaphore(%arg8 : memref<!tpu.dma_semaphore, #tpu.memory_space<semaphore_mem>>)
    %dma_wait3A_159 = arith.constant 9 : i32
    %dma_wait3A_160 = arith.constant 0 : i32
    %dma_wait3A_161 = tpu.memref_slice %arg5[%dma_wait3A_159, %dma_wait3A_160] : memref<16x128xi32, #tpu.memory_space<vmem>> -> memref<1x128xi32, #tpu.memory_space<vmem>>
    %dma_wait3A_162 = tpu.memref_squeeze %dma_wait3A_161 : memref<1x128xi32, #tpu.memory_space<vmem>> -> memref<128xi32, #tpu.memory_space<vmem>>
    %dma_wait3A_163 = arith.constant 0 : i32
    %dma_wait3A_164 = arith.constant 0 : i32
    %dma_wait3A_165 = tpu.memref_slice %arg3[%dma_wait3A_163, %dma_wait3A_164] : memref<16384x128xf32, #tpu.memory_space<hbm>> -> memref<16384x128xf32, #tpu.memory_space<hbm>>
    tpu.wait_indirect_dma semaphore(%arg9 : memref<!tpu.dma_semaphore, #tpu.memory_space<semaphore_mem>>) src(%dma_wait3A_165 : memref<16384x128xf32, #tpu.memory_space<hbm>>) dst(%arg7 : memref<128x128xf32, #tpu.memory_space<vmem>>)
    %add3A_166 = arith.constant 1152 : i32
    %add3A_167 = arith.addi %mul3A_2, %add3A_166 : i32
    "tpu.region"() ({
      %run_scoped3A = tpu.sem_alloc : memref<!tpu.dma_semaphore, #tpu.memory_space<semaphore_mem>>
      %dma_start3A_257 = arith.constant 0 : i32
      %dma_start3A_258 = tpu.memref_slice %arg4[%add3A_167, %dma_start3A_257] : memref<65536x128xf32, #tpu.memory_space<hbm>> -> memref<128x128xf32, #tpu.memory_space<hbm>>
      %dma_start3A_259 = arith.constant 0 : i32
      %dma_start3A_260 = tpu.memref_slice %arg4[%add3A_167, %dma_start3A_259] : memref<65536x128xf32, #tpu.memory_space<hbm>> -> memref<128x128xf32, #tpu.memory_space<hbm>>
      tpu.enqueue_dma source(%arg7 : memref<128x128xf32, #tpu.memory_space<vmem>>) target(%dma_start3A_260 : memref<128x128xf32, #tpu.memory_space<hbm>>) target_semaphore(%run_scoped3A : memref<!tpu.dma_semaphore, #tpu.memory_space<semaphore_mem>>)
      %dma_wait3A_261 = arith.constant 0 : i32
      %dma_wait3A_262 = tpu.memref_slice %arg4[%add3A_167, %dma_wait3A_261] : memref<65536x128xf32, #tpu.memory_space<hbm>> -> memref<128x128xf32, #tpu.memory_space<hbm>>
      %dma_wait3A_263 = arith.constant 0 : i32
      %dma_wait3A_264 = tpu.memref_slice %arg4[%add3A_167, %dma_wait3A_263] : memref<65536x128xf32, #tpu.memory_space<hbm>> -> memref<128x128xf32, #tpu.memory_space<hbm>>
      tpu.wait_dma2 semaphore(%run_scoped3A : memref<!tpu.dma_semaphore, #tpu.memory_space<semaphore_mem>>) src(%arg7 : memref<128x128xf32, #tpu.memory_space<vmem>>) dst(%dma_wait3A_264 : memref<128x128xf32, #tpu.memory_space<hbm>>)
      tpu.yield
    }) : () -> ()
    %dma_start3A_168 = arith.constant 11 : i32
    %dma_start3A_169 = arith.constant 0 : i32
    %dma_start3A_170 = tpu.memref_slice %arg5[%dma_start3A_168, %dma_start3A_169] : memref<16x128xi32, #tpu.memory_space<vmem>> -> memref<1x128xi32, #tpu.memory_space<vmem>>
    %dma_start3A_171 = tpu.memref_squeeze %dma_start3A_170 : memref<1x128xi32, #tpu.memory_space<vmem>> -> memref<128xi32, #tpu.memory_space<vmem>>
    %dma_start3A_172 = arith.constant 0 : i32
    %dma_start3A_173 = arith.constant 0 : i32
    %dma_start3A_174 = tpu.memref_slice %arg3[%dma_start3A_172, %dma_start3A_173] : memref<16384x128xf32, #tpu.memory_space<hbm>> -> memref<16384x128xf32, #tpu.memory_space<hbm>>
    tpu.enqueue_indirect_dma source(%dma_start3A_174 : memref<16384x128xf32, #tpu.memory_space<hbm>>) target(%arg7 : memref<128x128xf32, #tpu.memory_space<vmem>>) offsets(%dma_start3A_171 : memref<128xi32, #tpu.memory_space<vmem>>) semaphore(%arg9 : memref<!tpu.dma_semaphore, #tpu.memory_space<semaphore_mem>>)
    %dma_wait3A_175 = arith.constant 10 : i32
    %dma_wait3A_176 = arith.constant 0 : i32
    %dma_wait3A_177 = tpu.memref_slice %arg5[%dma_wait3A_175, %dma_wait3A_176] : memref<16x128xi32, #tpu.memory_space<vmem>> -> memref<1x128xi32, #tpu.memory_space<vmem>>
    %dma_wait3A_178 = tpu.memref_squeeze %dma_wait3A_177 : memref<1x128xi32, #tpu.memory_space<vmem>> -> memref<128xi32, #tpu.memory_space<vmem>>
    %dma_wait3A_179 = arith.constant 0 : i32
    %dma_wait3A_180 = arith.constant 0 : i32
    %dma_wait3A_181 = tpu.memref_slice %arg3[%dma_wait3A_179, %dma_wait3A_180] : memref<16384x128xf32, #tpu.memory_space<hbm>> -> memref<16384x128xf32, #tpu.memory_space<hbm>>
    tpu.wait_indirect_dma semaphore(%arg8 : memref<!tpu.dma_semaphore, #tpu.memory_space<semaphore_mem>>) src(%dma_wait3A_181 : memref<16384x128xf32, #tpu.memory_space<hbm>>) dst(%arg6 : memref<128x128xf32, #tpu.memory_space<vmem>>)
    %add3A_182 = arith.constant 1280 : i32
    %add3A_183 = arith.addi %mul3A_2, %add3A_182 : i32
    "tpu.region"() ({
      %run_scoped3A = tpu.sem_alloc : memref<!tpu.dma_semaphore, #tpu.memory_space<semaphore_mem>>
      %dma_start3A_257 = arith.constant 0 : i32
      %dma_start3A_258 = tpu.memref_slice %arg4[%add3A_183, %dma_start3A_257] : memref<65536x128xf32, #tpu.memory_space<hbm>> -> memref<128x128xf32, #tpu.memory_space<hbm>>
      %dma_start3A_259 = arith.constant 0 : i32
      %dma_start3A_260 = tpu.memref_slice %arg4[%add3A_183, %dma_start3A_259] : memref<65536x128xf32, #tpu.memory_space<hbm>> -> memref<128x128xf32, #tpu.memory_space<hbm>>
      tpu.enqueue_dma source(%arg6 : memref<128x128xf32, #tpu.memory_space<vmem>>) target(%dma_start3A_260 : memref<128x128xf32, #tpu.memory_space<hbm>>) target_semaphore(%run_scoped3A : memref<!tpu.dma_semaphore, #tpu.memory_space<semaphore_mem>>)
      %dma_wait3A_261 = arith.constant 0 : i32
      %dma_wait3A_262 = tpu.memref_slice %arg4[%add3A_183, %dma_wait3A_261] : memref<65536x128xf32, #tpu.memory_space<hbm>> -> memref<128x128xf32, #tpu.memory_space<hbm>>
      %dma_wait3A_263 = arith.constant 0 : i32
      %dma_wait3A_264 = tpu.memref_slice %arg4[%add3A_183, %dma_wait3A_263] : memref<65536x128xf32, #tpu.memory_space<hbm>> -> memref<128x128xf32, #tpu.memory_space<hbm>>
      tpu.wait_dma2 semaphore(%run_scoped3A : memref<!tpu.dma_semaphore, #tpu.memory_space<semaphore_mem>>) src(%arg6 : memref<128x128xf32, #tpu.memory_space<vmem>>) dst(%dma_wait3A_264 : memref<128x128xf32, #tpu.memory_space<hbm>>)
      tpu.yield
    }) : () -> ()
    %dma_start3A_184 = arith.constant 12 : i32
    %dma_start3A_185 = arith.constant 0 : i32
    %dma_start3A_186 = tpu.memref_slice %arg5[%dma_start3A_184, %dma_start3A_185] : memref<16x128xi32, #tpu.memory_space<vmem>> -> memref<1x128xi32, #tpu.memory_space<vmem>>
    %dma_start3A_187 = tpu.memref_squeeze %dma_start3A_186 : memref<1x128xi32, #tpu.memory_space<vmem>> -> memref<128xi32, #tpu.memory_space<vmem>>
    %dma_start3A_188 = arith.constant 0 : i32
    %dma_start3A_189 = arith.constant 0 : i32
    %dma_start3A_190 = tpu.memref_slice %arg3[%dma_start3A_188, %dma_start3A_189] : memref<16384x128xf32, #tpu.memory_space<hbm>> -> memref<16384x128xf32, #tpu.memory_space<hbm>>
    tpu.enqueue_indirect_dma source(%dma_start3A_190 : memref<16384x128xf32, #tpu.memory_space<hbm>>) target(%arg6 : memref<128x128xf32, #tpu.memory_space<vmem>>) offsets(%dma_start3A_187 : memref<128xi32, #tpu.memory_space<vmem>>) semaphore(%arg8 : memref<!tpu.dma_semaphore, #tpu.memory_space<semaphore_mem>>)
    %dma_wait3A_191 = arith.constant 11 : i32
    %dma_wait3A_192 = arith.constant 0 : i32
    %dma_wait3A_193 = tpu.memref_slice %arg5[%dma_wait3A_191, %dma_wait3A_192] : memref<16x128xi32, #tpu.memory_space<vmem>> -> memref<1x128xi32, #tpu.memory_space<vmem>>
    %dma_wait3A_194 = tpu.memref_squeeze %dma_wait3A_193 : memref<1x128xi32, #tpu.memory_space<vmem>> -> memref<128xi32, #tpu.memory_space<vmem>>
    %dma_wait3A_195 = arith.constant 0 : i32
    %dma_wait3A_196 = arith.constant 0 : i32
    %dma_wait3A_197 = tpu.memref_slice %arg3[%dma_wait3A_195, %dma_wait3A_196] : memref<16384x128xf32, #tpu.memory_space<hbm>> -> memref<16384x128xf32, #tpu.memory_space<hbm>>
    tpu.wait_indirect_dma semaphore(%arg9 : memref<!tpu.dma_semaphore, #tpu.memory_space<semaphore_mem>>) src(%dma_wait3A_197 : memref<16384x128xf32, #tpu.memory_space<hbm>>) dst(%arg7 : memref<128x128xf32, #tpu.memory_space<vmem>>)
    %add3A_198 = arith.constant 1408 : i32
    %add3A_199 = arith.addi %mul3A_2, %add3A_198 : i32
    "tpu.region"() ({
      %run_scoped3A = tpu.sem_alloc : memref<!tpu.dma_semaphore, #tpu.memory_space<semaphore_mem>>
      %dma_start3A_257 = arith.constant 0 : i32
      %dma_start3A_258 = tpu.memref_slice %arg4[%add3A_199, %dma_start3A_257] : memref<65536x128xf32, #tpu.memory_space<hbm>> -> memref<128x128xf32, #tpu.memory_space<hbm>>
      %dma_start3A_259 = arith.constant 0 : i32
      %dma_start3A_260 = tpu.memref_slice %arg4[%add3A_199, %dma_start3A_259] : memref<65536x128xf32, #tpu.memory_space<hbm>> -> memref<128x128xf32, #tpu.memory_space<hbm>>
      tpu.enqueue_dma source(%arg7 : memref<128x128xf32, #tpu.memory_space<vmem>>) target(%dma_start3A_260 : memref<128x128xf32, #tpu.memory_space<hbm>>) target_semaphore(%run_scoped3A : memref<!tpu.dma_semaphore, #tpu.memory_space<semaphore_mem>>)
      %dma_wait3A_261 = arith.constant 0 : i32
      %dma_wait3A_262 = tpu.memref_slice %arg4[%add3A_199, %dma_wait3A_261] : memref<65536x128xf32, #tpu.memory_space<hbm>> -> memref<128x128xf32, #tpu.memory_space<hbm>>
      %dma_wait3A_263 = arith.constant 0 : i32
      %dma_wait3A_264 = tpu.memref_slice %arg4[%add3A_199, %dma_wait3A_263] : memref<65536x128xf32, #tpu.memory_space<hbm>> -> memref<128x128xf32, #tpu.memory_space<hbm>>
      tpu.wait_dma2 semaphore(%run_scoped3A : memref<!tpu.dma_semaphore, #tpu.memory_space<semaphore_mem>>) src(%arg7 : memref<128x128xf32, #tpu.memory_space<vmem>>) dst(%dma_wait3A_264 : memref<128x128xf32, #tpu.memory_space<hbm>>)
      tpu.yield
    }) : () -> ()
    %dma_start3A_200 = arith.constant 13 : i32
    %dma_start3A_201 = arith.constant 0 : i32
    %dma_start3A_202 = tpu.memref_slice %arg5[%dma_start3A_200, %dma_start3A_201] : memref<16x128xi32, #tpu.memory_space<vmem>> -> memref<1x128xi32, #tpu.memory_space<vmem>>
    %dma_start3A_203 = tpu.memref_squeeze %dma_start3A_202 : memref<1x128xi32, #tpu.memory_space<vmem>> -> memref<128xi32, #tpu.memory_space<vmem>>
    %dma_start3A_204 = arith.constant 0 : i32
    %dma_start3A_205 = arith.constant 0 : i32
    %dma_start3A_206 = tpu.memref_slice %arg3[%dma_start3A_204, %dma_start3A_205] : memref<16384x128xf32, #tpu.memory_space<hbm>> -> memref<16384x128xf32, #tpu.memory_space<hbm>>
    tpu.enqueue_indirect_dma source(%dma_start3A_206 : memref<16384x128xf32, #tpu.memory_space<hbm>>) target(%arg7 : memref<128x128xf32, #tpu.memory_space<vmem>>) offsets(%dma_start3A_203 : memref<128xi32, #tpu.memory_space<vmem>>) semaphore(%arg9 : memref<!tpu.dma_semaphore, #tpu.memory_space<semaphore_mem>>)
    %dma_wait3A_207 = arith.constant 12 : i32
    %dma_wait3A_208 = arith.constant 0 : i32
    %dma_wait3A_209 = tpu.memref_slice %arg5[%dma_wait3A_207, %dma_wait3A_208] : memref<16x128xi32, #tpu.memory_space<vmem>> -> memref<1x128xi32, #tpu.memory_space<vmem>>
    %dma_wait3A_210 = tpu.memref_squeeze %dma_wait3A_209 : memref<1x128xi32, #tpu.memory_space<vmem>> -> memref<128xi32, #tpu.memory_space<vmem>>
    %dma_wait3A_211 = arith.constant 0 : i32
    %dma_wait3A_212 = arith.constant 0 : i32
    %dma_wait3A_213 = tpu.memref_slice %arg3[%dma_wait3A_211, %dma_wait3A_212] : memref<16384x128xf32, #tpu.memory_space<hbm>> -> memref<16384x128xf32, #tpu.memory_space<hbm>>
    tpu.wait_indirect_dma semaphore(%arg8 : memref<!tpu.dma_semaphore, #tpu.memory_space<semaphore_mem>>) src(%dma_wait3A_213 : memref<16384x128xf32, #tpu.memory_space<hbm>>) dst(%arg6 : memref<128x128xf32, #tpu.memory_space<vmem>>)
    %add3A_214 = arith.constant 1536 : i32
    %add3A_215 = arith.addi %mul3A_2, %add3A_214 : i32
    "tpu.region"() ({
      %run_scoped3A = tpu.sem_alloc : memref<!tpu.dma_semaphore, #tpu.memory_space<semaphore_mem>>
      %dma_start3A_257 = arith.constant 0 : i32
      %dma_start3A_258 = tpu.memref_slice %arg4[%add3A_215, %dma_start3A_257] : memref<65536x128xf32, #tpu.memory_space<hbm>> -> memref<128x128xf32, #tpu.memory_space<hbm>>
      %dma_start3A_259 = arith.constant 0 : i32
      %dma_start3A_260 = tpu.memref_slice %arg4[%add3A_215, %dma_start3A_259] : memref<65536x128xf32, #tpu.memory_space<hbm>> -> memref<128x128xf32, #tpu.memory_space<hbm>>
      tpu.enqueue_dma source(%arg6 : memref<128x128xf32, #tpu.memory_space<vmem>>) target(%dma_start3A_260 : memref<128x128xf32, #tpu.memory_space<hbm>>) target_semaphore(%run_scoped3A : memref<!tpu.dma_semaphore, #tpu.memory_space<semaphore_mem>>)
      %dma_wait3A_261 = arith.constant 0 : i32
      %dma_wait3A_262 = tpu.memref_slice %arg4[%add3A_215, %dma_wait3A_261] : memref<65536x128xf32, #tpu.memory_space<hbm>> -> memref<128x128xf32, #tpu.memory_space<hbm>>
      %dma_wait3A_263 = arith.constant 0 : i32
      %dma_wait3A_264 = tpu.memref_slice %arg4[%add3A_215, %dma_wait3A_263] : memref<65536x128xf32, #tpu.memory_space<hbm>> -> memref<128x128xf32, #tpu.memory_space<hbm>>
      tpu.wait_dma2 semaphore(%run_scoped3A : memref<!tpu.dma_semaphore, #tpu.memory_space<semaphore_mem>>) src(%arg6 : memref<128x128xf32, #tpu.memory_space<vmem>>) dst(%dma_wait3A_264 : memref<128x128xf32, #tpu.memory_space<hbm>>)
      tpu.yield
    }) : () -> ()
    %dma_start3A_216 = arith.constant 14 : i32
    %dma_start3A_217 = arith.constant 0 : i32
    %dma_start3A_218 = tpu.memref_slice %arg5[%dma_start3A_216, %dma_start3A_217] : memref<16x128xi32, #tpu.memory_space<vmem>> -> memref<1x128xi32, #tpu.memory_space<vmem>>
    %dma_start3A_219 = tpu.memref_squeeze %dma_start3A_218 : memref<1x128xi32, #tpu.memory_space<vmem>> -> memref<128xi32, #tpu.memory_space<vmem>>
    %dma_start3A_220 = arith.constant 0 : i32
    %dma_start3A_221 = arith.constant 0 : i32
    %dma_start3A_222 = tpu.memref_slice %arg3[%dma_start3A_220, %dma_start3A_221] : memref<16384x128xf32, #tpu.memory_space<hbm>> -> memref<16384x128xf32, #tpu.memory_space<hbm>>
    tpu.enqueue_indirect_dma source(%dma_start3A_222 : memref<16384x128xf32, #tpu.memory_space<hbm>>) target(%arg6 : memref<128x128xf32, #tpu.memory_space<vmem>>) offsets(%dma_start3A_219 : memref<128xi32, #tpu.memory_space<vmem>>) semaphore(%arg8 : memref<!tpu.dma_semaphore, #tpu.memory_space<semaphore_mem>>)
    %dma_wait3A_223 = arith.constant 13 : i32
    %dma_wait3A_224 = arith.constant 0 : i32
    %dma_wait3A_225 = tpu.memref_slice %arg5[%dma_wait3A_223, %dma_wait3A_224] : memref<16x128xi32, #tpu.memory_space<vmem>> -> memref<1x128xi32, #tpu.memory_space<vmem>>
    %dma_wait3A_226 = tpu.memref_squeeze %dma_wait3A_225 : memref<1x128xi32, #tpu.memory_space<vmem>> -> memref<128xi32, #tpu.memory_space<vmem>>
    %dma_wait3A_227 = arith.constant 0 : i32
    %dma_wait3A_228 = arith.constant 0 : i32
    %dma_wait3A_229 = tpu.memref_slice %arg3[%dma_wait3A_227, %dma_wait3A_228] : memref<16384x128xf32, #tpu.memory_space<hbm>> -> memref<16384x128xf32, #tpu.memory_space<hbm>>
    tpu.wait_indirect_dma semaphore(%arg9 : memref<!tpu.dma_semaphore, #tpu.memory_space<semaphore_mem>>) src(%dma_wait3A_229 : memref<16384x128xf32, #tpu.memory_space<hbm>>) dst(%arg7 : memref<128x128xf32, #tpu.memory_space<vmem>>)
    %add3A_230 = arith.constant 1664 : i32
    %add3A_231 = arith.addi %mul3A_2, %add3A_230 : i32
    "tpu.region"() ({
      %run_scoped3A = tpu.sem_alloc : memref<!tpu.dma_semaphore, #tpu.memory_space<semaphore_mem>>
      %dma_start3A_257 = arith.constant 0 : i32
      %dma_start3A_258 = tpu.memref_slice %arg4[%add3A_231, %dma_start3A_257] : memref<65536x128xf32, #tpu.memory_space<hbm>> -> memref<128x128xf32, #tpu.memory_space<hbm>>
      %dma_start3A_259 = arith.constant 0 : i32
      %dma_start3A_260 = tpu.memref_slice %arg4[%add3A_231, %dma_start3A_259] : memref<65536x128xf32, #tpu.memory_space<hbm>> -> memref<128x128xf32, #tpu.memory_space<hbm>>
      tpu.enqueue_dma source(%arg7 : memref<128x128xf32, #tpu.memory_space<vmem>>) target(%dma_start3A_260 : memref<128x128xf32, #tpu.memory_space<hbm>>) target_semaphore(%run_scoped3A : memref<!tpu.dma_semaphore, #tpu.memory_space<semaphore_mem>>)
      %dma_wait3A_261 = arith.constant 0 : i32
      %dma_wait3A_262 = tpu.memref_slice %arg4[%add3A_231, %dma_wait3A_261] : memref<65536x128xf32, #tpu.memory_space<hbm>> -> memref<128x128xf32, #tpu.memory_space<hbm>>
      %dma_wait3A_263 = arith.constant 0 : i32
      %dma_wait3A_264 = tpu.memref_slice %arg4[%add3A_231, %dma_wait3A_263] : memref<65536x128xf32, #tpu.memory_space<hbm>> -> memref<128x128xf32, #tpu.memory_space<hbm>>
      tpu.wait_dma2 semaphore(%run_scoped3A : memref<!tpu.dma_semaphore, #tpu.memory_space<semaphore_mem>>) src(%arg7 : memref<128x128xf32, #tpu.memory_space<vmem>>) dst(%dma_wait3A_264 : memref<128x128xf32, #tpu.memory_space<hbm>>)
      tpu.yield
    }) : () -> ()
    %dma_start3A_232 = arith.constant 15 : i32
    %dma_start3A_233 = arith.constant 0 : i32
    %dma_start3A_234 = tpu.memref_slice %arg5[%dma_start3A_232, %dma_start3A_233] : memref<16x128xi32, #tpu.memory_space<vmem>> -> memref<1x128xi32, #tpu.memory_space<vmem>>
    %dma_start3A_235 = tpu.memref_squeeze %dma_start3A_234 : memref<1x128xi32, #tpu.memory_space<vmem>> -> memref<128xi32, #tpu.memory_space<vmem>>
    %dma_start3A_236 = arith.constant 0 : i32
    %dma_start3A_237 = arith.constant 0 : i32
    %dma_start3A_238 = tpu.memref_slice %arg3[%dma_start3A_236, %dma_start3A_237] : memref<16384x128xf32, #tpu.memory_space<hbm>> -> memref<16384x128xf32, #tpu.memory_space<hbm>>
    tpu.enqueue_indirect_dma source(%dma_start3A_238 : memref<16384x128xf32, #tpu.memory_space<hbm>>) target(%arg7 : memref<128x128xf32, #tpu.memory_space<vmem>>) offsets(%dma_start3A_235 : memref<128xi32, #tpu.memory_space<vmem>>) semaphore(%arg9 : memref<!tpu.dma_semaphore, #tpu.memory_space<semaphore_mem>>)
    %dma_wait3A_239 = arith.constant 14 : i32
    %dma_wait3A_240 = arith.constant 0 : i32
    %dma_wait3A_241 = tpu.memref_slice %arg5[%dma_wait3A_239, %dma_wait3A_240] : memref<16x128xi32, #tpu.memory_space<vmem>> -> memref<1x128xi32, #tpu.memory_space<vmem>>
    %dma_wait3A_242 = tpu.memref_squeeze %dma_wait3A_241 : memref<1x128xi32, #tpu.memory_space<vmem>> -> memref<128xi32, #tpu.memory_space<vmem>>
    %dma_wait3A_243 = arith.constant 0 : i32
    %dma_wait3A_244 = arith.constant 0 : i32
    %dma_wait3A_245 = tpu.memref_slice %arg3[%dma_wait3A_243, %dma_wait3A_244] : memref<16384x128xf32, #tpu.memory_space<hbm>> -> memref<16384x128xf32, #tpu.memory_space<hbm>>
    tpu.wait_indirect_dma semaphore(%arg8 : memref<!tpu.dma_semaphore, #tpu.memory_space<semaphore_mem>>) src(%dma_wait3A_245 : memref<16384x128xf32, #tpu.memory_space<hbm>>) dst(%arg6 : memref<128x128xf32, #tpu.memory_space<vmem>>)
    %add3A_246 = arith.constant 1792 : i32
    %add3A_247 = arith.addi %mul3A_2, %add3A_246 : i32
    "tpu.region"() ({
      %run_scoped3A = tpu.sem_alloc : memref<!tpu.dma_semaphore, #tpu.memory_space<semaphore_mem>>
      %dma_start3A_257 = arith.constant 0 : i32
      %dma_start3A_258 = tpu.memref_slice %arg4[%add3A_247, %dma_start3A_257] : memref<65536x128xf32, #tpu.memory_space<hbm>> -> memref<128x128xf32, #tpu.memory_space<hbm>>
      %dma_start3A_259 = arith.constant 0 : i32
      %dma_start3A_260 = tpu.memref_slice %arg4[%add3A_247, %dma_start3A_259] : memref<65536x128xf32, #tpu.memory_space<hbm>> -> memref<128x128xf32, #tpu.memory_space<hbm>>
      tpu.enqueue_dma source(%arg6 : memref<128x128xf32, #tpu.memory_space<vmem>>) target(%dma_start3A_260 : memref<128x128xf32, #tpu.memory_space<hbm>>) target_semaphore(%run_scoped3A : memref<!tpu.dma_semaphore, #tpu.memory_space<semaphore_mem>>)
      %dma_wait3A_261 = arith.constant 0 : i32
      %dma_wait3A_262 = tpu.memref_slice %arg4[%add3A_247, %dma_wait3A_261] : memref<65536x128xf32, #tpu.memory_space<hbm>> -> memref<128x128xf32, #tpu.memory_space<hbm>>
      %dma_wait3A_263 = arith.constant 0 : i32
      %dma_wait3A_264 = tpu.memref_slice %arg4[%add3A_247, %dma_wait3A_263] : memref<65536x128xf32, #tpu.memory_space<hbm>> -> memref<128x128xf32, #tpu.memory_space<hbm>>
      tpu.wait_dma2 semaphore(%run_scoped3A : memref<!tpu.dma_semaphore, #tpu.memory_space<semaphore_mem>>) src(%arg6 : memref<128x128xf32, #tpu.memory_space<vmem>>) dst(%dma_wait3A_264 : memref<128x128xf32, #tpu.memory_space<hbm>>)
      tpu.yield
    }) : () -> ()
    %dma_wait3A_248 = arith.constant 15 : i32
    %dma_wait3A_249 = arith.constant 0 : i32
    %dma_wait3A_250 = tpu.memref_slice %arg5[%dma_wait3A_248, %dma_wait3A_249] : memref<16x128xi32, #tpu.memory_space<vmem>> -> memref<1x128xi32, #tpu.memory_space<vmem>>
    %dma_wait3A_251 = tpu.memref_squeeze %dma_wait3A_250 : memref<1x128xi32, #tpu.memory_space<vmem>> -> memref<128xi32, #tpu.memory_space<vmem>>
    %dma_wait3A_252 = arith.constant 0 : i32
    %dma_wait3A_253 = arith.constant 0 : i32
    %dma_wait3A_254 = tpu.memref_slice %arg3[%dma_wait3A_252, %dma_wait3A_253] : memref<16384x128xf32, #tpu.memory_space<hbm>> -> memref<16384x128xf32, #tpu.memory_space<hbm>>
    tpu.wait_indirect_dma semaphore(%arg9 : memref<!tpu.dma_semaphore, #tpu.memory_space<semaphore_mem>>) src(%dma_wait3A_254 : memref<16384x128xf32, #tpu.memory_space<hbm>>) dst(%arg7 : memref<128x128xf32, #tpu.memory_space<vmem>>)
    %add3A_255 = arith.constant 1920 : i32
    %add3A_256 = arith.addi %mul3A_2, %add3A_255 : i32
    "tpu.region"() ({
      %run_scoped3A = tpu.sem_alloc : memref<!tpu.dma_semaphore, #tpu.memory_space<semaphore_mem>>
      %dma_start3A_257 = arith.constant 0 : i32
      %dma_start3A_258 = tpu.memref_slice %arg4[%add3A_256, %dma_start3A_257] : memref<65536x128xf32, #tpu.memory_space<hbm>> -> memref<128x128xf32, #tpu.memory_space<hbm>>
      %dma_start3A_259 = arith.constant 0 : i32
      %dma_start3A_260 = tpu.memref_slice %arg4[%add3A_256, %dma_start3A_259] : memref<65536x128xf32, #tpu.memory_space<hbm>> -> memref<128x128xf32, #tpu.memory_space<hbm>>
      tpu.enqueue_dma source(%arg7 : memref<128x128xf32, #tpu.memory_space<vmem>>) target(%dma_start3A_260 : memref<128x128xf32, #tpu.memory_space<hbm>>) target_semaphore(%run_scoped3A : memref<!tpu.dma_semaphore, #tpu.memory_space<semaphore_mem>>)
      %dma_wait3A_261 = arith.constant 0 : i32
      %dma_wait3A_262 = tpu.memref_slice %arg4[%add3A_256, %dma_wait3A_261] : memref<65536x128xf32, #tpu.memory_space<hbm>> -> memref<128x128xf32, #tpu.memory_space<hbm>>
      %dma_wait3A_263 = arith.constant 0 : i32
      %dma_wait3A_264 = tpu.memref_slice %arg4[%add3A_256, %dma_wait3A_263] : memref<65536x128xf32, #tpu.memory_space<hbm>> -> memref<128x128xf32, #tpu.memory_space<hbm>>
      tpu.wait_dma2 semaphore(%run_scoped3A : memref<!tpu.dma_semaphore, #tpu.memory_space<semaphore_mem>>) src(%arg7 : memref<128x128xf32, #tpu.memory_space<vmem>>) dst(%dma_wait3A_264 : memref<128x128xf32, #tpu.memory_space<hbm>>)
      tpu.yield
    }) : () -> ()
    return
  }
}

#map = affine_map<(d0, d1) -> (0, 0, 0)>
#map1 = affine_map<(d0, d1) -> (0, 0)>
module attributes {stable_mosaic.version = 14 : i64} {
  func.func @gk(%arg0: i32, %arg1: i32, %arg2: memref<32x32x128xi32, #tpu.memory_space<hbm>>, %arg3: memref<16384x128xf32, #tpu.memory_space<hbm>>, %arg4: memref<131072x128xf32, #tpu.memory_space<hbm>>, %arg5: memref<32x128xi32, #tpu.memory_space<vmem>>, %arg6: memref<128x128xf32, #tpu.memory_space<vmem>>, %arg7: memref<128x128xf32, #tpu.memory_space<vmem>>, %arg8: memref<!tpu.dma_semaphore, #tpu.memory_space<semaphore_mem>>, %arg9: memref<!tpu.dma_semaphore, #tpu.memory_space<semaphore_mem>>) attributes {dimension_semantics = [#tpu.dimension_semantics<core_parallel>, #tpu.dimension_semantics<subcore_parallel>], iteration_bounds = array<i64: 2, 16>, scalar_prefetch = 0 : i64, scratch_operands = 5 : i64, tpu.core_type = #tpu.core_type<sc_vector_subcore>, window_params = [{transform_indices = #map}, {transform_indices = #map1}, {transform_indices = #map1}]} {
    %mul3A = arith.constant 2 : i32
    %mul3A_0 = arith.muli %arg1, %mul3A : i32
    %add3A = arith.addi %mul3A_0, %arg0 : i32
    %mul3A_1 = arith.constant 4096 : i32
    %mul3A_2 = arith.muli %add3A, %mul3A_1 : i32
    "tpu.region"() ({
      %run_scoped3A = tpu.sem_alloc : memref<!tpu.dma_semaphore, #tpu.memory_space<semaphore_mem>>
      %dma_start3A_513 = arith.constant 0 : i32
      %dma_start3A_514 = arith.constant 0 : i32
      %dma_start3A_515 = tpu.memref_slice %arg2[%add3A, %dma_start3A_513, %dma_start3A_514] : memref<32x32x128xi32, #tpu.memory_space<hbm>> -> memref<1x32x128xi32, #tpu.memory_space<hbm>>
      %dma_start3A_516 = tpu.memref_squeeze %dma_start3A_515 : memref<1x32x128xi32, #tpu.memory_space<hbm>> -> memref<32x128xi32, #tpu.memory_space<hbm>>
      %dma_start3A_517 = arith.constant 0 : i32
      %dma_start3A_518 = arith.constant 0 : i32
      %dma_start3A_519 = tpu.memref_slice %arg2[%add3A, %dma_start3A_517, %dma_start3A_518] : memref<32x32x128xi32, #tpu.memory_space<hbm>> -> memref<1x32x128xi32, #tpu.memory_space<hbm>>
      %dma_start3A_520 = tpu.memref_squeeze %dma_start3A_519 : memref<1x32x128xi32, #tpu.memory_space<hbm>> -> memref<32x128xi32, #tpu.memory_space<hbm>>
      tpu.enqueue_dma source(%dma_start3A_520 : memref<32x128xi32, #tpu.memory_space<hbm>>) target(%arg5 : memref<32x128xi32, #tpu.memory_space<vmem>>) target_semaphore(%run_scoped3A : memref<!tpu.dma_semaphore, #tpu.memory_space<semaphore_mem>>)
      %dma_wait3A_521 = arith.constant 0 : i32
      %dma_wait3A_522 = arith.constant 0 : i32
      %dma_wait3A_523 = tpu.memref_slice %arg2[%add3A, %dma_wait3A_521, %dma_wait3A_522] : memref<32x32x128xi32, #tpu.memory_space<hbm>> -> memref<1x32x128xi32, #tpu.memory_space<hbm>>
      %dma_wait3A_524 = tpu.memref_squeeze %dma_wait3A_523 : memref<1x32x128xi32, #tpu.memory_space<hbm>> -> memref<32x128xi32, #tpu.memory_space<hbm>>
      %dma_wait3A_525 = arith.constant 0 : i32
      %dma_wait3A_526 = arith.constant 0 : i32
      %dma_wait3A_527 = tpu.memref_slice %arg2[%add3A, %dma_wait3A_525, %dma_wait3A_526] : memref<32x32x128xi32, #tpu.memory_space<hbm>> -> memref<1x32x128xi32, #tpu.memory_space<hbm>>
      %dma_wait3A_528 = tpu.memref_squeeze %dma_wait3A_527 : memref<1x32x128xi32, #tpu.memory_space<hbm>> -> memref<32x128xi32, #tpu.memory_space<hbm>>
      tpu.wait_dma2 semaphore(%run_scoped3A : memref<!tpu.dma_semaphore, #tpu.memory_space<semaphore_mem>>) src(%dma_wait3A_528 : memref<32x128xi32, #tpu.memory_space<hbm>>) dst(%arg5 : memref<32x128xi32, #tpu.memory_space<vmem>>)
      tpu.yield
    }) : () -> ()
    %dma_start3A = arith.constant 0 : i32
    %dma_start3A_3 = arith.constant 0 : i32
    %dma_start3A_4 = tpu.memref_slice %arg5[%dma_start3A, %dma_start3A_3] : memref<32x128xi32, #tpu.memory_space<vmem>> -> memref<1x128xi32, #tpu.memory_space<vmem>>
    %dma_start3A_5 = tpu.memref_squeeze %dma_start3A_4 : memref<1x128xi32, #tpu.memory_space<vmem>> -> memref<128xi32, #tpu.memory_space<vmem>>
    %dma_start3A_6 = arith.constant 0 : i32
    %dma_start3A_7 = arith.constant 0 : i32
    %dma_start3A_8 = tpu.memref_slice %arg3[%dma_start3A_6, %dma_start3A_7] : memref<16384x128xf32, #tpu.memory_space<hbm>> -> memref<16384x128xf32, #tpu.memory_space<hbm>>
    tpu.enqueue_indirect_dma source(%dma_start3A_8 : memref<16384x128xf32, #tpu.memory_space<hbm>>) target(%arg6 : memref<128x128xf32, #tpu.memory_space<vmem>>) offsets(%dma_start3A_5 : memref<128xi32, #tpu.memory_space<vmem>>) semaphore(%arg8 : memref<!tpu.dma_semaphore, #tpu.memory_space<semaphore_mem>>)
    %dma_start3A_9 = arith.constant 1 : i32
    %dma_start3A_10 = arith.constant 0 : i32
    %dma_start3A_11 = tpu.memref_slice %arg5[%dma_start3A_9, %dma_start3A_10] : memref<32x128xi32, #tpu.memory_space<vmem>> -> memref<1x128xi32, #tpu.memory_space<vmem>>
    %dma_start3A_12 = tpu.memref_squeeze %dma_start3A_11 : memref<1x128xi32, #tpu.memory_space<vmem>> -> memref<128xi32, #tpu.memory_space<vmem>>
    %dma_start3A_13 = arith.constant 0 : i32
    %dma_start3A_14 = arith.constant 0 : i32
    %dma_start3A_15 = tpu.memref_slice %arg3[%dma_start3A_13, %dma_start3A_14] : memref<16384x128xf32, #tpu.memory_space<hbm>> -> memref<16384x128xf32, #tpu.memory_space<hbm>>
    tpu.enqueue_indirect_dma source(%dma_start3A_15 : memref<16384x128xf32, #tpu.memory_space<hbm>>) target(%arg7 : memref<128x128xf32, #tpu.memory_space<vmem>>) offsets(%dma_start3A_12 : memref<128xi32, #tpu.memory_space<vmem>>) semaphore(%arg9 : memref<!tpu.dma_semaphore, #tpu.memory_space<semaphore_mem>>)
    %dma_wait3A = arith.constant 0 : i32
    %dma_wait3A_16 = arith.constant 0 : i32
    %dma_wait3A_17 = tpu.memref_slice %arg5[%dma_wait3A, %dma_wait3A_16] : memref<32x128xi32, #tpu.memory_space<vmem>> -> memref<1x128xi32, #tpu.memory_space<vmem>>
    %dma_wait3A_18 = tpu.memref_squeeze %dma_wait3A_17 : memref<1x128xi32, #tpu.memory_space<vmem>> -> memref<128xi32, #tpu.memory_space<vmem>>
    %dma_wait3A_19 = arith.constant 0 : i32
    %dma_wait3A_20 = arith.constant 0 : i32
    %dma_wait3A_21 = tpu.memref_slice %arg3[%dma_wait3A_19, %dma_wait3A_20] : memref<16384x128xf32, #tpu.memory_space<hbm>> -> memref<16384x128xf32, #tpu.memory_space<hbm>>
    tpu.wait_indirect_dma semaphore(%arg8 : memref<!tpu.dma_semaphore, #tpu.memory_space<semaphore_mem>>) src(%dma_wait3A_21 : memref<16384x128xf32, #tpu.memory_space<hbm>>) dst(%arg6 : memref<128x128xf32, #tpu.memory_space<vmem>>)
    %add3A_22 = arith.constant 0 : i32
    %add3A_23 = arith.addi %mul3A_2, %add3A_22 : i32
    "tpu.region"() ({
      %run_scoped3A = tpu.sem_alloc : memref<!tpu.dma_semaphore, #tpu.memory_space<semaphore_mem>>
      %dma_start3A_513 = arith.constant 0 : i32
      %dma_start3A_514 = tpu.memref_slice %arg4[%add3A_23, %dma_start3A_513] : memref<131072x128xf32, #tpu.memory_space<hbm>> -> memref<128x128xf32, #tpu.memory_space<hbm>>
      %dma_start3A_515 = arith.constant 0 : i32
      %dma_start3A_516 = tpu.memref_slice %arg4[%add3A_23, %dma_start3A_515] : memref<131072x128xf32, #tpu.memory_space<hbm>> -> memref<128x128xf32, #tpu.memory_space<hbm>>
      tpu.enqueue_dma source(%arg6 : memref<128x128xf32, #tpu.memory_space<vmem>>) target(%dma_start3A_516 : memref<128x128xf32, #tpu.memory_space<hbm>>) target_semaphore(%run_scoped3A : memref<!tpu.dma_semaphore, #tpu.memory_space<semaphore_mem>>)
      %dma_wait3A_517 = arith.constant 0 : i32
      %dma_wait3A_518 = tpu.memref_slice %arg4[%add3A_23, %dma_wait3A_517] : memref<131072x128xf32, #tpu.memory_space<hbm>> -> memref<128x128xf32, #tpu.memory_space<hbm>>
      %dma_wait3A_519 = arith.constant 0 : i32
      %dma_wait3A_520 = tpu.memref_slice %arg4[%add3A_23, %dma_wait3A_519] : memref<131072x128xf32, #tpu.memory_space<hbm>> -> memref<128x128xf32, #tpu.memory_space<hbm>>
      tpu.wait_dma2 semaphore(%run_scoped3A : memref<!tpu.dma_semaphore, #tpu.memory_space<semaphore_mem>>) src(%arg6 : memref<128x128xf32, #tpu.memory_space<vmem>>) dst(%dma_wait3A_520 : memref<128x128xf32, #tpu.memory_space<hbm>>)
      tpu.yield
    }) : () -> ()
    %dma_start3A_24 = arith.constant 2 : i32
    %dma_start3A_25 = arith.constant 0 : i32
    %dma_start3A_26 = tpu.memref_slice %arg5[%dma_start3A_24, %dma_start3A_25] : memref<32x128xi32, #tpu.memory_space<vmem>> -> memref<1x128xi32, #tpu.memory_space<vmem>>
    %dma_start3A_27 = tpu.memref_squeeze %dma_start3A_26 : memref<1x128xi32, #tpu.memory_space<vmem>> -> memref<128xi32, #tpu.memory_space<vmem>>
    %dma_start3A_28 = arith.constant 0 : i32
    %dma_start3A_29 = arith.constant 0 : i32
    %dma_start3A_30 = tpu.memref_slice %arg3[%dma_start3A_28, %dma_start3A_29] : memref<16384x128xf32, #tpu.memory_space<hbm>> -> memref<16384x128xf32, #tpu.memory_space<hbm>>
    tpu.enqueue_indirect_dma source(%dma_start3A_30 : memref<16384x128xf32, #tpu.memory_space<hbm>>) target(%arg6 : memref<128x128xf32, #tpu.memory_space<vmem>>) offsets(%dma_start3A_27 : memref<128xi32, #tpu.memory_space<vmem>>) semaphore(%arg8 : memref<!tpu.dma_semaphore, #tpu.memory_space<semaphore_mem>>)
    %dma_wait3A_31 = arith.constant 1 : i32
    %dma_wait3A_32 = arith.constant 0 : i32
    %dma_wait3A_33 = tpu.memref_slice %arg5[%dma_wait3A_31, %dma_wait3A_32] : memref<32x128xi32, #tpu.memory_space<vmem>> -> memref<1x128xi32, #tpu.memory_space<vmem>>
    %dma_wait3A_34 = tpu.memref_squeeze %dma_wait3A_33 : memref<1x128xi32, #tpu.memory_space<vmem>> -> memref<128xi32, #tpu.memory_space<vmem>>
    %dma_wait3A_35 = arith.constant 0 : i32
    %dma_wait3A_36 = arith.constant 0 : i32
    %dma_wait3A_37 = tpu.memref_slice %arg3[%dma_wait3A_35, %dma_wait3A_36] : memref<16384x128xf32, #tpu.memory_space<hbm>> -> memref<16384x128xf32, #tpu.memory_space<hbm>>
    tpu.wait_indirect_dma semaphore(%arg9 : memref<!tpu.dma_semaphore, #tpu.memory_space<semaphore_mem>>) src(%dma_wait3A_37 : memref<16384x128xf32, #tpu.memory_space<hbm>>) dst(%arg7 : memref<128x128xf32, #tpu.memory_space<vmem>>)
    %add3A_38 = arith.constant 128 : i32
    %add3A_39 = arith.addi %mul3A_2, %add3A_38 : i32
    "tpu.region"() ({
      %run_scoped3A = tpu.sem_alloc : memref<!tpu.dma_semaphore, #tpu.memory_space<semaphore_mem>>
      %dma_start3A_513 = arith.constant 0 : i32
      %dma_start3A_514 = tpu.memref_slice %arg4[%add3A_39, %dma_start3A_513] : memref<131072x128xf32, #tpu.memory_space<hbm>> -> memref<128x128xf32, #tpu.memory_space<hbm>>
      %dma_start3A_515 = arith.constant 0 : i32
      %dma_start3A_516 = tpu.memref_slice %arg4[%add3A_39, %dma_start3A_515] : memref<131072x128xf32, #tpu.memory_space<hbm>> -> memref<128x128xf32, #tpu.memory_space<hbm>>
      tpu.enqueue_dma source(%arg7 : memref<128x128xf32, #tpu.memory_space<vmem>>) target(%dma_start3A_516 : memref<128x128xf32, #tpu.memory_space<hbm>>) target_semaphore(%run_scoped3A : memref<!tpu.dma_semaphore, #tpu.memory_space<semaphore_mem>>)
      %dma_wait3A_517 = arith.constant 0 : i32
      %dma_wait3A_518 = tpu.memref_slice %arg4[%add3A_39, %dma_wait3A_517] : memref<131072x128xf32, #tpu.memory_space<hbm>> -> memref<128x128xf32, #tpu.memory_space<hbm>>
      %dma_wait3A_519 = arith.constant 0 : i32
      %dma_wait3A_520 = tpu.memref_slice %arg4[%add3A_39, %dma_wait3A_519] : memref<131072x128xf32, #tpu.memory_space<hbm>> -> memref<128x128xf32, #tpu.memory_space<hbm>>
      tpu.wait_dma2 semaphore(%run_scoped3A : memref<!tpu.dma_semaphore, #tpu.memory_space<semaphore_mem>>) src(%arg7 : memref<128x128xf32, #tpu.memory_space<vmem>>) dst(%dma_wait3A_520 : memref<128x128xf32, #tpu.memory_space<hbm>>)
      tpu.yield
    }) : () -> ()
    %dma_start3A_40 = arith.constant 3 : i32
    %dma_start3A_41 = arith.constant 0 : i32
    %dma_start3A_42 = tpu.memref_slice %arg5[%dma_start3A_40, %dma_start3A_41] : memref<32x128xi32, #tpu.memory_space<vmem>> -> memref<1x128xi32, #tpu.memory_space<vmem>>
    %dma_start3A_43 = tpu.memref_squeeze %dma_start3A_42 : memref<1x128xi32, #tpu.memory_space<vmem>> -> memref<128xi32, #tpu.memory_space<vmem>>
    %dma_start3A_44 = arith.constant 0 : i32
    %dma_start3A_45 = arith.constant 0 : i32
    %dma_start3A_46 = tpu.memref_slice %arg3[%dma_start3A_44, %dma_start3A_45] : memref<16384x128xf32, #tpu.memory_space<hbm>> -> memref<16384x128xf32, #tpu.memory_space<hbm>>
    tpu.enqueue_indirect_dma source(%dma_start3A_46 : memref<16384x128xf32, #tpu.memory_space<hbm>>) target(%arg7 : memref<128x128xf32, #tpu.memory_space<vmem>>) offsets(%dma_start3A_43 : memref<128xi32, #tpu.memory_space<vmem>>) semaphore(%arg9 : memref<!tpu.dma_semaphore, #tpu.memory_space<semaphore_mem>>)
    %dma_wait3A_47 = arith.constant 2 : i32
    %dma_wait3A_48 = arith.constant 0 : i32
    %dma_wait3A_49 = tpu.memref_slice %arg5[%dma_wait3A_47, %dma_wait3A_48] : memref<32x128xi32, #tpu.memory_space<vmem>> -> memref<1x128xi32, #tpu.memory_space<vmem>>
    %dma_wait3A_50 = tpu.memref_squeeze %dma_wait3A_49 : memref<1x128xi32, #tpu.memory_space<vmem>> -> memref<128xi32, #tpu.memory_space<vmem>>
    %dma_wait3A_51 = arith.constant 0 : i32
    %dma_wait3A_52 = arith.constant 0 : i32
    %dma_wait3A_53 = tpu.memref_slice %arg3[%dma_wait3A_51, %dma_wait3A_52] : memref<16384x128xf32, #tpu.memory_space<hbm>> -> memref<16384x128xf32, #tpu.memory_space<hbm>>
    tpu.wait_indirect_dma semaphore(%arg8 : memref<!tpu.dma_semaphore, #tpu.memory_space<semaphore_mem>>) src(%dma_wait3A_53 : memref<16384x128xf32, #tpu.memory_space<hbm>>) dst(%arg6 : memref<128x128xf32, #tpu.memory_space<vmem>>)
    %add3A_54 = arith.constant 256 : i32
    %add3A_55 = arith.addi %mul3A_2, %add3A_54 : i32
    "tpu.region"() ({
      %run_scoped3A = tpu.sem_alloc : memref<!tpu.dma_semaphore, #tpu.memory_space<semaphore_mem>>
      %dma_start3A_513 = arith.constant 0 : i32
      %dma_start3A_514 = tpu.memref_slice %arg4[%add3A_55, %dma_start3A_513] : memref<131072x128xf32, #tpu.memory_space<hbm>> -> memref<128x128xf32, #tpu.memory_space<hbm>>
      %dma_start3A_515 = arith.constant 0 : i32
      %dma_start3A_516 = tpu.memref_slice %arg4[%add3A_55, %dma_start3A_515] : memref<131072x128xf32, #tpu.memory_space<hbm>> -> memref<128x128xf32, #tpu.memory_space<hbm>>
      tpu.enqueue_dma source(%arg6 : memref<128x128xf32, #tpu.memory_space<vmem>>) target(%dma_start3A_516 : memref<128x128xf32, #tpu.memory_space<hbm>>) target_semaphore(%run_scoped3A : memref<!tpu.dma_semaphore, #tpu.memory_space<semaphore_mem>>)
      %dma_wait3A_517 = arith.constant 0 : i32
      %dma_wait3A_518 = tpu.memref_slice %arg4[%add3A_55, %dma_wait3A_517] : memref<131072x128xf32, #tpu.memory_space<hbm>> -> memref<128x128xf32, #tpu.memory_space<hbm>>
      %dma_wait3A_519 = arith.constant 0 : i32
      %dma_wait3A_520 = tpu.memref_slice %arg4[%add3A_55, %dma_wait3A_519] : memref<131072x128xf32, #tpu.memory_space<hbm>> -> memref<128x128xf32, #tpu.memory_space<hbm>>
      tpu.wait_dma2 semaphore(%run_scoped3A : memref<!tpu.dma_semaphore, #tpu.memory_space<semaphore_mem>>) src(%arg6 : memref<128x128xf32, #tpu.memory_space<vmem>>) dst(%dma_wait3A_520 : memref<128x128xf32, #tpu.memory_space<hbm>>)
      tpu.yield
    }) : () -> ()
    %dma_start3A_56 = arith.constant 4 : i32
    %dma_start3A_57 = arith.constant 0 : i32
    %dma_start3A_58 = tpu.memref_slice %arg5[%dma_start3A_56, %dma_start3A_57] : memref<32x128xi32, #tpu.memory_space<vmem>> -> memref<1x128xi32, #tpu.memory_space<vmem>>
    %dma_start3A_59 = tpu.memref_squeeze %dma_start3A_58 : memref<1x128xi32, #tpu.memory_space<vmem>> -> memref<128xi32, #tpu.memory_space<vmem>>
    %dma_start3A_60 = arith.constant 0 : i32
    %dma_start3A_61 = arith.constant 0 : i32
    %dma_start3A_62 = tpu.memref_slice %arg3[%dma_start3A_60, %dma_start3A_61] : memref<16384x128xf32, #tpu.memory_space<hbm>> -> memref<16384x128xf32, #tpu.memory_space<hbm>>
    tpu.enqueue_indirect_dma source(%dma_start3A_62 : memref<16384x128xf32, #tpu.memory_space<hbm>>) target(%arg6 : memref<128x128xf32, #tpu.memory_space<vmem>>) offsets(%dma_start3A_59 : memref<128xi32, #tpu.memory_space<vmem>>) semaphore(%arg8 : memref<!tpu.dma_semaphore, #tpu.memory_space<semaphore_mem>>)
    %dma_wait3A_63 = arith.constant 3 : i32
    %dma_wait3A_64 = arith.constant 0 : i32
    %dma_wait3A_65 = tpu.memref_slice %arg5[%dma_wait3A_63, %dma_wait3A_64] : memref<32x128xi32, #tpu.memory_space<vmem>> -> memref<1x128xi32, #tpu.memory_space<vmem>>
    %dma_wait3A_66 = tpu.memref_squeeze %dma_wait3A_65 : memref<1x128xi32, #tpu.memory_space<vmem>> -> memref<128xi32, #tpu.memory_space<vmem>>
    %dma_wait3A_67 = arith.constant 0 : i32
    %dma_wait3A_68 = arith.constant 0 : i32
    %dma_wait3A_69 = tpu.memref_slice %arg3[%dma_wait3A_67, %dma_wait3A_68] : memref<16384x128xf32, #tpu.memory_space<hbm>> -> memref<16384x128xf32, #tpu.memory_space<hbm>>
    tpu.wait_indirect_dma semaphore(%arg9 : memref<!tpu.dma_semaphore, #tpu.memory_space<semaphore_mem>>) src(%dma_wait3A_69 : memref<16384x128xf32, #tpu.memory_space<hbm>>) dst(%arg7 : memref<128x128xf32, #tpu.memory_space<vmem>>)
    %add3A_70 = arith.constant 384 : i32
    %add3A_71 = arith.addi %mul3A_2, %add3A_70 : i32
    "tpu.region"() ({
      %run_scoped3A = tpu.sem_alloc : memref<!tpu.dma_semaphore, #tpu.memory_space<semaphore_mem>>
      %dma_start3A_513 = arith.constant 0 : i32
      %dma_start3A_514 = tpu.memref_slice %arg4[%add3A_71, %dma_start3A_513] : memref<131072x128xf32, #tpu.memory_space<hbm>> -> memref<128x128xf32, #tpu.memory_space<hbm>>
      %dma_start3A_515 = arith.constant 0 : i32
      %dma_start3A_516 = tpu.memref_slice %arg4[%add3A_71, %dma_start3A_515] : memref<131072x128xf32, #tpu.memory_space<hbm>> -> memref<128x128xf32, #tpu.memory_space<hbm>>
      tpu.enqueue_dma source(%arg7 : memref<128x128xf32, #tpu.memory_space<vmem>>) target(%dma_start3A_516 : memref<128x128xf32, #tpu.memory_space<hbm>>) target_semaphore(%run_scoped3A : memref<!tpu.dma_semaphore, #tpu.memory_space<semaphore_mem>>)
      %dma_wait3A_517 = arith.constant 0 : i32
      %dma_wait3A_518 = tpu.memref_slice %arg4[%add3A_71, %dma_wait3A_517] : memref<131072x128xf32, #tpu.memory_space<hbm>> -> memref<128x128xf32, #tpu.memory_space<hbm>>
      %dma_wait3A_519 = arith.constant 0 : i32
      %dma_wait3A_520 = tpu.memref_slice %arg4[%add3A_71, %dma_wait3A_519] : memref<131072x128xf32, #tpu.memory_space<hbm>> -> memref<128x128xf32, #tpu.memory_space<hbm>>
      tpu.wait_dma2 semaphore(%run_scoped3A : memref<!tpu.dma_semaphore, #tpu.memory_space<semaphore_mem>>) src(%arg7 : memref<128x128xf32, #tpu.memory_space<vmem>>) dst(%dma_wait3A_520 : memref<128x128xf32, #tpu.memory_space<hbm>>)
      tpu.yield
    }) : () -> ()
    %dma_start3A_72 = arith.constant 5 : i32
    %dma_start3A_73 = arith.constant 0 : i32
    %dma_start3A_74 = tpu.memref_slice %arg5[%dma_start3A_72, %dma_start3A_73] : memref<32x128xi32, #tpu.memory_space<vmem>> -> memref<1x128xi32, #tpu.memory_space<vmem>>
    %dma_start3A_75 = tpu.memref_squeeze %dma_start3A_74 : memref<1x128xi32, #tpu.memory_space<vmem>> -> memref<128xi32, #tpu.memory_space<vmem>>
    %dma_start3A_76 = arith.constant 0 : i32
    %dma_start3A_77 = arith.constant 0 : i32
    %dma_start3A_78 = tpu.memref_slice %arg3[%dma_start3A_76, %dma_start3A_77] : memref<16384x128xf32, #tpu.memory_space<hbm>> -> memref<16384x128xf32, #tpu.memory_space<hbm>>
    tpu.enqueue_indirect_dma source(%dma_start3A_78 : memref<16384x128xf32, #tpu.memory_space<hbm>>) target(%arg7 : memref<128x128xf32, #tpu.memory_space<vmem>>) offsets(%dma_start3A_75 : memref<128xi32, #tpu.memory_space<vmem>>) semaphore(%arg9 : memref<!tpu.dma_semaphore, #tpu.memory_space<semaphore_mem>>)
    %dma_wait3A_79 = arith.constant 4 : i32
    %dma_wait3A_80 = arith.constant 0 : i32
    %dma_wait3A_81 = tpu.memref_slice %arg5[%dma_wait3A_79, %dma_wait3A_80] : memref<32x128xi32, #tpu.memory_space<vmem>> -> memref<1x128xi32, #tpu.memory_space<vmem>>
    %dma_wait3A_82 = tpu.memref_squeeze %dma_wait3A_81 : memref<1x128xi32, #tpu.memory_space<vmem>> -> memref<128xi32, #tpu.memory_space<vmem>>
    %dma_wait3A_83 = arith.constant 0 : i32
    %dma_wait3A_84 = arith.constant 0 : i32
    %dma_wait3A_85 = tpu.memref_slice %arg3[%dma_wait3A_83, %dma_wait3A_84] : memref<16384x128xf32, #tpu.memory_space<hbm>> -> memref<16384x128xf32, #tpu.memory_space<hbm>>
    tpu.wait_indirect_dma semaphore(%arg8 : memref<!tpu.dma_semaphore, #tpu.memory_space<semaphore_mem>>) src(%dma_wait3A_85 : memref<16384x128xf32, #tpu.memory_space<hbm>>) dst(%arg6 : memref<128x128xf32, #tpu.memory_space<vmem>>)
    %add3A_86 = arith.constant 512 : i32
    %add3A_87 = arith.addi %mul3A_2, %add3A_86 : i32
    "tpu.region"() ({
      %run_scoped3A = tpu.sem_alloc : memref<!tpu.dma_semaphore, #tpu.memory_space<semaphore_mem>>
      %dma_start3A_513 = arith.constant 0 : i32
      %dma_start3A_514 = tpu.memref_slice %arg4[%add3A_87, %dma_start3A_513] : memref<131072x128xf32, #tpu.memory_space<hbm>> -> memref<128x128xf32, #tpu.memory_space<hbm>>
      %dma_start3A_515 = arith.constant 0 : i32
      %dma_start3A_516 = tpu.memref_slice %arg4[%add3A_87, %dma_start3A_515] : memref<131072x128xf32, #tpu.memory_space<hbm>> -> memref<128x128xf32, #tpu.memory_space<hbm>>
      tpu.enqueue_dma source(%arg6 : memref<128x128xf32, #tpu.memory_space<vmem>>) target(%dma_start3A_516 : memref<128x128xf32, #tpu.memory_space<hbm>>) target_semaphore(%run_scoped3A : memref<!tpu.dma_semaphore, #tpu.memory_space<semaphore_mem>>)
      %dma_wait3A_517 = arith.constant 0 : i32
      %dma_wait3A_518 = tpu.memref_slice %arg4[%add3A_87, %dma_wait3A_517] : memref<131072x128xf32, #tpu.memory_space<hbm>> -> memref<128x128xf32, #tpu.memory_space<hbm>>
      %dma_wait3A_519 = arith.constant 0 : i32
      %dma_wait3A_520 = tpu.memref_slice %arg4[%add3A_87, %dma_wait3A_519] : memref<131072x128xf32, #tpu.memory_space<hbm>> -> memref<128x128xf32, #tpu.memory_space<hbm>>
      tpu.wait_dma2 semaphore(%run_scoped3A : memref<!tpu.dma_semaphore, #tpu.memory_space<semaphore_mem>>) src(%arg6 : memref<128x128xf32, #tpu.memory_space<vmem>>) dst(%dma_wait3A_520 : memref<128x128xf32, #tpu.memory_space<hbm>>)
      tpu.yield
    }) : () -> ()
    %dma_start3A_88 = arith.constant 6 : i32
    %dma_start3A_89 = arith.constant 0 : i32
    %dma_start3A_90 = tpu.memref_slice %arg5[%dma_start3A_88, %dma_start3A_89] : memref<32x128xi32, #tpu.memory_space<vmem>> -> memref<1x128xi32, #tpu.memory_space<vmem>>
    %dma_start3A_91 = tpu.memref_squeeze %dma_start3A_90 : memref<1x128xi32, #tpu.memory_space<vmem>> -> memref<128xi32, #tpu.memory_space<vmem>>
    %dma_start3A_92 = arith.constant 0 : i32
    %dma_start3A_93 = arith.constant 0 : i32
    %dma_start3A_94 = tpu.memref_slice %arg3[%dma_start3A_92, %dma_start3A_93] : memref<16384x128xf32, #tpu.memory_space<hbm>> -> memref<16384x128xf32, #tpu.memory_space<hbm>>
    tpu.enqueue_indirect_dma source(%dma_start3A_94 : memref<16384x128xf32, #tpu.memory_space<hbm>>) target(%arg6 : memref<128x128xf32, #tpu.memory_space<vmem>>) offsets(%dma_start3A_91 : memref<128xi32, #tpu.memory_space<vmem>>) semaphore(%arg8 : memref<!tpu.dma_semaphore, #tpu.memory_space<semaphore_mem>>)
    %dma_wait3A_95 = arith.constant 5 : i32
    %dma_wait3A_96 = arith.constant 0 : i32
    %dma_wait3A_97 = tpu.memref_slice %arg5[%dma_wait3A_95, %dma_wait3A_96] : memref<32x128xi32, #tpu.memory_space<vmem>> -> memref<1x128xi32, #tpu.memory_space<vmem>>
    %dma_wait3A_98 = tpu.memref_squeeze %dma_wait3A_97 : memref<1x128xi32, #tpu.memory_space<vmem>> -> memref<128xi32, #tpu.memory_space<vmem>>
    %dma_wait3A_99 = arith.constant 0 : i32
    %dma_wait3A_100 = arith.constant 0 : i32
    %dma_wait3A_101 = tpu.memref_slice %arg3[%dma_wait3A_99, %dma_wait3A_100] : memref<16384x128xf32, #tpu.memory_space<hbm>> -> memref<16384x128xf32, #tpu.memory_space<hbm>>
    tpu.wait_indirect_dma semaphore(%arg9 : memref<!tpu.dma_semaphore, #tpu.memory_space<semaphore_mem>>) src(%dma_wait3A_101 : memref<16384x128xf32, #tpu.memory_space<hbm>>) dst(%arg7 : memref<128x128xf32, #tpu.memory_space<vmem>>)
    %add3A_102 = arith.constant 640 : i32
    %add3A_103 = arith.addi %mul3A_2, %add3A_102 : i32
    "tpu.region"() ({
      %run_scoped3A = tpu.sem_alloc : memref<!tpu.dma_semaphore, #tpu.memory_space<semaphore_mem>>
      %dma_start3A_513 = arith.constant 0 : i32
      %dma_start3A_514 = tpu.memref_slice %arg4[%add3A_103, %dma_start3A_513] : memref<131072x128xf32, #tpu.memory_space<hbm>> -> memref<128x128xf32, #tpu.memory_space<hbm>>
      %dma_start3A_515 = arith.constant 0 : i32
      %dma_start3A_516 = tpu.memref_slice %arg4[%add3A_103, %dma_start3A_515] : memref<131072x128xf32, #tpu.memory_space<hbm>> -> memref<128x128xf32, #tpu.memory_space<hbm>>
      tpu.enqueue_dma source(%arg7 : memref<128x128xf32, #tpu.memory_space<vmem>>) target(%dma_start3A_516 : memref<128x128xf32, #tpu.memory_space<hbm>>) target_semaphore(%run_scoped3A : memref<!tpu.dma_semaphore, #tpu.memory_space<semaphore_mem>>)
      %dma_wait3A_517 = arith.constant 0 : i32
      %dma_wait3A_518 = tpu.memref_slice %arg4[%add3A_103, %dma_wait3A_517] : memref<131072x128xf32, #tpu.memory_space<hbm>> -> memref<128x128xf32, #tpu.memory_space<hbm>>
      %dma_wait3A_519 = arith.constant 0 : i32
      %dma_wait3A_520 = tpu.memref_slice %arg4[%add3A_103, %dma_wait3A_519] : memref<131072x128xf32, #tpu.memory_space<hbm>> -> memref<128x128xf32, #tpu.memory_space<hbm>>
      tpu.wait_dma2 semaphore(%run_scoped3A : memref<!tpu.dma_semaphore, #tpu.memory_space<semaphore_mem>>) src(%arg7 : memref<128x128xf32, #tpu.memory_space<vmem>>) dst(%dma_wait3A_520 : memref<128x128xf32, #tpu.memory_space<hbm>>)
      tpu.yield
    }) : () -> ()
    %dma_start3A_104 = arith.constant 7 : i32
    %dma_start3A_105 = arith.constant 0 : i32
    %dma_start3A_106 = tpu.memref_slice %arg5[%dma_start3A_104, %dma_start3A_105] : memref<32x128xi32, #tpu.memory_space<vmem>> -> memref<1x128xi32, #tpu.memory_space<vmem>>
    %dma_start3A_107 = tpu.memref_squeeze %dma_start3A_106 : memref<1x128xi32, #tpu.memory_space<vmem>> -> memref<128xi32, #tpu.memory_space<vmem>>
    %dma_start3A_108 = arith.constant 0 : i32
    %dma_start3A_109 = arith.constant 0 : i32
    %dma_start3A_110 = tpu.memref_slice %arg3[%dma_start3A_108, %dma_start3A_109] : memref<16384x128xf32, #tpu.memory_space<hbm>> -> memref<16384x128xf32, #tpu.memory_space<hbm>>
    tpu.enqueue_indirect_dma source(%dma_start3A_110 : memref<16384x128xf32, #tpu.memory_space<hbm>>) target(%arg7 : memref<128x128xf32, #tpu.memory_space<vmem>>) offsets(%dma_start3A_107 : memref<128xi32, #tpu.memory_space<vmem>>) semaphore(%arg9 : memref<!tpu.dma_semaphore, #tpu.memory_space<semaphore_mem>>)
    %dma_wait3A_111 = arith.constant 6 : i32
    %dma_wait3A_112 = arith.constant 0 : i32
    %dma_wait3A_113 = tpu.memref_slice %arg5[%dma_wait3A_111, %dma_wait3A_112] : memref<32x128xi32, #tpu.memory_space<vmem>> -> memref<1x128xi32, #tpu.memory_space<vmem>>
    %dma_wait3A_114 = tpu.memref_squeeze %dma_wait3A_113 : memref<1x128xi32, #tpu.memory_space<vmem>> -> memref<128xi32, #tpu.memory_space<vmem>>
    %dma_wait3A_115 = arith.constant 0 : i32
    %dma_wait3A_116 = arith.constant 0 : i32
    %dma_wait3A_117 = tpu.memref_slice %arg3[%dma_wait3A_115, %dma_wait3A_116] : memref<16384x128xf32, #tpu.memory_space<hbm>> -> memref<16384x128xf32, #tpu.memory_space<hbm>>
    tpu.wait_indirect_dma semaphore(%arg8 : memref<!tpu.dma_semaphore, #tpu.memory_space<semaphore_mem>>) src(%dma_wait3A_117 : memref<16384x128xf32, #tpu.memory_space<hbm>>) dst(%arg6 : memref<128x128xf32, #tpu.memory_space<vmem>>)
    %add3A_118 = arith.constant 768 : i32
    %add3A_119 = arith.addi %mul3A_2, %add3A_118 : i32
    "tpu.region"() ({
      %run_scoped3A = tpu.sem_alloc : memref<!tpu.dma_semaphore, #tpu.memory_space<semaphore_mem>>
      %dma_start3A_513 = arith.constant 0 : i32
      %dma_start3A_514 = tpu.memref_slice %arg4[%add3A_119, %dma_start3A_513] : memref<131072x128xf32, #tpu.memory_space<hbm>> -> memref<128x128xf32, #tpu.memory_space<hbm>>
      %dma_start3A_515 = arith.constant 0 : i32
      %dma_start3A_516 = tpu.memref_slice %arg4[%add3A_119, %dma_start3A_515] : memref<131072x128xf32, #tpu.memory_space<hbm>> -> memref<128x128xf32, #tpu.memory_space<hbm>>
      tpu.enqueue_dma source(%arg6 : memref<128x128xf32, #tpu.memory_space<vmem>>) target(%dma_start3A_516 : memref<128x128xf32, #tpu.memory_space<hbm>>) target_semaphore(%run_scoped3A : memref<!tpu.dma_semaphore, #tpu.memory_space<semaphore_mem>>)
      %dma_wait3A_517 = arith.constant 0 : i32
      %dma_wait3A_518 = tpu.memref_slice %arg4[%add3A_119, %dma_wait3A_517] : memref<131072x128xf32, #tpu.memory_space<hbm>> -> memref<128x128xf32, #tpu.memory_space<hbm>>
      %dma_wait3A_519 = arith.constant 0 : i32
      %dma_wait3A_520 = tpu.memref_slice %arg4[%add3A_119, %dma_wait3A_519] : memref<131072x128xf32, #tpu.memory_space<hbm>> -> memref<128x128xf32, #tpu.memory_space<hbm>>
      tpu.wait_dma2 semaphore(%run_scoped3A : memref<!tpu.dma_semaphore, #tpu.memory_space<semaphore_mem>>) src(%arg6 : memref<128x128xf32, #tpu.memory_space<vmem>>) dst(%dma_wait3A_520 : memref<128x128xf32, #tpu.memory_space<hbm>>)
      tpu.yield
    }) : () -> ()
    %dma_start3A_120 = arith.constant 8 : i32
    %dma_start3A_121 = arith.constant 0 : i32
    %dma_start3A_122 = tpu.memref_slice %arg5[%dma_start3A_120, %dma_start3A_121] : memref<32x128xi32, #tpu.memory_space<vmem>> -> memref<1x128xi32, #tpu.memory_space<vmem>>
    %dma_start3A_123 = tpu.memref_squeeze %dma_start3A_122 : memref<1x128xi32, #tpu.memory_space<vmem>> -> memref<128xi32, #tpu.memory_space<vmem>>
    %dma_start3A_124 = arith.constant 0 : i32
    %dma_start3A_125 = arith.constant 0 : i32
    %dma_start3A_126 = tpu.memref_slice %arg3[%dma_start3A_124, %dma_start3A_125] : memref<16384x128xf32, #tpu.memory_space<hbm>> -> memref<16384x128xf32, #tpu.memory_space<hbm>>
    tpu.enqueue_indirect_dma source(%dma_start3A_126 : memref<16384x128xf32, #tpu.memory_space<hbm>>) target(%arg6 : memref<128x128xf32, #tpu.memory_space<vmem>>) offsets(%dma_start3A_123 : memref<128xi32, #tpu.memory_space<vmem>>) semaphore(%arg8 : memref<!tpu.dma_semaphore, #tpu.memory_space<semaphore_mem>>)
    %dma_wait3A_127 = arith.constant 7 : i32
    %dma_wait3A_128 = arith.constant 0 : i32
    %dma_wait3A_129 = tpu.memref_slice %arg5[%dma_wait3A_127, %dma_wait3A_128] : memref<32x128xi32, #tpu.memory_space<vmem>> -> memref<1x128xi32, #tpu.memory_space<vmem>>
    %dma_wait3A_130 = tpu.memref_squeeze %dma_wait3A_129 : memref<1x128xi32, #tpu.memory_space<vmem>> -> memref<128xi32, #tpu.memory_space<vmem>>
    %dma_wait3A_131 = arith.constant 0 : i32
    %dma_wait3A_132 = arith.constant 0 : i32
    %dma_wait3A_133 = tpu.memref_slice %arg3[%dma_wait3A_131, %dma_wait3A_132] : memref<16384x128xf32, #tpu.memory_space<hbm>> -> memref<16384x128xf32, #tpu.memory_space<hbm>>
    tpu.wait_indirect_dma semaphore(%arg9 : memref<!tpu.dma_semaphore, #tpu.memory_space<semaphore_mem>>) src(%dma_wait3A_133 : memref<16384x128xf32, #tpu.memory_space<hbm>>) dst(%arg7 : memref<128x128xf32, #tpu.memory_space<vmem>>)
    %add3A_134 = arith.constant 896 : i32
    %add3A_135 = arith.addi %mul3A_2, %add3A_134 : i32
    "tpu.region"() ({
      %run_scoped3A = tpu.sem_alloc : memref<!tpu.dma_semaphore, #tpu.memory_space<semaphore_mem>>
      %dma_start3A_513 = arith.constant 0 : i32
      %dma_start3A_514 = tpu.memref_slice %arg4[%add3A_135, %dma_start3A_513] : memref<131072x128xf32, #tpu.memory_space<hbm>> -> memref<128x128xf32, #tpu.memory_space<hbm>>
      %dma_start3A_515 = arith.constant 0 : i32
      %dma_start3A_516 = tpu.memref_slice %arg4[%add3A_135, %dma_start3A_515] : memref<131072x128xf32, #tpu.memory_space<hbm>> -> memref<128x128xf32, #tpu.memory_space<hbm>>
      tpu.enqueue_dma source(%arg7 : memref<128x128xf32, #tpu.memory_space<vmem>>) target(%dma_start3A_516 : memref<128x128xf32, #tpu.memory_space<hbm>>) target_semaphore(%run_scoped3A : memref<!tpu.dma_semaphore, #tpu.memory_space<semaphore_mem>>)
      %dma_wait3A_517 = arith.constant 0 : i32
      %dma_wait3A_518 = tpu.memref_slice %arg4[%add3A_135, %dma_wait3A_517] : memref<131072x128xf32, #tpu.memory_space<hbm>> -> memref<128x128xf32, #tpu.memory_space<hbm>>
      %dma_wait3A_519 = arith.constant 0 : i32
      %dma_wait3A_520 = tpu.memref_slice %arg4[%add3A_135, %dma_wait3A_519] : memref<131072x128xf32, #tpu.memory_space<hbm>> -> memref<128x128xf32, #tpu.memory_space<hbm>>
      tpu.wait_dma2 semaphore(%run_scoped3A : memref<!tpu.dma_semaphore, #tpu.memory_space<semaphore_mem>>) src(%arg7 : memref<128x128xf32, #tpu.memory_space<vmem>>) dst(%dma_wait3A_520 : memref<128x128xf32, #tpu.memory_space<hbm>>)
      tpu.yield
    }) : () -> ()
    %dma_start3A_136 = arith.constant 9 : i32
    %dma_start3A_137 = arith.constant 0 : i32
    %dma_start3A_138 = tpu.memref_slice %arg5[%dma_start3A_136, %dma_start3A_137] : memref<32x128xi32, #tpu.memory_space<vmem>> -> memref<1x128xi32, #tpu.memory_space<vmem>>
    %dma_start3A_139 = tpu.memref_squeeze %dma_start3A_138 : memref<1x128xi32, #tpu.memory_space<vmem>> -> memref<128xi32, #tpu.memory_space<vmem>>
    %dma_start3A_140 = arith.constant 0 : i32
    %dma_start3A_141 = arith.constant 0 : i32
    %dma_start3A_142 = tpu.memref_slice %arg3[%dma_start3A_140, %dma_start3A_141] : memref<16384x128xf32, #tpu.memory_space<hbm>> -> memref<16384x128xf32, #tpu.memory_space<hbm>>
    tpu.enqueue_indirect_dma source(%dma_start3A_142 : memref<16384x128xf32, #tpu.memory_space<hbm>>) target(%arg7 : memref<128x128xf32, #tpu.memory_space<vmem>>) offsets(%dma_start3A_139 : memref<128xi32, #tpu.memory_space<vmem>>) semaphore(%arg9 : memref<!tpu.dma_semaphore, #tpu.memory_space<semaphore_mem>>)
    %dma_wait3A_143 = arith.constant 8 : i32
    %dma_wait3A_144 = arith.constant 0 : i32
    %dma_wait3A_145 = tpu.memref_slice %arg5[%dma_wait3A_143, %dma_wait3A_144] : memref<32x128xi32, #tpu.memory_space<vmem>> -> memref<1x128xi32, #tpu.memory_space<vmem>>
    %dma_wait3A_146 = tpu.memref_squeeze %dma_wait3A_145 : memref<1x128xi32, #tpu.memory_space<vmem>> -> memref<128xi32, #tpu.memory_space<vmem>>
    %dma_wait3A_147 = arith.constant 0 : i32
    %dma_wait3A_148 = arith.constant 0 : i32
    %dma_wait3A_149 = tpu.memref_slice %arg3[%dma_wait3A_147, %dma_wait3A_148] : memref<16384x128xf32, #tpu.memory_space<hbm>> -> memref<16384x128xf32, #tpu.memory_space<hbm>>
    tpu.wait_indirect_dma semaphore(%arg8 : memref<!tpu.dma_semaphore, #tpu.memory_space<semaphore_mem>>) src(%dma_wait3A_149 : memref<16384x128xf32, #tpu.memory_space<hbm>>) dst(%arg6 : memref<128x128xf32, #tpu.memory_space<vmem>>)
    %add3A_150 = arith.constant 1024 : i32
    %add3A_151 = arith.addi %mul3A_2, %add3A_150 : i32
    "tpu.region"() ({
      %run_scoped3A = tpu.sem_alloc : memref<!tpu.dma_semaphore, #tpu.memory_space<semaphore_mem>>
      %dma_start3A_513 = arith.constant 0 : i32
      %dma_start3A_514 = tpu.memref_slice %arg4[%add3A_151, %dma_start3A_513] : memref<131072x128xf32, #tpu.memory_space<hbm>> -> memref<128x128xf32, #tpu.memory_space<hbm>>
      %dma_start3A_515 = arith.constant 0 : i32
      %dma_start3A_516 = tpu.memref_slice %arg4[%add3A_151, %dma_start3A_515] : memref<131072x128xf32, #tpu.memory_space<hbm>> -> memref<128x128xf32, #tpu.memory_space<hbm>>
      tpu.enqueue_dma source(%arg6 : memref<128x128xf32, #tpu.memory_space<vmem>>) target(%dma_start3A_516 : memref<128x128xf32, #tpu.memory_space<hbm>>) target_semaphore(%run_scoped3A : memref<!tpu.dma_semaphore, #tpu.memory_space<semaphore_mem>>)
      %dma_wait3A_517 = arith.constant 0 : i32
      %dma_wait3A_518 = tpu.memref_slice %arg4[%add3A_151, %dma_wait3A_517] : memref<131072x128xf32, #tpu.memory_space<hbm>> -> memref<128x128xf32, #tpu.memory_space<hbm>>
      %dma_wait3A_519 = arith.constant 0 : i32
      %dma_wait3A_520 = tpu.memref_slice %arg4[%add3A_151, %dma_wait3A_519] : memref<131072x128xf32, #tpu.memory_space<hbm>> -> memref<128x128xf32, #tpu.memory_space<hbm>>
      tpu.wait_dma2 semaphore(%run_scoped3A : memref<!tpu.dma_semaphore, #tpu.memory_space<semaphore_mem>>) src(%arg6 : memref<128x128xf32, #tpu.memory_space<vmem>>) dst(%dma_wait3A_520 : memref<128x128xf32, #tpu.memory_space<hbm>>)
      tpu.yield
    }) : () -> ()
    %dma_start3A_152 = arith.constant 10 : i32
    %dma_start3A_153 = arith.constant 0 : i32
    %dma_start3A_154 = tpu.memref_slice %arg5[%dma_start3A_152, %dma_start3A_153] : memref<32x128xi32, #tpu.memory_space<vmem>> -> memref<1x128xi32, #tpu.memory_space<vmem>>
    %dma_start3A_155 = tpu.memref_squeeze %dma_start3A_154 : memref<1x128xi32, #tpu.memory_space<vmem>> -> memref<128xi32, #tpu.memory_space<vmem>>
    %dma_start3A_156 = arith.constant 0 : i32
    %dma_start3A_157 = arith.constant 0 : i32
    %dma_start3A_158 = tpu.memref_slice %arg3[%dma_start3A_156, %dma_start3A_157] : memref<16384x128xf32, #tpu.memory_space<hbm>> -> memref<16384x128xf32, #tpu.memory_space<hbm>>
    tpu.enqueue_indirect_dma source(%dma_start3A_158 : memref<16384x128xf32, #tpu.memory_space<hbm>>) target(%arg6 : memref<128x128xf32, #tpu.memory_space<vmem>>) offsets(%dma_start3A_155 : memref<128xi32, #tpu.memory_space<vmem>>) semaphore(%arg8 : memref<!tpu.dma_semaphore, #tpu.memory_space<semaphore_mem>>)
    %dma_wait3A_159 = arith.constant 9 : i32
    %dma_wait3A_160 = arith.constant 0 : i32
    %dma_wait3A_161 = tpu.memref_slice %arg5[%dma_wait3A_159, %dma_wait3A_160] : memref<32x128xi32, #tpu.memory_space<vmem>> -> memref<1x128xi32, #tpu.memory_space<vmem>>
    %dma_wait3A_162 = tpu.memref_squeeze %dma_wait3A_161 : memref<1x128xi32, #tpu.memory_space<vmem>> -> memref<128xi32, #tpu.memory_space<vmem>>
    %dma_wait3A_163 = arith.constant 0 : i32
    %dma_wait3A_164 = arith.constant 0 : i32
    %dma_wait3A_165 = tpu.memref_slice %arg3[%dma_wait3A_163, %dma_wait3A_164] : memref<16384x128xf32, #tpu.memory_space<hbm>> -> memref<16384x128xf32, #tpu.memory_space<hbm>>
    tpu.wait_indirect_dma semaphore(%arg9 : memref<!tpu.dma_semaphore, #tpu.memory_space<semaphore_mem>>) src(%dma_wait3A_165 : memref<16384x128xf32, #tpu.memory_space<hbm>>) dst(%arg7 : memref<128x128xf32, #tpu.memory_space<vmem>>)
    %add3A_166 = arith.constant 1152 : i32
    %add3A_167 = arith.addi %mul3A_2, %add3A_166 : i32
    "tpu.region"() ({
      %run_scoped3A = tpu.sem_alloc : memref<!tpu.dma_semaphore, #tpu.memory_space<semaphore_mem>>
      %dma_start3A_513 = arith.constant 0 : i32
      %dma_start3A_514 = tpu.memref_slice %arg4[%add3A_167, %dma_start3A_513] : memref<131072x128xf32, #tpu.memory_space<hbm>> -> memref<128x128xf32, #tpu.memory_space<hbm>>
      %dma_start3A_515 = arith.constant 0 : i32
      %dma_start3A_516 = tpu.memref_slice %arg4[%add3A_167, %dma_start3A_515] : memref<131072x128xf32, #tpu.memory_space<hbm>> -> memref<128x128xf32, #tpu.memory_space<hbm>>
      tpu.enqueue_dma source(%arg7 : memref<128x128xf32, #tpu.memory_space<vmem>>) target(%dma_start3A_516 : memref<128x128xf32, #tpu.memory_space<hbm>>) target_semaphore(%run_scoped3A : memref<!tpu.dma_semaphore, #tpu.memory_space<semaphore_mem>>)
      %dma_wait3A_517 = arith.constant 0 : i32
      %dma_wait3A_518 = tpu.memref_slice %arg4[%add3A_167, %dma_wait3A_517] : memref<131072x128xf32, #tpu.memory_space<hbm>> -> memref<128x128xf32, #tpu.memory_space<hbm>>
      %dma_wait3A_519 = arith.constant 0 : i32
      %dma_wait3A_520 = tpu.memref_slice %arg4[%add3A_167, %dma_wait3A_519] : memref<131072x128xf32, #tpu.memory_space<hbm>> -> memref<128x128xf32, #tpu.memory_space<hbm>>
      tpu.wait_dma2 semaphore(%run_scoped3A : memref<!tpu.dma_semaphore, #tpu.memory_space<semaphore_mem>>) src(%arg7 : memref<128x128xf32, #tpu.memory_space<vmem>>) dst(%dma_wait3A_520 : memref<128x128xf32, #tpu.memory_space<hbm>>)
      tpu.yield
    }) : () -> ()
    %dma_start3A_168 = arith.constant 11 : i32
    %dma_start3A_169 = arith.constant 0 : i32
    %dma_start3A_170 = tpu.memref_slice %arg5[%dma_start3A_168, %dma_start3A_169] : memref<32x128xi32, #tpu.memory_space<vmem>> -> memref<1x128xi32, #tpu.memory_space<vmem>>
    %dma_start3A_171 = tpu.memref_squeeze %dma_start3A_170 : memref<1x128xi32, #tpu.memory_space<vmem>> -> memref<128xi32, #tpu.memory_space<vmem>>
    %dma_start3A_172 = arith.constant 0 : i32
    %dma_start3A_173 = arith.constant 0 : i32
    %dma_start3A_174 = tpu.memref_slice %arg3[%dma_start3A_172, %dma_start3A_173] : memref<16384x128xf32, #tpu.memory_space<hbm>> -> memref<16384x128xf32, #tpu.memory_space<hbm>>
    tpu.enqueue_indirect_dma source(%dma_start3A_174 : memref<16384x128xf32, #tpu.memory_space<hbm>>) target(%arg7 : memref<128x128xf32, #tpu.memory_space<vmem>>) offsets(%dma_start3A_171 : memref<128xi32, #tpu.memory_space<vmem>>) semaphore(%arg9 : memref<!tpu.dma_semaphore, #tpu.memory_space<semaphore_mem>>)
    %dma_wait3A_175 = arith.constant 10 : i32
    %dma_wait3A_176 = arith.constant 0 : i32
    %dma_wait3A_177 = tpu.memref_slice %arg5[%dma_wait3A_175, %dma_wait3A_176] : memref<32x128xi32, #tpu.memory_space<vmem>> -> memref<1x128xi32, #tpu.memory_space<vmem>>
    %dma_wait3A_178 = tpu.memref_squeeze %dma_wait3A_177 : memref<1x128xi32, #tpu.memory_space<vmem>> -> memref<128xi32, #tpu.memory_space<vmem>>
    %dma_wait3A_179 = arith.constant 0 : i32
    %dma_wait3A_180 = arith.constant 0 : i32
    %dma_wait3A_181 = tpu.memref_slice %arg3[%dma_wait3A_179, %dma_wait3A_180] : memref<16384x128xf32, #tpu.memory_space<hbm>> -> memref<16384x128xf32, #tpu.memory_space<hbm>>
    tpu.wait_indirect_dma semaphore(%arg8 : memref<!tpu.dma_semaphore, #tpu.memory_space<semaphore_mem>>) src(%dma_wait3A_181 : memref<16384x128xf32, #tpu.memory_space<hbm>>) dst(%arg6 : memref<128x128xf32, #tpu.memory_space<vmem>>)
    %add3A_182 = arith.constant 1280 : i32
    %add3A_183 = arith.addi %mul3A_2, %add3A_182 : i32
    "tpu.region"() ({
      %run_scoped3A = tpu.sem_alloc : memref<!tpu.dma_semaphore, #tpu.memory_space<semaphore_mem>>
      %dma_start3A_513 = arith.constant 0 : i32
      %dma_start3A_514 = tpu.memref_slice %arg4[%add3A_183, %dma_start3A_513] : memref<131072x128xf32, #tpu.memory_space<hbm>> -> memref<128x128xf32, #tpu.memory_space<hbm>>
      %dma_start3A_515 = arith.constant 0 : i32
      %dma_start3A_516 = tpu.memref_slice %arg4[%add3A_183, %dma_start3A_515] : memref<131072x128xf32, #tpu.memory_space<hbm>> -> memref<128x128xf32, #tpu.memory_space<hbm>>
      tpu.enqueue_dma source(%arg6 : memref<128x128xf32, #tpu.memory_space<vmem>>) target(%dma_start3A_516 : memref<128x128xf32, #tpu.memory_space<hbm>>) target_semaphore(%run_scoped3A : memref<!tpu.dma_semaphore, #tpu.memory_space<semaphore_mem>>)
      %dma_wait3A_517 = arith.constant 0 : i32
      %dma_wait3A_518 = tpu.memref_slice %arg4[%add3A_183, %dma_wait3A_517] : memref<131072x128xf32, #tpu.memory_space<hbm>> -> memref<128x128xf32, #tpu.memory_space<hbm>>
      %dma_wait3A_519 = arith.constant 0 : i32
      %dma_wait3A_520 = tpu.memref_slice %arg4[%add3A_183, %dma_wait3A_519] : memref<131072x128xf32, #tpu.memory_space<hbm>> -> memref<128x128xf32, #tpu.memory_space<hbm>>
      tpu.wait_dma2 semaphore(%run_scoped3A : memref<!tpu.dma_semaphore, #tpu.memory_space<semaphore_mem>>) src(%arg6 : memref<128x128xf32, #tpu.memory_space<vmem>>) dst(%dma_wait3A_520 : memref<128x128xf32, #tpu.memory_space<hbm>>)
      tpu.yield
    }) : () -> ()
    %dma_start3A_184 = arith.constant 12 : i32
    %dma_start3A_185 = arith.constant 0 : i32
    %dma_start3A_186 = tpu.memref_slice %arg5[%dma_start3A_184, %dma_start3A_185] : memref<32x128xi32, #tpu.memory_space<vmem>> -> memref<1x128xi32, #tpu.memory_space<vmem>>
    %dma_start3A_187 = tpu.memref_squeeze %dma_start3A_186 : memref<1x128xi32, #tpu.memory_space<vmem>> -> memref<128xi32, #tpu.memory_space<vmem>>
    %dma_start3A_188 = arith.constant 0 : i32
    %dma_start3A_189 = arith.constant 0 : i32
    %dma_start3A_190 = tpu.memref_slice %arg3[%dma_start3A_188, %dma_start3A_189] : memref<16384x128xf32, #tpu.memory_space<hbm>> -> memref<16384x128xf32, #tpu.memory_space<hbm>>
    tpu.enqueue_indirect_dma source(%dma_start3A_190 : memref<16384x128xf32, #tpu.memory_space<hbm>>) target(%arg6 : memref<128x128xf32, #tpu.memory_space<vmem>>) offsets(%dma_start3A_187 : memref<128xi32, #tpu.memory_space<vmem>>) semaphore(%arg8 : memref<!tpu.dma_semaphore, #tpu.memory_space<semaphore_mem>>)
    %dma_wait3A_191 = arith.constant 11 : i32
    %dma_wait3A_192 = arith.constant 0 : i32
    %dma_wait3A_193 = tpu.memref_slice %arg5[%dma_wait3A_191, %dma_wait3A_192] : memref<32x128xi32, #tpu.memory_space<vmem>> -> memref<1x128xi32, #tpu.memory_space<vmem>>
    %dma_wait3A_194 = tpu.memref_squeeze %dma_wait3A_193 : memref<1x128xi32, #tpu.memory_space<vmem>> -> memref<128xi32, #tpu.memory_space<vmem>>
    %dma_wait3A_195 = arith.constant 0 : i32
    %dma_wait3A_196 = arith.constant 0 : i32
    %dma_wait3A_197 = tpu.memref_slice %arg3[%dma_wait3A_195, %dma_wait3A_196] : memref<16384x128xf32, #tpu.memory_space<hbm>> -> memref<16384x128xf32, #tpu.memory_space<hbm>>
    tpu.wait_indirect_dma semaphore(%arg9 : memref<!tpu.dma_semaphore, #tpu.memory_space<semaphore_mem>>) src(%dma_wait3A_197 : memref<16384x128xf32, #tpu.memory_space<hbm>>) dst(%arg7 : memref<128x128xf32, #tpu.memory_space<vmem>>)
    %add3A_198 = arith.constant 1408 : i32
    %add3A_199 = arith.addi %mul3A_2, %add3A_198 : i32
    "tpu.region"() ({
      %run_scoped3A = tpu.sem_alloc : memref<!tpu.dma_semaphore, #tpu.memory_space<semaphore_mem>>
      %dma_start3A_513 = arith.constant 0 : i32
      %dma_start3A_514 = tpu.memref_slice %arg4[%add3A_199, %dma_start3A_513] : memref<131072x128xf32, #tpu.memory_space<hbm>> -> memref<128x128xf32, #tpu.memory_space<hbm>>
      %dma_start3A_515 = arith.constant 0 : i32
      %dma_start3A_516 = tpu.memref_slice %arg4[%add3A_199, %dma_start3A_515] : memref<131072x128xf32, #tpu.memory_space<hbm>> -> memref<128x128xf32, #tpu.memory_space<hbm>>
      tpu.enqueue_dma source(%arg7 : memref<128x128xf32, #tpu.memory_space<vmem>>) target(%dma_start3A_516 : memref<128x128xf32, #tpu.memory_space<hbm>>) target_semaphore(%run_scoped3A : memref<!tpu.dma_semaphore, #tpu.memory_space<semaphore_mem>>)
      %dma_wait3A_517 = arith.constant 0 : i32
      %dma_wait3A_518 = tpu.memref_slice %arg4[%add3A_199, %dma_wait3A_517] : memref<131072x128xf32, #tpu.memory_space<hbm>> -> memref<128x128xf32, #tpu.memory_space<hbm>>
      %dma_wait3A_519 = arith.constant 0 : i32
      %dma_wait3A_520 = tpu.memref_slice %arg4[%add3A_199, %dma_wait3A_519] : memref<131072x128xf32, #tpu.memory_space<hbm>> -> memref<128x128xf32, #tpu.memory_space<hbm>>
      tpu.wait_dma2 semaphore(%run_scoped3A : memref<!tpu.dma_semaphore, #tpu.memory_space<semaphore_mem>>) src(%arg7 : memref<128x128xf32, #tpu.memory_space<vmem>>) dst(%dma_wait3A_520 : memref<128x128xf32, #tpu.memory_space<hbm>>)
      tpu.yield
    }) : () -> ()
    %dma_start3A_200 = arith.constant 13 : i32
    %dma_start3A_201 = arith.constant 0 : i32
    %dma_start3A_202 = tpu.memref_slice %arg5[%dma_start3A_200, %dma_start3A_201] : memref<32x128xi32, #tpu.memory_space<vmem>> -> memref<1x128xi32, #tpu.memory_space<vmem>>
    %dma_start3A_203 = tpu.memref_squeeze %dma_start3A_202 : memref<1x128xi32, #tpu.memory_space<vmem>> -> memref<128xi32, #tpu.memory_space<vmem>>
    %dma_start3A_204 = arith.constant 0 : i32
    %dma_start3A_205 = arith.constant 0 : i32
    %dma_start3A_206 = tpu.memref_slice %arg3[%dma_start3A_204, %dma_start3A_205] : memref<16384x128xf32, #tpu.memory_space<hbm>> -> memref<16384x128xf32, #tpu.memory_space<hbm>>
    tpu.enqueue_indirect_dma source(%dma_start3A_206 : memref<16384x128xf32, #tpu.memory_space<hbm>>) target(%arg7 : memref<128x128xf32, #tpu.memory_space<vmem>>) offsets(%dma_start3A_203 : memref<128xi32, #tpu.memory_space<vmem>>) semaphore(%arg9 : memref<!tpu.dma_semaphore, #tpu.memory_space<semaphore_mem>>)
    %dma_wait3A_207 = arith.constant 12 : i32
    %dma_wait3A_208 = arith.constant 0 : i32
    %dma_wait3A_209 = tpu.memref_slice %arg5[%dma_wait3A_207, %dma_wait3A_208] : memref<32x128xi32, #tpu.memory_space<vmem>> -> memref<1x128xi32, #tpu.memory_space<vmem>>
    %dma_wait3A_210 = tpu.memref_squeeze %dma_wait3A_209 : memref<1x128xi32, #tpu.memory_space<vmem>> -> memref<128xi32, #tpu.memory_space<vmem>>
    %dma_wait3A_211 = arith.constant 0 : i32
    %dma_wait3A_212 = arith.constant 0 : i32
    %dma_wait3A_213 = tpu.memref_slice %arg3[%dma_wait3A_211, %dma_wait3A_212] : memref<16384x128xf32, #tpu.memory_space<hbm>> -> memref<16384x128xf32, #tpu.memory_space<hbm>>
    tpu.wait_indirect_dma semaphore(%arg8 : memref<!tpu.dma_semaphore, #tpu.memory_space<semaphore_mem>>) src(%dma_wait3A_213 : memref<16384x128xf32, #tpu.memory_space<hbm>>) dst(%arg6 : memref<128x128xf32, #tpu.memory_space<vmem>>)
    %add3A_214 = arith.constant 1536 : i32
    %add3A_215 = arith.addi %mul3A_2, %add3A_214 : i32
    "tpu.region"() ({
      %run_scoped3A = tpu.sem_alloc : memref<!tpu.dma_semaphore, #tpu.memory_space<semaphore_mem>>
      %dma_start3A_513 = arith.constant 0 : i32
      %dma_start3A_514 = tpu.memref_slice %arg4[%add3A_215, %dma_start3A_513] : memref<131072x128xf32, #tpu.memory_space<hbm>> -> memref<128x128xf32, #tpu.memory_space<hbm>>
      %dma_start3A_515 = arith.constant 0 : i32
      %dma_start3A_516 = tpu.memref_slice %arg4[%add3A_215, %dma_start3A_515] : memref<131072x128xf32, #tpu.memory_space<hbm>> -> memref<128x128xf32, #tpu.memory_space<hbm>>
      tpu.enqueue_dma source(%arg6 : memref<128x128xf32, #tpu.memory_space<vmem>>) target(%dma_start3A_516 : memref<128x128xf32, #tpu.memory_space<hbm>>) target_semaphore(%run_scoped3A : memref<!tpu.dma_semaphore, #tpu.memory_space<semaphore_mem>>)
      %dma_wait3A_517 = arith.constant 0 : i32
      %dma_wait3A_518 = tpu.memref_slice %arg4[%add3A_215, %dma_wait3A_517] : memref<131072x128xf32, #tpu.memory_space<hbm>> -> memref<128x128xf32, #tpu.memory_space<hbm>>
      %dma_wait3A_519 = arith.constant 0 : i32
      %dma_wait3A_520 = tpu.memref_slice %arg4[%add3A_215, %dma_wait3A_519] : memref<131072x128xf32, #tpu.memory_space<hbm>> -> memref<128x128xf32, #tpu.memory_space<hbm>>
      tpu.wait_dma2 semaphore(%run_scoped3A : memref<!tpu.dma_semaphore, #tpu.memory_space<semaphore_mem>>) src(%arg6 : memref<128x128xf32, #tpu.memory_space<vmem>>) dst(%dma_wait3A_520 : memref<128x128xf32, #tpu.memory_space<hbm>>)
      tpu.yield
    }) : () -> ()
    %dma_start3A_216 = arith.constant 14 : i32
    %dma_start3A_217 = arith.constant 0 : i32
    %dma_start3A_218 = tpu.memref_slice %arg5[%dma_start3A_216, %dma_start3A_217] : memref<32x128xi32, #tpu.memory_space<vmem>> -> memref<1x128xi32, #tpu.memory_space<vmem>>
    %dma_start3A_219 = tpu.memref_squeeze %dma_start3A_218 : memref<1x128xi32, #tpu.memory_space<vmem>> -> memref<128xi32, #tpu.memory_space<vmem>>
    %dma_start3A_220 = arith.constant 0 : i32
    %dma_start3A_221 = arith.constant 0 : i32
    %dma_start3A_222 = tpu.memref_slice %arg3[%dma_start3A_220, %dma_start3A_221] : memref<16384x128xf32, #tpu.memory_space<hbm>> -> memref<16384x128xf32, #tpu.memory_space<hbm>>
    tpu.enqueue_indirect_dma source(%dma_start3A_222 : memref<16384x128xf32, #tpu.memory_space<hbm>>) target(%arg6 : memref<128x128xf32, #tpu.memory_space<vmem>>) offsets(%dma_start3A_219 : memref<128xi32, #tpu.memory_space<vmem>>) semaphore(%arg8 : memref<!tpu.dma_semaphore, #tpu.memory_space<semaphore_mem>>)
    %dma_wait3A_223 = arith.constant 13 : i32
    %dma_wait3A_224 = arith.constant 0 : i32
    %dma_wait3A_225 = tpu.memref_slice %arg5[%dma_wait3A_223, %dma_wait3A_224] : memref<32x128xi32, #tpu.memory_space<vmem>> -> memref<1x128xi32, #tpu.memory_space<vmem>>
    %dma_wait3A_226 = tpu.memref_squeeze %dma_wait3A_225 : memref<1x128xi32, #tpu.memory_space<vmem>> -> memref<128xi32, #tpu.memory_space<vmem>>
    %dma_wait3A_227 = arith.constant 0 : i32
    %dma_wait3A_228 = arith.constant 0 : i32
    %dma_wait3A_229 = tpu.memref_slice %arg3[%dma_wait3A_227, %dma_wait3A_228] : memref<16384x128xf32, #tpu.memory_space<hbm>> -> memref<16384x128xf32, #tpu.memory_space<hbm>>
    tpu.wait_indirect_dma semaphore(%arg9 : memref<!tpu.dma_semaphore, #tpu.memory_space<semaphore_mem>>) src(%dma_wait3A_229 : memref<16384x128xf32, #tpu.memory_space<hbm>>) dst(%arg7 : memref<128x128xf32, #tpu.memory_space<vmem>>)
    %add3A_230 = arith.constant 1664 : i32
    %add3A_231 = arith.addi %mul3A_2, %add3A_230 : i32
    "tpu.region"() ({
      %run_scoped3A = tpu.sem_alloc : memref<!tpu.dma_semaphore, #tpu.memory_space<semaphore_mem>>
      %dma_start3A_513 = arith.constant 0 : i32
      %dma_start3A_514 = tpu.memref_slice %arg4[%add3A_231, %dma_start3A_513] : memref<131072x128xf32, #tpu.memory_space<hbm>> -> memref<128x128xf32, #tpu.memory_space<hbm>>
      %dma_start3A_515 = arith.constant 0 : i32
      %dma_start3A_516 = tpu.memref_slice %arg4[%add3A_231, %dma_start3A_515] : memref<131072x128xf32, #tpu.memory_space<hbm>> -> memref<128x128xf32, #tpu.memory_space<hbm>>
      tpu.enqueue_dma source(%arg7 : memref<128x128xf32, #tpu.memory_space<vmem>>) target(%dma_start3A_516 : memref<128x128xf32, #tpu.memory_space<hbm>>) target_semaphore(%run_scoped3A : memref<!tpu.dma_semaphore, #tpu.memory_space<semaphore_mem>>)
      %dma_wait3A_517 = arith.constant 0 : i32
      %dma_wait3A_518 = tpu.memref_slice %arg4[%add3A_231, %dma_wait3A_517] : memref<131072x128xf32, #tpu.memory_space<hbm>> -> memref<128x128xf32, #tpu.memory_space<hbm>>
      %dma_wait3A_519 = arith.constant 0 : i32
      %dma_wait3A_520 = tpu.memref_slice %arg4[%add3A_231, %dma_wait3A_519] : memref<131072x128xf32, #tpu.memory_space<hbm>> -> memref<128x128xf32, #tpu.memory_space<hbm>>
      tpu.wait_dma2 semaphore(%run_scoped3A : memref<!tpu.dma_semaphore, #tpu.memory_space<semaphore_mem>>) src(%arg7 : memref<128x128xf32, #tpu.memory_space<vmem>>) dst(%dma_wait3A_520 : memref<128x128xf32, #tpu.memory_space<hbm>>)
      tpu.yield
    }) : () -> ()
    %dma_start3A_232 = arith.constant 15 : i32
    %dma_start3A_233 = arith.constant 0 : i32
    %dma_start3A_234 = tpu.memref_slice %arg5[%dma_start3A_232, %dma_start3A_233] : memref<32x128xi32, #tpu.memory_space<vmem>> -> memref<1x128xi32, #tpu.memory_space<vmem>>
    %dma_start3A_235 = tpu.memref_squeeze %dma_start3A_234 : memref<1x128xi32, #tpu.memory_space<vmem>> -> memref<128xi32, #tpu.memory_space<vmem>>
    %dma_start3A_236 = arith.constant 0 : i32
    %dma_start3A_237 = arith.constant 0 : i32
    %dma_start3A_238 = tpu.memref_slice %arg3[%dma_start3A_236, %dma_start3A_237] : memref<16384x128xf32, #tpu.memory_space<hbm>> -> memref<16384x128xf32, #tpu.memory_space<hbm>>
    tpu.enqueue_indirect_dma source(%dma_start3A_238 : memref<16384x128xf32, #tpu.memory_space<hbm>>) target(%arg7 : memref<128x128xf32, #tpu.memory_space<vmem>>) offsets(%dma_start3A_235 : memref<128xi32, #tpu.memory_space<vmem>>) semaphore(%arg9 : memref<!tpu.dma_semaphore, #tpu.memory_space<semaphore_mem>>)
    %dma_wait3A_239 = arith.constant 14 : i32
    %dma_wait3A_240 = arith.constant 0 : i32
    %dma_wait3A_241 = tpu.memref_slice %arg5[%dma_wait3A_239, %dma_wait3A_240] : memref<32x128xi32, #tpu.memory_space<vmem>> -> memref<1x128xi32, #tpu.memory_space<vmem>>
    %dma_wait3A_242 = tpu.memref_squeeze %dma_wait3A_241 : memref<1x128xi32, #tpu.memory_space<vmem>> -> memref<128xi32, #tpu.memory_space<vmem>>
    %dma_wait3A_243 = arith.constant 0 : i32
    %dma_wait3A_244 = arith.constant 0 : i32
    %dma_wait3A_245 = tpu.memref_slice %arg3[%dma_wait3A_243, %dma_wait3A_244] : memref<16384x128xf32, #tpu.memory_space<hbm>> -> memref<16384x128xf32, #tpu.memory_space<hbm>>
    tpu.wait_indirect_dma semaphore(%arg8 : memref<!tpu.dma_semaphore, #tpu.memory_space<semaphore_mem>>) src(%dma_wait3A_245 : memref<16384x128xf32, #tpu.memory_space<hbm>>) dst(%arg6 : memref<128x128xf32, #tpu.memory_space<vmem>>)
    %add3A_246 = arith.constant 1792 : i32
    %add3A_247 = arith.addi %mul3A_2, %add3A_246 : i32
    "tpu.region"() ({
      %run_scoped3A = tpu.sem_alloc : memref<!tpu.dma_semaphore, #tpu.memory_space<semaphore_mem>>
      %dma_start3A_513 = arith.constant 0 : i32
      %dma_start3A_514 = tpu.memref_slice %arg4[%add3A_247, %dma_start3A_513] : memref<131072x128xf32, #tpu.memory_space<hbm>> -> memref<128x128xf32, #tpu.memory_space<hbm>>
      %dma_start3A_515 = arith.constant 0 : i32
      %dma_start3A_516 = tpu.memref_slice %arg4[%add3A_247, %dma_start3A_515] : memref<131072x128xf32, #tpu.memory_space<hbm>> -> memref<128x128xf32, #tpu.memory_space<hbm>>
      tpu.enqueue_dma source(%arg6 : memref<128x128xf32, #tpu.memory_space<vmem>>) target(%dma_start3A_516 : memref<128x128xf32, #tpu.memory_space<hbm>>) target_semaphore(%run_scoped3A : memref<!tpu.dma_semaphore, #tpu.memory_space<semaphore_mem>>)
      %dma_wait3A_517 = arith.constant 0 : i32
      %dma_wait3A_518 = tpu.memref_slice %arg4[%add3A_247, %dma_wait3A_517] : memref<131072x128xf32, #tpu.memory_space<hbm>> -> memref<128x128xf32, #tpu.memory_space<hbm>>
      %dma_wait3A_519 = arith.constant 0 : i32
      %dma_wait3A_520 = tpu.memref_slice %arg4[%add3A_247, %dma_wait3A_519] : memref<131072x128xf32, #tpu.memory_space<hbm>> -> memref<128x128xf32, #tpu.memory_space<hbm>>
      tpu.wait_dma2 semaphore(%run_scoped3A : memref<!tpu.dma_semaphore, #tpu.memory_space<semaphore_mem>>) src(%arg6 : memref<128x128xf32, #tpu.memory_space<vmem>>) dst(%dma_wait3A_520 : memref<128x128xf32, #tpu.memory_space<hbm>>)
      tpu.yield
    }) : () -> ()
    %dma_start3A_248 = arith.constant 16 : i32
    %dma_start3A_249 = arith.constant 0 : i32
    %dma_start3A_250 = tpu.memref_slice %arg5[%dma_start3A_248, %dma_start3A_249] : memref<32x128xi32, #tpu.memory_space<vmem>> -> memref<1x128xi32, #tpu.memory_space<vmem>>
    %dma_start3A_251 = tpu.memref_squeeze %dma_start3A_250 : memref<1x128xi32, #tpu.memory_space<vmem>> -> memref<128xi32, #tpu.memory_space<vmem>>
    %dma_start3A_252 = arith.constant 0 : i32
    %dma_start3A_253 = arith.constant 0 : i32
    %dma_start3A_254 = tpu.memref_slice %arg3[%dma_start3A_252, %dma_start3A_253] : memref<16384x128xf32, #tpu.memory_space<hbm>> -> memref<16384x128xf32, #tpu.memory_space<hbm>>
    tpu.enqueue_indirect_dma source(%dma_start3A_254 : memref<16384x128xf32, #tpu.memory_space<hbm>>) target(%arg6 : memref<128x128xf32, #tpu.memory_space<vmem>>) offsets(%dma_start3A_251 : memref<128xi32, #tpu.memory_space<vmem>>) semaphore(%arg8 : memref<!tpu.dma_semaphore, #tpu.memory_space<semaphore_mem>>)
    %dma_wait3A_255 = arith.constant 15 : i32
    %dma_wait3A_256 = arith.constant 0 : i32
    %dma_wait3A_257 = tpu.memref_slice %arg5[%dma_wait3A_255, %dma_wait3A_256] : memref<32x128xi32, #tpu.memory_space<vmem>> -> memref<1x128xi32, #tpu.memory_space<vmem>>
    %dma_wait3A_258 = tpu.memref_squeeze %dma_wait3A_257 : memref<1x128xi32, #tpu.memory_space<vmem>> -> memref<128xi32, #tpu.memory_space<vmem>>
    %dma_wait3A_259 = arith.constant 0 : i32
    %dma_wait3A_260 = arith.constant 0 : i32
    %dma_wait3A_261 = tpu.memref_slice %arg3[%dma_wait3A_259, %dma_wait3A_260] : memref<16384x128xf32, #tpu.memory_space<hbm>> -> memref<16384x128xf32, #tpu.memory_space<hbm>>
    tpu.wait_indirect_dma semaphore(%arg9 : memref<!tpu.dma_semaphore, #tpu.memory_space<semaphore_mem>>) src(%dma_wait3A_261 : memref<16384x128xf32, #tpu.memory_space<hbm>>) dst(%arg7 : memref<128x128xf32, #tpu.memory_space<vmem>>)
    %add3A_262 = arith.constant 1920 : i32
    %add3A_263 = arith.addi %mul3A_2, %add3A_262 : i32
    "tpu.region"() ({
      %run_scoped3A = tpu.sem_alloc : memref<!tpu.dma_semaphore, #tpu.memory_space<semaphore_mem>>
      %dma_start3A_513 = arith.constant 0 : i32
      %dma_start3A_514 = tpu.memref_slice %arg4[%add3A_263, %dma_start3A_513] : memref<131072x128xf32, #tpu.memory_space<hbm>> -> memref<128x128xf32, #tpu.memory_space<hbm>>
      %dma_start3A_515 = arith.constant 0 : i32
      %dma_start3A_516 = tpu.memref_slice %arg4[%add3A_263, %dma_start3A_515] : memref<131072x128xf32, #tpu.memory_space<hbm>> -> memref<128x128xf32, #tpu.memory_space<hbm>>
      tpu.enqueue_dma source(%arg7 : memref<128x128xf32, #tpu.memory_space<vmem>>) target(%dma_start3A_516 : memref<128x128xf32, #tpu.memory_space<hbm>>) target_semaphore(%run_scoped3A : memref<!tpu.dma_semaphore, #tpu.memory_space<semaphore_mem>>)
      %dma_wait3A_517 = arith.constant 0 : i32
      %dma_wait3A_518 = tpu.memref_slice %arg4[%add3A_263, %dma_wait3A_517] : memref<131072x128xf32, #tpu.memory_space<hbm>> -> memref<128x128xf32, #tpu.memory_space<hbm>>
      %dma_wait3A_519 = arith.constant 0 : i32
      %dma_wait3A_520 = tpu.memref_slice %arg4[%add3A_263, %dma_wait3A_519] : memref<131072x128xf32, #tpu.memory_space<hbm>> -> memref<128x128xf32, #tpu.memory_space<hbm>>
      tpu.wait_dma2 semaphore(%run_scoped3A : memref<!tpu.dma_semaphore, #tpu.memory_space<semaphore_mem>>) src(%arg7 : memref<128x128xf32, #tpu.memory_space<vmem>>) dst(%dma_wait3A_520 : memref<128x128xf32, #tpu.memory_space<hbm>>)
      tpu.yield
    }) : () -> ()
    %dma_start3A_264 = arith.constant 17 : i32
    %dma_start3A_265 = arith.constant 0 : i32
    %dma_start3A_266 = tpu.memref_slice %arg5[%dma_start3A_264, %dma_start3A_265] : memref<32x128xi32, #tpu.memory_space<vmem>> -> memref<1x128xi32, #tpu.memory_space<vmem>>
    %dma_start3A_267 = tpu.memref_squeeze %dma_start3A_266 : memref<1x128xi32, #tpu.memory_space<vmem>> -> memref<128xi32, #tpu.memory_space<vmem>>
    %dma_start3A_268 = arith.constant 0 : i32
    %dma_start3A_269 = arith.constant 0 : i32
    %dma_start3A_270 = tpu.memref_slice %arg3[%dma_start3A_268, %dma_start3A_269] : memref<16384x128xf32, #tpu.memory_space<hbm>> -> memref<16384x128xf32, #tpu.memory_space<hbm>>
    tpu.enqueue_indirect_dma source(%dma_start3A_270 : memref<16384x128xf32, #tpu.memory_space<hbm>>) target(%arg7 : memref<128x128xf32, #tpu.memory_space<vmem>>) offsets(%dma_start3A_267 : memref<128xi32, #tpu.memory_space<vmem>>) semaphore(%arg9 : memref<!tpu.dma_semaphore, #tpu.memory_space<semaphore_mem>>)
    %dma_wait3A_271 = arith.constant 16 : i32
    %dma_wait3A_272 = arith.constant 0 : i32
    %dma_wait3A_273 = tpu.memref_slice %arg5[%dma_wait3A_271, %dma_wait3A_272] : memref<32x128xi32, #tpu.memory_space<vmem>> -> memref<1x128xi32, #tpu.memory_space<vmem>>
    %dma_wait3A_274 = tpu.memref_squeeze %dma_wait3A_273 : memref<1x128xi32, #tpu.memory_space<vmem>> -> memref<128xi32, #tpu.memory_space<vmem>>
    %dma_wait3A_275 = arith.constant 0 : i32
    %dma_wait3A_276 = arith.constant 0 : i32
    %dma_wait3A_277 = tpu.memref_slice %arg3[%dma_wait3A_275, %dma_wait3A_276] : memref<16384x128xf32, #tpu.memory_space<hbm>> -> memref<16384x128xf32, #tpu.memory_space<hbm>>
    tpu.wait_indirect_dma semaphore(%arg8 : memref<!tpu.dma_semaphore, #tpu.memory_space<semaphore_mem>>) src(%dma_wait3A_277 : memref<16384x128xf32, #tpu.memory_space<hbm>>) dst(%arg6 : memref<128x128xf32, #tpu.memory_space<vmem>>)
    %add3A_278 = arith.constant 2048 : i32
    %add3A_279 = arith.addi %mul3A_2, %add3A_278 : i32
    "tpu.region"() ({
      %run_scoped3A = tpu.sem_alloc : memref<!tpu.dma_semaphore, #tpu.memory_space<semaphore_mem>>
      %dma_start3A_513 = arith.constant 0 : i32
      %dma_start3A_514 = tpu.memref_slice %arg4[%add3A_279, %dma_start3A_513] : memref<131072x128xf32, #tpu.memory_space<hbm>> -> memref<128x128xf32, #tpu.memory_space<hbm>>
      %dma_start3A_515 = arith.constant 0 : i32
      %dma_start3A_516 = tpu.memref_slice %arg4[%add3A_279, %dma_start3A_515] : memref<131072x128xf32, #tpu.memory_space<hbm>> -> memref<128x128xf32, #tpu.memory_space<hbm>>
      tpu.enqueue_dma source(%arg6 : memref<128x128xf32, #tpu.memory_space<vmem>>) target(%dma_start3A_516 : memref<128x128xf32, #tpu.memory_space<hbm>>) target_semaphore(%run_scoped3A : memref<!tpu.dma_semaphore, #tpu.memory_space<semaphore_mem>>)
      %dma_wait3A_517 = arith.constant 0 : i32
      %dma_wait3A_518 = tpu.memref_slice %arg4[%add3A_279, %dma_wait3A_517] : memref<131072x128xf32, #tpu.memory_space<hbm>> -> memref<128x128xf32, #tpu.memory_space<hbm>>
      %dma_wait3A_519 = arith.constant 0 : i32
      %dma_wait3A_520 = tpu.memref_slice %arg4[%add3A_279, %dma_wait3A_519] : memref<131072x128xf32, #tpu.memory_space<hbm>> -> memref<128x128xf32, #tpu.memory_space<hbm>>
      tpu.wait_dma2 semaphore(%run_scoped3A : memref<!tpu.dma_semaphore, #tpu.memory_space<semaphore_mem>>) src(%arg6 : memref<128x128xf32, #tpu.memory_space<vmem>>) dst(%dma_wait3A_520 : memref<128x128xf32, #tpu.memory_space<hbm>>)
      tpu.yield
    }) : () -> ()
    %dma_start3A_280 = arith.constant 18 : i32
    %dma_start3A_281 = arith.constant 0 : i32
    %dma_start3A_282 = tpu.memref_slice %arg5[%dma_start3A_280, %dma_start3A_281] : memref<32x128xi32, #tpu.memory_space<vmem>> -> memref<1x128xi32, #tpu.memory_space<vmem>>
    %dma_start3A_283 = tpu.memref_squeeze %dma_start3A_282 : memref<1x128xi32, #tpu.memory_space<vmem>> -> memref<128xi32, #tpu.memory_space<vmem>>
    %dma_start3A_284 = arith.constant 0 : i32
    %dma_start3A_285 = arith.constant 0 : i32
    %dma_start3A_286 = tpu.memref_slice %arg3[%dma_start3A_284, %dma_start3A_285] : memref<16384x128xf32, #tpu.memory_space<hbm>> -> memref<16384x128xf32, #tpu.memory_space<hbm>>
    tpu.enqueue_indirect_dma source(%dma_start3A_286 : memref<16384x128xf32, #tpu.memory_space<hbm>>) target(%arg6 : memref<128x128xf32, #tpu.memory_space<vmem>>) offsets(%dma_start3A_283 : memref<128xi32, #tpu.memory_space<vmem>>) semaphore(%arg8 : memref<!tpu.dma_semaphore, #tpu.memory_space<semaphore_mem>>)
    %dma_wait3A_287 = arith.constant 17 : i32
    %dma_wait3A_288 = arith.constant 0 : i32
    %dma_wait3A_289 = tpu.memref_slice %arg5[%dma_wait3A_287, %dma_wait3A_288] : memref<32x128xi32, #tpu.memory_space<vmem>> -> memref<1x128xi32, #tpu.memory_space<vmem>>
    %dma_wait3A_290 = tpu.memref_squeeze %dma_wait3A_289 : memref<1x128xi32, #tpu.memory_space<vmem>> -> memref<128xi32, #tpu.memory_space<vmem>>
    %dma_wait3A_291 = arith.constant 0 : i32
    %dma_wait3A_292 = arith.constant 0 : i32
    %dma_wait3A_293 = tpu.memref_slice %arg3[%dma_wait3A_291, %dma_wait3A_292] : memref<16384x128xf32, #tpu.memory_space<hbm>> -> memref<16384x128xf32, #tpu.memory_space<hbm>>
    tpu.wait_indirect_dma semaphore(%arg9 : memref<!tpu.dma_semaphore, #tpu.memory_space<semaphore_mem>>) src(%dma_wait3A_293 : memref<16384x128xf32, #tpu.memory_space<hbm>>) dst(%arg7 : memref<128x128xf32, #tpu.memory_space<vmem>>)
    %add3A_294 = arith.constant 2176 : i32
    %add3A_295 = arith.addi %mul3A_2, %add3A_294 : i32
    "tpu.region"() ({
      %run_scoped3A = tpu.sem_alloc : memref<!tpu.dma_semaphore, #tpu.memory_space<semaphore_mem>>
      %dma_start3A_513 = arith.constant 0 : i32
      %dma_start3A_514 = tpu.memref_slice %arg4[%add3A_295, %dma_start3A_513] : memref<131072x128xf32, #tpu.memory_space<hbm>> -> memref<128x128xf32, #tpu.memory_space<hbm>>
      %dma_start3A_515 = arith.constant 0 : i32
      %dma_start3A_516 = tpu.memref_slice %arg4[%add3A_295, %dma_start3A_515] : memref<131072x128xf32, #tpu.memory_space<hbm>> -> memref<128x128xf32, #tpu.memory_space<hbm>>
      tpu.enqueue_dma source(%arg7 : memref<128x128xf32, #tpu.memory_space<vmem>>) target(%dma_start3A_516 : memref<128x128xf32, #tpu.memory_space<hbm>>) target_semaphore(%run_scoped3A : memref<!tpu.dma_semaphore, #tpu.memory_space<semaphore_mem>>)
      %dma_wait3A_517 = arith.constant 0 : i32
      %dma_wait3A_518 = tpu.memref_slice %arg4[%add3A_295, %dma_wait3A_517] : memref<131072x128xf32, #tpu.memory_space<hbm>> -> memref<128x128xf32, #tpu.memory_space<hbm>>
      %dma_wait3A_519 = arith.constant 0 : i32
      %dma_wait3A_520 = tpu.memref_slice %arg4[%add3A_295, %dma_wait3A_519] : memref<131072x128xf32, #tpu.memory_space<hbm>> -> memref<128x128xf32, #tpu.memory_space<hbm>>
      tpu.wait_dma2 semaphore(%run_scoped3A : memref<!tpu.dma_semaphore, #tpu.memory_space<semaphore_mem>>) src(%arg7 : memref<128x128xf32, #tpu.memory_space<vmem>>) dst(%dma_wait3A_520 : memref<128x128xf32, #tpu.memory_space<hbm>>)
      tpu.yield
    }) : () -> ()
    %dma_start3A_296 = arith.constant 19 : i32
    %dma_start3A_297 = arith.constant 0 : i32
    %dma_start3A_298 = tpu.memref_slice %arg5[%dma_start3A_296, %dma_start3A_297] : memref<32x128xi32, #tpu.memory_space<vmem>> -> memref<1x128xi32, #tpu.memory_space<vmem>>
    %dma_start3A_299 = tpu.memref_squeeze %dma_start3A_298 : memref<1x128xi32, #tpu.memory_space<vmem>> -> memref<128xi32, #tpu.memory_space<vmem>>
    %dma_start3A_300 = arith.constant 0 : i32
    %dma_start3A_301 = arith.constant 0 : i32
    %dma_start3A_302 = tpu.memref_slice %arg3[%dma_start3A_300, %dma_start3A_301] : memref<16384x128xf32, #tpu.memory_space<hbm>> -> memref<16384x128xf32, #tpu.memory_space<hbm>>
    tpu.enqueue_indirect_dma source(%dma_start3A_302 : memref<16384x128xf32, #tpu.memory_space<hbm>>) target(%arg7 : memref<128x128xf32, #tpu.memory_space<vmem>>) offsets(%dma_start3A_299 : memref<128xi32, #tpu.memory_space<vmem>>) semaphore(%arg9 : memref<!tpu.dma_semaphore, #tpu.memory_space<semaphore_mem>>)
    %dma_wait3A_303 = arith.constant 18 : i32
    %dma_wait3A_304 = arith.constant 0 : i32
    %dma_wait3A_305 = tpu.memref_slice %arg5[%dma_wait3A_303, %dma_wait3A_304] : memref<32x128xi32, #tpu.memory_space<vmem>> -> memref<1x128xi32, #tpu.memory_space<vmem>>
    %dma_wait3A_306 = tpu.memref_squeeze %dma_wait3A_305 : memref<1x128xi32, #tpu.memory_space<vmem>> -> memref<128xi32, #tpu.memory_space<vmem>>
    %dma_wait3A_307 = arith.constant 0 : i32
    %dma_wait3A_308 = arith.constant 0 : i32
    %dma_wait3A_309 = tpu.memref_slice %arg3[%dma_wait3A_307, %dma_wait3A_308] : memref<16384x128xf32, #tpu.memory_space<hbm>> -> memref<16384x128xf32, #tpu.memory_space<hbm>>
    tpu.wait_indirect_dma semaphore(%arg8 : memref<!tpu.dma_semaphore, #tpu.memory_space<semaphore_mem>>) src(%dma_wait3A_309 : memref<16384x128xf32, #tpu.memory_space<hbm>>) dst(%arg6 : memref<128x128xf32, #tpu.memory_space<vmem>>)
    %add3A_310 = arith.constant 2304 : i32
    %add3A_311 = arith.addi %mul3A_2, %add3A_310 : i32
    "tpu.region"() ({
      %run_scoped3A = tpu.sem_alloc : memref<!tpu.dma_semaphore, #tpu.memory_space<semaphore_mem>>
      %dma_start3A_513 = arith.constant 0 : i32
      %dma_start3A_514 = tpu.memref_slice %arg4[%add3A_311, %dma_start3A_513] : memref<131072x128xf32, #tpu.memory_space<hbm>> -> memref<128x128xf32, #tpu.memory_space<hbm>>
      %dma_start3A_515 = arith.constant 0 : i32
      %dma_start3A_516 = tpu.memref_slice %arg4[%add3A_311, %dma_start3A_515] : memref<131072x128xf32, #tpu.memory_space<hbm>> -> memref<128x128xf32, #tpu.memory_space<hbm>>
      tpu.enqueue_dma source(%arg6 : memref<128x128xf32, #tpu.memory_space<vmem>>) target(%dma_start3A_516 : memref<128x128xf32, #tpu.memory_space<hbm>>) target_semaphore(%run_scoped3A : memref<!tpu.dma_semaphore, #tpu.memory_space<semaphore_mem>>)
      %dma_wait3A_517 = arith.constant 0 : i32
      %dma_wait3A_518 = tpu.memref_slice %arg4[%add3A_311, %dma_wait3A_517] : memref<131072x128xf32, #tpu.memory_space<hbm>> -> memref<128x128xf32, #tpu.memory_space<hbm>>
      %dma_wait3A_519 = arith.constant 0 : i32
      %dma_wait3A_520 = tpu.memref_slice %arg4[%add3A_311, %dma_wait3A_519] : memref<131072x128xf32, #tpu.memory_space<hbm>> -> memref<128x128xf32, #tpu.memory_space<hbm>>
      tpu.wait_dma2 semaphore(%run_scoped3A : memref<!tpu.dma_semaphore, #tpu.memory_space<semaphore_mem>>) src(%arg6 : memref<128x128xf32, #tpu.memory_space<vmem>>) dst(%dma_wait3A_520 : memref<128x128xf32, #tpu.memory_space<hbm>>)
      tpu.yield
    }) : () -> ()
    %dma_start3A_312 = arith.constant 20 : i32
    %dma_start3A_313 = arith.constant 0 : i32
    %dma_start3A_314 = tpu.memref_slice %arg5[%dma_start3A_312, %dma_start3A_313] : memref<32x128xi32, #tpu.memory_space<vmem>> -> memref<1x128xi32, #tpu.memory_space<vmem>>
    %dma_start3A_315 = tpu.memref_squeeze %dma_start3A_314 : memref<1x128xi32, #tpu.memory_space<vmem>> -> memref<128xi32, #tpu.memory_space<vmem>>
    %dma_start3A_316 = arith.constant 0 : i32
    %dma_start3A_317 = arith.constant 0 : i32
    %dma_start3A_318 = tpu.memref_slice %arg3[%dma_start3A_316, %dma_start3A_317] : memref<16384x128xf32, #tpu.memory_space<hbm>> -> memref<16384x128xf32, #tpu.memory_space<hbm>>
    tpu.enqueue_indirect_dma source(%dma_start3A_318 : memref<16384x128xf32, #tpu.memory_space<hbm>>) target(%arg6 : memref<128x128xf32, #tpu.memory_space<vmem>>) offsets(%dma_start3A_315 : memref<128xi32, #tpu.memory_space<vmem>>) semaphore(%arg8 : memref<!tpu.dma_semaphore, #tpu.memory_space<semaphore_mem>>)
    %dma_wait3A_319 = arith.constant 19 : i32
    %dma_wait3A_320 = arith.constant 0 : i32
    %dma_wait3A_321 = tpu.memref_slice %arg5[%dma_wait3A_319, %dma_wait3A_320] : memref<32x128xi32, #tpu.memory_space<vmem>> -> memref<1x128xi32, #tpu.memory_space<vmem>>
    %dma_wait3A_322 = tpu.memref_squeeze %dma_wait3A_321 : memref<1x128xi32, #tpu.memory_space<vmem>> -> memref<128xi32, #tpu.memory_space<vmem>>
    %dma_wait3A_323 = arith.constant 0 : i32
    %dma_wait3A_324 = arith.constant 0 : i32
    %dma_wait3A_325 = tpu.memref_slice %arg3[%dma_wait3A_323, %dma_wait3A_324] : memref<16384x128xf32, #tpu.memory_space<hbm>> -> memref<16384x128xf32, #tpu.memory_space<hbm>>
    tpu.wait_indirect_dma semaphore(%arg9 : memref<!tpu.dma_semaphore, #tpu.memory_space<semaphore_mem>>) src(%dma_wait3A_325 : memref<16384x128xf32, #tpu.memory_space<hbm>>) dst(%arg7 : memref<128x128xf32, #tpu.memory_space<vmem>>)
    %add3A_326 = arith.constant 2432 : i32
    %add3A_327 = arith.addi %mul3A_2, %add3A_326 : i32
    "tpu.region"() ({
      %run_scoped3A = tpu.sem_alloc : memref<!tpu.dma_semaphore, #tpu.memory_space<semaphore_mem>>
      %dma_start3A_513 = arith.constant 0 : i32
      %dma_start3A_514 = tpu.memref_slice %arg4[%add3A_327, %dma_start3A_513] : memref<131072x128xf32, #tpu.memory_space<hbm>> -> memref<128x128xf32, #tpu.memory_space<hbm>>
      %dma_start3A_515 = arith.constant 0 : i32
      %dma_start3A_516 = tpu.memref_slice %arg4[%add3A_327, %dma_start3A_515] : memref<131072x128xf32, #tpu.memory_space<hbm>> -> memref<128x128xf32, #tpu.memory_space<hbm>>
      tpu.enqueue_dma source(%arg7 : memref<128x128xf32, #tpu.memory_space<vmem>>) target(%dma_start3A_516 : memref<128x128xf32, #tpu.memory_space<hbm>>) target_semaphore(%run_scoped3A : memref<!tpu.dma_semaphore, #tpu.memory_space<semaphore_mem>>)
      %dma_wait3A_517 = arith.constant 0 : i32
      %dma_wait3A_518 = tpu.memref_slice %arg4[%add3A_327, %dma_wait3A_517] : memref<131072x128xf32, #tpu.memory_space<hbm>> -> memref<128x128xf32, #tpu.memory_space<hbm>>
      %dma_wait3A_519 = arith.constant 0 : i32
      %dma_wait3A_520 = tpu.memref_slice %arg4[%add3A_327, %dma_wait3A_519] : memref<131072x128xf32, #tpu.memory_space<hbm>> -> memref<128x128xf32, #tpu.memory_space<hbm>>
      tpu.wait_dma2 semaphore(%run_scoped3A : memref<!tpu.dma_semaphore, #tpu.memory_space<semaphore_mem>>) src(%arg7 : memref<128x128xf32, #tpu.memory_space<vmem>>) dst(%dma_wait3A_520 : memref<128x128xf32, #tpu.memory_space<hbm>>)
      tpu.yield
    }) : () -> ()
    %dma_start3A_328 = arith.constant 21 : i32
    %dma_start3A_329 = arith.constant 0 : i32
    %dma_start3A_330 = tpu.memref_slice %arg5[%dma_start3A_328, %dma_start3A_329] : memref<32x128xi32, #tpu.memory_space<vmem>> -> memref<1x128xi32, #tpu.memory_space<vmem>>
    %dma_start3A_331 = tpu.memref_squeeze %dma_start3A_330 : memref<1x128xi32, #tpu.memory_space<vmem>> -> memref<128xi32, #tpu.memory_space<vmem>>
    %dma_start3A_332 = arith.constant 0 : i32
    %dma_start3A_333 = arith.constant 0 : i32
    %dma_start3A_334 = tpu.memref_slice %arg3[%dma_start3A_332, %dma_start3A_333] : memref<16384x128xf32, #tpu.memory_space<hbm>> -> memref<16384x128xf32, #tpu.memory_space<hbm>>
    tpu.enqueue_indirect_dma source(%dma_start3A_334 : memref<16384x128xf32, #tpu.memory_space<hbm>>) target(%arg7 : memref<128x128xf32, #tpu.memory_space<vmem>>) offsets(%dma_start3A_331 : memref<128xi32, #tpu.memory_space<vmem>>) semaphore(%arg9 : memref<!tpu.dma_semaphore, #tpu.memory_space<semaphore_mem>>)
    %dma_wait3A_335 = arith.constant 20 : i32
    %dma_wait3A_336 = arith.constant 0 : i32
    %dma_wait3A_337 = tpu.memref_slice %arg5[%dma_wait3A_335, %dma_wait3A_336] : memref<32x128xi32, #tpu.memory_space<vmem>> -> memref<1x128xi32, #tpu.memory_space<vmem>>
    %dma_wait3A_338 = tpu.memref_squeeze %dma_wait3A_337 : memref<1x128xi32, #tpu.memory_space<vmem>> -> memref<128xi32, #tpu.memory_space<vmem>>
    %dma_wait3A_339 = arith.constant 0 : i32
    %dma_wait3A_340 = arith.constant 0 : i32
    %dma_wait3A_341 = tpu.memref_slice %arg3[%dma_wait3A_339, %dma_wait3A_340] : memref<16384x128xf32, #tpu.memory_space<hbm>> -> memref<16384x128xf32, #tpu.memory_space<hbm>>
    tpu.wait_indirect_dma semaphore(%arg8 : memref<!tpu.dma_semaphore, #tpu.memory_space<semaphore_mem>>) src(%dma_wait3A_341 : memref<16384x128xf32, #tpu.memory_space<hbm>>) dst(%arg6 : memref<128x128xf32, #tpu.memory_space<vmem>>)
    %add3A_342 = arith.constant 2560 : i32
    %add3A_343 = arith.addi %mul3A_2, %add3A_342 : i32
    "tpu.region"() ({
      %run_scoped3A = tpu.sem_alloc : memref<!tpu.dma_semaphore, #tpu.memory_space<semaphore_mem>>
      %dma_start3A_513 = arith.constant 0 : i32
      %dma_start3A_514 = tpu.memref_slice %arg4[%add3A_343, %dma_start3A_513] : memref<131072x128xf32, #tpu.memory_space<hbm>> -> memref<128x128xf32, #tpu.memory_space<hbm>>
      %dma_start3A_515 = arith.constant 0 : i32
      %dma_start3A_516 = tpu.memref_slice %arg4[%add3A_343, %dma_start3A_515] : memref<131072x128xf32, #tpu.memory_space<hbm>> -> memref<128x128xf32, #tpu.memory_space<hbm>>
      tpu.enqueue_dma source(%arg6 : memref<128x128xf32, #tpu.memory_space<vmem>>) target(%dma_start3A_516 : memref<128x128xf32, #tpu.memory_space<hbm>>) target_semaphore(%run_scoped3A : memref<!tpu.dma_semaphore, #tpu.memory_space<semaphore_mem>>)
      %dma_wait3A_517 = arith.constant 0 : i32
      %dma_wait3A_518 = tpu.memref_slice %arg4[%add3A_343, %dma_wait3A_517] : memref<131072x128xf32, #tpu.memory_space<hbm>> -> memref<128x128xf32, #tpu.memory_space<hbm>>
      %dma_wait3A_519 = arith.constant 0 : i32
      %dma_wait3A_520 = tpu.memref_slice %arg4[%add3A_343, %dma_wait3A_519] : memref<131072x128xf32, #tpu.memory_space<hbm>> -> memref<128x128xf32, #tpu.memory_space<hbm>>
      tpu.wait_dma2 semaphore(%run_scoped3A : memref<!tpu.dma_semaphore, #tpu.memory_space<semaphore_mem>>) src(%arg6 : memref<128x128xf32, #tpu.memory_space<vmem>>) dst(%dma_wait3A_520 : memref<128x128xf32, #tpu.memory_space<hbm>>)
      tpu.yield
    }) : () -> ()
    %dma_start3A_344 = arith.constant 22 : i32
    %dma_start3A_345 = arith.constant 0 : i32
    %dma_start3A_346 = tpu.memref_slice %arg5[%dma_start3A_344, %dma_start3A_345] : memref<32x128xi32, #tpu.memory_space<vmem>> -> memref<1x128xi32, #tpu.memory_space<vmem>>
    %dma_start3A_347 = tpu.memref_squeeze %dma_start3A_346 : memref<1x128xi32, #tpu.memory_space<vmem>> -> memref<128xi32, #tpu.memory_space<vmem>>
    %dma_start3A_348 = arith.constant 0 : i32
    %dma_start3A_349 = arith.constant 0 : i32
    %dma_start3A_350 = tpu.memref_slice %arg3[%dma_start3A_348, %dma_start3A_349] : memref<16384x128xf32, #tpu.memory_space<hbm>> -> memref<16384x128xf32, #tpu.memory_space<hbm>>
    tpu.enqueue_indirect_dma source(%dma_start3A_350 : memref<16384x128xf32, #tpu.memory_space<hbm>>) target(%arg6 : memref<128x128xf32, #tpu.memory_space<vmem>>) offsets(%dma_start3A_347 : memref<128xi32, #tpu.memory_space<vmem>>) semaphore(%arg8 : memref<!tpu.dma_semaphore, #tpu.memory_space<semaphore_mem>>)
    %dma_wait3A_351 = arith.constant 21 : i32
    %dma_wait3A_352 = arith.constant 0 : i32
    %dma_wait3A_353 = tpu.memref_slice %arg5[%dma_wait3A_351, %dma_wait3A_352] : memref<32x128xi32, #tpu.memory_space<vmem>> -> memref<1x128xi32, #tpu.memory_space<vmem>>
    %dma_wait3A_354 = tpu.memref_squeeze %dma_wait3A_353 : memref<1x128xi32, #tpu.memory_space<vmem>> -> memref<128xi32, #tpu.memory_space<vmem>>
    %dma_wait3A_355 = arith.constant 0 : i32
    %dma_wait3A_356 = arith.constant 0 : i32
    %dma_wait3A_357 = tpu.memref_slice %arg3[%dma_wait3A_355, %dma_wait3A_356] : memref<16384x128xf32, #tpu.memory_space<hbm>> -> memref<16384x128xf32, #tpu.memory_space<hbm>>
    tpu.wait_indirect_dma semaphore(%arg9 : memref<!tpu.dma_semaphore, #tpu.memory_space<semaphore_mem>>) src(%dma_wait3A_357 : memref<16384x128xf32, #tpu.memory_space<hbm>>) dst(%arg7 : memref<128x128xf32, #tpu.memory_space<vmem>>)
    %add3A_358 = arith.constant 2688 : i32
    %add3A_359 = arith.addi %mul3A_2, %add3A_358 : i32
    "tpu.region"() ({
      %run_scoped3A = tpu.sem_alloc : memref<!tpu.dma_semaphore, #tpu.memory_space<semaphore_mem>>
      %dma_start3A_513 = arith.constant 0 : i32
      %dma_start3A_514 = tpu.memref_slice %arg4[%add3A_359, %dma_start3A_513] : memref<131072x128xf32, #tpu.memory_space<hbm>> -> memref<128x128xf32, #tpu.memory_space<hbm>>
      %dma_start3A_515 = arith.constant 0 : i32
      %dma_start3A_516 = tpu.memref_slice %arg4[%add3A_359, %dma_start3A_515] : memref<131072x128xf32, #tpu.memory_space<hbm>> -> memref<128x128xf32, #tpu.memory_space<hbm>>
      tpu.enqueue_dma source(%arg7 : memref<128x128xf32, #tpu.memory_space<vmem>>) target(%dma_start3A_516 : memref<128x128xf32, #tpu.memory_space<hbm>>) target_semaphore(%run_scoped3A : memref<!tpu.dma_semaphore, #tpu.memory_space<semaphore_mem>>)
      %dma_wait3A_517 = arith.constant 0 : i32
      %dma_wait3A_518 = tpu.memref_slice %arg4[%add3A_359, %dma_wait3A_517] : memref<131072x128xf32, #tpu.memory_space<hbm>> -> memref<128x128xf32, #tpu.memory_space<hbm>>
      %dma_wait3A_519 = arith.constant 0 : i32
      %dma_wait3A_520 = tpu.memref_slice %arg4[%add3A_359, %dma_wait3A_519] : memref<131072x128xf32, #tpu.memory_space<hbm>> -> memref<128x128xf32, #tpu.memory_space<hbm>>
      tpu.wait_dma2 semaphore(%run_scoped3A : memref<!tpu.dma_semaphore, #tpu.memory_space<semaphore_mem>>) src(%arg7 : memref<128x128xf32, #tpu.memory_space<vmem>>) dst(%dma_wait3A_520 : memref<128x128xf32, #tpu.memory_space<hbm>>)
      tpu.yield
    }) : () -> ()
    %dma_start3A_360 = arith.constant 23 : i32
    %dma_start3A_361 = arith.constant 0 : i32
    %dma_start3A_362 = tpu.memref_slice %arg5[%dma_start3A_360, %dma_start3A_361] : memref<32x128xi32, #tpu.memory_space<vmem>> -> memref<1x128xi32, #tpu.memory_space<vmem>>
    %dma_start3A_363 = tpu.memref_squeeze %dma_start3A_362 : memref<1x128xi32, #tpu.memory_space<vmem>> -> memref<128xi32, #tpu.memory_space<vmem>>
    %dma_start3A_364 = arith.constant 0 : i32
    %dma_start3A_365 = arith.constant 0 : i32
    %dma_start3A_366 = tpu.memref_slice %arg3[%dma_start3A_364, %dma_start3A_365] : memref<16384x128xf32, #tpu.memory_space<hbm>> -> memref<16384x128xf32, #tpu.memory_space<hbm>>
    tpu.enqueue_indirect_dma source(%dma_start3A_366 : memref<16384x128xf32, #tpu.memory_space<hbm>>) target(%arg7 : memref<128x128xf32, #tpu.memory_space<vmem>>) offsets(%dma_start3A_363 : memref<128xi32, #tpu.memory_space<vmem>>) semaphore(%arg9 : memref<!tpu.dma_semaphore, #tpu.memory_space<semaphore_mem>>)
    %dma_wait3A_367 = arith.constant 22 : i32
    %dma_wait3A_368 = arith.constant 0 : i32
    %dma_wait3A_369 = tpu.memref_slice %arg5[%dma_wait3A_367, %dma_wait3A_368] : memref<32x128xi32, #tpu.memory_space<vmem>> -> memref<1x128xi32, #tpu.memory_space<vmem>>
    %dma_wait3A_370 = tpu.memref_squeeze %dma_wait3A_369 : memref<1x128xi32, #tpu.memory_space<vmem>> -> memref<128xi32, #tpu.memory_space<vmem>>
    %dma_wait3A_371 = arith.constant 0 : i32
    %dma_wait3A_372 = arith.constant 0 : i32
    %dma_wait3A_373 = tpu.memref_slice %arg3[%dma_wait3A_371, %dma_wait3A_372] : memref<16384x128xf32, #tpu.memory_space<hbm>> -> memref<16384x128xf32, #tpu.memory_space<hbm>>
    tpu.wait_indirect_dma semaphore(%arg8 : memref<!tpu.dma_semaphore, #tpu.memory_space<semaphore_mem>>) src(%dma_wait3A_373 : memref<16384x128xf32, #tpu.memory_space<hbm>>) dst(%arg6 : memref<128x128xf32, #tpu.memory_space<vmem>>)
    %add3A_374 = arith.constant 2816 : i32
    %add3A_375 = arith.addi %mul3A_2, %add3A_374 : i32
    "tpu.region"() ({
      %run_scoped3A = tpu.sem_alloc : memref<!tpu.dma_semaphore, #tpu.memory_space<semaphore_mem>>
      %dma_start3A_513 = arith.constant 0 : i32
      %dma_start3A_514 = tpu.memref_slice %arg4[%add3A_375, %dma_start3A_513] : memref<131072x128xf32, #tpu.memory_space<hbm>> -> memref<128x128xf32, #tpu.memory_space<hbm>>
      %dma_start3A_515 = arith.constant 0 : i32
      %dma_start3A_516 = tpu.memref_slice %arg4[%add3A_375, %dma_start3A_515] : memref<131072x128xf32, #tpu.memory_space<hbm>> -> memref<128x128xf32, #tpu.memory_space<hbm>>
      tpu.enqueue_dma source(%arg6 : memref<128x128xf32, #tpu.memory_space<vmem>>) target(%dma_start3A_516 : memref<128x128xf32, #tpu.memory_space<hbm>>) target_semaphore(%run_scoped3A : memref<!tpu.dma_semaphore, #tpu.memory_space<semaphore_mem>>)
      %dma_wait3A_517 = arith.constant 0 : i32
      %dma_wait3A_518 = tpu.memref_slice %arg4[%add3A_375, %dma_wait3A_517] : memref<131072x128xf32, #tpu.memory_space<hbm>> -> memref<128x128xf32, #tpu.memory_space<hbm>>
      %dma_wait3A_519 = arith.constant 0 : i32
      %dma_wait3A_520 = tpu.memref_slice %arg4[%add3A_375, %dma_wait3A_519] : memref<131072x128xf32, #tpu.memory_space<hbm>> -> memref<128x128xf32, #tpu.memory_space<hbm>>
      tpu.wait_dma2 semaphore(%run_scoped3A : memref<!tpu.dma_semaphore, #tpu.memory_space<semaphore_mem>>) src(%arg6 : memref<128x128xf32, #tpu.memory_space<vmem>>) dst(%dma_wait3A_520 : memref<128x128xf32, #tpu.memory_space<hbm>>)
      tpu.yield
    }) : () -> ()
    %dma_start3A_376 = arith.constant 24 : i32
    %dma_start3A_377 = arith.constant 0 : i32
    %dma_start3A_378 = tpu.memref_slice %arg5[%dma_start3A_376, %dma_start3A_377] : memref<32x128xi32, #tpu.memory_space<vmem>> -> memref<1x128xi32, #tpu.memory_space<vmem>>
    %dma_start3A_379 = tpu.memref_squeeze %dma_start3A_378 : memref<1x128xi32, #tpu.memory_space<vmem>> -> memref<128xi32, #tpu.memory_space<vmem>>
    %dma_start3A_380 = arith.constant 0 : i32
    %dma_start3A_381 = arith.constant 0 : i32
    %dma_start3A_382 = tpu.memref_slice %arg3[%dma_start3A_380, %dma_start3A_381] : memref<16384x128xf32, #tpu.memory_space<hbm>> -> memref<16384x128xf32, #tpu.memory_space<hbm>>
    tpu.enqueue_indirect_dma source(%dma_start3A_382 : memref<16384x128xf32, #tpu.memory_space<hbm>>) target(%arg6 : memref<128x128xf32, #tpu.memory_space<vmem>>) offsets(%dma_start3A_379 : memref<128xi32, #tpu.memory_space<vmem>>) semaphore(%arg8 : memref<!tpu.dma_semaphore, #tpu.memory_space<semaphore_mem>>)
    %dma_wait3A_383 = arith.constant 23 : i32
    %dma_wait3A_384 = arith.constant 0 : i32
    %dma_wait3A_385 = tpu.memref_slice %arg5[%dma_wait3A_383, %dma_wait3A_384] : memref<32x128xi32, #tpu.memory_space<vmem>> -> memref<1x128xi32, #tpu.memory_space<vmem>>
    %dma_wait3A_386 = tpu.memref_squeeze %dma_wait3A_385 : memref<1x128xi32, #tpu.memory_space<vmem>> -> memref<128xi32, #tpu.memory_space<vmem>>
    %dma_wait3A_387 = arith.constant 0 : i32
    %dma_wait3A_388 = arith.constant 0 : i32
    %dma_wait3A_389 = tpu.memref_slice %arg3[%dma_wait3A_387, %dma_wait3A_388] : memref<16384x128xf32, #tpu.memory_space<hbm>> -> memref<16384x128xf32, #tpu.memory_space<hbm>>
    tpu.wait_indirect_dma semaphore(%arg9 : memref<!tpu.dma_semaphore, #tpu.memory_space<semaphore_mem>>) src(%dma_wait3A_389 : memref<16384x128xf32, #tpu.memory_space<hbm>>) dst(%arg7 : memref<128x128xf32, #tpu.memory_space<vmem>>)
    %add3A_390 = arith.constant 2944 : i32
    %add3A_391 = arith.addi %mul3A_2, %add3A_390 : i32
    "tpu.region"() ({
      %run_scoped3A = tpu.sem_alloc : memref<!tpu.dma_semaphore, #tpu.memory_space<semaphore_mem>>
      %dma_start3A_513 = arith.constant 0 : i32
      %dma_start3A_514 = tpu.memref_slice %arg4[%add3A_391, %dma_start3A_513] : memref<131072x128xf32, #tpu.memory_space<hbm>> -> memref<128x128xf32, #tpu.memory_space<hbm>>
      %dma_start3A_515 = arith.constant 0 : i32
      %dma_start3A_516 = tpu.memref_slice %arg4[%add3A_391, %dma_start3A_515] : memref<131072x128xf32, #tpu.memory_space<hbm>> -> memref<128x128xf32, #tpu.memory_space<hbm>>
      tpu.enqueue_dma source(%arg7 : memref<128x128xf32, #tpu.memory_space<vmem>>) target(%dma_start3A_516 : memref<128x128xf32, #tpu.memory_space<hbm>>) target_semaphore(%run_scoped3A : memref<!tpu.dma_semaphore, #tpu.memory_space<semaphore_mem>>)
      %dma_wait3A_517 = arith.constant 0 : i32
      %dma_wait3A_518 = tpu.memref_slice %arg4[%add3A_391, %dma_wait3A_517] : memref<131072x128xf32, #tpu.memory_space<hbm>> -> memref<128x128xf32, #tpu.memory_space<hbm>>
      %dma_wait3A_519 = arith.constant 0 : i32
      %dma_wait3A_520 = tpu.memref_slice %arg4[%add3A_391, %dma_wait3A_519] : memref<131072x128xf32, #tpu.memory_space<hbm>> -> memref<128x128xf32, #tpu.memory_space<hbm>>
      tpu.wait_dma2 semaphore(%run_scoped3A : memref<!tpu.dma_semaphore, #tpu.memory_space<semaphore_mem>>) src(%arg7 : memref<128x128xf32, #tpu.memory_space<vmem>>) dst(%dma_wait3A_520 : memref<128x128xf32, #tpu.memory_space<hbm>>)
      tpu.yield
    }) : () -> ()
    %dma_start3A_392 = arith.constant 25 : i32
    %dma_start3A_393 = arith.constant 0 : i32
    %dma_start3A_394 = tpu.memref_slice %arg5[%dma_start3A_392, %dma_start3A_393] : memref<32x128xi32, #tpu.memory_space<vmem>> -> memref<1x128xi32, #tpu.memory_space<vmem>>
    %dma_start3A_395 = tpu.memref_squeeze %dma_start3A_394 : memref<1x128xi32, #tpu.memory_space<vmem>> -> memref<128xi32, #tpu.memory_space<vmem>>
    %dma_start3A_396 = arith.constant 0 : i32
    %dma_start3A_397 = arith.constant 0 : i32
    %dma_start3A_398 = tpu.memref_slice %arg3[%dma_start3A_396, %dma_start3A_397] : memref<16384x128xf32, #tpu.memory_space<hbm>> -> memref<16384x128xf32, #tpu.memory_space<hbm>>
    tpu.enqueue_indirect_dma source(%dma_start3A_398 : memref<16384x128xf32, #tpu.memory_space<hbm>>) target(%arg7 : memref<128x128xf32, #tpu.memory_space<vmem>>) offsets(%dma_start3A_395 : memref<128xi32, #tpu.memory_space<vmem>>) semaphore(%arg9 : memref<!tpu.dma_semaphore, #tpu.memory_space<semaphore_mem>>)
    %dma_wait3A_399 = arith.constant 24 : i32
    %dma_wait3A_400 = arith.constant 0 : i32
    %dma_wait3A_401 = tpu.memref_slice %arg5[%dma_wait3A_399, %dma_wait3A_400] : memref<32x128xi32, #tpu.memory_space<vmem>> -> memref<1x128xi32, #tpu.memory_space<vmem>>
    %dma_wait3A_402 = tpu.memref_squeeze %dma_wait3A_401 : memref<1x128xi32, #tpu.memory_space<vmem>> -> memref<128xi32, #tpu.memory_space<vmem>>
    %dma_wait3A_403 = arith.constant 0 : i32
    %dma_wait3A_404 = arith.constant 0 : i32
    %dma_wait3A_405 = tpu.memref_slice %arg3[%dma_wait3A_403, %dma_wait3A_404] : memref<16384x128xf32, #tpu.memory_space<hbm>> -> memref<16384x128xf32, #tpu.memory_space<hbm>>
    tpu.wait_indirect_dma semaphore(%arg8 : memref<!tpu.dma_semaphore, #tpu.memory_space<semaphore_mem>>) src(%dma_wait3A_405 : memref<16384x128xf32, #tpu.memory_space<hbm>>) dst(%arg6 : memref<128x128xf32, #tpu.memory_space<vmem>>)
    %add3A_406 = arith.constant 3072 : i32
    %add3A_407 = arith.addi %mul3A_2, %add3A_406 : i32
    "tpu.region"() ({
      %run_scoped3A = tpu.sem_alloc : memref<!tpu.dma_semaphore, #tpu.memory_space<semaphore_mem>>
      %dma_start3A_513 = arith.constant 0 : i32
      %dma_start3A_514 = tpu.memref_slice %arg4[%add3A_407, %dma_start3A_513] : memref<131072x128xf32, #tpu.memory_space<hbm>> -> memref<128x128xf32, #tpu.memory_space<hbm>>
      %dma_start3A_515 = arith.constant 0 : i32
      %dma_start3A_516 = tpu.memref_slice %arg4[%add3A_407, %dma_start3A_515] : memref<131072x128xf32, #tpu.memory_space<hbm>> -> memref<128x128xf32, #tpu.memory_space<hbm>>
      tpu.enqueue_dma source(%arg6 : memref<128x128xf32, #tpu.memory_space<vmem>>) target(%dma_start3A_516 : memref<128x128xf32, #tpu.memory_space<hbm>>) target_semaphore(%run_scoped3A : memref<!tpu.dma_semaphore, #tpu.memory_space<semaphore_mem>>)
      %dma_wait3A_517 = arith.constant 0 : i32
      %dma_wait3A_518 = tpu.memref_slice %arg4[%add3A_407, %dma_wait3A_517] : memref<131072x128xf32, #tpu.memory_space<hbm>> -> memref<128x128xf32, #tpu.memory_space<hbm>>
      %dma_wait3A_519 = arith.constant 0 : i32
      %dma_wait3A_520 = tpu.memref_slice %arg4[%add3A_407, %dma_wait3A_519] : memref<131072x128xf32, #tpu.memory_space<hbm>> -> memref<128x128xf32, #tpu.memory_space<hbm>>
      tpu.wait_dma2 semaphore(%run_scoped3A : memref<!tpu.dma_semaphore, #tpu.memory_space<semaphore_mem>>) src(%arg6 : memref<128x128xf32, #tpu.memory_space<vmem>>) dst(%dma_wait3A_520 : memref<128x128xf32, #tpu.memory_space<hbm>>)
      tpu.yield
    }) : () -> ()
    %dma_start3A_408 = arith.constant 26 : i32
    %dma_start3A_409 = arith.constant 0 : i32
    %dma_start3A_410 = tpu.memref_slice %arg5[%dma_start3A_408, %dma_start3A_409] : memref<32x128xi32, #tpu.memory_space<vmem>> -> memref<1x128xi32, #tpu.memory_space<vmem>>
    %dma_start3A_411 = tpu.memref_squeeze %dma_start3A_410 : memref<1x128xi32, #tpu.memory_space<vmem>> -> memref<128xi32, #tpu.memory_space<vmem>>
    %dma_start3A_412 = arith.constant 0 : i32
    %dma_start3A_413 = arith.constant 0 : i32
    %dma_start3A_414 = tpu.memref_slice %arg3[%dma_start3A_412, %dma_start3A_413] : memref<16384x128xf32, #tpu.memory_space<hbm>> -> memref<16384x128xf32, #tpu.memory_space<hbm>>
    tpu.enqueue_indirect_dma source(%dma_start3A_414 : memref<16384x128xf32, #tpu.memory_space<hbm>>) target(%arg6 : memref<128x128xf32, #tpu.memory_space<vmem>>) offsets(%dma_start3A_411 : memref<128xi32, #tpu.memory_space<vmem>>) semaphore(%arg8 : memref<!tpu.dma_semaphore, #tpu.memory_space<semaphore_mem>>)
    %dma_wait3A_415 = arith.constant 25 : i32
    %dma_wait3A_416 = arith.constant 0 : i32
    %dma_wait3A_417 = tpu.memref_slice %arg5[%dma_wait3A_415, %dma_wait3A_416] : memref<32x128xi32, #tpu.memory_space<vmem>> -> memref<1x128xi32, #tpu.memory_space<vmem>>
    %dma_wait3A_418 = tpu.memref_squeeze %dma_wait3A_417 : memref<1x128xi32, #tpu.memory_space<vmem>> -> memref<128xi32, #tpu.memory_space<vmem>>
    %dma_wait3A_419 = arith.constant 0 : i32
    %dma_wait3A_420 = arith.constant 0 : i32
    %dma_wait3A_421 = tpu.memref_slice %arg3[%dma_wait3A_419, %dma_wait3A_420] : memref<16384x128xf32, #tpu.memory_space<hbm>> -> memref<16384x128xf32, #tpu.memory_space<hbm>>
    tpu.wait_indirect_dma semaphore(%arg9 : memref<!tpu.dma_semaphore, #tpu.memory_space<semaphore_mem>>) src(%dma_wait3A_421 : memref<16384x128xf32, #tpu.memory_space<hbm>>) dst(%arg7 : memref<128x128xf32, #tpu.memory_space<vmem>>)
    %add3A_422 = arith.constant 3200 : i32
    %add3A_423 = arith.addi %mul3A_2, %add3A_422 : i32
    "tpu.region"() ({
      %run_scoped3A = tpu.sem_alloc : memref<!tpu.dma_semaphore, #tpu.memory_space<semaphore_mem>>
      %dma_start3A_513 = arith.constant 0 : i32
      %dma_start3A_514 = tpu.memref_slice %arg4[%add3A_423, %dma_start3A_513] : memref<131072x128xf32, #tpu.memory_space<hbm>> -> memref<128x128xf32, #tpu.memory_space<hbm>>
      %dma_start3A_515 = arith.constant 0 : i32
      %dma_start3A_516 = tpu.memref_slice %arg4[%add3A_423, %dma_start3A_515] : memref<131072x128xf32, #tpu.memory_space<hbm>> -> memref<128x128xf32, #tpu.memory_space<hbm>>
      tpu.enqueue_dma source(%arg7 : memref<128x128xf32, #tpu.memory_space<vmem>>) target(%dma_start3A_516 : memref<128x128xf32, #tpu.memory_space<hbm>>) target_semaphore(%run_scoped3A : memref<!tpu.dma_semaphore, #tpu.memory_space<semaphore_mem>>)
      %dma_wait3A_517 = arith.constant 0 : i32
      %dma_wait3A_518 = tpu.memref_slice %arg4[%add3A_423, %dma_wait3A_517] : memref<131072x128xf32, #tpu.memory_space<hbm>> -> memref<128x128xf32, #tpu.memory_space<hbm>>
      %dma_wait3A_519 = arith.constant 0 : i32
      %dma_wait3A_520 = tpu.memref_slice %arg4[%add3A_423, %dma_wait3A_519] : memref<131072x128xf32, #tpu.memory_space<hbm>> -> memref<128x128xf32, #tpu.memory_space<hbm>>
      tpu.wait_dma2 semaphore(%run_scoped3A : memref<!tpu.dma_semaphore, #tpu.memory_space<semaphore_mem>>) src(%arg7 : memref<128x128xf32, #tpu.memory_space<vmem>>) dst(%dma_wait3A_520 : memref<128x128xf32, #tpu.memory_space<hbm>>)
      tpu.yield
    }) : () -> ()
    %dma_start3A_424 = arith.constant 27 : i32
    %dma_start3A_425 = arith.constant 0 : i32
    %dma_start3A_426 = tpu.memref_slice %arg5[%dma_start3A_424, %dma_start3A_425] : memref<32x128xi32, #tpu.memory_space<vmem>> -> memref<1x128xi32, #tpu.memory_space<vmem>>
    %dma_start3A_427 = tpu.memref_squeeze %dma_start3A_426 : memref<1x128xi32, #tpu.memory_space<vmem>> -> memref<128xi32, #tpu.memory_space<vmem>>
    %dma_start3A_428 = arith.constant 0 : i32
    %dma_start3A_429 = arith.constant 0 : i32
    %dma_start3A_430 = tpu.memref_slice %arg3[%dma_start3A_428, %dma_start3A_429] : memref<16384x128xf32, #tpu.memory_space<hbm>> -> memref<16384x128xf32, #tpu.memory_space<hbm>>
    tpu.enqueue_indirect_dma source(%dma_start3A_430 : memref<16384x128xf32, #tpu.memory_space<hbm>>) target(%arg7 : memref<128x128xf32, #tpu.memory_space<vmem>>) offsets(%dma_start3A_427 : memref<128xi32, #tpu.memory_space<vmem>>) semaphore(%arg9 : memref<!tpu.dma_semaphore, #tpu.memory_space<semaphore_mem>>)
    %dma_wait3A_431 = arith.constant 26 : i32
    %dma_wait3A_432 = arith.constant 0 : i32
    %dma_wait3A_433 = tpu.memref_slice %arg5[%dma_wait3A_431, %dma_wait3A_432] : memref<32x128xi32, #tpu.memory_space<vmem>> -> memref<1x128xi32, #tpu.memory_space<vmem>>
    %dma_wait3A_434 = tpu.memref_squeeze %dma_wait3A_433 : memref<1x128xi32, #tpu.memory_space<vmem>> -> memref<128xi32, #tpu.memory_space<vmem>>
    %dma_wait3A_435 = arith.constant 0 : i32
    %dma_wait3A_436 = arith.constant 0 : i32
    %dma_wait3A_437 = tpu.memref_slice %arg3[%dma_wait3A_435, %dma_wait3A_436] : memref<16384x128xf32, #tpu.memory_space<hbm>> -> memref<16384x128xf32, #tpu.memory_space<hbm>>
    tpu.wait_indirect_dma semaphore(%arg8 : memref<!tpu.dma_semaphore, #tpu.memory_space<semaphore_mem>>) src(%dma_wait3A_437 : memref<16384x128xf32, #tpu.memory_space<hbm>>) dst(%arg6 : memref<128x128xf32, #tpu.memory_space<vmem>>)
    %add3A_438 = arith.constant 3328 : i32
    %add3A_439 = arith.addi %mul3A_2, %add3A_438 : i32
    "tpu.region"() ({
      %run_scoped3A = tpu.sem_alloc : memref<!tpu.dma_semaphore, #tpu.memory_space<semaphore_mem>>
      %dma_start3A_513 = arith.constant 0 : i32
      %dma_start3A_514 = tpu.memref_slice %arg4[%add3A_439, %dma_start3A_513] : memref<131072x128xf32, #tpu.memory_space<hbm>> -> memref<128x128xf32, #tpu.memory_space<hbm>>
      %dma_start3A_515 = arith.constant 0 : i32
      %dma_start3A_516 = tpu.memref_slice %arg4[%add3A_439, %dma_start3A_515] : memref<131072x128xf32, #tpu.memory_space<hbm>> -> memref<128x128xf32, #tpu.memory_space<hbm>>
      tpu.enqueue_dma source(%arg6 : memref<128x128xf32, #tpu.memory_space<vmem>>) target(%dma_start3A_516 : memref<128x128xf32, #tpu.memory_space<hbm>>) target_semaphore(%run_scoped3A : memref<!tpu.dma_semaphore, #tpu.memory_space<semaphore_mem>>)
      %dma_wait3A_517 = arith.constant 0 : i32
      %dma_wait3A_518 = tpu.memref_slice %arg4[%add3A_439, %dma_wait3A_517] : memref<131072x128xf32, #tpu.memory_space<hbm>> -> memref<128x128xf32, #tpu.memory_space<hbm>>
      %dma_wait3A_519 = arith.constant 0 : i32
      %dma_wait3A_520 = tpu.memref_slice %arg4[%add3A_439, %dma_wait3A_519] : memref<131072x128xf32, #tpu.memory_space<hbm>> -> memref<128x128xf32, #tpu.memory_space<hbm>>
      tpu.wait_dma2 semaphore(%run_scoped3A : memref<!tpu.dma_semaphore, #tpu.memory_space<semaphore_mem>>) src(%arg6 : memref<128x128xf32, #tpu.memory_space<vmem>>) dst(%dma_wait3A_520 : memref<128x128xf32, #tpu.memory_space<hbm>>)
      tpu.yield
    }) : () -> ()
    %dma_start3A_440 = arith.constant 28 : i32
    %dma_start3A_441 = arith.constant 0 : i32
    %dma_start3A_442 = tpu.memref_slice %arg5[%dma_start3A_440, %dma_start3A_441] : memref<32x128xi32, #tpu.memory_space<vmem>> -> memref<1x128xi32, #tpu.memory_space<vmem>>
    %dma_start3A_443 = tpu.memref_squeeze %dma_start3A_442 : memref<1x128xi32, #tpu.memory_space<vmem>> -> memref<128xi32, #tpu.memory_space<vmem>>
    %dma_start3A_444 = arith.constant 0 : i32
    %dma_start3A_445 = arith.constant 0 : i32
    %dma_start3A_446 = tpu.memref_slice %arg3[%dma_start3A_444, %dma_start3A_445] : memref<16384x128xf32, #tpu.memory_space<hbm>> -> memref<16384x128xf32, #tpu.memory_space<hbm>>
    tpu.enqueue_indirect_dma source(%dma_start3A_446 : memref<16384x128xf32, #tpu.memory_space<hbm>>) target(%arg6 : memref<128x128xf32, #tpu.memory_space<vmem>>) offsets(%dma_start3A_443 : memref<128xi32, #tpu.memory_space<vmem>>) semaphore(%arg8 : memref<!tpu.dma_semaphore, #tpu.memory_space<semaphore_mem>>)
    %dma_wait3A_447 = arith.constant 27 : i32
    %dma_wait3A_448 = arith.constant 0 : i32
    %dma_wait3A_449 = tpu.memref_slice %arg5[%dma_wait3A_447, %dma_wait3A_448] : memref<32x128xi32, #tpu.memory_space<vmem>> -> memref<1x128xi32, #tpu.memory_space<vmem>>
    %dma_wait3A_450 = tpu.memref_squeeze %dma_wait3A_449 : memref<1x128xi32, #tpu.memory_space<vmem>> -> memref<128xi32, #tpu.memory_space<vmem>>
    %dma_wait3A_451 = arith.constant 0 : i32
    %dma_wait3A_452 = arith.constant 0 : i32
    %dma_wait3A_453 = tpu.memref_slice %arg3[%dma_wait3A_451, %dma_wait3A_452] : memref<16384x128xf32, #tpu.memory_space<hbm>> -> memref<16384x128xf32, #tpu.memory_space<hbm>>
    tpu.wait_indirect_dma semaphore(%arg9 : memref<!tpu.dma_semaphore, #tpu.memory_space<semaphore_mem>>) src(%dma_wait3A_453 : memref<16384x128xf32, #tpu.memory_space<hbm>>) dst(%arg7 : memref<128x128xf32, #tpu.memory_space<vmem>>)
    %add3A_454 = arith.constant 3456 : i32
    %add3A_455 = arith.addi %mul3A_2, %add3A_454 : i32
    "tpu.region"() ({
      %run_scoped3A = tpu.sem_alloc : memref<!tpu.dma_semaphore, #tpu.memory_space<semaphore_mem>>
      %dma_start3A_513 = arith.constant 0 : i32
      %dma_start3A_514 = tpu.memref_slice %arg4[%add3A_455, %dma_start3A_513] : memref<131072x128xf32, #tpu.memory_space<hbm>> -> memref<128x128xf32, #tpu.memory_space<hbm>>
      %dma_start3A_515 = arith.constant 0 : i32
      %dma_start3A_516 = tpu.memref_slice %arg4[%add3A_455, %dma_start3A_515] : memref<131072x128xf32, #tpu.memory_space<hbm>> -> memref<128x128xf32, #tpu.memory_space<hbm>>
      tpu.enqueue_dma source(%arg7 : memref<128x128xf32, #tpu.memory_space<vmem>>) target(%dma_start3A_516 : memref<128x128xf32, #tpu.memory_space<hbm>>) target_semaphore(%run_scoped3A : memref<!tpu.dma_semaphore, #tpu.memory_space<semaphore_mem>>)
      %dma_wait3A_517 = arith.constant 0 : i32
      %dma_wait3A_518 = tpu.memref_slice %arg4[%add3A_455, %dma_wait3A_517] : memref<131072x128xf32, #tpu.memory_space<hbm>> -> memref<128x128xf32, #tpu.memory_space<hbm>>
      %dma_wait3A_519 = arith.constant 0 : i32
      %dma_wait3A_520 = tpu.memref_slice %arg4[%add3A_455, %dma_wait3A_519] : memref<131072x128xf32, #tpu.memory_space<hbm>> -> memref<128x128xf32, #tpu.memory_space<hbm>>
      tpu.wait_dma2 semaphore(%run_scoped3A : memref<!tpu.dma_semaphore, #tpu.memory_space<semaphore_mem>>) src(%arg7 : memref<128x128xf32, #tpu.memory_space<vmem>>) dst(%dma_wait3A_520 : memref<128x128xf32, #tpu.memory_space<hbm>>)
      tpu.yield
    }) : () -> ()
    %dma_start3A_456 = arith.constant 29 : i32
    %dma_start3A_457 = arith.constant 0 : i32
    %dma_start3A_458 = tpu.memref_slice %arg5[%dma_start3A_456, %dma_start3A_457] : memref<32x128xi32, #tpu.memory_space<vmem>> -> memref<1x128xi32, #tpu.memory_space<vmem>>
    %dma_start3A_459 = tpu.memref_squeeze %dma_start3A_458 : memref<1x128xi32, #tpu.memory_space<vmem>> -> memref<128xi32, #tpu.memory_space<vmem>>
    %dma_start3A_460 = arith.constant 0 : i32
    %dma_start3A_461 = arith.constant 0 : i32
    %dma_start3A_462 = tpu.memref_slice %arg3[%dma_start3A_460, %dma_start3A_461] : memref<16384x128xf32, #tpu.memory_space<hbm>> -> memref<16384x128xf32, #tpu.memory_space<hbm>>
    tpu.enqueue_indirect_dma source(%dma_start3A_462 : memref<16384x128xf32, #tpu.memory_space<hbm>>) target(%arg7 : memref<128x128xf32, #tpu.memory_space<vmem>>) offsets(%dma_start3A_459 : memref<128xi32, #tpu.memory_space<vmem>>) semaphore(%arg9 : memref<!tpu.dma_semaphore, #tpu.memory_space<semaphore_mem>>)
    %dma_wait3A_463 = arith.constant 28 : i32
    %dma_wait3A_464 = arith.constant 0 : i32
    %dma_wait3A_465 = tpu.memref_slice %arg5[%dma_wait3A_463, %dma_wait3A_464] : memref<32x128xi32, #tpu.memory_space<vmem>> -> memref<1x128xi32, #tpu.memory_space<vmem>>
    %dma_wait3A_466 = tpu.memref_squeeze %dma_wait3A_465 : memref<1x128xi32, #tpu.memory_space<vmem>> -> memref<128xi32, #tpu.memory_space<vmem>>
    %dma_wait3A_467 = arith.constant 0 : i32
    %dma_wait3A_468 = arith.constant 0 : i32
    %dma_wait3A_469 = tpu.memref_slice %arg3[%dma_wait3A_467, %dma_wait3A_468] : memref<16384x128xf32, #tpu.memory_space<hbm>> -> memref<16384x128xf32, #tpu.memory_space<hbm>>
    tpu.wait_indirect_dma semaphore(%arg8 : memref<!tpu.dma_semaphore, #tpu.memory_space<semaphore_mem>>) src(%dma_wait3A_469 : memref<16384x128xf32, #tpu.memory_space<hbm>>) dst(%arg6 : memref<128x128xf32, #tpu.memory_space<vmem>>)
    %add3A_470 = arith.constant 3584 : i32
    %add3A_471 = arith.addi %mul3A_2, %add3A_470 : i32
    "tpu.region"() ({
      %run_scoped3A = tpu.sem_alloc : memref<!tpu.dma_semaphore, #tpu.memory_space<semaphore_mem>>
      %dma_start3A_513 = arith.constant 0 : i32
      %dma_start3A_514 = tpu.memref_slice %arg4[%add3A_471, %dma_start3A_513] : memref<131072x128xf32, #tpu.memory_space<hbm>> -> memref<128x128xf32, #tpu.memory_space<hbm>>
      %dma_start3A_515 = arith.constant 0 : i32
      %dma_start3A_516 = tpu.memref_slice %arg4[%add3A_471, %dma_start3A_515] : memref<131072x128xf32, #tpu.memory_space<hbm>> -> memref<128x128xf32, #tpu.memory_space<hbm>>
      tpu.enqueue_dma source(%arg6 : memref<128x128xf32, #tpu.memory_space<vmem>>) target(%dma_start3A_516 : memref<128x128xf32, #tpu.memory_space<hbm>>) target_semaphore(%run_scoped3A : memref<!tpu.dma_semaphore, #tpu.memory_space<semaphore_mem>>)
      %dma_wait3A_517 = arith.constant 0 : i32
      %dma_wait3A_518 = tpu.memref_slice %arg4[%add3A_471, %dma_wait3A_517] : memref<131072x128xf32, #tpu.memory_space<hbm>> -> memref<128x128xf32, #tpu.memory_space<hbm>>
      %dma_wait3A_519 = arith.constant 0 : i32
      %dma_wait3A_520 = tpu.memref_slice %arg4[%add3A_471, %dma_wait3A_519] : memref<131072x128xf32, #tpu.memory_space<hbm>> -> memref<128x128xf32, #tpu.memory_space<hbm>>
      tpu.wait_dma2 semaphore(%run_scoped3A : memref<!tpu.dma_semaphore, #tpu.memory_space<semaphore_mem>>) src(%arg6 : memref<128x128xf32, #tpu.memory_space<vmem>>) dst(%dma_wait3A_520 : memref<128x128xf32, #tpu.memory_space<hbm>>)
      tpu.yield
    }) : () -> ()
    %dma_start3A_472 = arith.constant 30 : i32
    %dma_start3A_473 = arith.constant 0 : i32
    %dma_start3A_474 = tpu.memref_slice %arg5[%dma_start3A_472, %dma_start3A_473] : memref<32x128xi32, #tpu.memory_space<vmem>> -> memref<1x128xi32, #tpu.memory_space<vmem>>
    %dma_start3A_475 = tpu.memref_squeeze %dma_start3A_474 : memref<1x128xi32, #tpu.memory_space<vmem>> -> memref<128xi32, #tpu.memory_space<vmem>>
    %dma_start3A_476 = arith.constant 0 : i32
    %dma_start3A_477 = arith.constant 0 : i32
    %dma_start3A_478 = tpu.memref_slice %arg3[%dma_start3A_476, %dma_start3A_477] : memref<16384x128xf32, #tpu.memory_space<hbm>> -> memref<16384x128xf32, #tpu.memory_space<hbm>>
    tpu.enqueue_indirect_dma source(%dma_start3A_478 : memref<16384x128xf32, #tpu.memory_space<hbm>>) target(%arg6 : memref<128x128xf32, #tpu.memory_space<vmem>>) offsets(%dma_start3A_475 : memref<128xi32, #tpu.memory_space<vmem>>) semaphore(%arg8 : memref<!tpu.dma_semaphore, #tpu.memory_space<semaphore_mem>>)
    %dma_wait3A_479 = arith.constant 29 : i32
    %dma_wait3A_480 = arith.constant 0 : i32
    %dma_wait3A_481 = tpu.memref_slice %arg5[%dma_wait3A_479, %dma_wait3A_480] : memref<32x128xi32, #tpu.memory_space<vmem>> -> memref<1x128xi32, #tpu.memory_space<vmem>>
    %dma_wait3A_482 = tpu.memref_squeeze %dma_wait3A_481 : memref<1x128xi32, #tpu.memory_space<vmem>> -> memref<128xi32, #tpu.memory_space<vmem>>
    %dma_wait3A_483 = arith.constant 0 : i32
    %dma_wait3A_484 = arith.constant 0 : i32
    %dma_wait3A_485 = tpu.memref_slice %arg3[%dma_wait3A_483, %dma_wait3A_484] : memref<16384x128xf32, #tpu.memory_space<hbm>> -> memref<16384x128xf32, #tpu.memory_space<hbm>>
    tpu.wait_indirect_dma semaphore(%arg9 : memref<!tpu.dma_semaphore, #tpu.memory_space<semaphore_mem>>) src(%dma_wait3A_485 : memref<16384x128xf32, #tpu.memory_space<hbm>>) dst(%arg7 : memref<128x128xf32, #tpu.memory_space<vmem>>)
    %add3A_486 = arith.constant 3712 : i32
    %add3A_487 = arith.addi %mul3A_2, %add3A_486 : i32
    "tpu.region"() ({
      %run_scoped3A = tpu.sem_alloc : memref<!tpu.dma_semaphore, #tpu.memory_space<semaphore_mem>>
      %dma_start3A_513 = arith.constant 0 : i32
      %dma_start3A_514 = tpu.memref_slice %arg4[%add3A_487, %dma_start3A_513] : memref<131072x128xf32, #tpu.memory_space<hbm>> -> memref<128x128xf32, #tpu.memory_space<hbm>>
      %dma_start3A_515 = arith.constant 0 : i32
      %dma_start3A_516 = tpu.memref_slice %arg4[%add3A_487, %dma_start3A_515] : memref<131072x128xf32, #tpu.memory_space<hbm>> -> memref<128x128xf32, #tpu.memory_space<hbm>>
      tpu.enqueue_dma source(%arg7 : memref<128x128xf32, #tpu.memory_space<vmem>>) target(%dma_start3A_516 : memref<128x128xf32, #tpu.memory_space<hbm>>) target_semaphore(%run_scoped3A : memref<!tpu.dma_semaphore, #tpu.memory_space<semaphore_mem>>)
      %dma_wait3A_517 = arith.constant 0 : i32
      %dma_wait3A_518 = tpu.memref_slice %arg4[%add3A_487, %dma_wait3A_517] : memref<131072x128xf32, #tpu.memory_space<hbm>> -> memref<128x128xf32, #tpu.memory_space<hbm>>
      %dma_wait3A_519 = arith.constant 0 : i32
      %dma_wait3A_520 = tpu.memref_slice %arg4[%add3A_487, %dma_wait3A_519] : memref<131072x128xf32, #tpu.memory_space<hbm>> -> memref<128x128xf32, #tpu.memory_space<hbm>>
      tpu.wait_dma2 semaphore(%run_scoped3A : memref<!tpu.dma_semaphore, #tpu.memory_space<semaphore_mem>>) src(%arg7 : memref<128x128xf32, #tpu.memory_space<vmem>>) dst(%dma_wait3A_520 : memref<128x128xf32, #tpu.memory_space<hbm>>)
      tpu.yield
    }) : () -> ()
    %dma_start3A_488 = arith.constant 31 : i32
    %dma_start3A_489 = arith.constant 0 : i32
    %dma_start3A_490 = tpu.memref_slice %arg5[%dma_start3A_488, %dma_start3A_489] : memref<32x128xi32, #tpu.memory_space<vmem>> -> memref<1x128xi32, #tpu.memory_space<vmem>>
    %dma_start3A_491 = tpu.memref_squeeze %dma_start3A_490 : memref<1x128xi32, #tpu.memory_space<vmem>> -> memref<128xi32, #tpu.memory_space<vmem>>
    %dma_start3A_492 = arith.constant 0 : i32
    %dma_start3A_493 = arith.constant 0 : i32
    %dma_start3A_494 = tpu.memref_slice %arg3[%dma_start3A_492, %dma_start3A_493] : memref<16384x128xf32, #tpu.memory_space<hbm>> -> memref<16384x128xf32, #tpu.memory_space<hbm>>
    tpu.enqueue_indirect_dma source(%dma_start3A_494 : memref<16384x128xf32, #tpu.memory_space<hbm>>) target(%arg7 : memref<128x128xf32, #tpu.memory_space<vmem>>) offsets(%dma_start3A_491 : memref<128xi32, #tpu.memory_space<vmem>>) semaphore(%arg9 : memref<!tpu.dma_semaphore, #tpu.memory_space<semaphore_mem>>)
    %dma_wait3A_495 = arith.constant 30 : i32
    %dma_wait3A_496 = arith.constant 0 : i32
    %dma_wait3A_497 = tpu.memref_slice %arg5[%dma_wait3A_495, %dma_wait3A_496] : memref<32x128xi32, #tpu.memory_space<vmem>> -> memref<1x128xi32, #tpu.memory_space<vmem>>
    %dma_wait3A_498 = tpu.memref_squeeze %dma_wait3A_497 : memref<1x128xi32, #tpu.memory_space<vmem>> -> memref<128xi32, #tpu.memory_space<vmem>>
    %dma_wait3A_499 = arith.constant 0 : i32
    %dma_wait3A_500 = arith.constant 0 : i32
    %dma_wait3A_501 = tpu.memref_slice %arg3[%dma_wait3A_499, %dma_wait3A_500] : memref<16384x128xf32, #tpu.memory_space<hbm>> -> memref<16384x128xf32, #tpu.memory_space<hbm>>
    tpu.wait_indirect_dma semaphore(%arg8 : memref<!tpu.dma_semaphore, #tpu.memory_space<semaphore_mem>>) src(%dma_wait3A_501 : memref<16384x128xf32, #tpu.memory_space<hbm>>) dst(%arg6 : memref<128x128xf32, #tpu.memory_space<vmem>>)
    %add3A_502 = arith.constant 3840 : i32
    %add3A_503 = arith.addi %mul3A_2, %add3A_502 : i32
    "tpu.region"() ({
      %run_scoped3A = tpu.sem_alloc : memref<!tpu.dma_semaphore, #tpu.memory_space<semaphore_mem>>
      %dma_start3A_513 = arith.constant 0 : i32
      %dma_start3A_514 = tpu.memref_slice %arg4[%add3A_503, %dma_start3A_513] : memref<131072x128xf32, #tpu.memory_space<hbm>> -> memref<128x128xf32, #tpu.memory_space<hbm>>
      %dma_start3A_515 = arith.constant 0 : i32
      %dma_start3A_516 = tpu.memref_slice %arg4[%add3A_503, %dma_start3A_515] : memref<131072x128xf32, #tpu.memory_space<hbm>> -> memref<128x128xf32, #tpu.memory_space<hbm>>
      tpu.enqueue_dma source(%arg6 : memref<128x128xf32, #tpu.memory_space<vmem>>) target(%dma_start3A_516 : memref<128x128xf32, #tpu.memory_space<hbm>>) target_semaphore(%run_scoped3A : memref<!tpu.dma_semaphore, #tpu.memory_space<semaphore_mem>>)
      %dma_wait3A_517 = arith.constant 0 : i32
      %dma_wait3A_518 = tpu.memref_slice %arg4[%add3A_503, %dma_wait3A_517] : memref<131072x128xf32, #tpu.memory_space<hbm>> -> memref<128x128xf32, #tpu.memory_space<hbm>>
      %dma_wait3A_519 = arith.constant 0 : i32
      %dma_wait3A_520 = tpu.memref_slice %arg4[%add3A_503, %dma_wait3A_519] : memref<131072x128xf32, #tpu.memory_space<hbm>> -> memref<128x128xf32, #tpu.memory_space<hbm>>
      tpu.wait_dma2 semaphore(%run_scoped3A : memref<!tpu.dma_semaphore, #tpu.memory_space<semaphore_mem>>) src(%arg6 : memref<128x128xf32, #tpu.memory_space<vmem>>) dst(%dma_wait3A_520 : memref<128x128xf32, #tpu.memory_space<hbm>>)
      tpu.yield
    }) : () -> ()
    %dma_wait3A_504 = arith.constant 31 : i32
    %dma_wait3A_505 = arith.constant 0 : i32
    %dma_wait3A_506 = tpu.memref_slice %arg5[%dma_wait3A_504, %dma_wait3A_505] : memref<32x128xi32, #tpu.memory_space<vmem>> -> memref<1x128xi32, #tpu.memory_space<vmem>>
    %dma_wait3A_507 = tpu.memref_squeeze %dma_wait3A_506 : memref<1x128xi32, #tpu.memory_space<vmem>> -> memref<128xi32, #tpu.memory_space<vmem>>
    %dma_wait3A_508 = arith.constant 0 : i32
    %dma_wait3A_509 = arith.constant 0 : i32
    %dma_wait3A_510 = tpu.memref_slice %arg3[%dma_wait3A_508, %dma_wait3A_509] : memref<16384x128xf32, #tpu.memory_space<hbm>> -> memref<16384x128xf32, #tpu.memory_space<hbm>>
    tpu.wait_indirect_dma semaphore(%arg9 : memref<!tpu.dma_semaphore, #tpu.memory_space<semaphore_mem>>) src(%dma_wait3A_510 : memref<16384x128xf32, #tpu.memory_space<hbm>>) dst(%arg7 : memref<128x128xf32, #tpu.memory_space<vmem>>)
    %add3A_511 = arith.constant 3968 : i32
    %add3A_512 = arith.addi %mul3A_2, %add3A_511 : i32
    "tpu.region"() ({
      %run_scoped3A = tpu.sem_alloc : memref<!tpu.dma_semaphore, #tpu.memory_space<semaphore_mem>>
      %dma_start3A_513 = arith.constant 0 : i32
      %dma_start3A_514 = tpu.memref_slice %arg4[%add3A_512, %dma_start3A_513] : memref<131072x128xf32, #tpu.memory_space<hbm>> -> memref<128x128xf32, #tpu.memory_space<hbm>>
      %dma_start3A_515 = arith.constant 0 : i32
      %dma_start3A_516 = tpu.memref_slice %arg4[%add3A_512, %dma_start3A_515] : memref<131072x128xf32, #tpu.memory_space<hbm>> -> memref<128x128xf32, #tpu.memory_space<hbm>>
      tpu.enqueue_dma source(%arg7 : memref<128x128xf32, #tpu.memory_space<vmem>>) target(%dma_start3A_516 : memref<128x128xf32, #tpu.memory_space<hbm>>) target_semaphore(%run_scoped3A : memref<!tpu.dma_semaphore, #tpu.memory_space<semaphore_mem>>)
      %dma_wait3A_517 = arith.constant 0 : i32
      %dma_wait3A_518 = tpu.memref_slice %arg4[%add3A_512, %dma_wait3A_517] : memref<131072x128xf32, #tpu.memory_space<hbm>> -> memref<128x128xf32, #tpu.memory_space<hbm>>
      %dma_wait3A_519 = arith.constant 0 : i32
      %dma_wait3A_520 = tpu.memref_slice %arg4[%add3A_512, %dma_wait3A_519] : memref<131072x128xf32, #tpu.memory_space<hbm>> -> memref<128x128xf32, #tpu.memory_space<hbm>>
      tpu.wait_dma2 semaphore(%run_scoped3A : memref<!tpu.dma_semaphore, #tpu.memory_space<semaphore_mem>>) src(%arg7 : memref<128x128xf32, #tpu.memory_space<vmem>>) dst(%dma_wait3A_520 : memref<128x128xf32, #tpu.memory_space<hbm>>)
      tpu.yield
    }) : () -> ()
    return
  }
}

module attributes {stable_mosaic.version = 14 : i64} {
  func.func @_fps_body(%arg0: memref<2x3x8x1024xf32, #tpu.memory_space<vmem>>, %arg1: memref<2x3x16x128xf32, #tpu.memory_space<vmem>>) attributes {dimension_semantics = [], scalar_prefetch = 0 : i64, scratch_operands = 0 : i64, tpu.core_type = #tpu.core_type<tc>} {
    %iota3A = tpu.iota {dimensions = array<i32: 0>} : vector<8x1024xi32>
    %mul3A = arith.constant 1024 : i32
    %mul3A_0 = vector.broadcast %mul3A : i32 to vector<8x1024xi32>
    %mul3A_1 = arith.muli %iota3A, %mul3A_0 : vector<8x1024xi32>
    %iota3A_2 = tpu.iota {dimensions = array<i32: 1>} : vector<8x1024xi32>
    %add3A = arith.addi %mul3A_1, %iota3A_2 : vector<8x1024xi32>
    %iota3A_3 = tpu.iota {dimensions = array<i32: 0>} : vector<16x128xi32>
    %mul3A_4 = arith.constant 128 : i32
    %mul3A_5 = vector.broadcast %mul3A_4 : i32 to vector<16x128xi32>
    %mul3A_6 = arith.muli %iota3A_3, %mul3A_5 : vector<16x128xi32>
    %iota3A_7 = tpu.iota {dimensions = array<i32: 1>} : vector<16x128xi32>
    %add3A_8 = arith.addi %mul3A_6, %iota3A_7 : vector<16x128xi32>
    %get3A = arith.constant 0 : index
    %get3A_9 = arith.constant 0 : index
    %get3A_10 = arith.constant 0 : index
    %get3A_11 = arith.constant 0 : index
    %get3A_12 = vector.load %arg0[%get3A, %get3A_9, %get3A_10, %get3A_11] : memref<2x3x8x1024xf32, #tpu.memory_space<vmem>>, vector<1x1x8x1024xf32>
    %get3A_13 = vector.shape_cast %get3A_12 : vector<1x1x8x1024xf32> to vector<8x1024xf32>
    %get3A_14 = arith.constant 0 : index
    %get3A_15 = arith.constant 1 : index
    %get3A_16 = arith.constant 0 : index
    %get3A_17 = arith.constant 0 : index
    %get3A_18 = vector.load %arg0[%get3A_14, %get3A_15, %get3A_16, %get3A_17] : memref<2x3x8x1024xf32, #tpu.memory_space<vmem>>, vector<1x1x8x1024xf32>
    %get3A_19 = vector.shape_cast %get3A_18 : vector<1x1x8x1024xf32> to vector<8x1024xf32>
    %get3A_20 = arith.constant 0 : index
    %get3A_21 = arith.constant 2 : index
    %get3A_22 = arith.constant 0 : index
    %get3A_23 = arith.constant 0 : index
    %get3A_24 = vector.load %arg0[%get3A_20, %get3A_21, %get3A_22, %get3A_23] : memref<2x3x8x1024xf32, #tpu.memory_space<vmem>>, vector<1x1x8x1024xf32>
    %get3A_25 = vector.shape_cast %get3A_24 : vector<1x1x8x1024xf32> to vector<8x1024xf32>
    %broadcast_in_dim3A = arith.constant 1.000000e+10 : f32
    %broadcast_in_dim3A_26 = vector.broadcast %broadcast_in_dim3A : f32 to vector<8x1024xf32>
    %broadcast_in_dim3A_27 = arith.constant 0.000000e+00 : f32
    %broadcast_in_dim3A_28 = vector.broadcast %broadcast_in_dim3A_27 : f32 to vector<16x128xf32>
    %scan3A = arith.constant 8192 : i32
    %scan3A_29 = arith.constant 0 : i32
    %scan3A_30 = arith.constant 0 : i32
    %scan3A_31 = arith.constant 2048 : i32
    %scan3A_32 = arith.addi %scan3A_30, %scan3A_31 : i32
    %scan3A_33 = arith.constant 1 : i32
    %scan3A_34:5 = scf.for %scan3A_107 = %scan3A_30 to %scan3A_32 step %scan3A_33 iter_args(%scan3A_108 = %broadcast_in_dim3A_26, %scan3A_109 = %scan3A_29, %scan3A_110 = %broadcast_in_dim3A_28, %scan3A_111 = %broadcast_in_dim3A_28, %scan3A_112 = %broadcast_in_dim3A_28) -> (vector<8x1024xf32>, i32, vector<16x128xf32>, vector<16x128xf32>, vector<16x128xf32>)  : i32 {
      %eq3A = vector.broadcast %scan3A_109 : i32 to vector<8x1024xi32>
      %eq3A_113 = arith.cmpi eq, %add3A, %eq3A : vector<8x1024xi32>
      %convert_element_type3A = arith.extui %eq3A_113 : vector<8x1024xi1> to vector<8x1024xi32>
      %convert_element_type3A_114 = arith.sitofp %convert_element_type3A : vector<8x1024xi32> to vector<8x1024xf32>
      %mul3A_115 = arith.mulf %get3A_13, %convert_element_type3A_114 : vector<8x1024xf32>
      %reduce_sum3A = vector.shape_cast %mul3A_115 : vector<8x1024xf32> to vector<1x8x1024xf32>
      %reduce_sum3A_116 = arith.constant dense<0.000000e+00> : vector<1xf32>
      %reduce_sum3A_117 = vector.multi_reduction <add>, %reduce_sum3A, %reduce_sum3A_116 [1, 2] : vector<1x8x1024xf32> to vector<1xf32>
      %reduce_sum3A_118 = vector.shape_cast %reduce_sum3A_117 : vector<1xf32> to vector<1x1x1xf32>
      %reduce_sum3A_119 = vector.extract %reduce_sum3A_118[0, 0, 0] : f32 from vector<1x1x1xf32>
      %mul3A_120 = arith.mulf %get3A_19, %convert_element_type3A_114 : vector<8x1024xf32>
      %reduce_sum3A_121 = vector.shape_cast %mul3A_120 : vector<8x1024xf32> to vector<1x8x1024xf32>
      %reduce_sum3A_122 = arith.constant dense<0.000000e+00> : vector<1xf32>
      %reduce_sum3A_123 = vector.multi_reduction <add>, %reduce_sum3A_121, %reduce_sum3A_122 [1, 2] : vector<1x8x1024xf32> to vector<1xf32>
      %reduce_sum3A_124 = vector.shape_cast %reduce_sum3A_123 : vector<1xf32> to vector<1x1x1xf32>
      %reduce_sum3A_125 = vector.extract %reduce_sum3A_124[0, 0, 0] : f32 from vector<1x1x1xf32>
      %mul3A_126 = arith.mulf %get3A_25, %convert_element_type3A_114 : vector<8x1024xf32>
      %reduce_sum3A_127 = vector.shape_cast %mul3A_126 : vector<8x1024xf32> to vector<1x8x1024xf32>
      %reduce_sum3A_128 = arith.constant dense<0.000000e+00> : vector<1xf32>
      %reduce_sum3A_129 = vector.multi_reduction <add>, %reduce_sum3A_127, %reduce_sum3A_128 [1, 2] : vector<1x8x1024xf32> to vector<1xf32>
      %reduce_sum3A_130 = vector.shape_cast %reduce_sum3A_129 : vector<1xf32> to vector<1x1x1xf32>
      %reduce_sum3A_131 = vector.extract %reduce_sum3A_130[0, 0, 0] : f32 from vector<1x1x1xf32>
      %eq3A_132 = vector.broadcast %scan3A_107 : i32 to vector<16x128xi32>
      %eq3A_133 = arith.cmpi eq, %add3A_8, %eq3A_132 : vector<16x128xi32>
      %broadcast_in_dim3A_134 = vector.broadcast %reduce_sum3A_119 : f32 to vector<16x128xf32>
      %select_n3A = arith.select %eq3A_133, %broadcast_in_dim3A_134, %scan3A_110 : vector<16x128xi1>, vector<16x128xf32>
      %broadcast_in_dim3A_135 = vector.broadcast %reduce_sum3A_125 : f32 to vector<16x128xf32>
      %select_n3A_136 = arith.select %eq3A_133, %broadcast_in_dim3A_135, %scan3A_111 : vector<16x128xi1>, vector<16x128xf32>
      %broadcast_in_dim3A_137 = vector.broadcast %reduce_sum3A_131 : f32 to vector<16x128xf32>
      %select_n3A_138 = arith.select %eq3A_133, %broadcast_in_dim3A_137, %scan3A_112 : vector<16x128xi1>, vector<16x128xf32>
      %sub3A = vector.broadcast %reduce_sum3A_119 : f32 to vector<8x1024xf32>
      %sub3A_139 = arith.subf %get3A_13, %sub3A : vector<8x1024xf32>
      %sub3A_140 = vector.broadcast %reduce_sum3A_125 : f32 to vector<8x1024xf32>
      %sub3A_141 = arith.subf %get3A_19, %sub3A_140 : vector<8x1024xf32>
      %sub3A_142 = vector.broadcast %reduce_sum3A_131 : f32 to vector<8x1024xf32>
      %sub3A_143 = arith.subf %get3A_25, %sub3A_142 : vector<8x1024xf32>
      %mul3A_144 = arith.mulf %sub3A_139, %sub3A_139 : vector<8x1024xf32>
      %mul3A_145 = arith.mulf %sub3A_141, %sub3A_141 : vector<8x1024xf32>
      %add3A_146 = arith.addf %mul3A_144, %mul3A_145 : vector<8x1024xf32>
      %mul3A_147 = arith.mulf %sub3A_143, %sub3A_143 : vector<8x1024xf32>
      %add3A_148 = arith.addf %add3A_146, %mul3A_147 : vector<8x1024xf32>
      %min3A = arith.minimumf %scan3A_108, %add3A_148 : vector<8x1024xf32>
      %reduce_max3A = vector.shape_cast %min3A : vector<8x1024xf32> to vector<1x8x1024xf32>
      %reduce_max3A_149 = arith.constant dense<0xFF800000> : vector<1xf32>
      %reduce_max3A_150 = vector.multi_reduction <maximumf>, %reduce_max3A, %reduce_max3A_149 [1, 2] : vector<1x8x1024xf32> to vector<1xf32>
      %reduce_max3A_151 = vector.shape_cast %reduce_max3A_150 : vector<1xf32> to vector<1x1x1xf32>
      %reduce_max3A_152 = vector.extract %reduce_max3A_151[0, 0, 0] : f32 from vector<1x1x1xf32>
      %eq3A_153 = vector.broadcast %reduce_max3A_152 : f32 to vector<8x1024xf32>
      %eq3A_154 = arith.cmpf oeq, %min3A, %eq3A_153 : vector<8x1024xf32>
      %broadcast_in_dim3A_155 = vector.broadcast %scan3A : i32 to vector<8x1024xi32>
      %select_n3A_156 = arith.select %eq3A_154, %add3A, %broadcast_in_dim3A_155 : vector<8x1024xi1>, vector<8x1024xi32>
      %reduce_min3A = vector.shape_cast %select_n3A_156 : vector<8x1024xi32> to vector<1x8x1024xi32>
      %reduce_min3A_157 = arith.constant dense<2147483647> : vector<1xi32>
      %reduce_min3A_158 = vector.multi_reduction <minsi>, %reduce_min3A, %reduce_min3A_157 [1, 2] : vector<1x8x1024xi32> to vector<1xi32>
      %reduce_min3A_159 = vector.shape_cast %reduce_min3A_158 : vector<1xi32> to vector<1x1x1xi32>
      %reduce_min3A_160 = vector.extract %reduce_min3A_159[0, 0, 0] : i32 from vector<1x1x1xi32>
      scf.yield %min3A, %reduce_min3A_160, %select_n3A, %select_n3A_136, %select_n3A_138 : vector<8x1024xf32>, i32, vector<16x128xf32>, vector<16x128xf32>, vector<16x128xf32>
    }
    %scan3A_35 = arith.constant 2048 : i32
    %swap3A = arith.constant 0 : index
    %swap3A_36 = arith.constant 0 : index
    %swap3A_37 = arith.constant 0 : index
    %swap3A_38 = arith.constant 0 : index
    %swap3A_39 = vector.load %arg1[%swap3A, %swap3A_36, %swap3A_37, %swap3A_38] : memref<2x3x16x128xf32, #tpu.memory_space<vmem>>, vector<1x1x16x128xf32>
    %swap3A_40 = vector.shape_cast %swap3A_39 : vector<1x1x16x128xf32> to vector<16x128xf32>
    %swap3A_41 = vector.shape_cast %scan3A_34#2 : vector<16x128xf32> to vector<1x1x16x128xf32>
    tpu.vector_store %arg1[%swap3A, %swap3A_36, %swap3A_37, %swap3A_38], %swap3A_41 {strides = array<i32>} : memref<2x3x16x128xf32, #tpu.memory_space<vmem>>, vector<1x1x16x128xf32>,
    %swap3A_42 = arith.constant 0 : index
    %swap3A_43 = arith.constant 1 : index
    %swap3A_44 = arith.constant 0 : index
    %swap3A_45 = arith.constant 0 : index
    %swap3A_46 = vector.load %arg1[%swap3A_42, %swap3A_43, %swap3A_44, %swap3A_45] : memref<2x3x16x128xf32, #tpu.memory_space<vmem>>, vector<1x1x16x128xf32>
    %swap3A_47 = vector.shape_cast %swap3A_46 : vector<1x1x16x128xf32> to vector<16x128xf32>
    %swap3A_48 = vector.shape_cast %scan3A_34#3 : vector<16x128xf32> to vector<1x1x16x128xf32>
    tpu.vector_store %arg1[%swap3A_42, %swap3A_43, %swap3A_44, %swap3A_45], %swap3A_48 {strides = array<i32>} : memref<2x3x16x128xf32, #tpu.memory_space<vmem>>, vector<1x1x16x128xf32>,
    %swap3A_49 = arith.constant 0 : index
    %swap3A_50 = arith.constant 2 : index
    %swap3A_51 = arith.constant 0 : index
    %swap3A_52 = arith.constant 0 : index
    %swap3A_53 = vector.load %arg1[%swap3A_49, %swap3A_50, %swap3A_51, %swap3A_52] : memref<2x3x16x128xf32, #tpu.memory_space<vmem>>, vector<1x1x16x128xf32>
    %swap3A_54 = vector.shape_cast %swap3A_53 : vector<1x1x16x128xf32> to vector<16x128xf32>
    %swap3A_55 = vector.shape_cast %scan3A_34#4 : vector<16x128xf32> to vector<1x1x16x128xf32>
    tpu.vector_store %arg1[%swap3A_49, %swap3A_50, %swap3A_51, %swap3A_52], %swap3A_55 {strides = array<i32>} : memref<2x3x16x128xf32, #tpu.memory_space<vmem>>, vector<1x1x16x128xf32>,
    %get3A_56 = arith.constant 1 : index
    %get3A_57 = arith.constant 0 : index
    %get3A_58 = arith.constant 0 : index
    %get3A_59 = arith.constant 0 : index
    %get3A_60 = vector.load %arg0[%get3A_56, %get3A_57, %get3A_58, %get3A_59] : memref<2x3x8x1024xf32, #tpu.memory_space<vmem>>, vector<1x1x8x1024xf32>
    %get3A_61 = vector.shape_cast %get3A_60 : vector<1x1x8x1024xf32> to vector<8x1024xf32>
    %get3A_62 = arith.constant 1 : index
    %get3A_63 = arith.constant 1 : index
    %get3A_64 = arith.constant 0 : index
    %get3A_65 = arith.constant 0 : index
    %get3A_66 = vector.load %arg0[%get3A_62, %get3A_63, %get3A_64, %get3A_65] : memref<2x3x8x1024xf32, #tpu.memory_space<vmem>>, vector<1x1x8x1024xf32>
    %get3A_67 = vector.shape_cast %get3A_66 : vector<1x1x8x1024xf32> to vector<8x1024xf32>
    %get3A_68 = arith.constant 1 : index
    %get3A_69 = arith.constant 2 : index
    %get3A_70 = arith.constant 0 : index
    %get3A_71 = arith.constant 0 : index
    %get3A_72 = vector.load %arg0[%get3A_68, %get3A_69, %get3A_70, %get3A_71] : memref<2x3x8x1024xf32, #tpu.memory_space<vmem>>, vector<1x1x8x1024xf32>
    %get3A_73 = vector.shape_cast %get3A_72 : vector<1x1x8x1024xf32> to vector<8x1024xf32>
    %broadcast_in_dim3A_74 = arith.constant 1.000000e+10 : f32
    %broadcast_in_dim3A_75 = vector.broadcast %broadcast_in_dim3A_74 : f32 to vector<8x1024xf32>
    %broadcast_in_dim3A_76 = arith.constant 0.000000e+00 : f32
    %broadcast_in_dim3A_77 = vector.broadcast %broadcast_in_dim3A_76 : f32 to vector<16x128xf32>
    %scan3A_78 = arith.constant 8192 : i32
    %scan3A_79 = arith.constant 0 : i32
    %scan3A_80 = arith.constant 0 : i32
    %scan3A_81 = arith.constant 2048 : i32
    %scan3A_82 = arith.addi %scan3A_80, %scan3A_81 : i32
    %scan3A_83 = arith.constant 1 : i32
    %scan3A_84:5 = scf.for %scan3A_107 = %scan3A_80 to %scan3A_82 step %scan3A_83 iter_args(%scan3A_108 = %broadcast_in_dim3A_75, %scan3A_109 = %scan3A_79, %scan3A_110 = %broadcast_in_dim3A_77, %scan3A_111 = %broadcast_in_dim3A_77, %scan3A_112 = %broadcast_in_dim3A_77) -> (vector<8x1024xf32>, i32, vector<16x128xf32>, vector<16x128xf32>, vector<16x128xf32>)  : i32 {
      %eq3A = vector.broadcast %scan3A_109 : i32 to vector<8x1024xi32>
      %eq3A_113 = arith.cmpi eq, %add3A, %eq3A : vector<8x1024xi32>
      %convert_element_type3A = arith.extui %eq3A_113 : vector<8x1024xi1> to vector<8x1024xi32>
      %convert_element_type3A_114 = arith.sitofp %convert_element_type3A : vector<8x1024xi32> to vector<8x1024xf32>
      %mul3A_115 = arith.mulf %get3A_61, %convert_element_type3A_114 : vector<8x1024xf32>
      %reduce_sum3A = vector.shape_cast %mul3A_115 : vector<8x1024xf32> to vector<1x8x1024xf32>
      %reduce_sum3A_116 = arith.constant dense<0.000000e+00> : vector<1xf32>
      %reduce_sum3A_117 = vector.multi_reduction <add>, %reduce_sum3A, %reduce_sum3A_116 [1, 2] : vector<1x8x1024xf32> to vector<1xf32>
      %reduce_sum3A_118 = vector.shape_cast %reduce_sum3A_117 : vector<1xf32> to vector<1x1x1xf32>
      %reduce_sum3A_119 = vector.extract %reduce_sum3A_118[0, 0, 0] : f32 from vector<1x1x1xf32>
      %mul3A_120 = arith.mulf %get3A_67, %convert_element_type3A_114 : vector<8x1024xf32>
      %reduce_sum3A_121 = vector.shape_cast %mul3A_120 : vector<8x1024xf32> to vector<1x8x1024xf32>
      %reduce_sum3A_122 = arith.constant dense<0.000000e+00> : vector<1xf32>
      %reduce_sum3A_123 = vector.multi_reduction <add>, %reduce_sum3A_121, %reduce_sum3A_122 [1, 2] : vector<1x8x1024xf32> to vector<1xf32>
      %reduce_sum3A_124 = vector.shape_cast %reduce_sum3A_123 : vector<1xf32> to vector<1x1x1xf32>
      %reduce_sum3A_125 = vector.extract %reduce_sum3A_124[0, 0, 0] : f32 from vector<1x1x1xf32>
      %mul3A_126 = arith.mulf %get3A_73, %convert_element_type3A_114 : vector<8x1024xf32>
      %reduce_sum3A_127 = vector.shape_cast %mul3A_126 : vector<8x1024xf32> to vector<1x8x1024xf32>
      %reduce_sum3A_128 = arith.constant dense<0.000000e+00> : vector<1xf32>
      %reduce_sum3A_129 = vector.multi_reduction <add>, %reduce_sum3A_127, %reduce_sum3A_128 [1, 2] : vector<1x8x1024xf32> to vector<1xf32>
      %reduce_sum3A_130 = vector.shape_cast %reduce_sum3A_129 : vector<1xf32> to vector<1x1x1xf32>
      %reduce_sum3A_131 = vector.extract %reduce_sum3A_130[0, 0, 0] : f32 from vector<1x1x1xf32>
      %eq3A_132 = vector.broadcast %scan3A_107 : i32 to vector<16x128xi32>
      %eq3A_133 = arith.cmpi eq, %add3A_8, %eq3A_132 : vector<16x128xi32>
      %broadcast_in_dim3A_134 = vector.broadcast %reduce_sum3A_119 : f32 to vector<16x128xf32>
      %select_n3A = arith.select %eq3A_133, %broadcast_in_dim3A_134, %scan3A_110 : vector<16x128xi1>, vector<16x128xf32>
      %broadcast_in_dim3A_135 = vector.broadcast %reduce_sum3A_125 : f32 to vector<16x128xf32>
      %select_n3A_136 = arith.select %eq3A_133, %broadcast_in_dim3A_135, %scan3A_111 : vector<16x128xi1>, vector<16x128xf32>
      %broadcast_in_dim3A_137 = vector.broadcast %reduce_sum3A_131 : f32 to vector<16x128xf32>
      %select_n3A_138 = arith.select %eq3A_133, %broadcast_in_dim3A_137, %scan3A_112 : vector<16x128xi1>, vector<16x128xf32>
      %sub3A = vector.broadcast %reduce_sum3A_119 : f32 to vector<8x1024xf32>
      %sub3A_139 = arith.subf %get3A_61, %sub3A : vector<8x1024xf32>
      %sub3A_140 = vector.broadcast %reduce_sum3A_125 : f32 to vector<8x1024xf32>
      %sub3A_141 = arith.subf %get3A_67, %sub3A_140 : vector<8x1024xf32>
      %sub3A_142 = vector.broadcast %reduce_sum3A_131 : f32 to vector<8x1024xf32>
      %sub3A_143 = arith.subf %get3A_73, %sub3A_142 : vector<8x1024xf32>
      %mul3A_144 = arith.mulf %sub3A_139, %sub3A_139 : vector<8x1024xf32>
      %mul3A_145 = arith.mulf %sub3A_141, %sub3A_141 : vector<8x1024xf32>
      %add3A_146 = arith.addf %mul3A_144, %mul3A_145 : vector<8x1024xf32>
      %mul3A_147 = arith.mulf %sub3A_143, %sub3A_143 : vector<8x1024xf32>
      %add3A_148 = arith.addf %add3A_146, %mul3A_147 : vector<8x1024xf32>
      %min3A = arith.minimumf %scan3A_108, %add3A_148 : vector<8x1024xf32>
      %reduce_max3A = vector.shape_cast %min3A : vector<8x1024xf32> to vector<1x8x1024xf32>
      %reduce_max3A_149 = arith.constant dense<0xFF800000> : vector<1xf32>
      %reduce_max3A_150 = vector.multi_reduction <maximumf>, %reduce_max3A, %reduce_max3A_149 [1, 2] : vector<1x8x1024xf32> to vector<1xf32>
      %reduce_max3A_151 = vector.shape_cast %reduce_max3A_150 : vector<1xf32> to vector<1x1x1xf32>
      %reduce_max3A_152 = vector.extract %reduce_max3A_151[0, 0, 0] : f32 from vector<1x1x1xf32>
      %eq3A_153 = vector.broadcast %reduce_max3A_152 : f32 to vector<8x1024xf32>
      %eq3A_154 = arith.cmpf oeq, %min3A, %eq3A_153 : vector<8x1024xf32>
      %broadcast_in_dim3A_155 = vector.broadcast %scan3A_78 : i32 to vector<8x1024xi32>
      %select_n3A_156 = arith.select %eq3A_154, %add3A, %broadcast_in_dim3A_155 : vector<8x1024xi1>, vector<8x1024xi32>
      %reduce_min3A = vector.shape_cast %select_n3A_156 : vector<8x1024xi32> to vector<1x8x1024xi32>
      %reduce_min3A_157 = arith.constant dense<2147483647> : vector<1xi32>
      %reduce_min3A_158 = vector.multi_reduction <minsi>, %reduce_min3A, %reduce_min3A_157 [1, 2] : vector<1x8x1024xi32> to vector<1xi32>
      %reduce_min3A_159 = vector.shape_cast %reduce_min3A_158 : vector<1xi32> to vector<1x1x1xi32>
      %reduce_min3A_160 = vector.extract %reduce_min3A_159[0, 0, 0] : i32 from vector<1x1x1xi32>
      scf.yield %min3A, %reduce_min3A_160, %select_n3A, %select_n3A_136, %select_n3A_138 : vector<8x1024xf32>, i32, vector<16x128xf32>, vector<16x128xf32>, vector<16x128xf32>
    }
    %scan3A_85 = arith.constant 2048 : i32
    %swap3A_86 = arith.constant 1 : index
    %swap3A_87 = arith.constant 0 : index
    %swap3A_88 = arith.constant 0 : index
    %swap3A_89 = arith.constant 0 : index
    %swap3A_90 = vector.load %arg1[%swap3A_86, %swap3A_87, %swap3A_88, %swap3A_89] : memref<2x3x16x128xf32, #tpu.memory_space<vmem>>, vector<1x1x16x128xf32>
    %swap3A_91 = vector.shape_cast %swap3A_90 : vector<1x1x16x128xf32> to vector<16x128xf32>
    %swap3A_92 = vector.shape_cast %scan3A_84#2 : vector<16x128xf32> to vector<1x1x16x128xf32>
    tpu.vector_store %arg1[%swap3A_86, %swap3A_87, %swap3A_88, %swap3A_89], %swap3A_92 {strides = array<i32>} : memref<2x3x16x128xf32, #tpu.memory_space<vmem>>, vector<1x1x16x128xf32>,
    %swap3A_93 = arith.constant 1 : index
    %swap3A_94 = arith.constant 1 : index
    %swap3A_95 = arith.constant 0 : index
    %swap3A_96 = arith.constant 0 : index
    %swap3A_97 = vector.load %arg1[%swap3A_93, %swap3A_94, %swap3A_95, %swap3A_96] : memref<2x3x16x128xf32, #tpu.memory_space<vmem>>, vector<1x1x16x128xf32>
    %swap3A_98 = vector.shape_cast %swap3A_97 : vector<1x1x16x128xf32> to vector<16x128xf32>
    %swap3A_99 = vector.shape_cast %scan3A_84#3 : vector<16x128xf32> to vector<1x1x16x128xf32>
    tpu.vector_store %arg1[%swap3A_93, %swap3A_94, %swap3A_95, %swap3A_96], %swap3A_99 {strides = array<i32>} : memref<2x3x16x128xf32, #tpu.memory_space<vmem>>, vector<1x1x16x128xf32>,
    %swap3A_100 = arith.constant 1 : index
    %swap3A_101 = arith.constant 2 : index
    %swap3A_102 = arith.constant 0 : index
    %swap3A_103 = arith.constant 0 : index
    %swap3A_104 = vector.load %arg1[%swap3A_100, %swap3A_101, %swap3A_102, %swap3A_103] : memref<2x3x16x128xf32, #tpu.memory_space<vmem>>, vector<1x1x16x128xf32>
    %swap3A_105 = vector.shape_cast %swap3A_104 : vector<1x1x16x128xf32> to vector<16x128xf32>
    %swap3A_106 = vector.shape_cast %scan3A_84#4 : vector<16x128xf32> to vector<1x1x16x128xf32>
    tpu.vector_store %arg1[%swap3A_100, %swap3A_101, %swap3A_102, %swap3A_103], %swap3A_106 {strides = array<i32>} : memref<2x3x16x128xf32, #tpu.memory_space<vmem>>, vector<1x1x16x128xf32>,
    return
  }
}

module attributes {stable_mosaic.version = 14 : i64} {
  func.func @_bq_body(%arg0: i32, %arg1: i32, %arg2: memref<1x3x8x1024xf32, #tpu.memory_space<vmem>>, %arg3: memref<1x3x256x1xf32, #tpu.memory_space<vmem>>, %arg4: memref<1x256x16xi32, #tpu.memory_space<vmem>>, %arg5: memref<1x256x32xi32, #tpu.memory_space<vmem>>, %arg6: memref<1x256x1xf32, #tpu.memory_space<vmem>>, %arg7: memref<1x256x1xf32, #tpu.memory_space<vmem>>, %arg8: memref<256x1024xf32, #tpu.memory_space<vmem>>) attributes {dimension_semantics = [#tpu.dimension_semantics<arbitrary>, #tpu.dimension_semantics<arbitrary>], iteration_bounds = array<i64: 2, 8>, scalar_prefetch = 0 : i64, scratch_operands = 1 : i64, tpu.core_type = #tpu.core_type<tc>, window_params = [{transform_indices = @transform_0, window_bounds = array<i64: 1, 3, 8, 1024>}, {transform_indices = @transform_1, window_bounds = array<i64: 1, 3, 256, 1>}, {transform_indices = @transform_2, window_bounds = array<i64: 1, 256, 16>}, {transform_indices = @transform_3, window_bounds = array<i64: 1, 256, 32>}, {transform_indices = @transform_4, window_bounds = array<i64: 1, 256, 1>}, {transform_indices = @transform_5, window_bounds = array<i64: 1, 256, 1>}]} {
    %iota3A = tpu.iota {dimensions = array<i32: 1>} : vector<1x1024xi32>
    %iota3A_0 = tpu.iota {dimensions = array<i32: 1>} : vector<256x16xi32>
    %iota3A_1 = tpu.iota {dimensions = array<i32: 1>} : vector<256x32xi32>
    %broadcast_in_dim3A = arith.constant -1 : i32
    %broadcast_in_dim3A_2 = vector.broadcast %broadcast_in_dim3A : i32 to vector<256x1xi32>
    %broadcast_in_dim3A_3 = arith.constant 0 : i32
    %broadcast_in_dim3A_4 = vector.broadcast %broadcast_in_dim3A_3 : i32 to vector<256x1xi32>
    %broadcast_in_dim3A_5 = arith.constant 1073741824 : i32
    %broadcast_in_dim3A_6 = vector.broadcast %broadcast_in_dim3A_5 : i32 to vector<256x16xi32>
    %broadcast_in_dim3A_7 = arith.constant 1073741824 : i32
    %broadcast_in_dim3A_8 = vector.broadcast %broadcast_in_dim3A_7 : i32 to vector<256x32xi32>
    %while3A = arith.constant 0 : i32
    %while3A_9:7 = scf.while (%while3A_65 = %while3A, %while3A_66 = %broadcast_in_dim3A_2, %while3A_67 = %broadcast_in_dim3A_4, %while3A_68 = %broadcast_in_dim3A_6, %while3A_69 = %broadcast_in_dim3A_2, %while3A_70 = %broadcast_in_dim3A_4, %while3A_71 = %broadcast_in_dim3A_8) : (i32, vector<256x1xi32>, vector<256x1xi32>, vector<256x16xi32>, vector<256x1xi32>, vector<256x1xi32>, vector<256x32xi32>) -> (i32, vector<256x1xi32>, vector<256x1xi32>, vector<256x16xi32>, vector<256x1xi32>, vector<256x1xi32>, vector<256x32xi32>) {
      %reduce_min3A = vector.shape_cast %while3A_67 : vector<256x1xi32> to vector<1x256x1xi32>
      %reduce_min3A_72 = arith.constant dense<2147483647> : vector<1xi32>
      %reduce_min3A_73 = vector.multi_reduction <minsi>, %reduce_min3A, %reduce_min3A_72 [1, 2] : vector<1x256x1xi32> to vector<1xi32>
      %reduce_min3A_74 = vector.shape_cast %reduce_min3A_73 : vector<1xi32> to vector<1x1x1xi32>
      %reduce_min3A_75 = vector.extract %reduce_min3A_74[0, 0, 0] : i32 from vector<1x1x1xi32>
      %lt3A_76 = arith.constant 16 : i32
      %lt3A_77 = arith.cmpi slt, %reduce_min3A_75, %lt3A_76 : i32
      %reduce_min3A_78 = vector.shape_cast %while3A_70 : vector<256x1xi32> to vector<1x256x1xi32>
      %reduce_min3A_79 = arith.constant dense<2147483647> : vector<1xi32>
      %reduce_min3A_80 = vector.multi_reduction <minsi>, %reduce_min3A_78, %reduce_min3A_79 [1, 2] : vector<1x256x1xi32> to vector<1xi32>
      %reduce_min3A_81 = vector.shape_cast %reduce_min3A_80 : vector<1xi32> to vector<1x1x1xi32>
      %reduce_min3A_82 = vector.extract %reduce_min3A_81[0, 0, 0] : i32 from vector<1x1x1xi32>
      %lt3A_83 = arith.constant 32 : i32
      %lt3A_84 = arith.cmpi slt, %reduce_min3A_82, %lt3A_83 : i32
      %or3A = arith.ori %lt3A_77, %lt3A_84 : i1
      %lt3A_85 = arith.constant 8 : i32
      %lt3A_86 = arith.cmpi slt, %while3A_65, %lt3A_85 : i32
      %and3A = arith.andi %lt3A_86, %or3A : i1
      scf.condition(%and3A) %while3A_65, %while3A_66, %while3A_67, %while3A_68, %while3A_69, %while3A_70, %while3A_71 : i32, vector<256x1xi32>, vector<256x1xi32>, vector<256x16xi32>, vector<256x1xi32>, vector<256x1xi32>, vector<256x32xi32>
    } do {
    ^bb0(%while3A_65: i32, %while3A_66: vector<256x1xi32>, %while3A_67: vector<256x1xi32>, %while3A_68: vector<256x16xi32>, %while3A_69: vector<256x1xi32>, %while3A_70: vector<256x1xi32>, %while3A_71: vector<256x32xi32>):
      %mul3A_72 = arith.constant 1024 : i32
      %mul3A_73 = arith.muli %while3A_65, %mul3A_72 : i32
      %broadcast_in_dim3A_74 = arith.constant 0.000000e+00 : f32
      %broadcast_in_dim3A_75 = vector.broadcast %broadcast_in_dim3A_74 : f32 to vector<256x1024xf32>
      %get3A = arith.constant 0 : index
      %get3A_76 = arith.constant 0 : index
      %get3A_77 = arith.index_cast %while3A_65 : i32 to index
      %get3A_78 = arith.constant 0 : index
      %get3A_79 = vector.load %arg2[%get3A, %get3A_76, %get3A_77, %get3A_78] : memref<1x3x8x1024xf32, #tpu.memory_space<vmem>>, vector<1x1x1x1024xf32>
      %get3A_80 = vector.shape_cast %get3A_79 : vector<1x1x1x1024xf32> to vector<1x1024xf32>
      %get3A_81 = arith.constant 0 : index
      %get3A_82 = arith.constant 0 : index
      %get3A_83 = arith.constant 0 : index
      %get3A_84 = arith.constant 0 : index
      %get3A_85 = vector.load %arg3[%get3A_81, %get3A_82, %get3A_83, %get3A_84] : memref<1x3x256x1xf32, #tpu.memory_space<vmem>>, vector<1x1x256x1xf32>
      %get3A_86 = vector.shape_cast %get3A_85 : vector<1x1x256x1xf32> to vector<256x1xf32>
      %sub3A = vector.broadcast %get3A_86 : vector<256x1xf32> to vector<256x1024xf32>
      %sub3A_87 = vector.broadcast %get3A_80 : vector<1x1024xf32> to vector<256x1024xf32>
      %sub3A_88 = arith.subf %sub3A, %sub3A_87 : vector<256x1024xf32>
      %mul3A_89 = arith.mulf %sub3A_88, %sub3A_88 : vector<256x1024xf32>
      %add3A_90 = arith.addf %broadcast_in_dim3A_75, %mul3A_89 : vector<256x1024xf32>
      %get3A_91 = arith.constant 0 : index
      %get3A_92 = arith.constant 1 : index
      %get3A_93 = arith.index_cast %while3A_65 : i32 to index
      %get3A_94 = arith.constant 0 : index
      %get3A_95 = vector.load %arg2[%get3A_91, %get3A_92, %get3A_93, %get3A_94] : memref<1x3x8x1024xf32, #tpu.memory_space<vmem>>, vector<1x1x1x1024xf32>
      %get3A_96 = vector.shape_cast %get3A_95 : vector<1x1x1x1024xf32> to vector<1x1024xf32>
      %get3A_97 = arith.constant 0 : index
      %get3A_98 = arith.constant 1 : index
      %get3A_99 = arith.constant 0 : index
      %get3A_100 = arith.constant 0 : index
      %get3A_101 = vector.load %arg3[%get3A_97, %get3A_98, %get3A_99, %get3A_100] : memref<1x3x256x1xf32, #tpu.memory_space<vmem>>, vector<1x1x256x1xf32>
      %get3A_102 = vector.shape_cast %get3A_101 : vector<1x1x256x1xf32> to vector<256x1xf32>
      %sub3A_103 = vector.broadcast %get3A_102 : vector<256x1xf32> to vector<256x1024xf32>
      %sub3A_104 = vector.broadcast %get3A_96 : vector<1x1024xf32> to vector<256x1024xf32>
      %sub3A_105 = arith.subf %sub3A_103, %sub3A_104 : vector<256x1024xf32>
      %mul3A_106 = arith.mulf %sub3A_105, %sub3A_105 : vector<256x1024xf32>
      %add3A_107 = arith.addf %add3A_90, %mul3A_106 : vector<256x1024xf32>
      %get3A_108 = arith.constant 0 : index
      %get3A_109 = arith.constant 2 : index
      %get3A_110 = arith.index_cast %while3A_65 : i32 to index
      %get3A_111 = arith.constant 0 : index
      %get3A_112 = vector.load %arg2[%get3A_108, %get3A_109, %get3A_110, %get3A_111] : memref<1x3x8x1024xf32, #tpu.memory_space<vmem>>, vector<1x1x1x1024xf32>
      %get3A_113 = vector.shape_cast %get3A_112 : vector<1x1x1x1024xf32> to vector<1x1024xf32>
      %get3A_114 = arith.constant 0 : index
      %get3A_115 = arith.constant 2 : index
      %get3A_116 = arith.constant 0 : index
      %get3A_117 = arith.constant 0 : index
      %get3A_118 = vector.load %arg3[%get3A_114, %get3A_115, %get3A_116, %get3A_117] : memref<1x3x256x1xf32, #tpu.memory_space<vmem>>, vector<1x1x256x1xf32>
      %get3A_119 = vector.shape_cast %get3A_118 : vector<1x1x256x1xf32> to vector<256x1xf32>
      %sub3A_120 = vector.broadcast %get3A_119 : vector<256x1xf32> to vector<256x1024xf32>
      %sub3A_121 = vector.broadcast %get3A_113 : vector<1x1024xf32> to vector<256x1024xf32>
      %sub3A_122 = arith.subf %sub3A_120, %sub3A_121 : vector<256x1024xf32>
      %mul3A_123 = arith.mulf %sub3A_122, %sub3A_122 : vector<256x1024xf32>
      %add3A_124 = arith.addf %add3A_107, %mul3A_123 : vector<256x1024xf32>
      %swap3A_125 = arith.constant 0 : index
      %swap3A_126 = arith.constant 0 : index
      %swap3A_127 = vector.load %arg8[%swap3A_125, %swap3A_126] : memref<256x1024xf32, #tpu.memory_space<vmem>>, vector<256x1024xf32>
      tpu.vector_store %arg8[%swap3A_125, %swap3A_126], %add3A_124 {strides = array<i32>} : memref<256x1024xf32, #tpu.memory_space<vmem>>, vector<256x1024xf32>,
      %add3A_128 = vector.broadcast %mul3A_73 : i32 to vector<1x1024xi32>
      %add3A_129 = arith.addi %iota3A, %add3A_128 : vector<1x1024xi32>
      %scan3A = arith.constant 2.500000e-01 : f32
      %scan3A_130 = arith.constant 0 : i32
      %scan3A_131 = arith.constant 16 : i32
      %scan3A_132 = arith.addi %scan3A_130, %scan3A_131 : i32
      %scan3A_133 = arith.constant 1 : i32
      %scan3A_134:3 = scf.for %scan3A_145 = %scan3A_130 to %scan3A_132 step %scan3A_133 iter_args(%scan3A_146 = %while3A_66, %scan3A_147 = %while3A_67, %scan3A_148 = %while3A_68) -> (vector<256x1xi32>, vector<256x1xi32>, vector<256x16xi32>)  : i32 {
        %get3A_149 = arith.constant 0 : index
        %get3A_150 = arith.constant 0 : index
        %get3A_151 = vector.load %arg8[%get3A_149, %get3A_150] : memref<256x1024xf32, #tpu.memory_space<vmem>>, vector<256x1024xf32>
        %lt3A_152 = vector.broadcast %scan3A : f32 to vector<256x1024xf32>
        %lt3A_153 = arith.cmpf olt, %get3A_151, %lt3A_152 : vector<256x1024xf32>
        %gt3A_154 = vector.broadcast %add3A_129 : vector<1x1024xi32> to vector<256x1024xi32>
        %gt3A_155 = vector.broadcast %scan3A_146 : vector<256x1xi32> to vector<256x1024xi32>
        %gt3A_156 = arith.cmpi sgt, %gt3A_154, %gt3A_155 : vector<256x1024xi32>
        %and3A = arith.andi %lt3A_153, %gt3A_156 : vector<256x1024xi1>
        %jit3A_157 = arith.constant 1073741824 : i32
        %broadcast_in_dim3A_158 = vector.shape_cast %add3A_129 : vector<1x1024xi32> to vector<1x1024xi32>
        %broadcast_in_dim3A_159 = vector.broadcast %broadcast_in_dim3A_158 : vector<1x1024xi32> to vector<256x1024xi32>
        %broadcast_in_dim3A_160 = vector.broadcast %jit3A_157 : i32 to vector<256x1024xi32>
        %select_n3A_161 = arith.select %and3A, %broadcast_in_dim3A_159, %broadcast_in_dim3A_160 : vector<256x1024xi1>, vector<256x1024xi32>
        %reduce_min3A = arith.constant dense<2147483647> : vector<256xi32>
        %reduce_min3A_162 = vector.multi_reduction <minsi>, %select_n3A_161, %reduce_min3A [1] : vector<256x1024xi32> to vector<256xi32>
        %broadcast_in_dim3A_163 = vector.shape_cast %reduce_min3A_162 : vector<256xi32> to vector<256x1xi32>
        %lt3A_164 = arith.constant 1073741824 : i32
        %lt3A_165 = vector.broadcast %lt3A_164 : i32 to vector<256x1xi32>
        %lt3A_166 = arith.cmpi slt, %broadcast_in_dim3A_163, %lt3A_165 : vector<256x1xi32>
        %lt3A_167 = arith.constant 16 : i32
        %lt3A_168 = vector.broadcast %lt3A_167 : i32 to vector<256x1xi32>
        %lt3A_169 = arith.cmpi slt, %scan3A_147, %lt3A_168 : vector<256x1xi32>
        %and3A_170 = arith.andi %lt3A_166, %lt3A_169 : vector<256x1xi1>
        %eq3A = vector.broadcast %scan3A_147 : vector<256x1xi32> to vector<256x16xi32>
        %eq3A_171 = arith.cmpi eq, %iota3A_0, %eq3A : vector<256x16xi32>
        %and3A_172 = vector.broadcast %and3A_170 : vector<256x1xi1> to vector<256x16xi1>
        %and3A_173 = arith.andi %eq3A_171, %and3A_172 : vector<256x16xi1>
        %broadcast_in_dim3A_174 = vector.shape_cast %broadcast_in_dim3A_163 : vector<256x1xi32> to vector<256x1xi32>
        %broadcast_in_dim3A_175 = vector.broadcast %broadcast_in_dim3A_174 : vector<256x1xi32> to vector<256x16xi32>
        %select_n3A_176 = arith.select %and3A_173, %broadcast_in_dim3A_175, %scan3A_148 : vector<256x16xi1>, vector<256x16xi32>
        %convert_element_type3A_177 = arith.extui %and3A_170 : vector<256x1xi1> to vector<256x1xi32>
        %add3A_178 = arith.addi %scan3A_147, %convert_element_type3A_177 : vector<256x1xi32>
        %select_n3A_179 = arith.select %and3A_170, %broadcast_in_dim3A_163, %scan3A_146 : vector<256x1xi1>, vector<256x1xi32>
        scf.yield %select_n3A_179, %add3A_178, %select_n3A_176 : vector<256x1xi32>, vector<256x1xi32>, vector<256x16xi32>
      }
      %scan3A_135 = arith.constant 16 : i32
      %scan3A_136 = arith.constant 1.000000e+00 : f32
      %scan3A_137 = arith.constant 0 : i32
      %scan3A_138 = arith.constant 32 : i32
      %scan3A_139 = arith.addi %scan3A_137, %scan3A_138 : i32
      %scan3A_140 = arith.constant 1 : i32
      %scan3A_141:3 = scf.for %scan3A_145 = %scan3A_137 to %scan3A_139 step %scan3A_140 iter_args(%scan3A_146 = %while3A_69, %scan3A_147 = %while3A_70, %scan3A_148 = %while3A_71) -> (vector<256x1xi32>, vector<256x1xi32>, vector<256x32xi32>)  : i32 {
        %get3A_149 = arith.constant 0 : index
        %get3A_150 = arith.constant 0 : index
        %get3A_151 = vector.load %arg8[%get3A_149, %get3A_150] : memref<256x1024xf32, #tpu.memory_space<vmem>>, vector<256x1024xf32>
        %lt3A_152 = vector.broadcast %scan3A_136 : f32 to vector<256x1024xf32>
        %lt3A_153 = arith.cmpf olt, %get3A_151, %lt3A_152 : vector<256x1024xf32>
        %gt3A_154 = vector.broadcast %add3A_129 : vector<1x1024xi32> to vector<256x1024xi32>
        %gt3A_155 = vector.broadcast %scan3A_146 : vector<256x1xi32> to vector<256x1024xi32>
        %gt3A_156 = arith.cmpi sgt, %gt3A_154, %gt3A_155 : vector<256x1024xi32>
        %and3A = arith.andi %lt3A_153, %gt3A_156 : vector<256x1024xi1>
        %jit3A_157 = arith.constant 1073741824 : i32
        %broadcast_in_dim3A_158 = vector.shape_cast %add3A_129 : vector<1x1024xi32> to vector<1x1024xi32>
        %broadcast_in_dim3A_159 = vector.broadcast %broadcast_in_dim3A_158 : vector<1x1024xi32> to vector<256x1024xi32>
        %broadcast_in_dim3A_160 = vector.broadcast %jit3A_157 : i32 to vector<256x1024xi32>
        %select_n3A_161 = arith.select %and3A, %broadcast_in_dim3A_159, %broadcast_in_dim3A_160 : vector<256x1024xi1>, vector<256x1024xi32>
        %reduce_min3A = arith.constant dense<2147483647> : vector<256xi32>
        %reduce_min3A_162 = vector.multi_reduction <minsi>, %select_n3A_161, %reduce_min3A [1] : vector<256x1024xi32> to vector<256xi32>
        %broadcast_in_dim3A_163 = vector.shape_cast %reduce_min3A_162 : vector<256xi32> to vector<256x1xi32>
        %lt3A_164 = arith.constant 1073741824 : i32
        %lt3A_165 = vector.broadcast %lt3A_164 : i32 to vector<256x1xi32>
        %lt3A_166 = arith.cmpi slt, %broadcast_in_dim3A_163, %lt3A_165 : vector<256x1xi32>
        %lt3A_167 = arith.constant 32 : i32
        %lt3A_168 = vector.broadcast %lt3A_167 : i32 to vector<256x1xi32>
        %lt3A_169 = arith.cmpi slt, %scan3A_147, %lt3A_168 : vector<256x1xi32>
        %and3A_170 = arith.andi %lt3A_166, %lt3A_169 : vector<256x1xi1>
        %eq3A = vector.broadcast %scan3A_147 : vector<256x1xi32> to vector<256x32xi32>
        %eq3A_171 = arith.cmpi eq, %iota3A_1, %eq3A : vector<256x32xi32>
        %and3A_172 = vector.broadcast %and3A_170 : vector<256x1xi1> to vector<256x32xi1>
        %and3A_173 = arith.andi %eq3A_171, %and3A_172 : vector<256x32xi1>
        %broadcast_in_dim3A_174 = vector.shape_cast %broadcast_in_dim3A_163 : vector<256x1xi32> to vector<256x1xi32>
        %broadcast_in_dim3A_175 = vector.broadcast %broadcast_in_dim3A_174 : vector<256x1xi32> to vector<256x32xi32>
        %select_n3A_176 = arith.select %and3A_173, %broadcast_in_dim3A_175, %scan3A_148 : vector<256x32xi1>, vector<256x32xi32>
        %convert_element_type3A_177 = arith.extui %and3A_170 : vector<256x1xi1> to vector<256x1xi32>
        %add3A_178 = arith.addi %scan3A_147, %convert_element_type3A_177 : vector<256x1xi32>
        %select_n3A_179 = arith.select %and3A_170, %broadcast_in_dim3A_163, %scan3A_146 : vector<256x1xi1>, vector<256x1xi32>
        scf.yield %select_n3A_179, %add3A_178, %select_n3A_176 : vector<256x1xi32>, vector<256x1xi32>, vector<256x32xi32>
      }
      %scan3A_142 = arith.constant 32 : i32
      %add3A_143 = arith.constant 1 : i32
      %add3A_144 = arith.addi %while3A_65, %add3A_143 : i32
      scf.yield %add3A_144, %scan3A_134#0, %scan3A_134#1, %scan3A_134#2, %scan3A_141#0, %scan3A_141#1, %scan3A_141#2 : i32, vector<256x1xi32>, vector<256x1xi32>, vector<256x16xi32>, vector<256x1xi32>, vector<256x1xi32>, vector<256x32xi32>
    }
    %mul3A = arith.constant 8192 : i32
    %mul3A_10 = arith.muli %arg0, %mul3A : i32
    %gt3A = arith.constant 0 : i32
    %gt3A_11 = vector.broadcast %gt3A : i32 to vector<256x1xi32>
    %gt3A_12 = arith.cmpi sgt, %while3A_9#2, %gt3A_11 : vector<256x1xi32>
    %slice3A = vector.extract_strided_slice %while3A_9#3 {offsets = [0, 0], sizes = [256, 1], strides = [1, 1]} : vector<256x16xi32> to vector<256x1xi32>
    %jit3A = arith.constant 0 : i32
    %broadcast_in_dim3A_13 = vector.broadcast %jit3A : i32 to vector<256x1xi32>
    %select_n3A = arith.select %gt3A_12, %slice3A, %broadcast_in_dim3A_13 : vector<256x1xi1>, vector<256x1xi32>
    %lt3A = vector.broadcast %while3A_9#2 : vector<256x1xi32> to vector<256x16xi32>
    %lt3A_14 = arith.cmpi slt, %iota3A_0, %lt3A : vector<256x16xi32>
    %broadcast_in_dim3A_15 = vector.shape_cast %select_n3A : vector<256x1xi32> to vector<256x1xi32>
    %broadcast_in_dim3A_16 = vector.broadcast %broadcast_in_dim3A_15 : vector<256x1xi32> to vector<256x16xi32>
    %select_n3A_17 = arith.select %lt3A_14, %while3A_9#3, %broadcast_in_dim3A_16 : vector<256x16xi1>, vector<256x16xi32>
    %add3A = vector.broadcast %mul3A_10 : i32 to vector<256x16xi32>
    %add3A_18 = arith.addi %select_n3A_17, %add3A : vector<256x16xi32>
    %swap3A = arith.constant 0 : index
    %swap3A_19 = arith.constant 0 : index
    %swap3A_20 = arith.constant 0 : index
    %swap3A_21 = vector.load %arg4[%swap3A, %swap3A_19, %swap3A_20] : memref<1x256x16xi32, #tpu.memory_space<vmem>>, vector<1x256x16xi32>
    %swap3A_22 = vector.shape_cast %swap3A_21 : vector<1x256x16xi32> to vector<256x16xi32>
    %swap3A_23 = vector.shape_cast %add3A_18 : vector<256x16xi32> to vector<1x256x16xi32>
    tpu.vector_store %arg4[%swap3A, %swap3A_19, %swap3A_20], %swap3A_23 {strides = array<i32>} : memref<1x256x16xi32, #tpu.memory_space<vmem>>, vector<1x256x16xi32>,
    %gt3A_24 = arith.constant 0 : i32
    %gt3A_25 = vector.broadcast %gt3A_24 : i32 to vector<256x1xi32>
    %gt3A_26 = arith.cmpi sgt, %while3A_9#2, %gt3A_25 : vector<256x1xi32>
    %convert_element_type3A = arith.extui %gt3A_26 : vector<256x1xi1> to vector<256x1xi32>
    %convert_element_type3A_27 = arith.sitofp %convert_element_type3A : vector<256x1xi32> to vector<256x1xf32>
    %swap3A_28 = arith.constant 0 : index
    %swap3A_29 = arith.constant 0 : index
    %swap3A_30 = arith.constant 0 : index
    %swap3A_31 = vector.load %arg6[%swap3A_28, %swap3A_29, %swap3A_30] : memref<1x256x1xf32, #tpu.memory_space<vmem>>, vector<1x256x1xf32>
    %swap3A_32 = vector.shape_cast %swap3A_31 : vector<1x256x1xf32> to vector<256x1xf32>
    %swap3A_33 = vector.shape_cast %convert_element_type3A_27 : vector<256x1xf32> to vector<1x256x1xf32>
    tpu.vector_store %arg6[%swap3A_28, %swap3A_29, %swap3A_30], %swap3A_33 {strides = array<i32>} : memref<1x256x1xf32, #tpu.memory_space<vmem>>, vector<1x256x1xf32>,
    %gt3A_34 = arith.constant 0 : i32
    %gt3A_35 = vector.broadcast %gt3A_34 : i32 to vector<256x1xi32>
    %gt3A_36 = arith.cmpi sgt, %while3A_9#5, %gt3A_35 : vector<256x1xi32>
    %slice3A_37 = vector.extract_strided_slice %while3A_9#6 {offsets = [0, 0], sizes = [256, 1], strides = [1, 1]} : vector<256x32xi32> to vector<256x1xi32>
    %jit3A_38 = arith.constant 0 : i32
    %broadcast_in_dim3A_39 = vector.broadcast %jit3A_38 : i32 to vector<256x1xi32>
    %select_n3A_40 = arith.select %gt3A_36, %slice3A_37, %broadcast_in_dim3A_39 : vector<256x1xi1>, vector<256x1xi32>
    %lt3A_41 = vector.broadcast %while3A_9#5 : vector<256x1xi32> to vector<256x32xi32>
    %lt3A_42 = arith.cmpi slt, %iota3A_1, %lt3A_41 : vector<256x32xi32>
    %broadcast_in_dim3A_43 = vector.shape_cast %select_n3A_40 : vector<256x1xi32> to vector<256x1xi32>
    %broadcast_in_dim3A_44 = vector.broadcast %broadcast_in_dim3A_43 : vector<256x1xi32> to vector<256x32xi32>
    %select_n3A_45 = arith.select %lt3A_42, %while3A_9#6, %broadcast_in_dim3A_44 : vector<256x32xi1>, vector<256x32xi32>
    %add3A_46 = vector.broadcast %mul3A_10 : i32 to vector<256x32xi32>
    %add3A_47 = arith.addi %select_n3A_45, %add3A_46 : vector<256x32xi32>
    %swap3A_48 = arith.constant 0 : index
    %swap3A_49 = arith.constant 0 : index
    %swap3A_50 = arith.constant 0 : index
    %swap3A_51 = vector.load %arg5[%swap3A_48, %swap3A_49, %swap3A_50] : memref<1x256x32xi32, #tpu.memory_space<vmem>>, vector<1x256x32xi32>
    %swap3A_52 = vector.shape_cast %swap3A_51 : vector<1x256x32xi32> to vector<256x32xi32>
    %swap3A_53 = vector.shape_cast %add3A_47 : vector<256x32xi32> to vector<1x256x32xi32>
    tpu.vector_store %arg5[%swap3A_48, %swap3A_49, %swap3A_50], %swap3A_53 {strides = array<i32>} : memref<1x256x32xi32, #tpu.memory_space<vmem>>, vector<1x256x32xi32>,
    %gt3A_54 = arith.constant 0 : i32
    %gt3A_55 = vector.broadcast %gt3A_54 : i32 to vector<256x1xi32>
    %gt3A_56 = arith.cmpi sgt, %while3A_9#5, %gt3A_55 : vector<256x1xi32>
    %convert_element_type3A_57 = arith.extui %gt3A_56 : vector<256x1xi1> to vector<256x1xi32>
    %convert_element_type3A_58 = arith.sitofp %convert_element_type3A_57 : vector<256x1xi32> to vector<256x1xf32>
    %swap3A_59 = arith.constant 0 : index
    %swap3A_60 = arith.constant 0 : index
    %swap3A_61 = arith.constant 0 : index
    %swap3A_62 = vector.load %arg7[%swap3A_59, %swap3A_60, %swap3A_61] : memref<1x256x1xf32, #tpu.memory_space<vmem>>, vector<1x256x1xf32>
    %swap3A_63 = vector.shape_cast %swap3A_62 : vector<1x256x1xf32> to vector<256x1xf32>
    %swap3A_64 = vector.shape_cast %convert_element_type3A_58 : vector<256x1xf32> to vector<1x256x1xf32>
    tpu.vector_store %arg7[%swap3A_59, %swap3A_60, %swap3A_61], %swap3A_64 {strides = array<i32>} : memref<1x256x1xf32, #tpu.memory_space<vmem>>, vector<1x256x1xf32>,
    return
  }
  func.func @transform_0(%arg0: i32, %arg1: i32) -> (i32, i32, i32, i32) {
    %c0_i32 = arith.constant 0 : i32
    %c0_i32_0 = arith.constant 0 : i32
    %c0_i32_1 = arith.constant 0 : i32
    %c0_i32_2 = arith.constant 0 : i32
    return %arg0, %c0_i32, %c0_i32_0, %c0_i32_1 : i32, i32, i32, i32
  }
  func.func @transform_1(%arg0: i32, %arg1: i32) -> (i32, i32, i32, i32) {
    %c0_i32 = arith.constant 0 : i32
    %c0_i32_0 = arith.constant 0 : i32
    %c0_i32_1 = arith.constant 0 : i32
    return %arg0, %c0_i32, %arg1, %c0_i32_0 : i32, i32, i32, i32
  }
  func.func @transform_2(%arg0: i32, %arg1: i32) -> (i32, i32, i32) {
    %c0_i32 = arith.constant 0 : i32
    %c0_i32_0 = arith.constant 0 : i32
    return %arg0, %arg1, %c0_i32 : i32, i32, i32
  }
  func.func @transform_3(%arg0: i32, %arg1: i32) -> (i32, i32, i32) {
    %c0_i32 = arith.constant 0 : i32
    %c0_i32_0 = arith.constant 0 : i32
    return %arg0, %arg1, %c0_i32 : i32, i32, i32
  }
  func.func @transform_4(%arg0: i32, %arg1: i32) -> (i32, i32, i32) {
    %c0_i32 = arith.constant 0 : i32
    %c0_i32_0 = arith.constant 0 : i32
    return %arg0, %arg1, %c0_i32 : i32, i32, i32
  }
  func.func @transform_5(%arg0: i32, %arg1: i32) -> (i32, i32, i32) {
    %c0_i32 = arith.constant 0 : i32
    %c0_i32_0 = arith.constant 0 : i32
    return %arg0, %arg1, %c0_i32 : i32, i32, i32
  }
}

module attributes {stable_mosaic.version = 14 : i64} {
  func.func @body(%arg0: i32, %arg1: memref<128x16x128xf32, #tpu.memory_space<vmem>>, %arg2: memref<128x3xf32, #tpu.memory_space<vmem>>, %arg3: memref<35x32xf32, #tpu.memory_space<vmem>>, %arg4: memref<128x16x32xf32, #tpu.memory_space<vmem>>, %arg5: memref<2x32xf32, #tpu.memory_space<vmem>>) attributes {dimension_semantics = [#tpu.dimension_semantics<arbitrary>], iteration_bounds = array<i64: 32>, scalar_prefetch = 0 : i64, scratch_operands = 0 : i64, tpu.core_type = #tpu.core_type<tc>, window_params = [{transform_indices = @transform_0, window_bounds = array<i64: 128, 16, 128>}, {transform_indices = @transform_1, window_bounds = array<i64: 128, 3>}, {pipeline_mode = #tpu.pipeline_mode<synchronous>, transform_indices = @transform_2, window_bounds = array<i64: 35, 32>}, {transform_indices = @transform_3, window_bounds = array<i64: 128, 16, 32>}, {pipeline_mode = #tpu.pipeline_mode<synchronous>, transform_indices = @transform_4, window_bounds = array<i64: 2, 32>}]} {
    %get3A = arith.constant 0 : index
    %get3A_0 = arith.constant 0 : index
    %get3A_1 = arith.constant 0 : index
    %get3A_2 = vector.load %arg1[%get3A, %get3A_0, %get3A_1] : memref<128x16x128xf32, #tpu.memory_space<vmem>>, vector<128x16x128xf32>
    %slice3A = vector.extract_strided_slice %get3A_2 {offsets = [0, 0, 0], sizes = [128, 16, 3], strides = [1, 1, 1]} : vector<128x16x128xf32> to vector<128x16x3xf32>
    %get3A_3 = arith.constant 0 : index
    %get3A_4 = arith.constant 0 : index
    %get3A_5 = vector.load %arg2[%get3A_3, %get3A_4] : memref<128x3xf32, #tpu.memory_space<vmem>>, vector<128x3xf32>
    %broadcast_in_dim3A = vector.shape_cast %get3A_5 : vector<128x3xf32> to vector<128x1x3xf32>
    %sub3A = vector.broadcast %broadcast_in_dim3A : vector<128x1x3xf32> to vector<128x16x3xf32>
    %sub3A_6 = arith.subf %slice3A, %sub3A : vector<128x16x3xf32>
    %slice3A_7 = vector.extract_strided_slice %get3A_2 {offsets = [0, 0, 3], sizes = [128, 16, 32], strides = [1, 1, 1]} : vector<128x16x128xf32> to vector<128x16x32xf32>
    %concatenate3A = tpu.concatenate %sub3A_6, %slice3A_7 in 2 : vector<128x16x3xf32>, vector<128x16x32xf32> -> vector<128x16x35xf32>
    %reshape3A = vector.shape_cast %concatenate3A : vector<128x16x35xf32> to vector<2048x35xf32>
    %convert_element_type3A = arith.truncf %reshape3A : vector<2048x35xf32> to vector<2048x35xbf16>
    %get3A_8 = arith.constant 0 : index
    %get3A_9 = arith.constant 0 : index
    %get3A_10 = vector.load %arg3[%get3A_8, %get3A_9] : memref<35x32xf32, #tpu.memory_space<vmem>>, vector<35x32xf32>
    %convert_element_type3A_11 = arith.truncf %get3A_10 : vector<35x32xf32> to vector<35x32xbf16>
    %dot_general3A = arith.constant dense<0.000000e+00> : vector<2048x32xf32>
    %dot_general3A_12 = tpu.matmul %convert_element_type3A, %convert_element_type3A_11, %dot_general3A {dimension_numbers = #tpu.dot_dimension_numbers<[1], [0], [0], [1], [0, 0, 1, 1], [], []>, transpose_lhs_hint = false} : vector<2048x35xbf16>, vector<35x32xbf16>, vector<2048x32xf32> -> vector<2048x32xf32>
    %reshape3A_13 = vector.shape_cast %dot_general3A_12 : vector<2048x32xf32> to vector<128x16x32xf32>
    %swap3A = arith.constant 0 : index
    %swap3A_14 = arith.constant 0 : index
    %swap3A_15 = arith.constant 0 : index
    %swap3A_16 = vector.load %arg4[%swap3A, %swap3A_14, %swap3A_15] : memref<128x16x32xf32, #tpu.memory_space<vmem>>, vector<128x16x32xf32>
    tpu.vector_store %arg4[%swap3A, %swap3A_14, %swap3A_15], %reshape3A_13 {strides = array<i32>} : memref<128x16x32xf32, #tpu.memory_space<vmem>>, vector<128x16x32xf32>,
    %eq3A = arith.constant 0 : i32
    %eq3A_17 = arith.cmpi eq, %arg0, %eq3A : i32
    %convert_element_type3A_18 = arith.extui %eq3A_17 : i1 to i32
    %cond3A = arith.constant 0 : i32
    %cond3A_19 = arith.cmpi ne, %convert_element_type3A_18, %cond3A : i32
    scf.if %cond3A_19 {
      %broadcast_in_dim3A_38 = arith.constant 0.000000e+00 : f32
      %broadcast_in_dim3A_39 = vector.broadcast %broadcast_in_dim3A_38 : f32 to vector<2x32xf32>
      %swap3A_40 = arith.constant 0 : index
      %swap3A_41 = arith.constant 0 : index
      %swap3A_42 = vector.load %arg5[%swap3A_40, %swap3A_41] : memref<2x32xf32, #tpu.memory_space<vmem>>, vector<2x32xf32>
      tpu.vector_store %arg5[%swap3A_40, %swap3A_41], %broadcast_in_dim3A_39 {strides = array<i32>} : memref<2x32xf32, #tpu.memory_space<vmem>>, vector<2x32xf32>,
    } else {
    }
    %get3A_20 = arith.constant 0 : index
    %get3A_21 = arith.constant 0 : index
    %get3A_22 = vector.load %arg5[%get3A_20, %get3A_21] : memref<2x32xf32, #tpu.memory_space<vmem>>, vector<1x32xf32>
    %reduce_sum3A = arith.constant dense<0.000000e+00> : vector<32xf32>
    %reduce_sum3A_23 = vector.multi_reduction <add>, %reshape3A_13, %reduce_sum3A [0, 1] : vector<128x16x32xf32> to vector<32xf32>
    %broadcast_in_dim3A_24 = vector.shape_cast %reduce_sum3A_23 : vector<32xf32> to vector<1x32xf32>
    %add3A = arith.addf %get3A_22, %broadcast_in_dim3A_24 : vector<1x32xf32>
    %swap3A_25 = arith.constant 0 : index
    %swap3A_26 = arith.constant 0 : index
    %swap3A_27 = vector.load %arg5[%swap3A_25, %swap3A_26] : memref<2x32xf32, #tpu.memory_space<vmem>>, vector<1x32xf32>
    tpu.vector_store %arg5[%swap3A_25, %swap3A_26], %add3A {strides = array<i32>} : memref<2x32xf32, #tpu.memory_space<vmem>>, vector<1x32xf32>,
    %get3A_28 = arith.constant 1 : index
    %get3A_29 = arith.constant 0 : index
    %get3A_30 = vector.load %arg5[%get3A_28, %get3A_29] : memref<2x32xf32, #tpu.memory_space<vmem>>, vector<1x32xf32>
    %mul3A = arith.mulf %reshape3A_13, %reshape3A_13 : vector<128x16x32xf32>
    %reduce_sum3A_31 = arith.constant dense<0.000000e+00> : vector<32xf32>
    %reduce_sum3A_32 = vector.multi_reduction <add>, %mul3A, %reduce_sum3A_31 [0, 1] : vector<128x16x32xf32> to vector<32xf32>
    %broadcast_in_dim3A_33 = vector.shape_cast %reduce_sum3A_32 : vector<32xf32> to vector<1x32xf32>
    %add3A_34 = arith.addf %get3A_30, %broadcast_in_dim3A_33 : vector<1x32xf32>
    %swap3A_35 = arith.constant 1 : index
    %swap3A_36 = arith.constant 0 : index
    %swap3A_37 = vector.load %arg5[%swap3A_35, %swap3A_36] : memref<2x32xf32, #tpu.memory_space<vmem>>, vector<1x32xf32>
    tpu.vector_store %arg5[%swap3A_35, %swap3A_36], %add3A_34 {strides = array<i32>} : memref<2x32xf32, #tpu.memory_space<vmem>>, vector<1x32xf32>,
    return
  }
  func.func @transform_0(%arg0: i32) -> (i32, i32, i32) {
    %c0_i32 = arith.constant 0 : i32
    %c0_i32_0 = arith.constant 0 : i32
    %c0_i32_1 = arith.constant 0 : i32
    return %arg0, %c0_i32, %c0_i32_0 : i32, i32, i32
  }
  func.func @transform_1(%arg0: i32) -> (i32, i32) {
    %c0_i32 = arith.constant 0 : i32
    %c0_i32_0 = arith.constant 0 : i32
    return %arg0, %c0_i32 : i32, i32
  }
  func.func @transform_2(%arg0: i32) -> (i32, i32) {
    %c0_i32 = arith.constant 0 : i32
    %c0_i32_0 = arith.constant 0 : i32
    %c0_i32_1 = arith.constant 0 : i32
    return %c0_i32, %c0_i32_0 : i32, i32
  }
  func.func @transform_3(%arg0: i32) -> (i32, i32, i32) {
    %c0_i32 = arith.constant 0 : i32
    %c0_i32_0 = arith.constant 0 : i32
    %c0_i32_1 = arith.constant 0 : i32
    return %arg0, %c0_i32, %c0_i32_0 : i32, i32, i32
  }
  func.func @transform_4(%arg0: i32) -> (i32, i32) {
    %c0_i32 = arith.constant 0 : i32
    %c0_i32_0 = arith.constant 0 : i32
    %c0_i32_1 = arith.constant 0 : i32
    return %c0_i32, %c0_i32_0 : i32, i32
  }
}

module attributes {stable_mosaic.version = 14 : i64} {
  func.func @body(%arg0: i32, %arg1: memref<128x32x128xf32, #tpu.memory_space<vmem>>, %arg2: memref<128x3xf32, #tpu.memory_space<vmem>>, %arg3: memref<35x64xf32, #tpu.memory_space<vmem>>, %arg4: memref<128x32x64xf32, #tpu.memory_space<vmem>>, %arg5: memref<2x64xf32, #tpu.memory_space<vmem>>) attributes {dimension_semantics = [#tpu.dimension_semantics<arbitrary>], iteration_bounds = array<i64: 32>, scalar_prefetch = 0 : i64, scratch_operands = 0 : i64, tpu.core_type = #tpu.core_type<tc>, window_params = [{transform_indices = @transform_0, window_bounds = array<i64: 128, 32, 128>}, {transform_indices = @transform_1, window_bounds = array<i64: 128, 3>}, {pipeline_mode = #tpu.pipeline_mode<synchronous>, transform_indices = @transform_2, window_bounds = array<i64: 35, 64>}, {transform_indices = @transform_3, window_bounds = array<i64: 128, 32, 64>}, {pipeline_mode = #tpu.pipeline_mode<synchronous>, transform_indices = @transform_4, window_bounds = array<i64: 2, 64>}]} {
    %get3A = arith.constant 0 : index
    %get3A_0 = arith.constant 0 : index
    %get3A_1 = arith.constant 0 : index
    %get3A_2 = vector.load %arg1[%get3A, %get3A_0, %get3A_1] : memref<128x32x128xf32, #tpu.memory_space<vmem>>, vector<128x32x128xf32>
    %slice3A = vector.extract_strided_slice %get3A_2 {offsets = [0, 0, 0], sizes = [128, 32, 3], strides = [1, 1, 1]} : vector<128x32x128xf32> to vector<128x32x3xf32>
    %get3A_3 = arith.constant 0 : index
    %get3A_4 = arith.constant 0 : index
    %get3A_5 = vector.load %arg2[%get3A_3, %get3A_4] : memref<128x3xf32, #tpu.memory_space<vmem>>, vector<128x3xf32>
    %broadcast_in_dim3A = vector.shape_cast %get3A_5 : vector<128x3xf32> to vector<128x1x3xf32>
    %sub3A = vector.broadcast %broadcast_in_dim3A : vector<128x1x3xf32> to vector<128x32x3xf32>
    %sub3A_6 = arith.subf %slice3A, %sub3A : vector<128x32x3xf32>
    %slice3A_7 = vector.extract_strided_slice %get3A_2 {offsets = [0, 0, 3], sizes = [128, 32, 32], strides = [1, 1, 1]} : vector<128x32x128xf32> to vector<128x32x32xf32>
    %concatenate3A = tpu.concatenate %sub3A_6, %slice3A_7 in 2 : vector<128x32x3xf32>, vector<128x32x32xf32> -> vector<128x32x35xf32>
    %reshape3A = vector.shape_cast %concatenate3A : vector<128x32x35xf32> to vector<4096x35xf32>
    %convert_element_type3A = arith.truncf %reshape3A : vector<4096x35xf32> to vector<4096x35xbf16>
    %get3A_8 = arith.constant 0 : index
    %get3A_9 = arith.constant 0 : index
    %get3A_10 = vector.load %arg3[%get3A_8, %get3A_9] : memref<35x64xf32, #tpu.memory_space<vmem>>, vector<35x64xf32>
    %convert_element_type3A_11 = arith.truncf %get3A_10 : vector<35x64xf32> to vector<35x64xbf16>
    %dot_general3A = arith.constant dense<0.000000e+00> : vector<4096x64xf32>
    %dot_general3A_12 = tpu.matmul %convert_element_type3A, %convert_element_type3A_11, %dot_general3A {dimension_numbers = #tpu.dot_dimension_numbers<[1], [0], [0], [1], [0, 0, 1, 1], [], []>, transpose_lhs_hint = false} : vector<4096x35xbf16>, vector<35x64xbf16>, vector<4096x64xf32> -> vector<4096x64xf32>
    %reshape3A_13 = vector.shape_cast %dot_general3A_12 : vector<4096x64xf32> to vector<128x32x64xf32>
    %swap3A = arith.constant 0 : index
    %swap3A_14 = arith.constant 0 : index
    %swap3A_15 = arith.constant 0 : index
    %swap3A_16 = vector.load %arg4[%swap3A, %swap3A_14, %swap3A_15] : memref<128x32x64xf32, #tpu.memory_space<vmem>>, vector<128x32x64xf32>
    tpu.vector_store %arg4[%swap3A, %swap3A_14, %swap3A_15], %reshape3A_13 {strides = array<i32>} : memref<128x32x64xf32, #tpu.memory_space<vmem>>, vector<128x32x64xf32>,
    %eq3A = arith.constant 0 : i32
    %eq3A_17 = arith.cmpi eq, %arg0, %eq3A : i32
    %convert_element_type3A_18 = arith.extui %eq3A_17 : i1 to i32
    %cond3A = arith.constant 0 : i32
    %cond3A_19 = arith.cmpi ne, %convert_element_type3A_18, %cond3A : i32
    scf.if %cond3A_19 {
      %broadcast_in_dim3A_38 = arith.constant 0.000000e+00 : f32
      %broadcast_in_dim3A_39 = vector.broadcast %broadcast_in_dim3A_38 : f32 to vector<2x64xf32>
      %swap3A_40 = arith.constant 0 : index
      %swap3A_41 = arith.constant 0 : index
      %swap3A_42 = vector.load %arg5[%swap3A_40, %swap3A_41] : memref<2x64xf32, #tpu.memory_space<vmem>>, vector<2x64xf32>
      tpu.vector_store %arg5[%swap3A_40, %swap3A_41], %broadcast_in_dim3A_39 {strides = array<i32>} : memref<2x64xf32, #tpu.memory_space<vmem>>, vector<2x64xf32>,
    } else {
    }
    %get3A_20 = arith.constant 0 : index
    %get3A_21 = arith.constant 0 : index
    %get3A_22 = vector.load %arg5[%get3A_20, %get3A_21] : memref<2x64xf32, #tpu.memory_space<vmem>>, vector<1x64xf32>
    %reduce_sum3A = arith.constant dense<0.000000e+00> : vector<64xf32>
    %reduce_sum3A_23 = vector.multi_reduction <add>, %reshape3A_13, %reduce_sum3A [0, 1] : vector<128x32x64xf32> to vector<64xf32>
    %broadcast_in_dim3A_24 = vector.shape_cast %reduce_sum3A_23 : vector<64xf32> to vector<1x64xf32>
    %add3A = arith.addf %get3A_22, %broadcast_in_dim3A_24 : vector<1x64xf32>
    %swap3A_25 = arith.constant 0 : index
    %swap3A_26 = arith.constant 0 : index
    %swap3A_27 = vector.load %arg5[%swap3A_25, %swap3A_26] : memref<2x64xf32, #tpu.memory_space<vmem>>, vector<1x64xf32>
    tpu.vector_store %arg5[%swap3A_25, %swap3A_26], %add3A {strides = array<i32>} : memref<2x64xf32, #tpu.memory_space<vmem>>, vector<1x64xf32>,
    %get3A_28 = arith.constant 1 : index
    %get3A_29 = arith.constant 0 : index
    %get3A_30 = vector.load %arg5[%get3A_28, %get3A_29] : memref<2x64xf32, #tpu.memory_space<vmem>>, vector<1x64xf32>
    %mul3A = arith.mulf %reshape3A_13, %reshape3A_13 : vector<128x32x64xf32>
    %reduce_sum3A_31 = arith.constant dense<0.000000e+00> : vector<64xf32>
    %reduce_sum3A_32 = vector.multi_reduction <add>, %mul3A, %reduce_sum3A_31 [0, 1] : vector<128x32x64xf32> to vector<64xf32>
    %broadcast_in_dim3A_33 = vector.shape_cast %reduce_sum3A_32 : vector<64xf32> to vector<1x64xf32>
    %add3A_34 = arith.addf %get3A_30, %broadcast_in_dim3A_33 : vector<1x64xf32>
    %swap3A_35 = arith.constant 1 : index
    %swap3A_36 = arith.constant 0 : index
    %swap3A_37 = vector.load %arg5[%swap3A_35, %swap3A_36] : memref<2x64xf32, #tpu.memory_space<vmem>>, vector<1x64xf32>
    tpu.vector_store %arg5[%swap3A_35, %swap3A_36], %add3A_34 {strides = array<i32>} : memref<2x64xf32, #tpu.memory_space<vmem>>, vector<1x64xf32>,
    return
  }
  func.func @transform_0(%arg0: i32) -> (i32, i32, i32) {
    %c0_i32 = arith.constant 0 : i32
    %c0_i32_0 = arith.constant 0 : i32
    %c0_i32_1 = arith.constant 0 : i32
    return %arg0, %c0_i32, %c0_i32_0 : i32, i32, i32
  }
  func.func @transform_1(%arg0: i32) -> (i32, i32) {
    %c0_i32 = arith.constant 0 : i32
    %c0_i32_0 = arith.constant 0 : i32
    return %arg0, %c0_i32 : i32, i32
  }
  func.func @transform_2(%arg0: i32) -> (i32, i32) {
    %c0_i32 = arith.constant 0 : i32
    %c0_i32_0 = arith.constant 0 : i32
    %c0_i32_1 = arith.constant 0 : i32
    return %c0_i32, %c0_i32_0 : i32, i32
  }
  func.func @transform_3(%arg0: i32) -> (i32, i32, i32) {
    %c0_i32 = arith.constant 0 : i32
    %c0_i32_0 = arith.constant 0 : i32
    %c0_i32_1 = arith.constant 0 : i32
    return %arg0, %c0_i32, %c0_i32_0 : i32, i32, i32
  }
  func.func @transform_4(%arg0: i32) -> (i32, i32) {
    %c0_i32 = arith.constant 0 : i32
    %c0_i32_0 = arith.constant 0 : i32
    %c0_i32_1 = arith.constant 0 : i32
    return %c0_i32, %c0_i32_0 : i32, i32
  }
}

module attributes {stable_mosaic.version = 14 : i64} {
  func.func @body(%arg0: i32, %arg1: memref<128x16x32xf32, #tpu.memory_space<vmem>>, %arg2: memref<2x32xf32, #tpu.memory_space<vmem>>, %arg3: memref<32x64xf32, #tpu.memory_space<vmem>>, %arg4: memref<128x16x64xf32, #tpu.memory_space<vmem>>, %arg5: memref<2x64xf32, #tpu.memory_space<vmem>>) attributes {dimension_semantics = [#tpu.dimension_semantics<arbitrary>], iteration_bounds = array<i64: 32>, scalar_prefetch = 0 : i64, scratch_operands = 0 : i64, tpu.core_type = #tpu.core_type<tc>, window_params = [{transform_indices = @transform_0, window_bounds = array<i64: 128, 16, 32>}, {pipeline_mode = #tpu.pipeline_mode<synchronous>, transform_indices = @transform_1, window_bounds = array<i64: 2, 32>}, {pipeline_mode = #tpu.pipeline_mode<synchronous>, transform_indices = @transform_2, window_bounds = array<i64: 32, 64>}, {transform_indices = @transform_3, window_bounds = array<i64: 128, 16, 64>}, {pipeline_mode = #tpu.pipeline_mode<synchronous>, transform_indices = @transform_4, window_bounds = array<i64: 2, 64>}]} {
    %get3A = arith.constant 0 : index
    %get3A_0 = arith.constant 0 : index
    %get3A_1 = vector.load %arg2[%get3A, %get3A_0] : memref<2x32xf32, #tpu.memory_space<vmem>>, vector<1x32xf32>
    %get3A_2 = arith.constant 1 : index
    %get3A_3 = arith.constant 0 : index
    %get3A_4 = vector.load %arg2[%get3A_2, %get3A_3] : memref<2x32xf32, #tpu.memory_space<vmem>>, vector<1x32xf32>
    %get3A_5 = arith.constant 0 : index
    %get3A_6 = arith.constant 0 : index
    %get3A_7 = arith.constant 0 : index
    %get3A_8 = vector.load %arg1[%get3A_5, %get3A_6, %get3A_7] : memref<128x16x32xf32, #tpu.memory_space<vmem>>, vector<128x16x32xf32>
    %broadcast_in_dim3A = vector.shape_cast %get3A_1 : vector<1x32xf32> to vector<1x1x32xf32>
    %mul3A = vector.broadcast %broadcast_in_dim3A : vector<1x1x32xf32> to vector<128x16x32xf32>
    %mul3A_9 = arith.mulf %get3A_8, %mul3A : vector<128x16x32xf32>
    %broadcast_in_dim3A_10 = vector.shape_cast %get3A_4 : vector<1x32xf32> to vector<1x1x32xf32>
    %add3A = vector.broadcast %broadcast_in_dim3A_10 : vector<1x1x32xf32> to vector<128x16x32xf32>
    %add3A_11 = arith.addf %mul3A_9, %add3A : vector<128x16x32xf32>
    %max3A = arith.constant 0.000000e+00 : f32
    %max3A_12 = vector.broadcast %max3A : f32 to vector<128x16x32xf32>
    %max3A_13 = arith.maximumf %add3A_11, %max3A_12 : vector<128x16x32xf32>
    %reshape3A = vector.shape_cast %max3A_13 : vector<128x16x32xf32> to vector<2048x32xf32>
    %convert_element_type3A = arith.truncf %reshape3A : vector<2048x32xf32> to vector<2048x32xbf16>
    %get3A_14 = arith.constant 0 : index
    %get3A_15 = arith.constant 0 : index
    %get3A_16 = vector.load %arg3[%get3A_14, %get3A_15] : memref<32x64xf32, #tpu.memory_space<vmem>>, vector<32x64xf32>
    %convert_element_type3A_17 = arith.truncf %get3A_16 : vector<32x64xf32> to vector<32x64xbf16>
    %dot_general3A = arith.constant dense<0.000000e+00> : vector<2048x64xf32>
    %dot_general3A_18 = tpu.matmul %convert_element_type3A, %convert_element_type3A_17, %dot_general3A {dimension_numbers = #tpu.dot_dimension_numbers<[1], [0], [0], [1], [0, 0, 1, 1], [], []>, transpose_lhs_hint = false} : vector<2048x32xbf16>, vector<32x64xbf16>, vector<2048x64xf32> -> vector<2048x64xf32>
    %reshape3A_19 = vector.shape_cast %dot_general3A_18 : vector<2048x64xf32> to vector<128x16x64xf32>
    %swap3A = arith.constant 0 : index
    %swap3A_20 = arith.constant 0 : index
    %swap3A_21 = arith.constant 0 : index
    %swap3A_22 = vector.load %arg4[%swap3A, %swap3A_20, %swap3A_21] : memref<128x16x64xf32, #tpu.memory_space<vmem>>, vector<128x16x64xf32>
    tpu.vector_store %arg4[%swap3A, %swap3A_20, %swap3A_21], %reshape3A_19 {strides = array<i32>} : memref<128x16x64xf32, #tpu.memory_space<vmem>>, vector<128x16x64xf32>,
    %eq3A = arith.constant 0 : i32
    %eq3A_23 = arith.cmpi eq, %arg0, %eq3A : i32
    %convert_element_type3A_24 = arith.extui %eq3A_23 : i1 to i32
    %cond3A = arith.constant 0 : i32
    %cond3A_25 = arith.cmpi ne, %convert_element_type3A_24, %cond3A : i32
    scf.if %cond3A_25 {
      %broadcast_in_dim3A_46 = arith.constant 0.000000e+00 : f32
      %broadcast_in_dim3A_47 = vector.broadcast %broadcast_in_dim3A_46 : f32 to vector<2x64xf32>
      %swap3A_48 = arith.constant 0 : index
      %swap3A_49 = arith.constant 0 : index
      %swap3A_50 = vector.load %arg5[%swap3A_48, %swap3A_49] : memref<2x64xf32, #tpu.memory_space<vmem>>, vector<2x64xf32>
      tpu.vector_store %arg5[%swap3A_48, %swap3A_49], %broadcast_in_dim3A_47 {strides = array<i32>} : memref<2x64xf32, #tpu.memory_space<vmem>>, vector<2x64xf32>,
    } else {
    }
    %get3A_26 = arith.constant 0 : index
    %get3A_27 = arith.constant 0 : index
    %get3A_28 = vector.load %arg5[%get3A_26, %get3A_27] : memref<2x64xf32, #tpu.memory_space<vmem>>, vector<1x64xf32>
    %reduce_sum3A = arith.constant dense<0.000000e+00> : vector<64xf32>
    %reduce_sum3A_29 = vector.multi_reduction <add>, %reshape3A_19, %reduce_sum3A [0, 1] : vector<128x16x64xf32> to vector<64xf32>
    %broadcast_in_dim3A_30 = vector.shape_cast %reduce_sum3A_29 : vector<64xf32> to vector<1x64xf32>
    %add3A_31 = arith.addf %get3A_28, %broadcast_in_dim3A_30 : vector<1x64xf32>
    %swap3A_32 = arith.constant 0 : index
    %swap3A_33 = arith.constant 0 : index
    %swap3A_34 = vector.load %arg5[%swap3A_32, %swap3A_33] : memref<2x64xf32, #tpu.memory_space<vmem>>, vector<1x64xf32>
    tpu.vector_store %arg5[%swap3A_32, %swap3A_33], %add3A_31 {strides = array<i32>} : memref<2x64xf32, #tpu.memory_space<vmem>>, vector<1x64xf32>,
    %get3A_35 = arith.constant 1 : index
    %get3A_36 = arith.constant 0 : index
    %get3A_37 = vector.load %arg5[%get3A_35, %get3A_36] : memref<2x64xf32, #tpu.memory_space<vmem>>, vector<1x64xf32>
    %mul3A_38 = arith.mulf %reshape3A_19, %reshape3A_19 : vector<128x16x64xf32>
    %reduce_sum3A_39 = arith.constant dense<0.000000e+00> : vector<64xf32>
    %reduce_sum3A_40 = vector.multi_reduction <add>, %mul3A_38, %reduce_sum3A_39 [0, 1] : vector<128x16x64xf32> to vector<64xf32>
    %broadcast_in_dim3A_41 = vector.shape_cast %reduce_sum3A_40 : vector<64xf32> to vector<1x64xf32>
    %add3A_42 = arith.addf %get3A_37, %broadcast_in_dim3A_41 : vector<1x64xf32>
    %swap3A_43 = arith.constant 1 : index
    %swap3A_44 = arith.constant 0 : index
    %swap3A_45 = vector.load %arg5[%swap3A_43, %swap3A_44] : memref<2x64xf32, #tpu.memory_space<vmem>>, vector<1x64xf32>
    tpu.vector_store %arg5[%swap3A_43, %swap3A_44], %add3A_42 {strides = array<i32>} : memref<2x64xf32, #tpu.memory_space<vmem>>, vector<1x64xf32>,
    return
  }
  func.func @transform_0(%arg0: i32) -> (i32, i32, i32) {
    %c0_i32 = arith.constant 0 : i32
    %c0_i32_0 = arith.constant 0 : i32
    %c0_i32_1 = arith.constant 0 : i32
    return %arg0, %c0_i32, %c0_i32_0 : i32, i32, i32
  }
  func.func @transform_1(%arg0: i32) -> (i32, i32) {
    %c0_i32 = arith.constant 0 : i32
    %c0_i32_0 = arith.constant 0 : i32
    %c0_i32_1 = arith.constant 0 : i32
    return %c0_i32, %c0_i32_0 : i32, i32
  }
  func.func @transform_2(%arg0: i32) -> (i32, i32) {
    %c0_i32 = arith.constant 0 : i32
    %c0_i32_0 = arith.constant 0 : i32
    %c0_i32_1 = arith.constant 0 : i32
    return %c0_i32, %c0_i32_0 : i32, i32
  }
  func.func @transform_3(%arg0: i32) -> (i32, i32, i32) {
    %c0_i32 = arith.constant 0 : i32
    %c0_i32_0 = arith.constant 0 : i32
    %c0_i32_1 = arith.constant 0 : i32
    return %arg0, %c0_i32, %c0_i32_0 : i32, i32, i32
  }
  func.func @transform_4(%arg0: i32) -> (i32, i32) {
    %c0_i32 = arith.constant 0 : i32
    %c0_i32_0 = arith.constant 0 : i32
    %c0_i32_1 = arith.constant 0 : i32
    return %c0_i32, %c0_i32_0 : i32, i32
  }
}

module attributes {stable_mosaic.version = 14 : i64} {
  func.func @body(%arg0: i32, %arg1: memref<128x32x64xf32, #tpu.memory_space<vmem>>, %arg2: memref<2x64xf32, #tpu.memory_space<vmem>>, %arg3: memref<64x64xf32, #tpu.memory_space<vmem>>, %arg4: memref<128x32x64xf32, #tpu.memory_space<vmem>>, %arg5: memref<2x64xf32, #tpu.memory_space<vmem>>) attributes {dimension_semantics = [#tpu.dimension_semantics<arbitrary>], iteration_bounds = array<i64: 32>, scalar_prefetch = 0 : i64, scratch_operands = 0 : i64, tpu.core_type = #tpu.core_type<tc>, window_params = [{transform_indices = @transform_0, window_bounds = array<i64: 128, 32, 64>}, {pipeline_mode = #tpu.pipeline_mode<synchronous>, transform_indices = @transform_1, window_bounds = array<i64: 2, 64>}, {pipeline_mode = #tpu.pipeline_mode<synchronous>, transform_indices = @transform_2, window_bounds = array<i64: 64, 64>}, {transform_indices = @transform_3, window_bounds = array<i64: 128, 32, 64>}, {pipeline_mode = #tpu.pipeline_mode<synchronous>, transform_indices = @transform_4, window_bounds = array<i64: 2, 64>}]} {
    %get3A = arith.constant 0 : index
    %get3A_0 = arith.constant 0 : index
    %get3A_1 = vector.load %arg2[%get3A, %get3A_0] : memref<2x64xf32, #tpu.memory_space<vmem>>, vector<1x64xf32>
    %get3A_2 = arith.constant 1 : index
    %get3A_3 = arith.constant 0 : index
    %get3A_4 = vector.load %arg2[%get3A_2, %get3A_3] : memref<2x64xf32, #tpu.memory_space<vmem>>, vector<1x64xf32>
    %get3A_5 = arith.constant 0 : index
    %get3A_6 = arith.constant 0 : index
    %get3A_7 = arith.constant 0 : index
    %get3A_8 = vector.load %arg1[%get3A_5, %get3A_6, %get3A_7] : memref<128x32x64xf32, #tpu.memory_space<vmem>>, vector<128x32x64xf32>
    %broadcast_in_dim3A = vector.shape_cast %get3A_1 : vector<1x64xf32> to vector<1x1x64xf32>
    %mul3A = vector.broadcast %broadcast_in_dim3A : vector<1x1x64xf32> to vector<128x32x64xf32>
    %mul3A_9 = arith.mulf %get3A_8, %mul3A : vector<128x32x64xf32>
    %broadcast_in_dim3A_10 = vector.shape_cast %get3A_4 : vector<1x64xf32> to vector<1x1x64xf32>
    %add3A = vector.broadcast %broadcast_in_dim3A_10 : vector<1x1x64xf32> to vector<128x32x64xf32>
    %add3A_11 = arith.addf %mul3A_9, %add3A : vector<128x32x64xf32>
    %max3A = arith.constant 0.000000e+00 : f32
    %max3A_12 = vector.broadcast %max3A : f32 to vector<128x32x64xf32>
    %max3A_13 = arith.maximumf %add3A_11, %max3A_12 : vector<128x32x64xf32>
    %reshape3A = vector.shape_cast %max3A_13 : vector<128x32x64xf32> to vector<4096x64xf32>
    %convert_element_type3A = arith.truncf %reshape3A : vector<4096x64xf32> to vector<4096x64xbf16>
    %get3A_14 = arith.constant 0 : index
    %get3A_15 = arith.constant 0 : index
    %get3A_16 = vector.load %arg3[%get3A_14, %get3A_15] : memref<64x64xf32, #tpu.memory_space<vmem>>, vector<64x64xf32>
    %convert_element_type3A_17 = arith.truncf %get3A_16 : vector<64x64xf32> to vector<64x64xbf16>
    %dot_general3A = arith.constant dense<0.000000e+00> : vector<4096x64xf32>
    %dot_general3A_18 = tpu.matmul %convert_element_type3A, %convert_element_type3A_17, %dot_general3A {dimension_numbers = #tpu.dot_dimension_numbers<[1], [0], [0], [1], [0, 0, 1, 1], [], []>, transpose_lhs_hint = false} : vector<4096x64xbf16>, vector<64x64xbf16>, vector<4096x64xf32> -> vector<4096x64xf32>
    %reshape3A_19 = vector.shape_cast %dot_general3A_18 : vector<4096x64xf32> to vector<128x32x64xf32>
    %swap3A = arith.constant 0 : index
    %swap3A_20 = arith.constant 0 : index
    %swap3A_21 = arith.constant 0 : index
    %swap3A_22 = vector.load %arg4[%swap3A, %swap3A_20, %swap3A_21] : memref<128x32x64xf32, #tpu.memory_space<vmem>>, vector<128x32x64xf32>
    tpu.vector_store %arg4[%swap3A, %swap3A_20, %swap3A_21], %reshape3A_19 {strides = array<i32>} : memref<128x32x64xf32, #tpu.memory_space<vmem>>, vector<128x32x64xf32>,
    %eq3A = arith.constant 0 : i32
    %eq3A_23 = arith.cmpi eq, %arg0, %eq3A : i32
    %convert_element_type3A_24 = arith.extui %eq3A_23 : i1 to i32
    %cond3A = arith.constant 0 : i32
    %cond3A_25 = arith.cmpi ne, %convert_element_type3A_24, %cond3A : i32
    scf.if %cond3A_25 {
      %broadcast_in_dim3A_46 = arith.constant 0.000000e+00 : f32
      %broadcast_in_dim3A_47 = vector.broadcast %broadcast_in_dim3A_46 : f32 to vector<2x64xf32>
      %swap3A_48 = arith.constant 0 : index
      %swap3A_49 = arith.constant 0 : index
      %swap3A_50 = vector.load %arg5[%swap3A_48, %swap3A_49] : memref<2x64xf32, #tpu.memory_space<vmem>>, vector<2x64xf32>
      tpu.vector_store %arg5[%swap3A_48, %swap3A_49], %broadcast_in_dim3A_47 {strides = array<i32>} : memref<2x64xf32, #tpu.memory_space<vmem>>, vector<2x64xf32>,
    } else {
    }
    %get3A_26 = arith.constant 0 : index
    %get3A_27 = arith.constant 0 : index
    %get3A_28 = vector.load %arg5[%get3A_26, %get3A_27] : memref<2x64xf32, #tpu.memory_space<vmem>>, vector<1x64xf32>
    %reduce_sum3A = arith.constant dense<0.000000e+00> : vector<64xf32>
    %reduce_sum3A_29 = vector.multi_reduction <add>, %reshape3A_19, %reduce_sum3A [0, 1] : vector<128x32x64xf32> to vector<64xf32>
    %broadcast_in_dim3A_30 = vector.shape_cast %reduce_sum3A_29 : vector<64xf32> to vector<1x64xf32>
    %add3A_31 = arith.addf %get3A_28, %broadcast_in_dim3A_30 : vector<1x64xf32>
    %swap3A_32 = arith.constant 0 : index
    %swap3A_33 = arith.constant 0 : index
    %swap3A_34 = vector.load %arg5[%swap3A_32, %swap3A_33] : memref<2x64xf32, #tpu.memory_space<vmem>>, vector<1x64xf32>
    tpu.vector_store %arg5[%swap3A_32, %swap3A_33], %add3A_31 {strides = array<i32>} : memref<2x64xf32, #tpu.memory_space<vmem>>, vector<1x64xf32>,
    %get3A_35 = arith.constant 1 : index
    %get3A_36 = arith.constant 0 : index
    %get3A_37 = vector.load %arg5[%get3A_35, %get3A_36] : memref<2x64xf32, #tpu.memory_space<vmem>>, vector<1x64xf32>
    %mul3A_38 = arith.mulf %reshape3A_19, %reshape3A_19 : vector<128x32x64xf32>
    %reduce_sum3A_39 = arith.constant dense<0.000000e+00> : vector<64xf32>
    %reduce_sum3A_40 = vector.multi_reduction <add>, %mul3A_38, %reduce_sum3A_39 [0, 1] : vector<128x32x64xf32> to vector<64xf32>
    %broadcast_in_dim3A_41 = vector.shape_cast %reduce_sum3A_40 : vector<64xf32> to vector<1x64xf32>
    %add3A_42 = arith.addf %get3A_37, %broadcast_in_dim3A_41 : vector<1x64xf32>
    %swap3A_43 = arith.constant 1 : index
    %swap3A_44 = arith.constant 0 : index
    %swap3A_45 = vector.load %arg5[%swap3A_43, %swap3A_44] : memref<2x64xf32, #tpu.memory_space<vmem>>, vector<1x64xf32>
    tpu.vector_store %arg5[%swap3A_43, %swap3A_44], %add3A_42 {strides = array<i32>} : memref<2x64xf32, #tpu.memory_space<vmem>>, vector<1x64xf32>,
    return
  }
  func.func @transform_0(%arg0: i32) -> (i32, i32, i32) {
    %c0_i32 = arith.constant 0 : i32
    %c0_i32_0 = arith.constant 0 : i32
    %c0_i32_1 = arith.constant 0 : i32
    return %arg0, %c0_i32, %c0_i32_0 : i32, i32, i32
  }
  func.func @transform_1(%arg0: i32) -> (i32, i32) {
    %c0_i32 = arith.constant 0 : i32
    %c0_i32_0 = arith.constant 0 : i32
    %c0_i32_1 = arith.constant 0 : i32
    return %c0_i32, %c0_i32_0 : i32, i32
  }
  func.func @transform_2(%arg0: i32) -> (i32, i32) {
    %c0_i32 = arith.constant 0 : i32
    %c0_i32_0 = arith.constant 0 : i32
    %c0_i32_1 = arith.constant 0 : i32
    return %c0_i32, %c0_i32_0 : i32, i32
  }
  func.func @transform_3(%arg0: i32) -> (i32, i32, i32) {
    %c0_i32 = arith.constant 0 : i32
    %c0_i32_0 = arith.constant 0 : i32
    %c0_i32_1 = arith.constant 0 : i32
    return %arg0, %c0_i32, %c0_i32_0 : i32, i32, i32
  }
  func.func @transform_4(%arg0: i32) -> (i32, i32) {
    %c0_i32 = arith.constant 0 : i32
    %c0_i32_0 = arith.constant 0 : i32
    %c0_i32_1 = arith.constant 0 : i32
    return %c0_i32, %c0_i32_0 : i32, i32
  }
}

module attributes {stable_mosaic.version = 14 : i64} {
  func.func @_pool_body(%arg0: i32, %arg1: memref<128x16x64xf32, #tpu.memory_space<vmem>>, %arg2: memref<2x64xf32, #tpu.memory_space<vmem>>, %arg3: memref<128x1xf32, #tpu.memory_space<vmem>>, %arg4: memref<128x64xf32, #tpu.memory_space<vmem>>) attributes {dimension_semantics = [#tpu.dimension_semantics<arbitrary>], iteration_bounds = array<i64: 32>, scalar_prefetch = 0 : i64, scratch_operands = 0 : i64, tpu.core_type = #tpu.core_type<tc>, window_params = [{transform_indices = @transform_0, window_bounds = array<i64: 128, 16, 64>}, {pipeline_mode = #tpu.pipeline_mode<synchronous>, transform_indices = @transform_1, window_bounds = array<i64: 2, 64>}, {transform_indices = @transform_2, window_bounds = array<i64: 128, 1>}, {transform_indices = @transform_3, window_bounds = array<i64: 128, 64>}]} {
    %get3A = arith.constant 0 : index
    %get3A_0 = arith.constant 0 : index
    %get3A_1 = vector.load %arg2[%get3A, %get3A_0] : memref<2x64xf32, #tpu.memory_space<vmem>>, vector<1x64xf32>
    %get3A_2 = arith.constant 1 : index
    %get3A_3 = arith.constant 0 : index
    %get3A_4 = vector.load %arg2[%get3A_2, %get3A_3] : memref<2x64xf32, #tpu.memory_space<vmem>>, vector<1x64xf32>
    %get3A_5 = arith.constant 0 : index
    %get3A_6 = arith.constant 0 : index
    %get3A_7 = arith.constant 0 : index
    %get3A_8 = vector.load %arg1[%get3A_5, %get3A_6, %get3A_7] : memref<128x16x64xf32, #tpu.memory_space<vmem>>, vector<128x16x64xf32>
    %broadcast_in_dim3A = vector.shape_cast %get3A_1 : vector<1x64xf32> to vector<1x1x64xf32>
    %mul3A = vector.broadcast %broadcast_in_dim3A : vector<1x1x64xf32> to vector<128x16x64xf32>
    %mul3A_9 = arith.mulf %get3A_8, %mul3A : vector<128x16x64xf32>
    %broadcast_in_dim3A_10 = vector.shape_cast %get3A_4 : vector<1x64xf32> to vector<1x1x64xf32>
    %add3A = vector.broadcast %broadcast_in_dim3A_10 : vector<1x1x64xf32> to vector<128x16x64xf32>
    %add3A_11 = arith.addf %mul3A_9, %add3A : vector<128x16x64xf32>
    %max3A = arith.constant 0.000000e+00 : f32
    %max3A_12 = vector.broadcast %max3A : f32 to vector<128x16x64xf32>
    %max3A_13 = arith.maximumf %add3A_11, %max3A_12 : vector<128x16x64xf32>
    %get3A_14 = arith.constant 0 : index
    %get3A_15 = arith.constant 0 : index
    %get3A_16 = vector.load %arg3[%get3A_14, %get3A_15] : memref<128x1xf32, #tpu.memory_space<vmem>>, vector<128x1xf32>
    %broadcast_in_dim3A_17 = vector.shape_cast %get3A_16 : vector<128x1xf32> to vector<128x1x1xf32>
    %mul3A_18 = vector.broadcast %broadcast_in_dim3A_17 : vector<128x1x1xf32> to vector<128x16x64xf32>
    %mul3A_19 = arith.mulf %max3A_13, %mul3A_18 : vector<128x16x64xf32>
    %reduce_max3A = arith.constant dense<0xFF800000> : vector<128x64xf32>
    %reduce_max3A_20 = vector.multi_reduction <maximumf>, %mul3A_19, %reduce_max3A [1] : vector<128x16x64xf32> to vector<128x64xf32>
    %swap3A = arith.constant 0 : index
    %swap3A_21 = arith.constant 0 : index
    %swap3A_22 = vector.load %arg4[%swap3A, %swap3A_21] : memref<128x64xf32, #tpu.memory_space<vmem>>, vector<128x64xf32>
    tpu.vector_store %arg4[%swap3A, %swap3A_21], %reduce_max3A_20 {strides = array<i32>} : memref<128x64xf32, #tpu.memory_space<vmem>>, vector<128x64xf32>,
    return
  }
  func.func @transform_0(%arg0: i32) -> (i32, i32, i32) {
    %c0_i32 = arith.constant 0 : i32
    %c0_i32_0 = arith.constant 0 : i32
    %c0_i32_1 = arith.constant 0 : i32
    return %arg0, %c0_i32, %c0_i32_0 : i32, i32, i32
  }
  func.func @transform_1(%arg0: i32) -> (i32, i32) {
    %c0_i32 = arith.constant 0 : i32
    %c0_i32_0 = arith.constant 0 : i32
    %c0_i32_1 = arith.constant 0 : i32
    return %c0_i32, %c0_i32_0 : i32, i32
  }
  func.func @transform_2(%arg0: i32) -> (i32, i32) {
    %c0_i32 = arith.constant 0 : i32
    %c0_i32_0 = arith.constant 0 : i32
    return %arg0, %c0_i32 : i32, i32
  }
  func.func @transform_3(%arg0: i32) -> (i32, i32) {
    %c0_i32 = arith.constant 0 : i32
    %c0_i32_0 = arith.constant 0 : i32
    return %arg0, %c0_i32 : i32, i32
  }
}

module attributes {stable_mosaic.version = 14 : i64} {
  func.func @_pool_body(%arg0: i32, %arg1: memref<128x32x64xf32, #tpu.memory_space<vmem>>, %arg2: memref<2x64xf32, #tpu.memory_space<vmem>>, %arg3: memref<128x1xf32, #tpu.memory_space<vmem>>, %arg4: memref<128x64xf32, #tpu.memory_space<vmem>>) attributes {dimension_semantics = [#tpu.dimension_semantics<arbitrary>], iteration_bounds = array<i64: 32>, scalar_prefetch = 0 : i64, scratch_operands = 0 : i64, tpu.core_type = #tpu.core_type<tc>, window_params = [{transform_indices = @transform_0, window_bounds = array<i64: 128, 32, 64>}, {pipeline_mode = #tpu.pipeline_mode<synchronous>, transform_indices = @transform_1, window_bounds = array<i64: 2, 64>}, {transform_indices = @transform_2, window_bounds = array<i64: 128, 1>}, {transform_indices = @transform_3, window_bounds = array<i64: 128, 64>}]} {
    %get3A = arith.constant 0 : index
    %get3A_0 = arith.constant 0 : index
    %get3A_1 = vector.load %arg2[%get3A, %get3A_0] : memref<2x64xf32, #tpu.memory_space<vmem>>, vector<1x64xf32>
    %get3A_2 = arith.constant 1 : index
    %get3A_3 = arith.constant 0 : index
    %get3A_4 = vector.load %arg2[%get3A_2, %get3A_3] : memref<2x64xf32, #tpu.memory_space<vmem>>, vector<1x64xf32>
    %get3A_5 = arith.constant 0 : index
    %get3A_6 = arith.constant 0 : index
    %get3A_7 = arith.constant 0 : index
    %get3A_8 = vector.load %arg1[%get3A_5, %get3A_6, %get3A_7] : memref<128x32x64xf32, #tpu.memory_space<vmem>>, vector<128x32x64xf32>
    %broadcast_in_dim3A = vector.shape_cast %get3A_1 : vector<1x64xf32> to vector<1x1x64xf32>
    %mul3A = vector.broadcast %broadcast_in_dim3A : vector<1x1x64xf32> to vector<128x32x64xf32>
    %mul3A_9 = arith.mulf %get3A_8, %mul3A : vector<128x32x64xf32>
    %broadcast_in_dim3A_10 = vector.shape_cast %get3A_4 : vector<1x64xf32> to vector<1x1x64xf32>
    %add3A = vector.broadcast %broadcast_in_dim3A_10 : vector<1x1x64xf32> to vector<128x32x64xf32>
    %add3A_11 = arith.addf %mul3A_9, %add3A : vector<128x32x64xf32>
    %max3A = arith.constant 0.000000e+00 : f32
    %max3A_12 = vector.broadcast %max3A : f32 to vector<128x32x64xf32>
    %max3A_13 = arith.maximumf %add3A_11, %max3A_12 : vector<128x32x64xf32>
    %get3A_14 = arith.constant 0 : index
    %get3A_15 = arith.constant 0 : index
    %get3A_16 = vector.load %arg3[%get3A_14, %get3A_15] : memref<128x1xf32, #tpu.memory_space<vmem>>, vector<128x1xf32>
    %broadcast_in_dim3A_17 = vector.shape_cast %get3A_16 : vector<128x1xf32> to vector<128x1x1xf32>
    %mul3A_18 = vector.broadcast %broadcast_in_dim3A_17 : vector<128x1x1xf32> to vector<128x32x64xf32>
    %mul3A_19 = arith.mulf %max3A_13, %mul3A_18 : vector<128x32x64xf32>
    %reduce_max3A = arith.constant dense<0xFF800000> : vector<128x64xf32>
    %reduce_max3A_20 = vector.multi_reduction <maximumf>, %mul3A_19, %reduce_max3A [1] : vector<128x32x64xf32> to vector<128x64xf32>
    %swap3A = arith.constant 0 : index
    %swap3A_21 = arith.constant 0 : index
    %swap3A_22 = vector.load %arg4[%swap3A, %swap3A_21] : memref<128x64xf32, #tpu.memory_space<vmem>>, vector<128x64xf32>
    tpu.vector_store %arg4[%swap3A, %swap3A_21], %reduce_max3A_20 {strides = array<i32>} : memref<128x64xf32, #tpu.memory_space<vmem>>, vector<128x64xf32>,
    return
  }
  func.func @transform_0(%arg0: i32) -> (i32, i32, i32) {
    %c0_i32 = arith.constant 0 : i32
    %c0_i32_0 = arith.constant 0 : i32
    %c0_i32_1 = arith.constant 0 : i32
    return %arg0, %c0_i32, %c0_i32_0 : i32, i32, i32
  }
  func.func @transform_1(%arg0: i32) -> (i32, i32) {
    %c0_i32 = arith.constant 0 : i32
    %c0_i32_0 = arith.constant 0 : i32
    %c0_i32_1 = arith.constant 0 : i32
    return %c0_i32, %c0_i32_0 : i32, i32
  }
  func.func @transform_2(%arg0: i32) -> (i32, i32) {
    %c0_i32 = arith.constant 0 : i32
    %c0_i32_0 = arith.constant 0 : i32
    return %arg0, %c0_i32 : i32, i32
  }
  func.func @transform_3(%arg0: i32) -> (i32, i32) {
    %c0_i32 = arith.constant 0 : i32
    %c0_i32_0 = arith.constant 0 : i32
    return %arg0, %c0_i32 : i32, i32
  }
}

module attributes {stable_mosaic.version = 14 : i64} {
  func.func @_agg_body(%arg0: i32, %arg1: memref<512x128xf32, #tpu.memory_space<vmem>>, %arg2: memref<128x128xf32, #tpu.memory_space<vmem>>, %arg3: memref<512x128xf32, #tpu.memory_space<vmem>>, %arg4: memref<2x128xf32, #tpu.memory_space<vmem>>) attributes {dimension_semantics = [#tpu.dimension_semantics<arbitrary>], iteration_bounds = array<i64: 8>, scalar_prefetch = 0 : i64, scratch_operands = 0 : i64, tpu.core_type = #tpu.core_type<tc>, window_params = [{transform_indices = @transform_0, window_bounds = array<i64: 512, 128>}, {pipeline_mode = #tpu.pipeline_mode<synchronous>, transform_indices = @transform_1, window_bounds = array<i64: 128, 128>}, {transform_indices = @transform_2, window_bounds = array<i64: 512, 128>}, {pipeline_mode = #tpu.pipeline_mode<synchronous>, transform_indices = @transform_3, window_bounds = array<i64: 2, 128>}]} {
    %get3A = arith.constant 0 : index
    %get3A_0 = arith.constant 0 : index
    %get3A_1 = vector.load %arg1[%get3A, %get3A_0] : memref<512x128xf32, #tpu.memory_space<vmem>>, vector<512x128xf32>
    %convert_element_type3A = arith.truncf %get3A_1 : vector<512x128xf32> to vector<512x128xbf16>
    %get3A_2 = arith.constant 0 : index
    %get3A_3 = arith.constant 0 : index
    %get3A_4 = vector.load %arg2[%get3A_2, %get3A_3] : memref<128x128xf32, #tpu.memory_space<vmem>>, vector<128x128xf32>
    %convert_element_type3A_5 = arith.truncf %get3A_4 : vector<128x128xf32> to vector<128x128xbf16>
    %dot_general3A = arith.constant dense<0.000000e+00> : vector<512x128xf32>
    %dot_general3A_6 = tpu.matmul %convert_element_type3A, %convert_element_type3A_5, %dot_general3A {dimension_numbers = #tpu.dot_dimension_numbers<[1], [0], [0], [1], [0, 0, 1, 1], [], []>, transpose_lhs_hint = false} : vector<512x128xbf16>, vector<128x128xbf16>, vector<512x128xf32> -> vector<512x128xf32>
    %swap3A = arith.constant 0 : index
    %swap3A_7 = arith.constant 0 : index
    %swap3A_8 = vector.load %arg3[%swap3A, %swap3A_7] : memref<512x128xf32, #tpu.memory_space<vmem>>, vector<512x128xf32>
    tpu.vector_store %arg3[%swap3A, %swap3A_7], %dot_general3A_6 {strides = array<i32>} : memref<512x128xf32, #tpu.memory_space<vmem>>, vector<512x128xf32>,
    %eq3A = arith.constant 0 : i32
    %eq3A_9 = arith.cmpi eq, %arg0, %eq3A : i32
    %convert_element_type3A_10 = arith.extui %eq3A_9 : i1 to i32
    %cond3A = arith.constant 0 : i32
    %cond3A_11 = arith.cmpi ne, %convert_element_type3A_10, %cond3A : i32
    scf.if %cond3A_11 {
      %broadcast_in_dim3A_29 = arith.constant 0.000000e+00 : f32
      %broadcast_in_dim3A_30 = vector.broadcast %broadcast_in_dim3A_29 : f32 to vector<2x128xf32>
      %swap3A_31 = arith.constant 0 : index
      %swap3A_32 = arith.constant 0 : index
      %swap3A_33 = vector.load %arg4[%swap3A_31, %swap3A_32] : memref<2x128xf32, #tpu.memory_space<vmem>>, vector<2x128xf32>
      tpu.vector_store %arg4[%swap3A_31, %swap3A_32], %broadcast_in_dim3A_30 {strides = array<i32>} : memref<2x128xf32, #tpu.memory_space<vmem>>, vector<2x128xf32>,
    } else {
    }
    %get3A_12 = arith.constant 0 : index
    %get3A_13 = arith.constant 0 : index
    %get3A_14 = vector.load %arg4[%get3A_12, %get3A_13] : memref<2x128xf32, #tpu.memory_space<vmem>>, vector<1x128xf32>
    %reduce_sum3A = arith.constant dense<0.000000e+00> : vector<128xf32>
    %reduce_sum3A_15 = vector.multi_reduction <add>, %dot_general3A_6, %reduce_sum3A [0] : vector<512x128xf32> to vector<128xf32>
    %broadcast_in_dim3A = vector.shape_cast %reduce_sum3A_15 : vector<128xf32> to vector<1x128xf32>
    %add3A = arith.addf %get3A_14, %broadcast_in_dim3A : vector<1x128xf32>
    %swap3A_16 = arith.constant 0 : index
    %swap3A_17 = arith.constant 0 : index
    %swap3A_18 = vector.load %arg4[%swap3A_16, %swap3A_17] : memref<2x128xf32, #tpu.memory_space<vmem>>, vector<1x128xf32>
    tpu.vector_store %arg4[%swap3A_16, %swap3A_17], %add3A {strides = array<i32>} : memref<2x128xf32, #tpu.memory_space<vmem>>, vector<1x128xf32>,
    %get3A_19 = arith.constant 1 : index
    %get3A_20 = arith.constant 0 : index
    %get3A_21 = vector.load %arg4[%get3A_19, %get3A_20] : memref<2x128xf32, #tpu.memory_space<vmem>>, vector<1x128xf32>
    %mul3A = arith.mulf %dot_general3A_6, %dot_general3A_6 : vector<512x128xf32>
    %reduce_sum3A_22 = arith.constant dense<0.000000e+00> : vector<128xf32>
    %reduce_sum3A_23 = vector.multi_reduction <add>, %mul3A, %reduce_sum3A_22 [0] : vector<512x128xf32> to vector<128xf32>
    %broadcast_in_dim3A_24 = vector.shape_cast %reduce_sum3A_23 : vector<128xf32> to vector<1x128xf32>
    %add3A_25 = arith.addf %get3A_21, %broadcast_in_dim3A_24 : vector<1x128xf32>
    %swap3A_26 = arith.constant 1 : index
    %swap3A_27 = arith.constant 0 : index
    %swap3A_28 = vector.load %arg4[%swap3A_26, %swap3A_27] : memref<2x128xf32, #tpu.memory_space<vmem>>, vector<1x128xf32>
    tpu.vector_store %arg4[%swap3A_26, %swap3A_27], %add3A_25 {strides = array<i32>} : memref<2x128xf32, #tpu.memory_space<vmem>>, vector<1x128xf32>,
    return
  }
  func.func @transform_0(%arg0: i32) -> (i32, i32) {
    %c0_i32 = arith.constant 0 : i32
    %c0_i32_0 = arith.constant 0 : i32
    return %arg0, %c0_i32 : i32, i32
  }
  func.func @transform_1(%arg0: i32) -> (i32, i32) {
    %c0_i32 = arith.constant 0 : i32
    %c0_i32_0 = arith.constant 0 : i32
    %c0_i32_1 = arith.constant 0 : i32
    return %c0_i32, %c0_i32_0 : i32, i32
  }
  func.func @transform_2(%arg0: i32) -> (i32, i32) {
    %c0_i32 = arith.constant 0 : i32
    %c0_i32_0 = arith.constant 0 : i32
    return %arg0, %c0_i32 : i32, i32
  }
  func.func @transform_3(%arg0: i32) -> (i32, i32) {
    %c0_i32 = arith.constant 0 : i32
    %c0_i32_0 = arith.constant 0 : i32
    %c0_i32_1 = arith.constant 0 : i32
    return %c0_i32, %c0_i32_0 : i32, i32
  }
}

module attributes {stable_mosaic.version = 14 : i64} {
  func.func @_fin_body(%arg0: i32, %arg1: memref<512x128xf32, #tpu.memory_space<vmem>>, %arg2: memref<2x128xf32, #tpu.memory_space<vmem>>, %arg3: memref<512x128xf32, #tpu.memory_space<vmem>>) attributes {dimension_semantics = [#tpu.dimension_semantics<arbitrary>], iteration_bounds = array<i64: 8>, scalar_prefetch = 0 : i64, scratch_operands = 0 : i64, tpu.core_type = #tpu.core_type<tc>, window_params = [{transform_indices = @transform_0, window_bounds = array<i64: 512, 128>}, {pipeline_mode = #tpu.pipeline_mode<synchronous>, transform_indices = @transform_1, window_bounds = array<i64: 2, 128>}, {transform_indices = @transform_2, window_bounds = array<i64: 512, 128>}]} {
    %get3A = arith.constant 0 : index
    %get3A_0 = arith.constant 0 : index
    %get3A_1 = vector.load %arg2[%get3A, %get3A_0] : memref<2x128xf32, #tpu.memory_space<vmem>>, vector<1x128xf32>
    %get3A_2 = arith.constant 1 : index
    %get3A_3 = arith.constant 0 : index
    %get3A_4 = vector.load %arg2[%get3A_2, %get3A_3] : memref<2x128xf32, #tpu.memory_space<vmem>>, vector<1x128xf32>
    %get3A_5 = arith.constant 0 : index
    %get3A_6 = arith.constant 0 : index
    %get3A_7 = vector.load %arg1[%get3A_5, %get3A_6] : memref<512x128xf32, #tpu.memory_space<vmem>>, vector<512x128xf32>
    %mul3A = vector.broadcast %get3A_1 : vector<1x128xf32> to vector<512x128xf32>
    %mul3A_8 = arith.mulf %get3A_7, %mul3A : vector<512x128xf32>
    %add3A = vector.broadcast %get3A_4 : vector<1x128xf32> to vector<512x128xf32>
    %add3A_9 = arith.addf %mul3A_8, %add3A : vector<512x128xf32>
    %max3A = arith.constant 0.000000e+00 : f32
    %max3A_10 = vector.broadcast %max3A : f32 to vector<512x128xf32>
    %max3A_11 = arith.maximumf %add3A_9, %max3A_10 : vector<512x128xf32>
    %swap3A = arith.constant 0 : index
    %swap3A_12 = arith.constant 0 : index
    %swap3A_13 = vector.load %arg3[%swap3A, %swap3A_12] : memref<512x128xf32, #tpu.memory_space<vmem>>, vector<512x128xf32>
    tpu.vector_store %arg3[%swap3A, %swap3A_12], %max3A_11 {strides = array<i32>} : memref<512x128xf32, #tpu.memory_space<vmem>>, vector<512x128xf32>,
    return
  }
  func.func @transform_0(%arg0: i32) -> (i32, i32) {
    %c0_i32 = arith.constant 0 : i32
    %c0_i32_0 = arith.constant 0 : i32
    return %arg0, %c0_i32 : i32, i32
  }
  func.func @transform_1(%arg0: i32) -> (i32, i32) {
    %c0_i32 = arith.constant 0 : i32
    %c0_i32_0 = arith.constant 0 : i32
    %c0_i32_1 = arith.constant 0 : i32
    return %c0_i32, %c0_i32_0 : i32, i32
  }
  func.func @transform_2(%arg0: i32) -> (i32, i32) {
    %c0_i32 = arith.constant 0 : i32
    %c0_i32_0 = arith.constant 0 : i32
    return %arg0, %c0_i32 : i32, i32
  }
}

</mosaic_0001>

<sc_bundles>
// kernel: kernel.14.cloned.1.call-start
scs
__scs_entry_jumppad:
0x0: {  	(pc) =	sbr.rel $0x88, $3  }
0x1: {  	(tag) =	ssettag $0x0;
	lr =	simm.s32 $0x1  }
0x2: {  	[smem:$0x3F90] =	sst lr;
	_ =	strace $0xD0000000  }
0x3: {  	_ = 	snop  }
0x4: {  	_ = 	snop  }
0x5: {  	_ = 	snop  }
0x6: {  	_ = 	snop  }
0x7: {  	_ = 	snop  }
__scs_overlays_trampoline_lowered:
0x8: {  	[smem:$0x3F9F] =	sst s0  }
0x9: {  	[smem:$0x3FA0] =	sst s1  }
0xa: {  	[smem:$0x3FA1] =	sst s2  }
0xb: {  	[smem:$0x3FA2] =	sst s3  }
0xc: {  	[smem:$0x3FA3] =	sst s4  }
0xd: {  	[smem:$0x3FA4] =	sst s5  }
0xe: {  	[smem:$0x3FA5] =	sst s6  }
0xf: {  	[smem:$0x3FA6] =	sst s7  }
0x10: {  	[smem:$0x3FA7] =	sst s8  }
0x11: {  	[smem:$0x3FA8] =	sst s9;
	s0 =	simm.s32 @!p0 $0x0  }
0x12: {  	s1 =	sld [smem:$0x3F8E];
	s0 =	simm.s32 @p0 $0x1  }
0x13: {  	[smem:$0x3FA9] =	sst s0;
	s0 =	simm.s32 @!p1 $0x0  }
0x14: {  	s2 =	sld [smem:$0x3F8D];
	s0 =	simm.s32 @p1 $0x1  }
0x15: {  	[smem:$0x3FAA] =	sst s0;
	s0 =	simm.s32 @!p2 $0x0  }
0x16: {  	s3 =	sld [smem:$0x3FDB];
	s0 =	simm.s32 @p2 $0x1  }
0x17: {  	s4 =	simm.s32 $0x1BF5;
	[smem:$0x3FAC] =	sst s0  }
0x18: {  	s0 =	sld [smem:$0x3F8F];
	_ =	swait.ge [sflag:s4], $0x0  }
0x19: {  	s7 =	sld [smem:$0x3F90]  }
0x1a: {  	s8 =	sadd.s32 $0xFFFFE003, lr  }
0x1b: {  	s9 =	sadd.s32 $0xFFFFFEF7, lr;
	s5 =	simm.s32 $0xFFFFFFFF;
	p2 =	slt.u32 s8, $0xFFFFF086  }
0x1c: {  	p1 =	slt.u32 s9, $0xF7A;
	s5 =	simm.s32 @!p2 $0x0  }
0x1d: {  	s5 =	simm.s32 @p1 $0x1;
	p0 =	seq.s32 s7, s2  }
0x1e: {  	s7 =	smul.u32 @!p0 $0xF7A, s2;
	p2 =	seq.s32 @!p0 s5, $0x0  }
0x1f: {  	s9 =	smul.u32 $0xF7A, s1;
	s8 =	simm.s32 @!p0 $0x1BF5;
	p2 =	por !p2, p0  }
0x20: {  	[sflag:s8] =	ssyncset.s32 @!p0 $0xFFFFF086;
	s6 =	sadd.s32 @!p0 s3, s7;
	s7 =	simm.s32 @!p0 $0x108  }
0x21: {  	s3 =	sadd.s32 s3, s9;
	s6 =	sadd.s32 @!p0 $0x88, s6;
	s7 =	simm.s32 @p2 $0x1082  }
0x22: {  	[simem:s7], [sflag:s8] =	dma.local @!p0 [hbm:s6], $0xF7A  }
0x23: {  	s9 =	sor.u32 $0xD0000000, s2;
	s6 =	simm.s32 $0x108;
	_ =	swait.ge @!p0 [sflag:s8], $0x0  }
0x24: {  	s3 =	sadd.s32 $0x88, s3;
	s6 =	simm.s32 @!p1 $0x1082;
	[sflag:s4] =	ssyncset.s32 $0xFFFFF086  }
0x25: {  	[simem:s6], [sflag:s4] =	dma.local [hbm:s3], $0xF7A  }
0x26: {  	[smem:$0x3F90] =	sst s1;
	(tag) =	ssettag s2;
	_ =	strace s9  }
0x27: {  	s1 =	sld [smem:$0x3FA0]  }
0x28: {  	s2 =	sld [smem:$0x3FA1]  }
0x29: {  	s4 =	sld [smem:$0x3FA3]  }
0x2a: {  	p0 =	seq.s32 s5, $0x0;
	s5 =	sld [smem:$0x3FA4]  }
0x2b: {  	s6 =	sld [smem:$0x3FA5]  }
0x2c: {  	s7 =	sld [smem:$0x3FA6]  }
0x2d: {  	s3 =	simm.s32 $0x108;
	s8 =	sld [smem:$0x3FA7]  }
0x2e: {  	s3 =	simm.s32 @!p0 $0x1082;
	s9 =	sld [smem:$0x3FA8]  }
0x2f: {  	lr =	sadd.s32 s0, s3;
	s0 =	sld [smem:$0x3F9F]  }
0x30: {  	s3 =	sld [smem:$0x3FA2]  }
0x31: {  	[smem:$0x3FAB] =	sst s10  }
0x32: {  	s10 =	sld [smem:$0x3FA9];
	_ =	sdelay $0x3  }
0x33: {  	p0 =	seq.s32 s10, $0x1;
	s10 =	sld [smem:$0x3FAB];
	_ =	sdelay $0x3  }
0x34: {  	[smem:$0x3FAB] =	sst s10  }
0x35: {  	s10 =	sld [smem:$0x3FAA];
	_ =	sdelay $0x3  }
0x36: {  	p1 =	seq.s32 s10, $0x1;
	s10 =	sld [smem:$0x3FAB];
	_ =	sdelay $0x3  }
0x37: {  	[smem:$0x3FAB] =	sst s10  }
0x38: {  	s10 =	sld [smem:$0x3FAC]  }
0x39: {  	_ = 	snop;
	(pc) =	sbr.ind lr, $3  }
0x3a: {  	_ = 	snop  }
0x3b: {  	_ = 	snop  }
0x3c: {  	p2 =	seq.s32 s10, $0x1;
	s10 =	sld [smem:$0x3FAB]  }
0x3d: {  	_ =	shalt  }
0x3e: {  	_ =	shalt  }
0x3f: {  	_ =	shalt  }
0x40: {  	_ =	shalt  }
0x41: {  	_ =	shalt  }
0x42: {  	_ =	shalt  }
0x43: {  	_ =	shalt  }
0x44: {  	_ =	shalt  }
0x45: {  	_ =	shalt  }
0x46: {  	_ =	shalt  }
0x47: {  	_ =	shalt  }
0x48: {  	_ =	shalt  }
0x49: {  	_ =	shalt  }
0x4a: {  	_ =	shalt  }
0x4b: {  	_ =	shalt  }
0x4c: {  	_ =	shalt  }
0x4d: {  	_ =	shalt  }
0x4e: {  	_ =	shalt  }
0x4f: {  	_ =	shalt  }
0x50: {  	_ =	shalt  }
0x51: {  	_ =	shalt  }
0x52: {  	_ =	shalt  }
0x53: {  	_ =	shalt  }
0x54: {  	_ =	shalt  }
0x55: {  	_ =	shalt  }
0x56: {  	_ =	shalt  }
0x57: {  	_ =	shalt  }
0x58: {  	_ =	shalt  }
0x59: {  	_ =	shalt  }
0x5a: {  	_ =	shalt  }
0x5b: {  	_ =	shalt  }
0x5c: {  	_ =	shalt  }
0x5d: {  	_ =	shalt  }
0x5e: {  	_ =	shalt  }
0x5f: {  	_ =	shalt  }
0x60: {  	_ =	shalt  }
0x61: {  	_ =	shalt  }
0x62: {  	_ =	shalt  }
0x63: {  	_ =	shalt  }
0x64: {  	_ =	shalt  }
0x65: {  	_ =	shalt  }
0x66: {  	_ =	shalt  }
0x67: {  	_ =	shalt  }
0x68: {  	_ =	shalt  }
0x69: {  	_ =	shalt  }
0x6a: {  	_ =	shalt  }
0x6b: {  	_ =	shalt  }
0x6c: {  	_ =	shalt  }
0x6d: {  	_ =	shalt  }
0x6e: {  	_ =	shalt  }
0x6f: {  	_ =	shalt  }
0x70: {  	_ =	shalt  }
0x71: {  	_ =	shalt  }
0x72: {  	_ =	shalt  }
0x73: {  	_ =	shalt  }
0x74: {  	_ =	shalt  }
0x75: {  	_ =	shalt  }
0x76: {  	_ =	shalt  }
0x77: {  	_ =	shalt  }
0x78: {  	_ =	shalt  }
0x79: {  	_ =	shalt  }
0x7a: {  	_ =	shalt  }
0x7b: {  	_ =	shalt  }
0x7c: {  	_ =	shalt  }
0x7d: {  	_ =	shalt  }
0x7e: {  	_ =	shalt  }
0x7f: {  	_ =	shalt  }
0x80: {  	_ =	shalt  }
0x81: {  	_ =	shalt  }
0x82: {  	_ =	shalt  }
0x83: {  	_ =	shalt  }
0x84: {  	_ =	shalt  }
0x85: {  	_ =	shalt  }
0x86: {  	_ =	shalt  }
0x87: {  	_ =	shalt  }
.Lfunc_end0:
.L_simem_size_0:
called_computation_lowered:
.L_overlay_start_0:
0x88: {  	s2 =	sld [smem:$0x3FD9]  }
0x89: {  	s3 =	sld [smem:$0x3FFE];
	_ =	sdelay $0x1  }
0x8a: {  	s1 =	srdreg.scid  }
0x8b: {  	s0 =	sand.u32 $0x1, s1  }
0x8c: {  	s16 =	sshll.u32 s0, $0xA;
	s2 =	sadd.s32 s3, s2  }
0x8d: {  	s2 =	sadd.s32 s2, s16  }
0x8e: {  	[smem:$0x3FB7] =	sst s2  }
0x8f: {  	_ = 	snop  }
0x90: {  	(tm) =	ssettm $0x1  }
0x91: {  	s17 =	sld [smem:$0x3FFB];
	_ =	sdelay $0x3  }
0x92: {  	_ =	strace s17  }
0x93: {  	s2 =	sld [smem:$0x3FFC];
	_ =	sdelay $0x3  }
0x94: {  	_ =	strace s2  }
0x95: {  	s2 =	sld [smem:$0x3FFD];
	_ =	sdelay $0x3  }
0x96: {  	_ =	strace s2  }
0x97: {  	_ =	strace $0x8FFFFFFF  }
0x98: {  	s18 =	sld [smem:$0x3FDB];
	_ =	sdelay $0x1  }
0x99: {  	s19 =	simm.s32 $_scs_section_size  }
0x9a: {  	s4 =	simm.s32 $_size__tile_overlayer_lowered;
	s5 =	simm.s32 $_tile_overlayer_lowered  }
0x9b: {  	s22 =	simm.s32 $0x1BFF;
	s21 =	sshll.u32 s5, $0x1;
	s2 =	sadd.s32 s19, s18  }
0x9c: {  	s6 =	simm.s32 $0x0;
	s20 =	sshll.u32 s4, $0x1;
	s4 =	sadd.s32 s21, s2  }
0x9d: {  	[timem:s6], [sflag:s22] =	dma.local [hbm:s4], s20  }
0x9e: {  	_ =	swait.ge [sflag:s22], s20  }
0x9f: {  	s3 =	ssub.s32 $0x0, s20;
	[sflag:s22] =	ssyncset.done $0x0  }
0xa0: {  	[sflag:s22] =	ssyncadd.s32 s3;
	_ =	sdelay $0x1  }
0xa1: {  	s23 =	simm.s32 $0x1B8B  }
0xa2: {  	_ =	swait.ge [sflag:s23], $0x1  }
0xa3: {  	[sflag:s23] =	ssyncset.done $0x0  }
0xa4: {  	s25 =	simm.s32 $0x1B8E;
	s24 =	sld [smem:$0x3FFE];
	[sflag:s23] =	ssyncadd.s32 $0xFFFFFFFF  }
0xa5: {  	s26 =	simm.s32 $execute0_lowered;
	[smem:$0x3FD2] =	sst s25  }
0xa6: {  	s4 =	sshll.u32 s26, $0x1;
	_ =	strace $0x80000046;
	[dreg:$0x1] =	wrdreg $0xFFFFFFFF  }
0xa7: {  	s28 =	simm.s32 $_size_execute0_lowered;
	s2 =	sadd.s32 s2, s4;
	[dreg:$0x0] =	wrdreg $0x0  }
0xa8: {  	s4 =	sshll.u32 s28, $0x1;
	[dreg:$0x2] =	wrdreg s2  }
0xa9: {  	[dreg:$0x3] =	wrdreg s4  }
0xaa: {  	[dreg:$0x4] =	wrdreg $0xC0  }
0xab: {  	_ =	task [dreg:s6], $0x5FFFF  }
0xac: {  	[dreg:$0x1] =	wrdreg $0xFFFFFFFF  }
0xad: {  	[dreg:$0x0] =	wrdreg $0x60  }
0xae: {  	[dreg:$0x2] =	wrdreg s24  }
0xaf: {  	[dreg:$0x3] =	wrdreg $0x9  }
0xb0: {  	_ =	task.clear_ibuf [dreg:s6], $0x4FFFF;
	_ =	strace $0x90000046  }
0xb1: {  	s29 =	simm.s32 $0x9;
	_ =	strace $0x80000048  }
0xb2: {  	_ =	swait.ge [sflag:s29], $0x1  }
0xb3: {  	[sflag:s29] =	ssyncadd.s32 $0xFFFFFFFF  }
0xb4: {  	_ =	strace $0x90000048  }
0xb5: {  	_ =	sfence  }
0xb6: {  	s30 =	sld [smem:$0x0];
	_ =	sdelay $0x2  }
0xb7: {  	s31 =	sshll.u32 s1, $0xD;
	s1 =	sshrl.u32 s1, $0x2  }
0xb8: {  	s3 =	sand.u32 $0x4000, s31;
	s1 =	sadd.s32 s1, s30  }
0xb9: {  	s0 =	sor.u32 s3, s0;
	s1 =	sshll.u32 s1, $0x11  }
0xba: {  	s0 =	sor.u32 s1, s0  }
0xbb: {  	s0 =	sadd.s32 $0x8F2B, s0  }
0xbc: {  	[sflag:s0] =	ssyncadd.remote.s32 $0x1  }
0xbd: {  	_ =	sfence.sel $0xFFFF  }
0xbe: {  	[dreg:$0x0] =	wrdreg $0xFFFFFFFF;
	(pc) =	sbr.abs _section_cstart, $3  }
0xbf: {  	[dreg:$0x1] =	wrdreg $0xFFFFFFFF  }
0xc0: {  	_ =	task.clear_ibuf [dreg:s6], $0x2FFFF;
	_ =	strace $0x9FFFFFFF  }
0xc1: {  	(tm) =	ssettm $0x7FFFFFFF  }
tec
execute0_lowered:
.L_overlay_start_1:
0x0: {  	(tag) =	ssettag $0x1  }
0x1: {  	s1 =	srdreg.scid  }
0x2: {  	s0 =	stileid.u32;
	s1 =	sand.u32 $0x1, s1  }
0x3: {  	s2 =	sshll.u32 s0, $0xC;
	s3 =	sshll.u32 s1, $0xB  }
0x4: {  	s3 =	sor.u32 s3, s2  }
0x5: {  	s4 =	rddreg [dreg:$0x0];
	s5 =	sshrl.u32 s3, $0x3  }
0x6: {  	s2 =	simm.s32 $0x0;
	s3 =	sshll.u32 s3, $0x4;
	s5 =	sadd.s32 s5, s4  }
0x7: {  	[smem:$0x7FF] =	sst s2;
	s31 =	sadd.s32 s3, s4;
	s16 =	sadd.s32 $0x14800, s5  }
0x8: {  	_ =	strace $0x80000047;
	s17 =	sadd.s32 $0x56800, s31;
	[dreg:$0x2] =	wrdreg s16  }
0x9: {  	s18 =	sadd.s32 $0x57000, s31;
	[dreg:$0x3] =	wrdreg s17  }
0xa: {  	s19 =	sadd.s32 $0x57800, s31;
	[dreg:$0x4] =	wrdreg s18  }
0xb: {  	s20 =	sadd.s32 $0x58000, s31;
	[dreg:$0x5] =	wrdreg s19  }
0xc: {  	s21 =	sadd.s32 $0x58800, s31;
	[dreg:$0x6] =	wrdreg s20  }
0xd: {  	s22 =	sadd.s32 $0x59000, s31;
	[dreg:$0x7] =	wrdreg s21  }
0xe: {  	s23 =	sadd.s32 $0x59800, s31;
	[dreg:$0x8] =	wrdreg s22  }
0xf: {  	s24 =	sadd.s32 $0x5A000, s31;
	[dreg:$0x9] =	wrdreg s23  }
0x10: {  	s26 =	sadd.s32 $0x5A800, s31;
	[dreg:$0xa] =	wrdreg s24  }
0x11: {  	[dreg:$0xb] =	wrdreg s26  }
0x12: {  	s3 =	simm.s32 $0x3;
	s25 =	rddreg [dreg:$0x2]  }
0x13: {  	[tilespmem:s2], [sflag:$0x3] =	stream.linear.gather [hbm4b:s25+s2], $0x800, $0x38;
	[tilespmem:$0x8800] =	vst v63  }
0x14: {  	_ =	swait.ge [sflag:s3], $0x800  }
0x15: {  	s6 =	simm.s32 $0x800;
	[sflag:s3] =	ssyncset.done $0x0  }
0x16: {  	s4 =	sadd.s32 $0x16800, s4;
	s5 =	simm.s32 $0x80;
	[sflag:s3] =	ssyncadd.s32 $0xFFFFF800  }
0x17: {  	[tilespmem:s6], [sflag:$0x1] =	stream.indirect.gather [hbm4b:s4+s5], $0x80, s2, s5, $0xb8;
	[tilespmem:$0x8800] =	vst v63  }
0x18: {  	s7 =	simm.s32 $0x4800;
	s8 =	simm.s32 $0x1  }
0x19: {  	[tilespmem:s7], [sflag:$0x2] =	stream.indirect.gather [hbm4b:s4+s5], $0x80, s5, s5, $0xb8;
	[tilespmem:$0x8800] =	vst v63  }
0x1a: {  	_ =	swait.ge [sflag:s8], $0x4000  }
0x1b: {  	[sflag:s8] =	ssyncset.done $0x0  }
0x1c: {  	s9 =	rddreg [dreg:$0x3];
	[sflag:s8] =	ssyncadd.s32 $0xFFFFC000  }
0x1d: {  	[hbm4b:s9+s2] =	stream.linear.scatter [tilespmem:s6], [sflag:$0x3], $0x4000, $0x38;
	[tilespmem:$0x8800] =	vst v63  }
0x1e: {  	_ =	swait.ge [sflag:s3], $0x4000  }
0x1f: {  	[sflag:s3] =	ssyncset.done $0x0  }
0x20: {  	s10 =	simm.s32 $0x2;
	s9 =	simm.s32 $0x100;
	[sflag:s3] =	ssyncadd.s32 $0xFFFFC000  }
0x21: {  	[tilespmem:s6], [sflag:$0x1] =	stream.indirect.gather [hbm4b:s4+s5], $0x80, s9, s5, $0xb8;
	[tilespmem:$0x8800] =	vst v63  }
0x22: {  	_ =	swait.ge [sflag:s10], $0x4000  }
0x23: {  	[sflag:s10] =	ssyncset.done $0x0  }
0x24: {  	s11 =	rddreg [dreg:$0x4];
	[sflag:s10] =	ssyncadd.s32 $0xFFFFC000  }
0x25: {  	[hbm4b:s11+s2] =	stream.linear.scatter [tilespmem:s7], [sflag:$0x3], $0x4000, $0x38;
	[tilespmem:$0x8800] =	vst v63  }
0x26: {  	_ =	swait.ge [sflag:s3], $0x4000  }
0x27: {  	[sflag:s3] =	ssyncset.done $0x0  }
0x28: {  	s11 =	simm.s32 $0x180;
	[sflag:s3] =	ssyncadd.s32 $0xFFFFC000  }
0x29: {  	[tilespmem:s7], [sflag:$0x2] =	stream.indirect.gather [hbm4b:s4+s5], $0x80, s11, s5, $0xb8;
	[tilespmem:$0x8800] =	vst v63  }
0x2a: {  	_ =	swait.ge [sflag:s8], $0x4000  }
0x2b: {  	[sflag:s8] =	ssyncset.done $0x0  }
0x2c: {  	s12 =	rddreg [dreg:$0x5];
	[sflag:s8] =	ssyncadd.s32 $0xFFFFC000  }
0x2d: {  	[hbm4b:s12+s2] =	stream.linear.scatter [tilespmem:s6], [sflag:$0x3], $0x4000, $0x38;
	[tilespmem:$0x8800] =	vst v63  }
0x2e: {  	_ =	swait.ge [sflag:s3], $0x4000  }
0x2f: {  	[sflag:s3] =	ssyncset.done $0x0  }
0x30: {  	s12 =	simm.s32 $0x200;
	[sflag:s3] =	ssyncadd.s32 $0xFFFFC000  }
0x31: {  	[tilespmem:s6], [sflag:$0x1] =	stream.indirect.gather [hbm4b:s4+s5], $0x80, s12, s5, $0xb8;
	[tilespmem:$0x8800] =	vst v63  }
0x32: {  	_ =	swait.ge [sflag:s10], $0x4000  }
0x33: {  	[sflag:s10] =	ssyncset.done $0x0  }
0x34: {  	s13 =	rddreg [dreg:$0x6];
	[sflag:s10] =	ssyncadd.s32 $0xFFFFC000  }
0x35: {  	[hbm4b:s13+s2] =	stream.linear.scatter [tilespmem:s7], [sflag:$0x3], $0x4000, $0x38;
	[tilespmem:$0x8800] =	vst v63  }
0x36: {  	_ =	swait.ge [sflag:s3], $0x4000  }
0x37: {  	[sflag:s3] =	ssyncset.done $0x0  }
0x38: {  	s13 =	simm.s32 $0x280;
	[sflag:s3] =	ssyncadd.s32 $0xFFFFC000  }
0x39: {  	[tilespmem:s7], [sflag:$0x2] =	stream.indirect.gather [hbm4b:s4+s5], $0x80, s13, s5, $0xb8;
	[tilespmem:$0x8800] =	vst v63  }
0x3a: {  	_ =	swait.ge [sflag:s8], $0x4000  }
0x3b: {  	[sflag:s8] =	ssyncset.done $0x0  }
0x3c: {  	s14 =	rddreg [dreg:$0x7];
	[sflag:s8] =	ssyncadd.s32 $0xFFFFC000  }
0x3d: {  	[hbm4b:s14+s2] =	stream.linear.scatter [tilespmem:s6], [sflag:$0x3], $0x4000, $0x38;
	[tilespmem:$0x8800] =	vst v63  }
0x3e: {  	_ =	swait.ge [sflag:s3], $0x4000  }
0x3f: {  	[sflag:s3] =	ssyncset.done $0x0  }
0x40: {  	s14 =	simm.s32 $0x300;
	[sflag:s3] =	ssyncadd.s32 $0xFFFFC000  }
0x41: {  	[tilespmem:s6], [sflag:$0x1] =	stream.indirect.gather [hbm4b:s4+s5], $0x80, s14, s5, $0xb8;
	[tilespmem:$0x8800] =	vst v63  }
0x42: {  	_ =	swait.ge [sflag:s10], $0x4000  }
0x43: {  	[sflag:s10] =	ssyncset.done $0x0  }
0x44: {  	s15 =	rddreg [dreg:$0x8];
	[sflag:s10] =	ssyncadd.s32 $0xFFFFC000  }
0x45: {  	[hbm4b:s15+s2] =	stream.linear.scatter [tilespmem:s7], [sflag:$0x3], $0x4000, $0x38;
	[tilespmem:$0x8800] =	vst v63  }
0x46: {  	_ =	swait.ge [sflag:s3], $0x4000  }
0x47: {  	[sflag:s3] =	ssyncset.done $0x0  }
0x48: {  	s15 =	simm.s32 $0x380;
	[sflag:s3] =	ssyncadd.s32 $0xFFFFC000  }
0x49: {  	[tilespmem:s7], [sflag:$0x2] =	stream.indirect.gather [hbm4b:s4+s5], $0x80, s15, s5, $0xb8;
	[tilespmem:$0x8800] =	vst v63  }
0x4a: {  	_ =	swait.ge [sflag:s8], $0x4000  }
0x4b: {  	[sflag:s8] =	ssyncset.done $0x0  }
0x4c: {  	s16 =	rddreg [dreg:$0x9];
	[sflag:s8] =	ssyncadd.s32 $0xFFFFC000  }
0x4d: {  	[hbm4b:s16+s2] =	stream.linear.scatter [tilespmem:s6], [sflag:$0x3], $0x4000, $0x38;
	[tilespmem:$0x8800] =	vst v63  }
0x4e: {  	_ =	swait.ge [sflag:s3], $0x4000  }
0x4f: {  	[sflag:s3] =	ssyncset.done $0x0  }
0x50: {  	s16 =	simm.s32 $0x400;
	[sflag:s3] =	ssyncadd.s32 $0xFFFFC000  }
0x51: {  	[tilespmem:s6], [sflag:$0x1] =	stream.indirect.gather [hbm4b:s4+s5], $0x80, s16, s5, $0xb8;
	[tilespmem:$0x8800] =	vst v63  }
0x52: {  	_ =	swait.ge [sflag:s10], $0x4000  }
0x53: {  	[sflag:s10] =	ssyncset.done $0x0  }
0x54: {  	s17 =	rddreg [dreg:$0xa];
	[sflag:s10] =	ssyncadd.s32 $0xFFFFC000  }
0x55: {  	[hbm4b:s17+s2] =	stream.linear.scatter [tilespmem:s7], [sflag:$0x3], $0x4000, $0x38;
	[tilespmem:$0x8800] =	vst v63  }
0x56: {  	_ =	swait.ge [sflag:s3], $0x4000  }
0x57: {  	[sflag:s3] =	ssyncset.done $0x0  }
0x58: {  	s17 =	simm.s32 $0x480;
	[sflag:s3] =	ssyncadd.s32 $0xFFFFC000  }
0x59: {  	[tilespmem:s7], [sflag:$0x2] =	stream.indirect.gather [hbm4b:s4+s5], $0x80, s17, s5, $0xb8;
	[tilespmem:$0x8800] =	vst v63  }
0x5a: {  	_ =	swait.ge [sflag:s8], $0x4000  }
0x5b: {  	[sflag:s8] =	ssyncset.done $0x0  }
0x5c: {  	s18 =	rddreg [dreg:$0xb];
	[sflag:s8] =	ssyncadd.s32 $0xFFFFC000  }
0x5d: {  	[hbm4b:s18+s2] =	stream.linear.scatter [tilespmem:s6], [sflag:$0x3], $0x4000, $0x38;
	[tilespmem:$0x8800] =	vst v63  }
0x5e: {  	_ =	swait.ge [sflag:s3], $0x4000  }
0x5f: {  	[sflag:s3] =	ssyncset.done $0x0  }
0x60: {  	s18 =	simm.s32 $0x500;
	[sflag:s3] =	ssyncadd.s32 $0xFFFFC000  }
0x61: {  	[tilespmem:s6], [sflag:$0x1] =	stream.indirect.gather [hbm4b:s4+s5], $0x80, s18, s5, $0xb8;
	[tilespmem:$0x8800] =	vst v63  }
0x62: {  	_ =	swait.ge [sflag:s10], $0x4000  }
0x63: {  	[sflag:s10] =	ssyncset.done $0x0  }
0x64: {  	s19 =	sadd.s32 $0x5B000, s31;
	[sflag:s10] =	ssyncadd.s32 $0xFFFFC000  }
0x65: {  	[hbm4b:s19+s2] =	stream.linear.scatter [tilespmem:s7], [sflag:$0x3], $0x4000, $0x38;
	[tilespmem:$0x8800] =	vst v63  }
0x66: {  	_ =	swait.ge [sflag:s3], $0x4000  }
0x67: {  	[sflag:s3] =	ssyncset.done $0x0  }
0x68: {  	s20 =	simm.s32 $0x580;
	[sflag:s3] =	ssyncadd.s32 $0xFFFFC000  }
0x69: {  	[tilespmem:s7], [sflag:$0x2] =	stream.indirect.gather [hbm4b:s4+s5], $0x80, s20, s5, $0xb8;
	[tilespmem:$0x8800] =	vst v63  }
0x6a: {  	_ =	swait.ge [sflag:s8], $0x4000  }
0x6b: {  	[sflag:s8] =	ssyncset.done $0x0  }
0x6c: {  	s21 =	sadd.s32 $0x5B800, s31;
	[sflag:s8] =	ssyncadd.s32 $0xFFFFC000  }
0x6d: {  	[hbm4b:s21+s2] =	stream.linear.scatter [tilespmem:s6], [sflag:$0x3], $0x4000, $0x38;
	[tilespmem:$0x8800] =	vst v63  }
0x6e: {  	_ =	swait.ge [sflag:s3], $0x4000  }
0x6f: {  	[sflag:s3] =	ssyncset.done $0x0  }
0x70: {  	s22 =	simm.s32 $0x600;
	[sflag:s3] =	ssyncadd.s32 $0xFFFFC000  }
0x71: {  	[tilespmem:s6], [sflag:$0x1] =	stream.indirect.gather [hbm4b:s4+s5], $0x80, s22, s5, $0xb8;
	[tilespmem:$0x8800] =	vst v63  }
0x72: {  	_ =	swait.ge [sflag:s10], $0x4000  }
0x73: {  	[sflag:s10] =	ssyncset.done $0x0  }
0x74: {  	s23 =	sadd.s32 $0x5C000, s31;
	[sflag:s10] =	ssyncadd.s32 $0xFFFFC000  }
0x75: {  	[hbm4b:s23+s2] =	stream.linear.scatter [tilespmem:s7], [sflag:$0x3], $0x4000, $0x38;
	[tilespmem:$0x8800] =	vst v63  }
0x76: {  	_ =	swait.ge [sflag:s3], $0x4000  }
0x77: {  	[sflag:s3] =	ssyncset.done $0x0  }
0x78: {  	s24 =	simm.s32 $0x680;
	[sflag:s3] =	ssyncadd.s32 $0xFFFFC000  }
0x79: {  	[tilespmem:s7], [sflag:$0x2] =	stream.indirect.gather [hbm4b:s4+s5], $0x80, s24, s5, $0xb8;
	[tilespmem:$0x8800] =	vst v63  }
0x7a: {  	_ =	swait.ge [sflag:s8], $0x4000  }
0x7b: {  	[sflag:s8] =	ssyncset.done $0x0  }
0x7c: {  	s25 =	sadd.s32 $0x5C800, s31;
	[sflag:s8] =	ssyncadd.s32 $0xFFFFC000  }
0x7d: {  	[hbm4b:s25+s2] =	stream.linear.scatter [tilespmem:s6], [sflag:$0x3], $0x4000, $0x38;
	[tilespmem:$0x8800] =	vst v63  }
0x7e: {  	_ =	swait.ge [sflag:s3], $0x4000  }
0x7f: {  	[sflag:s3] =	ssyncset.done $0x0  }
0x80: {  	s26 =	simm.s32 $0x700;
	[sflag:s3] =	ssyncadd.s32 $0xFFFFC000  }
0x81: {  	[tilespmem:s6], [sflag:$0x1] =	stream.indirect.gather [hbm4b:s4+s5], $0x80, s26, s5, $0xb8;
	[tilespmem:$0x8800] =	vst v63  }
0x82: {  	_ =	swait.ge [sflag:s10], $0x4000  }
0x83: {  	[sflag:s10] =	ssyncset.done $0x0  }
0x84: {  	s28 =	sadd.s32 $0x5D000, s31;
	[sflag:s10] =	ssyncadd.s32 $0xFFFFC000  }
0x85: {  	[hbm4b:s28+s2] =	stream.linear.scatter [tilespmem:s7], [sflag:$0x3], $0x4000, $0x38;
	[tilespmem:$0x8800] =	vst v63  }
0x86: {  	_ =	swait.ge [sflag:s3], $0x4000  }
0x87: {  	[sflag:s3] =	ssyncset.done $0x0  }
0x88: {  	s29 =	simm.s32 $0x780;
	[sflag:s3] =	ssyncadd.s32 $0xFFFFC000  }
0x89: {  	[tilespmem:s7], [sflag:$0x2] =	stream.indirect.gather [hbm4b:s4+s5], $0x80, s29, s5, $0xb8;
	[tilespmem:$0x8800] =	vst v63  }
0x8a: {  	_ =	swait.ge [sflag:s8], $0x4000  }
0x8b: {  	s1 =	ssub.s32 $0x2, s1;
	[sflag:s8] =	ssyncset.done $0x0  }
0x8c: {  	s0 =	sshrl.u32 s1, $0x1;
	s30 =	sadd.s32 $0x5D800, s31;
	[sflag:s8] =	ssyncadd.s32 $0xFFFFC000  }
0x8d: {  	[hbm4b:s30+s2] =	stream.linear.scatter [tilespmem:s6], [sflag:$0x3], $0x4000, $0x38;
	[tilespmem:$0x8800] =	vst v63  }
0x8e: {  	s0 =	ssub.s32 s1, s0;
	_ =	swait.ge [sflag:s3], $0x4000  }
0x8f: {  	s0 =	smax.u32 s0, $0x1;
	[sflag:s3] =	ssyncset.done $0x0  }
0x90: {  	p0 =	sne.s32 s0, $0x1;
	[sflag:s3] =	ssyncadd.s32 $0xFFFFC000  }
.Ltmp0:
0x91: {  	_ =	swait.ge [sflag:s10], $0x4000;
	(pc) =	sbr.rel @!p0 .LBB2_2-.Ltmp0, $4  }
0x92: {  	[sflag:s10] =	ssyncset.done $0x0  }
0x93: {  	s31 =	sadd.s32 $0x5E000, s31;
	[sflag:s10] =	ssyncadd.s32 $0xFFFFC000  }
0x94: {  	[hbm4b:s31+s2] =	stream.linear.scatter [tilespmem:s7], [sflag:$0x3], $0x4000, $0x38;
	[tilespmem:$0x8800] =	vst v63  }
0x95: {  	s1 =	sadd.s32 $0xFFFFFFFF, s0;
	_ =	swait.ge [sflag:s3], $0x4000  }
.LBB2_1:
0x96: {  	[sflag:s3] =	ssyncset.done $0x0  }
0x97: {  	s0 =	rddreg [dreg:$0x2];
	[sflag:s3] =	ssyncadd.s32 $0xFFFFC000  }
0x98: {  	[tilespmem:s2], [sflag:$0x3] =	stream.linear.gather [hbm4b:s0+s2], $0x800, $0x38;
	[tilespmem:$0x8800] =	vst v63  }
0x99: {  	_ =	swait.ge [sflag:s3], $0x800  }
0x9a: {  	[sflag:s3] =	ssyncset.done $0x0  }
0x9b: {  	[sflag:s3] =	ssyncadd.s32 $0xFFFFF800  }
0x9c: {  	[tilespmem:s6], [sflag:$0x1] =	stream.indirect.gather [hbm4b:s4+s5], $0x80, s2, s5, $0xb8;
	[tilespmem:$0x8800] =	vst v63  }
0x9d: {  	_ = 	snop  }
0x9e: {  	[tilespmem:s7], [sflag:$0x2] =	stream.indirect.gather [hbm4b:s4+s5], $0x80, s5, s5, $0xb8;
	[tilespmem:$0x8800] =	vst v63  }
0x9f: {  	_ =	swait.ge [sflag:s8], $0x4000  }
0xa0: {  	[sflag:s8] =	ssyncset.done $0x0  }
0xa1: {  	s0 =	rddreg [dreg:$0x3];
	[sflag:s8] =	ssyncadd.s32 $0xFFFFC000  }
0xa2: {  	[hbm4b:s0+s2] =	stream.linear.scatter [tilespmem:s6], [sflag:$0x3], $0x4000, $0x38;
	[tilespmem:$0x8800] =	vst v63  }
0xa3: {  	_ =	swait.ge [sflag:s3], $0x4000  }
0xa4: {  	[sflag:s3] =	ssyncset.done $0x0  }
0xa5: {  	[sflag:s3] =	ssyncadd.s32 $0xFFFFC000  }
0xa6: {  	[tilespmem:s6], [sflag:$0x1] =	stream.indirect.gather [hbm4b:s4+s5], $0x80, s9, s5, $0xb8;
	[tilespmem:$0x8800] =	vst v63  }
0xa7: {  	_ =	swait.ge [sflag:s10], $0x4000  }
0xa8: {  	[sflag:s10] =	ssyncset.done $0x0  }
0xa9: {  	s0 =	rddreg [dreg:$0x4];
	[sflag:s10] =	ssyncadd.s32 $0xFFFFC000  }
0xaa: {  	[hbm4b:s0+s2] =	stream.linear.scatter [tilespmem:s7], [sflag:$0x3], $0x4000, $0x38;
	[tilespmem:$0x8800] =	vst v63  }
0xab: {  	_ =	swait.ge [sflag:s3], $0x4000  }
0xac: {  	[sflag:s3] =	ssyncset.done $0x0  }
0xad: {  	[sflag:s3] =	ssyncadd.s32 $0xFFFFC000  }
0xae: {  	[tilespmem:s7], [sflag:$0x2] =	stream.indirect.gather [hbm4b:s4+s5], $0x80, s11, s5, $0xb8;
	[tilespmem:$0x8800] =	vst v63  }
0xaf: {  	_ =	swait.ge [sflag:s8], $0x4000  }
0xb0: {  	[sflag:s8] =	ssyncset.done $0x0  }
0xb1: {  	s0 =	rddreg [dreg:$0x5];
	[sflag:s8] =	ssyncadd.s32 $0xFFFFC000  }
0xb2: {  	[hbm4b:s0+s2] =	stream.linear.scatter [tilespmem:s6], [sflag:$0x3], $0x4000, $0x38;
	[tilespmem:$0x8800] =	vst v63  }
0xb3: {  	_ =	swait.ge [sflag:s3], $0x4000  }
0xb4: {  	[sflag:s3] =	ssyncset.done $0x0  }
0xb5: {  	[sflag:s3] =	ssyncadd.s32 $0xFFFFC000  }
0xb6: {  	[tilespmem:s6], [sflag:$0x1] =	stream.indirect.gather [hbm4b:s4+s5], $0x80, s12, s5, $0xb8;
	[tilespmem:$0x8800] =	vst v63  }
0xb7: {  	_ =	swait.ge [sflag:s10], $0x4000  }
0xb8: {  	[sflag:s10] =	ssyncset.done $0x0  }
0xb9: {  	s0 =	rddreg [dreg:$0x6];
	[sflag:s10] =	ssyncadd.s32 $0xFFFFC000  }
0xba: {  	[hbm4b:s0+s2] =	stream.linear.scatter [tilespmem:s7], [sflag:$0x3], $0x4000, $0x38;
	[tilespmem:$0x8800] =	vst v63  }
0xbb: {  	_ =	swait.ge [sflag:s3], $0x4000  }
0xbc: {  	[sflag:s3] =	ssyncset.done $0x0  }
0xbd: {  	[sflag:s3] =	ssyncadd.s32 $0xFFFFC000  }
0xbe: {  	[tilespmem:s7], [sflag:$0x2] =	stream.indirect.gather [hbm4b:s4+s5], $0x80, s13, s5, $0xb8;
	[tilespmem:$0x8800] =	vst v63  }
0xbf: {  	_ =	swait.ge [sflag:s8], $0x4000  }
0xc0: {  	[sflag:s8] =	ssyncset.done $0x0  }
0xc1: {  	s0 =	rddreg [dreg:$0x7];
	[sflag:s8] =	ssyncadd.s32 $0xFFFFC000  }
0xc2: {  	[hbm4b:s0+s2] =	stream.linear.scatter [tilespmem:s6], [sflag:$0x3], $0x4000, $0x38;
	[tilespmem:$0x8800] =	vst v63  }
0xc3: {  	_ =	swait.ge [sflag:s3], $0x4000  }
0xc4: {  	[sflag:s3] =	ssyncset.done $0x0  }
0xc5: {  	[sflag:s3] =	ssyncadd.s32 $0xFFFFC000  }
0xc6: {  	[tilespmem:s6], [sflag:$0x1] =	stream.indirect.gather [hbm4b:s4+s5], $0x80, s14, s5, $0xb8;
	[tilespmem:$0x8800] =	vst v63  }
0xc7: {  	_ =	swait.ge [sflag:s10], $0x4000  }
0xc8: {  	[sflag:s10] =	ssyncset.done $0x0  }
0xc9: {  	s0 =	rddreg [dreg:$0x8];
	[sflag:s10] =	ssyncadd.s32 $0xFFFFC000  }
0xca: {  	[hbm4b:s0+s2] =	stream.linear.scatter [tilespmem:s7], [sflag:$0x3], $0x4000, $0x38;
	[tilespmem:$0x8800] =	vst v63  }
0xcb: {  	_ =	swait.ge [sflag:s3], $0x4000  }
0xcc: {  	[sflag:s3] =	ssyncset.done $0x0  }
0xcd: {  	[sflag:s3] =	ssyncadd.s32 $0xFFFFC000  }
0xce: {  	[tilespmem:s7], [sflag:$0x2] =	stream.indirect.gather [hbm4b:s4+s5], $0x80, s15, s5, $0xb8;
	[tilespmem:$0x8800] =	vst v63  }
0xcf: {  	_ =	swait.ge [sflag:s8], $0x4000  }
0xd0: {  	[sflag:s8] =	ssyncset.done $0x0  }
0xd1: {  	s0 =	rddreg [dreg:$0x9];
	[sflag:s8] =	ssyncadd.s32 $0xFFFFC000  }
0xd2: {  	[hbm4b:s0+s2] =	stream.linear.scatter [tilespmem:s6], [sflag:$0x3], $0x4000, $0x38;
	[tilespmem:$0x8800] =	vst v63  }
0xd3: {  	_ =	swait.ge [sflag:s3], $0x4000  }
0xd4: {  	[sflag:s3] =	ssyncset.done $0x0  }
0xd5: {  	[sflag:s3] =	ssyncadd.s32 $0xFFFFC000  }
0xd6: {  	[tilespmem:s6], [sflag:$0x1] =	stream.indirect.gather [hbm4b:s4+s5], $0x80, s16, s5, $0xb8;
	[tilespmem:$0x8800] =	vst v63  }
0xd7: {  	_ =	swait.ge [sflag:s10], $0x4000  }
0xd8: {  	[sflag:s10] =	ssyncset.done $0x0  }
0xd9: {  	s0 =	rddreg [dreg:$0xa];
	[sflag:s10] =	ssyncadd.s32 $0xFFFFC000  }
0xda: {  	[hbm4b:s0+s2] =	stream.linear.scatter [tilespmem:s7], [sflag:$0x3], $0x4000, $0x38;
	[tilespmem:$0x8800] =	vst v63  }
0xdb: {  	_ =	swait.ge [sflag:s3], $0x4000  }
0xdc: {  	[sflag:s3] =	ssyncset.done $0x0  }
0xdd: {  	[sflag:s3] =	ssyncadd.s32 $0xFFFFC000  }
0xde: {  	[tilespmem:s7], [sflag:$0x2] =	stream.indirect.gather [hbm4b:s4+s5], $0x80, s17, s5, $0xb8;
	[tilespmem:$0x8800] =	vst v63  }
0xdf: {  	_ =	swait.ge [sflag:s8], $0x4000  }
0xe0: {  	[sflag:s8] =	ssyncset.done $0x0  }
0xe1: {  	s0 =	rddreg [dreg:$0xb];
	[sflag:s8] =	ssyncadd.s32 $0xFFFFC000  }
0xe2: {  	[hbm4b:s0+s2] =	stream.linear.scatter [tilespmem:s6], [sflag:$0x3], $0x4000, $0x38;
	[tilespmem:$0x8800] =	vst v63  }
0xe3: {  	_ =	swait.ge [sflag:s3], $0x4000  }
0xe4: {  	[sflag:s3] =	ssyncset.done $0x0  }
0xe5: {  	[sflag:s3] =	ssyncadd.s32 $0xFFFFC000  }
0xe6: {  	[tilespmem:s6], [sflag:$0x1] =	stream.indirect.gather [hbm4b:s4+s5], $0x80, s18, s5, $0xb8;
	[tilespmem:$0x8800] =	vst v63  }
0xe7: {  	_ =	swait.ge [sflag:s10], $0x4000  }
0xe8: {  	[sflag:s10] =	ssyncset.done $0x0  }
0xe9: {  	[sflag:s10] =	ssyncadd.s32 $0xFFFFC000  }
0xea: {  	[hbm4b:s19+s2] =	stream.linear.scatter [tilespmem:s7], [sflag:$0x3], $0x4000, $0x38;
	[tilespmem:$0x8800] =	vst v63  }
0xeb: {  	_ =	swait.ge [sflag:s3], $0x4000  }
0xec: {  	[sflag:s3] =	ssyncset.done $0x0  }
0xed: {  	[sflag:s3] =	ssyncadd.s32 $0xFFFFC000  }
0xee: {  	[tilespmem:s7], [sflag:$0x2] =	stream.indirect.gather [hbm4b:s4+s5], $0x80, s20, s5, $0xb8;
	[tilespmem:$0x8800] =	vst v63  }
0xef: {  	_ =	swait.ge [sflag:s8], $0x4000  }
0xf0: {  	[sflag:s8] =	ssyncset.done $0x0  }
0xf1: {  	[sflag:s8] =	ssyncadd.s32 $0xFFFFC000  }
0xf2: {  	[hbm4b:s21+s2] =	stream.linear.scatter [tilespmem:s6], [sflag:$0x3], $0x4000, $0x38;
	[tilespmem:$0x8800] =	vst v63  }
0xf3: {  	_ =	swait.ge [sflag:s3], $0x4000  }
0xf4: {  	[sflag:s3] =	ssyncset.done $0x0  }
0xf5: {  	[sflag:s3] =	ssyncadd.s32 $0xFFFFC000  }
0xf6: {  	[tilespmem:s6], [sflag:$0x1] =	stream.indirect.gather [hbm4b:s4+s5], $0x80, s22, s5, $0xb8;
	[tilespmem:$0x8800] =	vst v63  }
0xf7: {  	_ =	swait.ge [sflag:s10], $0x4000  }
0xf8: {  	[sflag:s10] =	ssyncset.done $0x0  }
0xf9: {  	[sflag:s10] =	ssyncadd.s32 $0xFFFFC000  }
0xfa: {  	[hbm4b:s23+s2] =	stream.linear.scatter [tilespmem:s7], [sflag:$0x3], $0x4000, $0x38;
	[tilespmem:$0x8800] =	vst v63  }
0xfb: {  	_ =	swait.ge [sflag:s3], $0x4000  }
0xfc: {  	[sflag:s3] =	ssyncset.done $0x0  }
0xfd: {  	[sflag:s3] =	ssyncadd.s32 $0xFFFFC000  }
0xfe: {  	[tilespmem:s7], [sflag:$0x2] =	stream.indirect.gather [hbm4b:s4+s5], $0x80, s24, s5, $0xb8;
	[tilespmem:$0x8800] =	vst v63  }
0xff: {  	_ =	swait.ge [sflag:s8], $0x4000  }
0x100: {  	[sflag:s8] =	ssyncset.done $0x0  }
0x101: {  	[sflag:s8] =	ssyncadd.s32 $0xFFFFC000  }
0x102: {  	[hbm4b:s25+s2] =	stream.linear.scatter [tilespmem:s6], [sflag:$0x3], $0x4000, $0x38;
	[tilespmem:$0x8800] =	vst v63  }
0x103: {  	_ =	swait.ge [sflag:s3], $0x4000  }
0x104: {  	[sflag:s3] =	ssyncset.done $0x0  }
0x105: {  	[sflag:s3] =	ssyncadd.s32 $0xFFFFC000  }
0x106: {  	[tilespmem:s6], [sflag:$0x1] =	stream.indirect.gather [hbm4b:s4+s5], $0x80, s26, s5, $0xb8;
	[tilespmem:$0x8800] =	vst v63  }
0x107: {  	_ =	swait.ge [sflag:s10], $0x4000  }
0x108: {  	[sflag:s10] =	ssyncset.done $0x0  }
0x109: {  	[sflag:s10] =	ssyncadd.s32 $0xFFFFC000  }
0x10a: {  	[hbm4b:s28+s2] =	stream.linear.scatter [tilespmem:s7], [sflag:$0x3], $0x4000, $0x38;
	[tilespmem:$0x8800] =	vst v63  }
0x10b: {  	_ =	swait.ge [sflag:s3], $0x4000  }
0x10c: {  	[sflag:s3] =	ssyncset.done $0x0  }
0x10d: {  	[sflag:s3] =	ssyncadd.s32 $0xFFFFC000  }
0x10e: {  	[tilespmem:s7], [sflag:$0x2] =	stream.indirect.gather [hbm4b:s4+s5], $0x80, s29, s5, $0xb8;
	[tilespmem:$0x8800] =	vst v63  }
0x10f: {  	_ =	swait.ge [sflag:s8], $0x4000  }
0x110: {  	[sflag:s8] =	ssyncset.done $0x0  }
0x111: {  	[sflag:s8] =	ssyncadd.s32 $0xFFFFC000  }
0x112: {  	[hbm4b:s30+s2] =	stream.linear.scatter [tilespmem:s6], [sflag:$0x3], $0x4000, $0x38;
	[tilespmem:$0x8800] =	vst v63  }
0x113: {  	_ =	swait.ge [sflag:s3], $0x4000  }
0x114: {  	[sflag:s3] =	ssyncset.done $0x0  }
0x115: {  	p0 =	sne.s32 s1, $0x1;
	[sflag:s3] =	ssyncadd.s32 $0xFFFFC000  }
.Ltmp1:
0x116: {  	_ =	swait.ge [sflag:s10], $0x4000;
	(pc) =	sbr.rel @p0 .LBB2_1-.Ltmp1, $4  }
0x117: {  	[sflag:s10] =	ssyncset.done $0x0  }
0x118: {  	[sflag:s10] =	ssyncadd.s32 $0xFFFFC000  }
0x119: {  	[hbm4b:s31+s2] =	stream.linear.scatter [tilespmem:s7], [sflag:$0x3], $0x4000, $0x38;
	[tilespmem:$0x8800] =	vst v63  }
0x11a: {  	s1 =	sadd.s32 $0xFFFFFFFF, s1;
	_ =	swait.ge [sflag:s3], $0x4000  }
.LBB2_2:
0x11b: {  	[sflag:s3] =	ssyncset.done $0x0  }
0x11c: {  	[sflag:s3] =	ssyncadd.s32 $0xFFFFC000  }
0x11d: {  	_ =	sfence.sel $0x180000  }
0x11e: {  	[bflag:$0x0] =	sbarrier.arrive $0xFFFF  }
0x11f: {  	_ =	strace $0x90000047  }
0x120: {  	s0 =	stileid.u32;
	[bflag:$0x2] =	sbarrier.arrive $0xFFFF  }
0x121: {  	p0 =	sne.s32 s0, $0x0;
	s0 =	rddreg [dreg:$0x1]  }
0x122: {  	s0 =	sadd.s32 @!p0 $0x100000, s0  }
0x123: {  	[sflag:s0] =	ssyncadd.tile.s32 @!p0 $0x1;
	_ =	shalt  }
.Lfunc_end2:
_tile_overlayer_lowered:
.L_overlay_start_2:
0x124: {  	(tag) =	ssettag $0x2  }
0x125: {  	s0 =	rddreg [dreg:$0x0];
	s2 =	stileid.u32  }
0x126: {  	s1 =	rddreg [dreg:$0x1];
	p0 =	sne.s32 s2, $0x0  }
0x127: {  	s3 =	rddreg [dreg:$0x2];
	[bflag:$0x3] =	sbarrier.arrive $0xFFFF;
	s2 =	simm.s32 @!p0 $0x1C03  }
0x128: {  	[timem:s3], [sflag:s2] =	dma.local @!p0 [hbm:s0], s1  }
0x129: {  	s0 =	simm.s32 @!p0 $0x3  }
0x12a: {  	_ =	swait.ge @!p0 [sflag:s0], s1  }
0x12b: {  	s1 =	ssub.s32 @!p0 $0x0, s1;
	[sflag:s0] =	ssyncset.done @!p0 $0x0  }
0x12c: {  	[sflag:s0] =	ssyncadd.s32 @!p0 s1  }
0x12d: {  	[bflag:$0x3] =	sbarrier.arrive $0xFFFF  }
0x12e: {  	_ =	shalt  }

// kernel: kernel.17.cloned.1.call-start
scs
__scs_entry_jumppad:
0x0: {  	(pc) =	sbr.rel $0x88, $3  }
0x1: {  	(tag) =	ssettag $0x0;
	lr =	simm.s32 $0x1  }
0x2: {  	[smem:$0x3F90] =	sst lr;
	_ =	strace $0xD0000000  }
0x3: {  	_ = 	snop  }
0x4: {  	_ = 	snop  }
0x5: {  	_ = 	snop  }
0x6: {  	_ = 	snop  }
0x7: {  	_ = 	snop  }
__scs_overlays_trampoline_lowered:
0x8: {  	[smem:$0x3F9F] =	sst s0  }
0x9: {  	[smem:$0x3FA0] =	sst s1  }
0xa: {  	[smem:$0x3FA1] =	sst s2  }
0xb: {  	[smem:$0x3FA2] =	sst s3  }
0xc: {  	[smem:$0x3FA3] =	sst s4  }
0xd: {  	[smem:$0x3FA4] =	sst s5  }
0xe: {  	[smem:$0x3FA5] =	sst s6  }
0xf: {  	[smem:$0x3FA6] =	sst s7  }
0x10: {  	[smem:$0x3FA7] =	sst s8  }
0x11: {  	[smem:$0x3FA8] =	sst s9;
	s0 =	simm.s32 @!p0 $0x0  }
0x12: {  	s1 =	sld [smem:$0x3F8E];
	s0 =	simm.s32 @p0 $0x1  }
0x13: {  	[smem:$0x3FA9] =	sst s0;
	s0 =	simm.s32 @!p1 $0x0  }
0x14: {  	s2 =	sld [smem:$0x3F8D];
	s0 =	simm.s32 @p1 $0x1  }
0x15: {  	[smem:$0x3FAA] =	sst s0;
	s0 =	simm.s32 @!p2 $0x0  }
0x16: {  	s3 =	sld [smem:$0x3FDB];
	s0 =	simm.s32 @p2 $0x1  }
0x17: {  	s4 =	simm.s32 $0x1BF5;
	[smem:$0x3FAC] =	sst s0  }
0x18: {  	s0 =	sld [smem:$0x3F8F];
	_ =	swait.ge [sflag:s4], $0x0  }
0x19: {  	s7 =	sld [smem:$0x3F90]  }
0x1a: {  	s8 =	sadd.s32 $0xFFFFE003, lr  }
0x1b: {  	s9 =	sadd.s32 $0xFFFFFEF7, lr;
	s5 =	simm.s32 $0xFFFFFFFF;
	p2 =	slt.u32 s8, $0xFFFFF086  }
0x1c: {  	p1 =	slt.u32 s9, $0xF7A;
	s5 =	simm.s32 @!p2 $0x0  }
0x1d: {  	s5 =	simm.s32 @p1 $0x1;
	p0 =	seq.s32 s7, s2  }
0x1e: {  	s7 =	smul.u32 @!p0 $0xF7A, s2;
	p2 =	seq.s32 @!p0 s5, $0x0  }
0x1f: {  	s9 =	smul.u32 $0xF7A, s1;
	s8 =	simm.s32 @!p0 $0x1BF5;
	p2 =	por !p2, p0  }
0x20: {  	[sflag:s8] =	ssyncset.s32 @!p0 $0xFFFFF086;
	s6 =	sadd.s32 @!p0 s3, s7;
	s7 =	simm.s32 @!p0 $0x108  }
0x21: {  	s3 =	sadd.s32 s3, s9;
	s6 =	sadd.s32 @!p0 $0x88, s6;
	s7 =	simm.s32 @p2 $0x1082  }
0x22: {  	[simem:s7], [sflag:s8] =	dma.local @!p0 [hbm:s6], $0xF7A  }
0x23: {  	s9 =	sor.u32 $0xD0000000, s2;
	s6 =	simm.s32 $0x108;
	_ =	swait.ge @!p0 [sflag:s8], $0x0  }
0x24: {  	s3 =	sadd.s32 $0x88, s3;
	s6 =	simm.s32 @!p1 $0x1082;
	[sflag:s4] =	ssyncset.s32 $0xFFFFF086  }
0x25: {  	[simem:s6], [sflag:s4] =	dma.local [hbm:s3], $0xF7A  }
0x26: {  	[smem:$0x3F90] =	sst s1;
	(tag) =	ssettag s2;
	_ =	strace s9  }
0x27: {  	s1 =	sld [smem:$0x3FA0]  }
0x28: {  	s2 =	sld [smem:$0x3FA1]  }
0x29: {  	s4 =	sld [smem:$0x3FA3]  }
0x2a: {  	p0 =	seq.s32 s5, $0x0;
	s5 =	sld [smem:$0x3FA4]  }
0x2b: {  	s6 =	sld [smem:$0x3FA5]  }
0x2c: {  	s7 =	sld [smem:$0x3FA6]  }
0x2d: {  	s3 =	simm.s32 $0x108;
	s8 =	sld [smem:$0x3FA7]  }
0x2e: {  	s3 =	simm.s32 @!p0 $0x1082;
	s9 =	sld [smem:$0x3FA8]  }
0x2f: {  	lr =	sadd.s32 s0, s3;
	s0 =	sld [smem:$0x3F9F]  }
0x30: {  	s3 =	sld [smem:$0x3FA2]  }
0x31: {  	[smem:$0x3FAB] =	sst s10  }
0x32: {  	s10 =	sld [smem:$0x3FA9];
	_ =	sdelay $0x3  }
0x33: {  	p0 =	seq.s32 s10, $0x1;
	s10 =	sld [smem:$0x3FAB];
	_ =	sdelay $0x3  }
0x34: {  	[smem:$0x3FAB] =	sst s10  }
0x35: {  	s10 =	sld [smem:$0x3FAA];
	_ =	sdelay $0x3  }
0x36: {  	p1 =	seq.s32 s10, $0x1;
	s10 =	sld [smem:$0x3FAB];
	_ =	sdelay $0x3  }
0x37: {  	[smem:$0x3FAB] =	sst s10  }
0x38: {  	s10 =	sld [smem:$0x3FAC]  }
0x39: {  	_ = 	snop;
	(pc) =	sbr.ind lr, $3  }
0x3a: {  	_ = 	snop  }
0x3b: {  	_ = 	snop  }
0x3c: {  	p2 =	seq.s32 s10, $0x1;
	s10 =	sld [smem:$0x3FAB]  }
0x3d: {  	_ =	shalt  }
0x3e: {  	_ =	shalt  }
0x3f: {  	_ =	shalt  }
0x40: {  	_ =	shalt  }
0x41: {  	_ =	shalt  }
0x42: {  	_ =	shalt  }
0x43: {  	_ =	shalt  }
0x44: {  	_ =	shalt  }
0x45: {  	_ =	shalt  }
0x46: {  	_ =	shalt  }
0x47: {  	_ =	shalt  }
0x48: {  	_ =	shalt  }
0x49: {  	_ =	shalt  }
0x4a: {  	_ =	shalt  }
0x4b: {  	_ =	shalt  }
0x4c: {  	_ =	shalt  }
0x4d: {  	_ =	shalt  }
0x4e: {  	_ =	shalt  }
0x4f: {  	_ =	shalt  }
0x50: {  	_ =	shalt  }
0x51: {  	_ =	shalt  }
0x52: {  	_ =	shalt  }
0x53: {  	_ =	shalt  }
0x54: {  	_ =	shalt  }
0x55: {  	_ =	shalt  }
0x56: {  	_ =	shalt  }
0x57: {  	_ =	shalt  }
0x58: {  	_ =	shalt  }
0x59: {  	_ =	shalt  }
0x5a: {  	_ =	shalt  }
0x5b: {  	_ =	shalt  }
0x5c: {  	_ =	shalt  }
0x5d: {  	_ =	shalt  }
0x5e: {  	_ =	shalt  }
0x5f: {  	_ =	shalt  }
0x60: {  	_ =	shalt  }
0x61: {  	_ =	shalt  }
0x62: {  	_ =	shalt  }
0x63: {  	_ =	shalt  }
0x64: {  	_ =	shalt  }
0x65: {  	_ =	shalt  }
0x66: {  	_ =	shalt  }
0x67: {  	_ =	shalt  }
0x68: {  	_ =	shalt  }
0x69: {  	_ =	shalt  }
0x6a: {  	_ =	shalt  }
0x6b: {  	_ =	shalt  }
0x6c: {  	_ =	shalt  }
0x6d: {  	_ =	shalt  }
0x6e: {  	_ =	shalt  }
0x6f: {  	_ =	shalt  }
0x70: {  	_ =	shalt  }
0x71: {  	_ =	shalt  }
0x72: {  	_ =	shalt  }
0x73: {  	_ =	shalt  }
0x74: {  	_ =	shalt  }
0x75: {  	_ =	shalt  }
0x76: {  	_ =	shalt  }
0x77: {  	_ =	shalt  }
0x78: {  	_ =	shalt  }
0x79: {  	_ =	shalt  }
0x7a: {  	_ =	shalt  }
0x7b: {  	_ =	shalt  }
0x7c: {  	_ =	shalt  }
0x7d: {  	_ =	shalt  }
0x7e: {  	_ =	shalt  }
0x7f: {  	_ =	shalt  }
0x80: {  	_ =	shalt  }
0x81: {  	_ =	shalt  }
0x82: {  	_ =	shalt  }
0x83: {  	_ =	shalt  }
0x84: {  	_ =	shalt  }
0x85: {  	_ =	shalt  }
0x86: {  	_ =	shalt  }
0x87: {  	_ =	shalt  }
.Lfunc_end0:
.L_simem_size_0:
called_computation.1_lowered:
.L_overlay_start_0:
0x88: {  	s2 =	sld [smem:$0x3FD9]  }
0x89: {  	s3 =	sld [smem:$0x3FFE];
	_ =	sdelay $0x1  }
0x8a: {  	s1 =	srdreg.scid  }
0x8b: {  	s0 =	sand.u32 $0x1, s1  }
0x8c: {  	s17 =	sshll.u32 s0, $0xA;
	s2 =	sadd.s32 s3, s2  }
0x8d: {  	s2 =	sadd.s32 s2, s17  }
0x8e: {  	[smem:$0x3FB7] =	sst s2  }
0x8f: {  	_ = 	snop  }
0x90: {  	(tm) =	ssettm $0x1  }
0x91: {  	s18 =	sld [smem:$0x3FFB];
	_ =	sdelay $0x3  }
0x92: {  	_ =	strace s18  }
0x93: {  	s2 =	sld [smem:$0x3FFC];
	_ =	sdelay $0x3  }
0x94: {  	_ =	strace s2  }
0x95: {  	s2 =	sld [smem:$0x3FFD];
	_ =	sdelay $0x3  }
0x96: {  	_ =	strace s2  }
0x97: {  	_ =	strace $0x8FFFFFFF  }
0x98: {  	s19 =	sld [smem:$0x3FDB];
	_ =	sdelay $0x1  }
0x99: {  	s20 =	simm.s32 $_scs_section_size  }
0x9a: {  	s4 =	simm.s32 $_size__tile_overlayer_lowered;
	s5 =	simm.s32 $_tile_overlayer_lowered  }
0x9b: {  	s6 =	simm.s32 $0x1BFF;
	s21 =	sshll.u32 s5, $0x1;
	s3 =	sadd.s32 s20, s19  }
0x9c: {  	s22 =	simm.s32 $0x0;
	s4 =	sshll.u32 s4, $0x1;
	s5 =	sadd.s32 s21, s3  }
0x9d: {  	[timem:s22], [sflag:s6] =	dma.local [hbm:s5], s4  }
0x9e: {  	_ =	swait.ge [sflag:s6], s4  }
0x9f: {  	s4 =	ssub.s32 $0x0, s4;
	[sflag:s6] =	ssyncset.done $0x0  }
0xa0: {  	[sflag:s6] =	ssyncadd.s32 s4;
	_ =	sdelay $0x1  }
0xa1: {  	s23 =	simm.s32 $0x1B8B  }
0xa2: {  	_ =	swait.ge [sflag:s23], $0x1  }
0xa3: {  	[sflag:s23] =	ssyncset.done $0x0  }
0xa4: {  	[sflag:s23] =	ssyncadd.s32 $0xFFFFFFFF  }
0xa5: {  	s4 =	sld [smem:$0x0]  }
0xa6: {  	s5 =	sand.u32 $0xFFFFFFFE, s1  }
0xa7: {  	p0 =	sne.s32 s1, s5  }
0xa8: {  	s5 =	sshll.u32 @p0 s5, $0xE  }
0xa9: {  	s5 =	sadd.s32 @p0 $0x11B8D, s5;
	s6 =	sshll.u32 @p0 s4, $0x11  }
0xaa: {  	s5 =	sor.u32 @p0 s6, s5  }
0xab: {  	[sflag:s5] =	ssyncadd.remote.s32 @p0 $0x1;
	_ =	sdelay $0x1  }
0xac: {  	s5 =	simm.s32 @p0 $0x1B8D  }
0xad: {  	_ =	swait.eq @p0 [sflag:s5], $0x1  }
0xae: {  	[sflag:s5] =	ssyncadd.s32 @p0 $0xFFFFFFFF  }
0xaf: {  	s6 =	sshll.u32 @!p0 s1, $0xE  }
0xb0: {  	s6 =	sor.u32 @!p0 $0x4000, s6;
	s5 =	simm.s32 @!p0 $0x1B8D  }
0xb1: {  	s4 =	sshll.u32 @!p0 s4, $0x11;
	s6 =	sadd.s32 @!p0 $0x11B8D, s6;
	_ =	swait.eq @!p0 [sflag:s5], $0x1  }
0xb2: {  	s4 =	sor.u32 @!p0 s4, s6;
	[sflag:s5] =	ssyncadd.s32 @!p0 $0xFFFFFFFF  }
0xb3: {  	s25 =	simm.s32 $0x1B8E;
	s24 =	sld [smem:$0x3FFE];
	[sflag:s4] =	ssyncadd.remote.s32 @!p0 $0x1  }
0xb4: {  	s26 =	simm.s32 $execute0_lowered;
	[smem:$0x3FD2] =	sst s25  }
0xb5: {  	s5 =	sshll.u32 s26, $0x1;
	_ =	strace $0x80000049;
	[dreg:$0x1] =	wrdreg $0xFFFFFFFF  }
0xb6: {  	s28 =	simm.s32 $_size_execute0_lowered;
	s3 =	sadd.s32 s3, s5;
	[dreg:$0x0] =	wrdreg $0x0  }
0xb7: {  	s5 =	sshll.u32 s28, $0x1;
	[dreg:$0x2] =	wrdreg s3  }
0xb8: {  	[dreg:$0x3] =	wrdreg s5  }
0xb9: {  	[dreg:$0x4] =	wrdreg $0xC0  }
0xba: {  	_ =	task [dreg:s22], $0x5FFFF  }
0xbb: {  	[dreg:$0x1] =	wrdreg $0xFFFFFFFF  }
0xbc: {  	[dreg:$0x0] =	wrdreg $0x60  }
0xbd: {  	[dreg:$0x2] =	wrdreg s24  }
0xbe: {  	[dreg:$0x3] =	wrdreg $0xA  }
0xbf: {  	_ =	task.clear_ibuf [dreg:s22], $0x4FFFF;
	_ =	strace $0x90000049  }
0xc0: {  	s29 =	simm.s32 $0xA;
	_ =	strace $0x8000004B  }
0xc1: {  	_ =	swait.ge [sflag:s29], $0x1  }
0xc2: {  	[sflag:s29] =	ssyncadd.s32 $0xFFFFFFFF  }
0xc3: {  	_ =	strace $0x9000004B  }
0xc4: {  	_ =	sfence  }
0xc5: {  	s30 =	sld [smem:$0x0];
	_ =	sdelay $0x2  }
0xc6: {  	s31 =	sshll.u32 s1, $0xD;
	s1 =	sshrl.u32 s1, $0x2  }
0xc7: {  	s4 =	sand.u32 $0x4000, s31;
	s1 =	sadd.s32 s1, s30  }
0xc8: {  	s0 =	sor.u32 s4, s0;
	s1 =	sshll.u32 s1, $0x11  }
0xc9: {  	s0 =	sor.u32 s1, s0  }
0xca: {  	s0 =	sadd.s32 $0x8F2B, s0  }
0xcb: {  	[sflag:s0] =	ssyncadd.remote.s32 $0x1  }
0xcc: {  	_ =	sfence.sel $0xFFFF  }
0xcd: {  	[dreg:$0x0] =	wrdreg $0xFFFFFFFF;
	(pc) =	sbr.abs _section_cstart, $3  }
0xce: {  	[dreg:$0x1] =	wrdreg $0xFFFFFFFF  }
0xcf: {  	_ =	task.clear_ibuf [dreg:s22], $0x2FFFF;
	_ =	strace $0x9FFFFFFF  }
0xd0: {  	(tm) =	ssettm $0x7FFFFFFF  }
0xd1: {  	_ =	shalt  }
tec
execute0_lowered:
.L_overlay_start_1:
0x0: {  	(tag) =	ssettag $0x1  }
0x1: {  	s0 =	srdreg.scid  }
0x2: {  	s2 =	stileid.u32;
	s1 =	sand.u32 $0x1, s0  }
0x3: {  	s4 =	sshll.u32 s2, $0xD;
	s5 =	sshll.u32 s1, $0xC  }
0x4: {  	s0 =	sor.u32 s5, s4  }
0x5: {  	s3 =	rddreg [dreg:$0x0];
	s4 =	sshrl.u32 s0, $0x3  }
0x6: {  	s2 =	simm.s32 $0x0;
	s0 =	sshll.u32 s0, $0x4;
	s4 =	sadd.s32 s4, s3  }
0x7: {  	[smem:$0x7FF] =	sst s2;
	s5 =	sadd.s32 s0, s3;
	s6 =	sadd.s32 $0x156800, s4  }
0x8: {  	_ =	strace $0x8000004A;
	s7 =	sadd.s32 $0x15A800, s5;
	[dreg:$0x2] =	wrdreg s6  }
0x9: {  	s8 =	sadd.s32 $0x15B000, s5;
	[dreg:$0x3] =	wrdreg s7  }
0xa: {  	s9 =	sadd.s32 $0x15B800, s5;
	[dreg:$0x4] =	wrdreg s8  }
0xb: {  	s10 =	sadd.s32 $0x15C000, s5;
	[dreg:$0x5] =	wrdreg s9  }
0xc: {  	s11 =	sadd.s32 $0x15C800, s5;
	[dreg:$0x6] =	wrdreg s10  }
0xd: {  	s12 =	sadd.s32 $0x15D000, s5;
	[dreg:$0x7] =	wrdreg s11  }
0xe: {  	s13 =	sadd.s32 $0x15D800, s5;
	[dreg:$0x8] =	wrdreg s12  }
0xf: {  	s14 =	sadd.s32 $0x15E000, s5;
	[dreg:$0x9] =	wrdreg s13  }
0x10: {  	s15 =	sadd.s32 $0x15E800, s5;
	[dreg:$0xa] =	wrdreg s14  }
0x11: {  	s16 =	sadd.s32 $0x15F000, s5;
	[dreg:$0xb] =	wrdreg s15  }
0x12: {  	s17 =	sadd.s32 $0x15F800, s5;
	[dreg:$0xc] =	wrdreg s16  }
0x13: {  	s18 =	sadd.s32 $0x160000, s5;
	[dreg:$0xd] =	wrdreg s17  }
0x14: {  	s19 =	sadd.s32 $0x160800, s5;
	[dreg:$0xe] =	wrdreg s18  }
0x15: {  	s20 =	sadd.s32 $0x161000, s5;
	[dreg:$0xf] =	wrdreg s19  }
0x16: {  	s21 =	sadd.s32 $0x161800, s5;
	[dreg:$0x10] =	wrdreg s20  }
0x17: {  	s22 =	sadd.s32 $0x162000, s5;
	[dreg:$0x11] =	wrdreg s21  }
0x18: {  	s23 =	sadd.s32 $0x162800, s5;
	[dreg:$0x12] =	wrdreg s22  }
0x19: {  	s24 =	sadd.s32 $0x163000, s5;
	[dreg:$0x13] =	wrdreg s23  }
0x1a: {  	s25 =	sadd.s32 $0x163800, s5;
	[dreg:$0x14] =	wrdreg s24  }
0x1b: {  	s26 =	sadd.s32 $0x164000, s5;
	[dreg:$0x15] =	wrdreg s25  }
0x1c: {  	s4 =	sadd.s32 $0x164800, s5;
	[dreg:$0x16] =	wrdreg s26  }
0x1d: {  	[dreg:$0x17] =	wrdreg s4;
	s6 =	sadd.s32 $0x165000, s5  }
0x1e: {  	s7 =	sadd.s32 $0x165800, s5;
	[dreg:$0x18] =	wrdreg s6  }
0x1f: {  	s8 =	sadd.s32 $0x166000, s5;
	[dreg:$0x19] =	wrdreg s7  }
0x20: {  	s9 =	sadd.s32 $0x166800, s5;
	[dreg:$0x1a] =	wrdreg s8  }
0x21: {  	s10 =	sadd.s32 $0x167000, s5;
	[dreg:$0x1b] =	wrdreg s9  }
0x22: {  	s11 =	sadd.s32 $0x167800, s5;
	[dreg:$0x1c] =	wrdreg s10  }
0x23: {  	s31 =	simm.s32 $0x580;
	s12 =	sadd.s32 $0x168000, s5;
	[dreg:$0x1d] =	wrdreg s11  }
0x24: {  	s30 =	simm.s32 $0x600;
	s13 =	sadd.s32 $0x168800, s5;
	[dreg:$0x1e] =	wrdreg s12  }
0x25: {  	s29 =	simm.s32 $0x680;
	s14 =	sadd.s32 $0x169000, s5;
	[dreg:$0x1f] =	wrdreg s13  }
0x26: {  	s28 =	simm.s32 $0x700;
	s15 =	sadd.s32 $0x169800, s5;
	[smem:$0x7F2] =	sst s14  }
0x27: {  	p0 =	por $0x0, $0x0;
	s16 =	sadd.s32 $0x16A000, s5;
	[smem:$0x7F3] =	sst s15  }
0x28: {  	s1 =	ssub.s32 $0x2, s1;
	s17 =	simm.s32 $0x100;
	[smem:$0x7F4] =	sst s16  }
0x29: {  	s4 =	sadd.s32 $0x16800, s3;
	s19 =	simm.s32 $0x180;
	[smem:$0x7F5] =	sst s17  }
0x2a: {  	s18 =	sshrl.u32 s1, $0x1;
	s20 =	simm.s32 $0x200;
	[smem:$0x7F6] =	sst s19  }
0x2b: {  	s21 =	simm.s32 $0x280;
	s3 =	simm.s32 $0x3;
	[smem:$0x7F7] =	sst s20  }
0x2c: {  	s22 =	simm.s32 $0x300;
	s23 =	simm.s32 $0x380;
	[smem:$0x7F8] =	sst s21  }
0x2d: {  	s24 =	simm.s32 $0x400;
	s5 =	simm.s32 $0x5000;
	[smem:$0x7F9] =	sst s22  }
0x2e: {  	s25 =	simm.s32 $0x480;
	s26 =	simm.s32 $0x500;
	[smem:$0x7FA] =	sst s23  }
0x2f: {  	s1 =	ssub.s32 s1, s18;
	s7 =	simm.s32 $0x80;
	[smem:$0x7FB] =	sst s24  }
0x30: {  	s6 =	simm.s32 $0x1000;
	s9 =	simm.s32 $0x1;
	[smem:$0x7FC] =	sst s25  }
0x31: {  	s8 =	simm.s32 $0x2;
	[smem:$0x7FD] =	sst s26;
	s26 =	simm.s32 $0x780  }
0x32: {  	s25 =	simm.s32 $0x800;
	s24 =	simm.s32 $0x880;
	s1 =	smax.u32 s1, $0x1  }
0x33: {  	s23 =	simm.s32 $0x900;
	s22 =	simm.s32 $0x980;
	p1 =	sne.s32 s1, $0x1  }
.Ltmp0:
0x34: {  	s21 =	simm.s32 $0xA00;
	s20 =	simm.s32 $0xA80;
	(pc) =	sbr.rel @!p1 .LBB2_3-.Ltmp0, $4  }
0x35: {  	s19 =	simm.s32 $0xB00;
	s18 =	simm.s32 $0xB80;
	s17 =	simm.s32 $0xC00  }
0x36: {  	s16 =	simm.s32 $0xC80;
	s15 =	simm.s32 $0xD00;
	s14 =	simm.s32 $0xD80  }
0x37: {  	s13 =	simm.s32 $0xE00;
	s12 =	simm.s32 $0xE80;
	s11 =	simm.s32 $0xF00  }
0x38: {  	s10 =	simm.s32 $0xF80;
	s0 =	rddreg [dreg:$0x2];
	s1 =	sadd.s32 $0xFFFFFFFF, s1  }
0x39: {  	[tilespmem:s2], [sflag:$0x3] =	stream.linear.gather [hbm4b:s0+s2], $0x1000, $0x38;
	[tilespmem:$0x9000] =	vst v63  }
0x3a: {  	_ =	swait.ge [sflag:s3], $0x1000  }
0x3b: {  	[sflag:s3] =	ssyncset.done $0x0  }
0x3c: {  	[sflag:s3] =	ssyncadd.s32 $0xFFFFF000  }
0x3d: {  	[tilespmem:s6], [sflag:$0x1] =	stream.indirect.gather [hbm4b:s4+s7], $0x80, s2, s7, $0xb8;
	[tilespmem:$0x9000] =	vst v63  }
0x3e: {  	_ = 	snop  }
0x3f: {  	[tilespmem:s5], [sflag:$0x2] =	stream.indirect.gather [hbm4b:s4+s7], $0x80, s7, s7, $0xb8;
	[tilespmem:$0x9000] =	vst v63  }
0x40: {  	_ =	swait.ge [sflag:s9], $0x4000  }
0x41: {  	[sflag:s9] =	ssyncset.done $0x0  }
0x42: {  	s0 =	rddreg [dreg:$0x3];
	[sflag:s9] =	ssyncadd.s32 $0xFFFFC000  }
0x43: {  	[hbm4b:s0+s2] =	stream.linear.scatter [tilespmem:s6], [sflag:$0x3], $0x4000, $0x38;
	[tilespmem:$0x9000] =	vst v63  }
0x44: {  	_ =	swait.ge [sflag:s3], $0x4000  }
0x45: {  	s0 =	sld [smem:$0x7F5]  }
0x46: {  	[sflag:s3] =	ssyncset.done $0x0  }
0x47: {  	[sflag:s3] =	ssyncadd.s32 $0xFFFFC000  }
0x48: {  	[tilespmem:s6], [sflag:$0x1] =	stream.indirect.gather [hbm4b:s4+s7], $0x80, s0, s7, $0xb8;
	[tilespmem:$0x9000] =	vst v63  }
0x49: {  	_ =	swait.ge [sflag:s8], $0x4000  }
0x4a: {  	[sflag:s8] =	ssyncset.done $0x0  }
0x4b: {  	s0 =	rddreg [dreg:$0x4];
	[sflag:s8] =	ssyncadd.s32 $0xFFFFC000  }
0x4c: {  	[hbm4b:s0+s2] =	stream.linear.scatter [tilespmem:s5], [sflag:$0x3], $0x4000, $0x38;
	[tilespmem:$0x9000] =	vst v63  }
0x4d: {  	_ =	swait.ge [sflag:s3], $0x4000  }
0x4e: {  	s0 =	sld [smem:$0x7F6]  }
0x4f: {  	[sflag:s3] =	ssyncset.done $0x0  }
0x50: {  	[sflag:s3] =	ssyncadd.s32 $0xFFFFC000  }
0x51: {  	[tilespmem:s5], [sflag:$0x2] =	stream.indirect.gather [hbm4b:s4+s7], $0x80, s0, s7, $0xb8;
	[tilespmem:$0x9000] =	vst v63  }
0x52: {  	_ =	swait.ge [sflag:s9], $0x4000  }
0x53: {  	[sflag:s9] =	ssyncset.done $0x0  }
0x54: {  	s0 =	rddreg [dreg:$0x5];
	[sflag:s9] =	ssyncadd.s32 $0xFFFFC000  }
0x55: {  	[hbm4b:s0+s2] =	stream.linear.scatter [tilespmem:s6], [sflag:$0x3], $0x4000, $0x38;
	[tilespmem:$0x9000] =	vst v63  }
0x56: {  	_ =	swait.ge [sflag:s3], $0x4000  }
0x57: {  	s0 =	sld [smem:$0x7F7]  }
0x58: {  	[sflag:s3] =	ssyncset.done $0x0  }
0x59: {  	[sflag:s3] =	ssyncadd.s32 $0xFFFFC000  }
0x5a: {  	[tilespmem:s6], [sflag:$0x1] =	stream.indirect.gather [hbm4b:s4+s7], $0x80, s0, s7, $0xb8;
	[tilespmem:$0x9000] =	vst v63  }
0x5b: {  	_ =	swait.ge [sflag:s8], $0x4000  }
0x5c: {  	[sflag:s8] =	ssyncset.done $0x0  }
0x5d: {  	s0 =	rddreg [dreg:$0x6];
	[sflag:s8] =	ssyncadd.s32 $0xFFFFC000  }
0x5e: {  	[hbm4b:s0+s2] =	stream.linear.scatter [tilespmem:s5], [sflag:$0x3], $0x4000, $0x38;
	[tilespmem:$0x9000] =	vst v63  }
0x5f: {  	_ =	swait.ge [sflag:s3], $0x4000  }
0x60: {  	s0 =	sld [smem:$0x7F8]  }
0x61: {  	[sflag:s3] =	ssyncset.done $0x0  }
0x62: {  	[sflag:s3] =	ssyncadd.s32 $0xFFFFC000  }
0x63: {  	[tilespmem:s5], [sflag:$0x2] =	stream.indirect.gather [hbm4b:s4+s7], $0x80, s0, s7, $0xb8;
	[tilespmem:$0x9000] =	vst v63  }
0x64: {  	_ =	swait.ge [sflag:s9], $0x4000  }
0x65: {  	[sflag:s9] =	ssyncset.done $0x0  }
0x66: {  	s0 =	rddreg [dreg:$0x7];
	[sflag:s9] =	ssyncadd.s32 $0xFFFFC000  }
0x67: {  	[hbm4b:s0+s2] =	stream.linear.scatter [tilespmem:s6], [sflag:$0x3], $0x4000, $0x38;
	[tilespmem:$0x9000] =	vst v63  }
0x68: {  	_ =	swait.ge [sflag:s3], $0x4000  }
0x69: {  	s0 =	sld [smem:$0x7F9]  }
0x6a: {  	[sflag:s3] =	ssyncset.done $0x0  }
0x6b: {  	[sflag:s3] =	ssyncadd.s32 $0xFFFFC000  }
0x6c: {  	[tilespmem:s6], [sflag:$0x1] =	stream.indirect.gather [hbm4b:s4+s7], $0x80, s0, s7, $0xb8;
	[tilespmem:$0x9000] =	vst v63  }
0x6d: {  	_ =	swait.ge [sflag:s8], $0x4000  }
0x6e: {  	[sflag:s8] =	ssyncset.done $0x0  }
0x6f: {  	s0 =	rddreg [dreg:$0x8];
	[sflag:s8] =	ssyncadd.s32 $0xFFFFC000  }
0x70: {  	[hbm4b:s0+s2] =	stream.linear.scatter [tilespmem:s5], [sflag:$0x3], $0x4000, $0x38;
	[tilespmem:$0x9000] =	vst v63  }
0x71: {  	_ =	swait.ge [sflag:s3], $0x4000  }
0x72: {  	s0 =	sld [smem:$0x7FA]  }
0x73: {  	[sflag:s3] =	ssyncset.done $0x0  }
0x74: {  	[sflag:s3] =	ssyncadd.s32 $0xFFFFC000  }
0x75: {  	[tilespmem:s5], [sflag:$0x2] =	stream.indirect.gather [hbm4b:s4+s7], $0x80, s0, s7, $0xb8;
	[tilespmem:$0x9000] =	vst v63  }
0x76: {  	_ =	swait.ge [sflag:s9], $0x4000  }
0x77: {  	[sflag:s9] =	ssyncset.done $0x0  }
0x78: {  	s0 =	rddreg [dreg:$0x9];
	[sflag:s9] =	ssyncadd.s32 $0xFFFFC000  }
0x79: {  	[hbm4b:s0+s2] =	stream.linear.scatter [tilespmem:s6], [sflag:$0x3], $0x4000, $0x38;
	[tilespmem:$0x9000] =	vst v63  }
0x7a: {  	_ =	swait.ge [sflag:s3], $0x4000  }
0x7b: {  	s0 =	sld [smem:$0x7FB]  }
0x7c: {  	[sflag:s3] =	ssyncset.done $0x0  }
0x7d: {  	[sflag:s3] =	ssyncadd.s32 $0xFFFFC000  }
0x7e: {  	[tilespmem:s6], [sflag:$0x1] =	stream.indirect.gather [hbm4b:s4+s7], $0x80, s0, s7, $0xb8;
	[tilespmem:$0x9000] =	vst v63  }
0x7f: {  	_ =	swait.ge [sflag:s8], $0x4000  }
0x80: {  	[sflag:s8] =	ssyncset.done $0x0  }
0x81: {  	s0 =	rddreg [dreg:$0xa];
	[sflag:s8] =	ssyncadd.s32 $0xFFFFC000  }
0x82: {  	[hbm4b:s0+s2] =	stream.linear.scatter [tilespmem:s5], [sflag:$0x3], $0x4000, $0x38;
	[tilespmem:$0x9000] =	vst v63  }
0x83: {  	_ =	swait.ge [sflag:s3], $0x4000  }
0x84: {  	s0 =	sld [smem:$0x7FC]  }
0x85: {  	[sflag:s3] =	ssyncset.done $0x0  }
0x86: {  	[sflag:s3] =	ssyncadd.s32 $0xFFFFC000  }
0x87: {  	[tilespmem:s5], [sflag:$0x2] =	stream.indirect.gather [hbm4b:s4+s7], $0x80, s0, s7, $0xb8;
	[tilespmem:$0x9000] =	vst v63  }
0x88: {  	_ =	swait.ge [sflag:s9], $0x4000  }
0x89: {  	[sflag:s9] =	ssyncset.done $0x0  }
0x8a: {  	s0 =	rddreg [dreg:$0xb];
	[sflag:s9] =	ssyncadd.s32 $0xFFFFC000  }
0x8b: {  	[hbm4b:s0+s2] =	stream.linear.scatter [tilespmem:s6], [sflag:$0x3], $0x4000, $0x38;
	[tilespmem:$0x9000] =	vst v63  }
0x8c: {  	_ =	swait.ge [sflag:s3], $0x4000  }
0x8d: {  	s0 =	sld [smem:$0x7FD]  }
0x8e: {  	[sflag:s3] =	ssyncset.done $0x0  }
0x8f: {  	[sflag:s3] =	ssyncadd.s32 $0xFFFFC000  }
0x90: {  	[tilespmem:s6], [sflag:$0x1] =	stream.indirect.gather [hbm4b:s4+s7], $0x80, s0, s7, $0xb8;
	[tilespmem:$0x9000] =	vst v63  }
0x91: {  	_ =	swait.ge [sflag:s8], $0x4000  }
0x92: {  	[sflag:s8] =	ssyncset.done $0x0  }
0x93: {  	s0 =	rddreg [dreg:$0xc];
	[sflag:s8] =	ssyncadd.s32 $0xFFFFC000  }
0x94: {  	[hbm4b:s0+s2] =	stream.linear.scatter [tilespmem:s5], [sflag:$0x3], $0x4000, $0x38;
	[tilespmem:$0x9000] =	vst v63  }
0x95: {  	_ =	swait.ge [sflag:s3], $0x4000  }
0x96: {  	[sflag:s3] =	ssyncset.done $0x0  }
0x97: {  	[sflag:s3] =	ssyncadd.s32 $0xFFFFC000  }
0x98: {  	[tilespmem:s5], [sflag:$0x2] =	stream.indirect.gather [hbm4b:s4+s7], $0x80, s31, s7, $0xb8;
	[tilespmem:$0x9000] =	vst v63  }
0x99: {  	_ =	swait.ge [sflag:s9], $0x4000  }
0x9a: {  	[sflag:s9] =	ssyncset.done $0x0  }
0x9b: {  	s0 =	rddreg [dreg:$0xd];
	[sflag:s9] =	ssyncadd.s32 $0xFFFFC000  }
0x9c: {  	[hbm4b:s0+s2] =	stream.linear.scatter [tilespmem:s6], [sflag:$0x3], $0x4000, $0x38;
	[tilespmem:$0x9000] =	vst v63  }
0x9d: {  	_ =	swait.ge [sflag:s3], $0x4000  }
0x9e: {  	[sflag:s3] =	ssyncset.done $0x0  }
0x9f: {  	[sflag:s3] =	ssyncadd.s32 $0xFFFFC000  }
0xa0: {  	[tilespmem:s6], [sflag:$0x1] =	stream.indirect.gather [hbm4b:s4+s7], $0x80, s30, s7, $0xb8;
	[tilespmem:$0x9000] =	vst v63  }
0xa1: {  	_ =	swait.ge [sflag:s8], $0x4000  }
0xa2: {  	[sflag:s8] =	ssyncset.done $0x0  }
0xa3: {  	s0 =	rddreg [dreg:$0xe];
	[sflag:s8] =	ssyncadd.s32 $0xFFFFC000  }
0xa4: {  	[hbm4b:s0+s2] =	stream.linear.scatter [tilespmem:s5], [sflag:$0x3], $0x4000, $0x38;
	[tilespmem:$0x9000] =	vst v63  }
0xa5: {  	_ =	swait.ge [sflag:s3], $0x4000  }
0xa6: {  	[sflag:s3] =	ssyncset.done $0x0  }
0xa7: {  	[sflag:s3] =	ssyncadd.s32 $0xFFFFC000  }
0xa8: {  	[tilespmem:s5], [sflag:$0x2] =	stream.indirect.gather [hbm4b:s4+s7], $0x80, s29, s7, $0xb8;
	[tilespmem:$0x9000] =	vst v63  }
0xa9: {  	_ =	swait.ge [sflag:s9], $0x4000  }
0xaa: {  	[sflag:s9] =	ssyncset.done $0x0  }
0xab: {  	s0 =	rddreg [dreg:$0xf];
	[sflag:s9] =	ssyncadd.s32 $0xFFFFC000  }
0xac: {  	[hbm4b:s0+s2] =	stream.linear.scatter [tilespmem:s6], [sflag:$0x3], $0x4000, $0x38;
	[tilespmem:$0x9000] =	vst v63  }
0xad: {  	_ =	swait.ge [sflag:s3], $0x4000  }
0xae: {  	[sflag:s3] =	ssyncset.done $0x0  }
0xaf: {  	[sflag:s3] =	ssyncadd.s32 $0xFFFFC000  }
0xb0: {  	[tilespmem:s6], [sflag:$0x1] =	stream.indirect.gather [hbm4b:s4+s7], $0x80, s28, s7, $0xb8;
	[tilespmem:$0x9000] =	vst v63  }
0xb1: {  	_ =	swait.ge [sflag:s8], $0x4000  }
0xb2: {  	[sflag:s8] =	ssyncset.done $0x0  }
0xb3: {  	s0 =	rddreg [dreg:$0x10];
	[sflag:s8] =	ssyncadd.s32 $0xFFFFC000  }
0xb4: {  	[hbm4b:s0+s2] =	stream.linear.scatter [tilespmem:s5], [sflag:$0x3], $0x4000, $0x38;
	[tilespmem:$0x9000] =	vst v63  }
0xb5: {  	_ =	swait.ge [sflag:s3], $0x4000  }
0xb6: {  	[sflag:s3] =	ssyncset.done $0x0  }
0xb7: {  	[sflag:s3] =	ssyncadd.s32 $0xFFFFC000  }
0xb8: {  	[tilespmem:s5], [sflag:$0x2] =	stream.indirect.gather [hbm4b:s4+s7], $0x80, s26, s7, $0xb8;
	[tilespmem:$0x9000] =	vst v63  }
0xb9: {  	_ =	swait.ge [sflag:s9], $0x4000  }
0xba: {  	[sflag:s9] =	ssyncset.done $0x0  }
0xbb: {  	s0 =	rddreg [dreg:$0x11];
	[sflag:s9] =	ssyncadd.s32 $0xFFFFC000  }
0xbc: {  	[hbm4b:s0+s2] =	stream.linear.scatter [tilespmem:s6], [sflag:$0x3], $0x4000, $0x38;
	[tilespmem:$0x9000] =	vst v63  }
0xbd: {  	_ =	swait.ge [sflag:s3], $0x4000  }
0xbe: {  	[sflag:s3] =	ssyncset.done $0x0  }
0xbf: {  	[sflag:s3] =	ssyncadd.s32 $0xFFFFC000  }
0xc0: {  	[tilespmem:s6], [sflag:$0x1] =	stream.indirect.gather [hbm4b:s4+s7], $0x80, s25, s7, $0xb8;
	[tilespmem:$0x9000] =	vst v63  }
0xc1: {  	_ =	swait.ge [sflag:s8], $0x4000  }
0xc2: {  	[sflag:s8] =	ssyncset.done $0x0  }
0xc3: {  	s0 =	rddreg [dreg:$0x12];
	[sflag:s8] =	ssyncadd.s32 $0xFFFFC000  }
0xc4: {  	[hbm4b:s0+s2] =	stream.linear.scatter [tilespmem:s5], [sflag:$0x3], $0x4000, $0x38;
	[tilespmem:$0x9000] =	vst v63  }
0xc5: {  	_ =	swait.ge [sflag:s3], $0x4000  }
0xc6: {  	[sflag:s3] =	ssyncset.done $0x0  }
0xc7: {  	[sflag:s3] =	ssyncadd.s32 $0xFFFFC000  }
0xc8: {  	[tilespmem:s5], [sflag:$0x2] =	stream.indirect.gather [hbm4b:s4+s7], $0x80, s24, s7, $0xb8;
	[tilespmem:$0x9000] =	vst v63  }
0xc9: {  	_ =	swait.ge [sflag:s9], $0x4000  }
0xca: {  	[sflag:s9] =	ssyncset.done $0x0  }
0xcb: {  	s0 =	rddreg [dreg:$0x13];
	[sflag:s9] =	ssyncadd.s32 $0xFFFFC000  }
0xcc: {  	[hbm4b:s0+s2] =	stream.linear.scatter [tilespmem:s6], [sflag:$0x3], $0x4000, $0x38;
	[tilespmem:$0x9000] =	vst v63  }
0xcd: {  	_ =	swait.ge [sflag:s3], $0x4000  }
0xce: {  	[sflag:s3] =	ssyncset.done $0x0  }
0xcf: {  	[sflag:s3] =	ssyncadd.s32 $0xFFFFC000  }
0xd0: {  	[tilespmem:s6], [sflag:$0x1] =	stream.indirect.gather [hbm4b:s4+s7], $0x80, s23, s7, $0xb8;
	[tilespmem:$0x9000] =	vst v63  }
0xd1: {  	_ =	swait.ge [sflag:s8], $0x4000  }
0xd2: {  	[sflag:s8] =	ssyncset.done $0x0  }
0xd3: {  	s0 =	rddreg [dreg:$0x14];
	[sflag:s8] =	ssyncadd.s32 $0xFFFFC000  }
0xd4: {  	[hbm4b:s0+s2] =	stream.linear.scatter [tilespmem:s5], [sflag:$0x3], $0x4000, $0x38;
	[tilespmem:$0x9000] =	vst v63  }
0xd5: {  	_ =	swait.ge [sflag:s3], $0x4000  }
0xd6: {  	[sflag:s3] =	ssyncset.done $0x0  }
0xd7: {  	[sflag:s3] =	ssyncadd.s32 $0xFFFFC000  }
0xd8: {  	[tilespmem:s5], [sflag:$0x2] =	stream.indirect.gather [hbm4b:s4+s7], $0x80, s22, s7, $0xb8;
	[tilespmem:$0x9000] =	vst v63  }
0xd9: {  	_ =	swait.ge [sflag:s9], $0x4000  }
0xda: {  	[sflag:s9] =	ssyncset.done $0x0  }
0xdb: {  	s0 =	rddreg [dreg:$0x15];
	[sflag:s9] =	ssyncadd.s32 $0xFFFFC000  }
0xdc: {  	[hbm4b:s0+s2] =	stream.linear.scatter [tilespmem:s6], [sflag:$0x3], $0x4000, $0x38;
	[tilespmem:$0x9000] =	vst v63  }
0xdd: {  	_ =	swait.ge [sflag:s3], $0x4000  }
0xde: {  	[sflag:s3] =	ssyncset.done $0x0  }
0xdf: {  	[sflag:s3] =	ssyncadd.s32 $0xFFFFC000  }
0xe0: {  	[tilespmem:s6], [sflag:$0x1] =	stream.indirect.gather [hbm4b:s4+s7], $0x80, s21, s7, $0xb8;
	[tilespmem:$0x9000] =	vst v63  }
0xe1: {  	_ =	swait.ge [sflag:s8], $0x4000  }
0xe2: {  	[sflag:s8] =	ssyncset.done $0x0  }
0xe3: {  	s0 =	rddreg [dreg:$0x16];
	[sflag:s8] =	ssyncadd.s32 $0xFFFFC000  }
0xe4: {  	[hbm4b:s0+s2] =	stream.linear.scatter [tilespmem:s5], [sflag:$0x3], $0x4000, $0x38;
	[tilespmem:$0x9000] =	vst v63  }
0xe5: {  	_ =	swait.ge [sflag:s3], $0x4000  }
0xe6: {  	[sflag:s3] =	ssyncset.done $0x0  }
0xe7: {  	[sflag:s3] =	ssyncadd.s32 $0xFFFFC000  }
0xe8: {  	[tilespmem:s5], [sflag:$0x2] =	stream.indirect.gather [hbm4b:s4+s7], $0x80, s20, s7, $0xb8;
	[tilespmem:$0x9000] =	vst v63  }
0xe9: {  	_ =	swait.ge [sflag:s9], $0x4000  }
0xea: {  	[sflag:s9] =	ssyncset.done $0x0  }
0xeb: {  	s0 =	rddreg [dreg:$0x17];
	[sflag:s9] =	ssyncadd.s32 $0xFFFFC000  }
0xec: {  	[hbm4b:s0+s2] =	stream.linear.scatter [tilespmem:s6], [sflag:$0x3], $0x4000, $0x38;
	[tilespmem:$0x9000] =	vst v63  }
0xed: {  	_ =	swait.ge [sflag:s3], $0x4000  }
0xee: {  	[sflag:s3] =	ssyncset.done $0x0  }
0xef: {  	[sflag:s3] =	ssyncadd.s32 $0xFFFFC000  }
0xf0: {  	[tilespmem:s6], [sflag:$0x1] =	stream.indirect.gather [hbm4b:s4+s7], $0x80, s19, s7, $0xb8;
	[tilespmem:$0x9000] =	vst v63  }
0xf1: {  	_ =	swait.ge [sflag:s8], $0x4000  }
0xf2: {  	[sflag:s8] =	ssyncset.done $0x0  }
0xf3: {  	s0 =	rddreg [dreg:$0x18];
	[sflag:s8] =	ssyncadd.s32 $0xFFFFC000  }
0xf4: {  	[hbm4b:s0+s2] =	stream.linear.scatter [tilespmem:s5], [sflag:$0x3], $0x4000, $0x38;
	[tilespmem:$0x9000] =	vst v63  }
0xf5: {  	_ =	swait.ge [sflag:s3], $0x4000  }
0xf6: {  	[sflag:s3] =	ssyncset.done $0x0  }
0xf7: {  	[sflag:s3] =	ssyncadd.s32 $0xFFFFC000  }
0xf8: {  	[tilespmem:s5], [sflag:$0x2] =	stream.indirect.gather [hbm4b:s4+s7], $0x80, s18, s7, $0xb8;
	[tilespmem:$0x9000] =	vst v63  }
0xf9: {  	_ =	swait.ge [sflag:s9], $0x4000  }
0xfa: {  	[sflag:s9] =	ssyncset.done $0x0  }
0xfb: {  	s0 =	rddreg [dreg:$0x19];
	[sflag:s9] =	ssyncadd.s32 $0xFFFFC000  }
0xfc: {  	[hbm4b:s0+s2] =	stream.linear.scatter [tilespmem:s6], [sflag:$0x3], $0x4000, $0x38;
	[tilespmem:$0x9000] =	vst v63  }
0xfd: {  	_ =	swait.ge [sflag:s3], $0x4000  }
0xfe: {  	[sflag:s3] =	ssyncset.done $0x0  }
0xff: {  	[sflag:s3] =	ssyncadd.s32 $0xFFFFC000  }
0x100: {  	[tilespmem:s6], [sflag:$0x1] =	stream.indirect.gather [hbm4b:s4+s7], $0x80, s17, s7, $0xb8;
	[tilespmem:$0x9000] =	vst v63  }
0x101: {  	_ =	swait.ge [sflag:s8], $0x4000  }
0x102: {  	[sflag:s8] =	ssyncset.done $0x0  }
0x103: {  	s0 =	rddreg [dreg:$0x1a];
	[sflag:s8] =	ssyncadd.s32 $0xFFFFC000  }
0x104: {  	[hbm4b:s0+s2] =	stream.linear.scatter [tilespmem:s5], [sflag:$0x3], $0x4000, $0x38;
	[tilespmem:$0x9000] =	vst v63  }
0x105: {  	_ =	swait.ge [sflag:s3], $0x4000  }
0x106: {  	[sflag:s3] =	ssyncset.done $0x0  }
0x107: {  	[sflag:s3] =	ssyncadd.s32 $0xFFFFC000  }
0x108: {  	[tilespmem:s5], [sflag:$0x2] =	stream.indirect.gather [hbm4b:s4+s7], $0x80, s16, s7, $0xb8;
	[tilespmem:$0x9000] =	vst v63  }
0x109: {  	_ =	swait.ge [sflag:s9], $0x4000  }
0x10a: {  	[sflag:s9] =	ssyncset.done $0x0  }
0x10b: {  	s0 =	rddreg [dreg:$0x1b];
	[sflag:s9] =	ssyncadd.s32 $0xFFFFC000  }
0x10c: {  	[hbm4b:s0+s2] =	stream.linear.scatter [tilespmem:s6], [sflag:$0x3], $0x4000, $0x38;
	[tilespmem:$0x9000] =	vst v63  }
0x10d: {  	_ =	swait.ge [sflag:s3], $0x4000  }
0x10e: {  	[sflag:s3] =	ssyncset.done $0x0  }
0x10f: {  	[sflag:s3] =	ssyncadd.s32 $0xFFFFC000  }
0x110: {  	[tilespmem:s6], [sflag:$0x1] =	stream.indirect.gather [hbm4b:s4+s7], $0x80, s15, s7, $0xb8;
	[tilespmem:$0x9000] =	vst v63  }
0x111: {  	_ =	swait.ge [sflag:s8], $0x4000  }
0x112: {  	[sflag:s8] =	ssyncset.done $0x0  }
0x113: {  	s0 =	rddreg [dreg:$0x1c];
	[sflag:s8] =	ssyncadd.s32 $0xFFFFC000  }
0x114: {  	[hbm4b:s0+s2] =	stream.linear.scatter [tilespmem:s5], [sflag:$0x3], $0x4000, $0x38;
	[tilespmem:$0x9000] =	vst v63  }
0x115: {  	_ =	swait.ge [sflag:s3], $0x4000  }
0x116: {  	[sflag:s3] =	ssyncset.done $0x0  }
0x117: {  	[sflag:s3] =	ssyncadd.s32 $0xFFFFC000  }
0x118: {  	[tilespmem:s5], [sflag:$0x2] =	stream.indirect.gather [hbm4b:s4+s7], $0x80, s14, s7, $0xb8;
	[tilespmem:$0x9000] =	vst v63  }
0x119: {  	_ =	swait.ge [sflag:s9], $0x4000  }
0x11a: {  	[sflag:s9] =	ssyncset.done $0x0  }
0x11b: {  	s0 =	rddreg [dreg:$0x1d];
	[sflag:s9] =	ssyncadd.s32 $0xFFFFC000  }
0x11c: {  	[hbm4b:s0+s2] =	stream.linear.scatter [tilespmem:s6], [sflag:$0x3], $0x4000, $0x38;
	[tilespmem:$0x9000] =	vst v63  }
0x11d: {  	_ =	swait.ge [sflag:s3], $0x4000  }
0x11e: {  	[sflag:s3] =	ssyncset.done $0x0  }
0x11f: {  	[sflag:s3] =	ssyncadd.s32 $0xFFFFC000  }
0x120: {  	[tilespmem:s6], [sflag:$0x1] =	stream.indirect.gather [hbm4b:s4+s7], $0x80, s13, s7, $0xb8;
	[tilespmem:$0x9000] =	vst v63  }
0x121: {  	_ =	swait.ge [sflag:s8], $0x4000  }
0x122: {  	[sflag:s8] =	ssyncset.done $0x0  }
0x123: {  	s0 =	rddreg [dreg:$0x1e];
	[sflag:s8] =	ssyncadd.s32 $0xFFFFC000  }
0x124: {  	[hbm4b:s0+s2] =	stream.linear.scatter [tilespmem:s5], [sflag:$0x3], $0x4000, $0x38;
	[tilespmem:$0x9000] =	vst v63  }
0x125: {  	_ =	swait.ge [sflag:s3], $0x4000  }
0x126: {  	[sflag:s3] =	ssyncset.done $0x0  }
0x127: {  	[sflag:s3] =	ssyncadd.s32 $0xFFFFC000  }
0x128: {  	[tilespmem:s5], [sflag:$0x2] =	stream.indirect.gather [hbm4b:s4+s7], $0x80, s12, s7, $0xb8;
	[tilespmem:$0x9000] =	vst v63  }
0x129: {  	_ =	swait.ge [sflag:s9], $0x4000  }
0x12a: {  	[sflag:s9] =	ssyncset.done $0x0  }
0x12b: {  	s0 =	rddreg [dreg:$0x1f];
	[sflag:s9] =	ssyncadd.s32 $0xFFFFC000  }
0x12c: {  	[hbm4b:s0+s2] =	stream.linear.scatter [tilespmem:s6], [sflag:$0x3], $0x4000, $0x38;
	[tilespmem:$0x9000] =	vst v63  }
0x12d: {  	_ =	swait.ge [sflag:s3], $0x4000  }
0x12e: {  	[sflag:s3] =	ssyncset.done $0x0  }
0x12f: {  	[sflag:s3] =	ssyncadd.s32 $0xFFFFC000  }
0x130: {  	[tilespmem:s6], [sflag:$0x1] =	stream.indirect.gather [hbm4b:s4+s7], $0x80, s11, s7, $0xb8;
	[tilespmem:$0x9000] =	vst v63  }
0x131: {  	_ =	swait.ge [sflag:s8], $0x4000  }
0x132: {  	s0 =	sld [smem:$0x7F2]  }
0x133: {  	[sflag:s8] =	ssyncset.done $0x0  }
0x134: {  	[sflag:s8] =	ssyncadd.s32 $0xFFFFC000  }
0x135: {  	[hbm4b:s0+s2] =	stream.linear.scatter [tilespmem:s5], [sflag:$0x3], $0x4000, $0x38;
	[tilespmem:$0x9000] =	vst v63  }
0x136: {  	_ =	swait.ge [sflag:s3], $0x4000  }
0x137: {  	[sflag:s3] =	ssyncset.done $0x0  }
0x138: {  	[sflag:s3] =	ssyncadd.s32 $0xFFFFC000  }
0x139: {  	[tilespmem:s5], [sflag:$0x2] =	stream.indirect.gather [hbm4b:s4+s7], $0x80, s10, s7, $0xb8;
	[tilespmem:$0x9000] =	vst v63  }
0x13a: {  	_ =	swait.ge [sflag:s9], $0x4000  }
0x13b: {  	s0 =	sld [smem:$0x7F3]  }
0x13c: {  	[sflag:s9] =	ssyncset.done $0x0  }
0x13d: {  	[sflag:s9] =	ssyncadd.s32 $0xFFFFC000  }
0x13e: {  	[hbm4b:s0+s2] =	stream.linear.scatter [tilespmem:s6], [sflag:$0x3], $0x4000, $0x38;
	[tilespmem:$0x9000] =	vst v63  }
0x13f: {  	_ =	swait.ge [sflag:s3], $0x4000  }
0x140: {  	[sflag:s3] =	ssyncset.done $0x0  }
0x141: {  	[sflag:s3] =	ssyncadd.s32 $0xFFFFC000  }
0x142: {  	_ =	swait.ge [sflag:s8], $0x4000  }
0x143: {  	p1 =	sne.s32 s1, $0x1;
	s0 =	sld [smem:$0x7F4]  }
.Ltmp1:
0x144: {  	[sflag:s8] =	ssyncset.done $0x0;
	(pc) =	sbr.rel @!p1 .LBB2_3-.Ltmp1, $4  }
0x145: {  	[sflag:s8] =	ssyncadd.s32 $0xFFFFC000  }
0x146: {  	[hbm4b:s0+s2] =	stream.linear.scatter [tilespmem:s5], [sflag:$0x3], $0x4000, $0x38;
	[tilespmem:$0x9000] =	vst v63  }
0x147: {  	s1 =	sadd.s32 $0xFFFFFFFF, s1;
	_ =	swait.ge [sflag:s3], $0x4000  }
0x148: {  	p0 =	por $0x1, $0x1;
	s0 =	rddreg [dreg:$0x2];
	[sflag:s3] =	ssyncset.done $0x0  }
.LBB2_2:
0x149: {  	[sflag:s3] =	ssyncadd.s32 $0xFFFFC000  }
0x14a: {  	[tilespmem:s2], [sflag:$0x3] =	stream.linear.gather [hbm4b:s0+s2], $0x1000, $0x38;
	[tilespmem:$0x9000] =	vst v63  }
0x14b: {  	_ =	swait.ge [sflag:s3], $0x1000  }
0x14c: {  	[sflag:s3] =	ssyncset.done $0x0  }
0x14d: {  	[sflag:s3] =	ssyncadd.s32 $0xFFFFF000  }
0x14e: {  	[tilespmem:s6], [sflag:$0x1] =	stream.indirect.gather [hbm4b:s4+s7], $0x80, s2, s7, $0xb8;
	[tilespmem:$0x9000] =	vst v63  }
0x14f: {  	_ = 	snop  }
0x150: {  	[tilespmem:s5], [sflag:$0x2] =	stream.indirect.gather [hbm4b:s4+s7], $0x80, s7, s7, $0xb8;
	[tilespmem:$0x9000] =	vst v63  }
0x151: {  	_ =	swait.ge [sflag:s9], $0x4000  }
0x152: {  	[sflag:s9] =	ssyncset.done $0x0  }
0x153: {  	s0 =	rddreg [dreg:$0x3];
	[sflag:s9] =	ssyncadd.s32 $0xFFFFC000  }
0x154: {  	[hbm4b:s0+s2] =	stream.linear.scatter [tilespmem:s6], [sflag:$0x3], $0x4000, $0x38;
	[tilespmem:$0x9000] =	vst v63  }
0x155: {  	_ =	swait.ge [sflag:s3], $0x4000  }
0x156: {  	s0 =	sld [smem:$0x7F5]  }
0x157: {  	[sflag:s3] =	ssyncset.done $0x0  }
0x158: {  	[sflag:s3] =	ssyncadd.s32 $0xFFFFC000  }
0x159: {  	[tilespmem:s6], [sflag:$0x1] =	stream.indirect.gather [hbm4b:s4+s7], $0x80, s0, s7, $0xb8;
	[tilespmem:$0x9000] =	vst v63  }
0x15a: {  	_ =	swait.ge [sflag:s8], $0x4000  }
0x15b: {  	[sflag:s8] =	ssyncset.done $0x0  }
0x15c: {  	s0 =	rddreg [dreg:$0x4];
	[sflag:s8] =	ssyncadd.s32 $0xFFFFC000  }
0x15d: {  	[hbm4b:s0+s2] =	stream.linear.scatter [tilespmem:s5], [sflag:$0x3], $0x4000, $0x38;
	[tilespmem:$0x9000] =	vst v63  }
0x15e: {  	_ =	swait.ge [sflag:s3], $0x4000  }
0x15f: {  	s0 =	sld [smem:$0x7F6]  }
0x160: {  	[sflag:s3] =	ssyncset.done $0x0  }
0x161: {  	[sflag:s3] =	ssyncadd.s32 $0xFFFFC000  }
0x162: {  	[tilespmem:s5], [sflag:$0x2] =	stream.indirect.gather [hbm4b:s4+s7], $0x80, s0, s7, $0xb8;
	[tilespmem:$0x9000] =	vst v63  }
0x163: {  	_ =	swait.ge [sflag:s9], $0x4000  }
0x164: {  	[sflag:s9] =	ssyncset.done $0x0  }
0x165: {  	s0 =	rddreg [dreg:$0x5];
	[sflag:s9] =	ssyncadd.s32 $0xFFFFC000  }
0x166: {  	[hbm4b:s0+s2] =	stream.linear.scatter [tilespmem:s6], [sflag:$0x3], $0x4000, $0x38;
	[tilespmem:$0x9000] =	vst v63  }
0x167: {  	_ =	swait.ge [sflag:s3], $0x4000  }
0x168: {  	s0 =	sld [smem:$0x7F7]  }
0x169: {  	[sflag:s3] =	ssyncset.done $0x0  }
0x16a: {  	[sflag:s3] =	ssyncadd.s32 $0xFFFFC000  }
0x16b: {  	[tilespmem:s6], [sflag:$0x1] =	stream.indirect.gather [hbm4b:s4+s7], $0x80, s0, s7, $0xb8;
	[tilespmem:$0x9000] =	vst v63  }
0x16c: {  	_ =	swait.ge [sflag:s8], $0x4000  }
0x16d: {  	[sflag:s8] =	ssyncset.done $0x0  }
0x16e: {  	s0 =	rddreg [dreg:$0x6];
	[sflag:s8] =	ssyncadd.s32 $0xFFFFC000  }
0x16f: {  	[hbm4b:s0+s2] =	stream.linear.scatter [tilespmem:s5], [sflag:$0x3], $0x4000, $0x38;
	[tilespmem:$0x9000] =	vst v63  }
0x170: {  	_ =	swait.ge [sflag:s3], $0x4000  }
0x171: {  	s0 =	sld [smem:$0x7F8]  }
0x172: {  	[sflag:s3] =	ssyncset.done $0x0  }
0x173: {  	[sflag:s3] =	ssyncadd.s32 $0xFFFFC000  }
0x174: {  	[tilespmem:s5], [sflag:$0x2] =	stream.indirect.gather [hbm4b:s4+s7], $0x80, s0, s7, $0xb8;
	[tilespmem:$0x9000] =	vst v63  }
0x175: {  	_ =	swait.ge [sflag:s9], $0x4000  }
0x176: {  	[sflag:s9] =	ssyncset.done $0x0  }
0x177: {  	s0 =	rddreg [dreg:$0x7];
	[sflag:s9] =	ssyncadd.s32 $0xFFFFC000  }
0x178: {  	[hbm4b:s0+s2] =	stream.linear.scatter [tilespmem:s6], [sflag:$0x3], $0x4000, $0x38;
	[tilespmem:$0x9000] =	vst v63  }
0x179: {  	_ =	swait.ge [sflag:s3], $0x4000  }
0x17a: {  	s0 =	sld [smem:$0x7F9]  }
0x17b: {  	[sflag:s3] =	ssyncset.done $0x0  }
0x17c: {  	[sflag:s3] =	ssyncadd.s32 $0xFFFFC000  }
0x17d: {  	[tilespmem:s6], [sflag:$0x1] =	stream.indirect.gather [hbm4b:s4+s7], $0x80, s0, s7, $0xb8;
	[tilespmem:$0x9000] =	vst v63  }
0x17e: {  	_ =	swait.ge [sflag:s8], $0x4000  }
0x17f: {  	[sflag:s8] =	ssyncset.done $0x0  }
0x180: {  	s0 =	rddreg [dreg:$0x8];
	[sflag:s8] =	ssyncadd.s32 $0xFFFFC000  }
0x181: {  	[hbm4b:s0+s2] =	stream.linear.scatter [tilespmem:s5], [sflag:$0x3], $0x4000, $0x38;
	[tilespmem:$0x9000] =	vst v63  }
0x182: {  	_ =	swait.ge [sflag:s3], $0x4000  }
0x183: {  	s0 =	sld [smem:$0x7FA]  }
0x184: {  	[sflag:s3] =	ssyncset.done $0x0  }
0x185: {  	[sflag:s3] =	ssyncadd.s32 $0xFFFFC000  }
0x186: {  	[tilespmem:s5], [sflag:$0x2] =	stream.indirect.gather [hbm4b:s4+s7], $0x80, s0, s7, $0xb8;
	[tilespmem:$0x9000] =	vst v63  }
0x187: {  	_ =	swait.ge [sflag:s9], $0x4000  }
0x188: {  	[sflag:s9] =	ssyncset.done $0x0  }
0x189: {  	s0 =	rddreg [dreg:$0x9];
	[sflag:s9] =	ssyncadd.s32 $0xFFFFC000  }
0x18a: {  	[hbm4b:s0+s2] =	stream.linear.scatter [tilespmem:s6], [sflag:$0x3], $0x4000, $0x38;
	[tilespmem:$0x9000] =	vst v63  }
0x18b: {  	_ =	swait.ge [sflag:s3], $0x4000  }
0x18c: {  	s0 =	sld [smem:$0x7FB]  }
0x18d: {  	[sflag:s3] =	ssyncset.done $0x0  }
0x18e: {  	[sflag:s3] =	ssyncadd.s32 $0xFFFFC000  }
0x18f: {  	[tilespmem:s6], [sflag:$0x1] =	stream.indirect.gather [hbm4b:s4+s7], $0x80, s0, s7, $0xb8;
	[tilespmem:$0x9000] =	vst v63  }
0x190: {  	_ =	swait.ge [sflag:s8], $0x4000  }
0x191: {  	[sflag:s8] =	ssyncset.done $0x0  }
0x192: {  	s0 =	rddreg [dreg:$0xa];
	[sflag:s8] =	ssyncadd.s32 $0xFFFFC000  }
0x193: {  	[hbm4b:s0+s2] =	stream.linear.scatter [tilespmem:s5], [sflag:$0x3], $0x4000, $0x38;
	[tilespmem:$0x9000] =	vst v63  }
0x194: {  	_ =	swait.ge [sflag:s3], $0x4000  }
0x195: {  	s0 =	sld [smem:$0x7FC]  }
0x196: {  	[sflag:s3] =	ssyncset.done $0x0  }
0x197: {  	[sflag:s3] =	ssyncadd.s32 $0xFFFFC000  }
0x198: {  	[tilespmem:s5], [sflag:$0x2] =	stream.indirect.gather [hbm4b:s4+s7], $0x80, s0, s7, $0xb8;
	[tilespmem:$0x9000] =	vst v63  }
0x199: {  	_ =	swait.ge [sflag:s9], $0x4000  }
0x19a: {  	[sflag:s9] =	ssyncset.done $0x0  }
0x19b: {  	s0 =	rddreg [dreg:$0xb];
	[sflag:s9] =	ssyncadd.s32 $0xFFFFC000  }
0x19c: {  	[hbm4b:s0+s2] =	stream.linear.scatter [tilespmem:s6], [sflag:$0x3], $0x4000, $0x38;
	[tilespmem:$0x9000] =	vst v63  }
0x19d: {  	_ =	swait.ge [sflag:s3], $0x4000  }
0x19e: {  	s0 =	sld [smem:$0x7FD]  }
0x19f: {  	[sflag:s3] =	ssyncset.done $0x0  }
0x1a0: {  	[sflag:s3] =	ssyncadd.s32 $0xFFFFC000  }
0x1a1: {  	[tilespmem:s6], [sflag:$0x1] =	stream.indirect.gather [hbm4b:s4+s7], $0x80, s0, s7, $0xb8;
	[tilespmem:$0x9000] =	vst v63  }
0x1a2: {  	_ =	swait.ge [sflag:s8], $0x4000  }
0x1a3: {  	[sflag:s8] =	ssyncset.done $0x0  }
0x1a4: {  	s0 =	rddreg [dreg:$0xc];
	[sflag:s8] =	ssyncadd.s32 $0xFFFFC000  }
0x1a5: {  	[hbm4b:s0+s2] =	stream.linear.scatter [tilespmem:s5], [sflag:$0x3], $0x4000, $0x38;
	[tilespmem:$0x9000] =	vst v63  }
0x1a6: {  	_ =	swait.ge [sflag:s3], $0x4000  }
0x1a7: {  	[sflag:s3] =	ssyncset.done $0x0  }
0x1a8: {  	[sflag:s3] =	ssyncadd.s32 $0xFFFFC000  }
0x1a9: {  	[tilespmem:s5], [sflag:$0x2] =	stream.indirect.gather [hbm4b:s4+s7], $0x80, s31, s7, $0xb8;
	[tilespmem:$0x9000] =	vst v63  }
0x1aa: {  	_ =	swait.ge [sflag:s9], $0x4000  }
0x1ab: {  	[sflag:s9] =	ssyncset.done $0x0  }
0x1ac: {  	s0 =	rddreg [dreg:$0xd];
	[sflag:s9] =	ssyncadd.s32 $0xFFFFC000  }
0x1ad: {  	[hbm4b:s0+s2] =	stream.linear.scatter [tilespmem:s6], [sflag:$0x3], $0x4000, $0x38;
	[tilespmem:$0x9000] =	vst v63  }
0x1ae: {  	_ =	swait.ge [sflag:s3], $0x4000  }
0x1af: {  	[sflag:s3] =	ssyncset.done $0x0  }
0x1b0: {  	[sflag:s3] =	ssyncadd.s32 $0xFFFFC000  }
0x1b1: {  	[tilespmem:s6], [sflag:$0x1] =	stream.indirect.gather [hbm4b:s4+s7], $0x80, s30, s7, $0xb8;
	[tilespmem:$0x9000] =	vst v63  }
0x1b2: {  	_ =	swait.ge [sflag:s8], $0x4000  }
0x1b3: {  	[sflag:s8] =	ssyncset.done $0x0  }
0x1b4: {  	s0 =	rddreg [dreg:$0xe];
	[sflag:s8] =	ssyncadd.s32 $0xFFFFC000  }
0x1b5: {  	[hbm4b:s0+s2] =	stream.linear.scatter [tilespmem:s5], [sflag:$0x3], $0x4000, $0x38;
	[tilespmem:$0x9000] =	vst v63  }
0x1b6: {  	_ =	swait.ge [sflag:s3], $0x4000  }
0x1b7: {  	[sflag:s3] =	ssyncset.done $0x0  }
0x1b8: {  	[sflag:s3] =	ssyncadd.s32 $0xFFFFC000  }
0x1b9: {  	[tilespmem:s5], [sflag:$0x2] =	stream.indirect.gather [hbm4b:s4+s7], $0x80, s29, s7, $0xb8;
	[tilespmem:$0x9000] =	vst v63  }
0x1ba: {  	_ =	swait.ge [sflag:s9], $0x4000  }
0x1bb: {  	[sflag:s9] =	ssyncset.done $0x0  }
0x1bc: {  	s0 =	rddreg [dreg:$0xf];
	[sflag:s9] =	ssyncadd.s32 $0xFFFFC000  }
0x1bd: {  	[hbm4b:s0+s2] =	stream.linear.scatter [tilespmem:s6], [sflag:$0x3], $0x4000, $0x38;
	[tilespmem:$0x9000] =	vst v63  }
0x1be: {  	_ =	swait.ge [sflag:s3], $0x4000  }
0x1bf: {  	[sflag:s3] =	ssyncset.done $0x0  }
0x1c0: {  	[sflag:s3] =	ssyncadd.s32 $0xFFFFC000  }
0x1c1: {  	[tilespmem:s6], [sflag:$0x1] =	stream.indirect.gather [hbm4b:s4+s7], $0x80, s28, s7, $0xb8;
	[tilespmem:$0x9000] =	vst v63  }
0x1c2: {  	_ =	swait.ge [sflag:s8], $0x4000  }
0x1c3: {  	[sflag:s8] =	ssyncset.done $0x0  }
0x1c4: {  	s0 =	rddreg [dreg:$0x10];
	[sflag:s8] =	ssyncadd.s32 $0xFFFFC000  }
0x1c5: {  	[hbm4b:s0+s2] =	stream.linear.scatter [tilespmem:s5], [sflag:$0x3], $0x4000, $0x38;
	[tilespmem:$0x9000] =	vst v63  }
0x1c6: {  	_ =	swait.ge [sflag:s3], $0x4000  }
0x1c7: {  	[sflag:s3] =	ssyncset.done $0x0  }
0x1c8: {  	[sflag:s3] =	ssyncadd.s32 $0xFFFFC000  }
0x1c9: {  	[tilespmem:s5], [sflag:$0x2] =	stream.indirect.gather [hbm4b:s4+s7], $0x80, s26, s7, $0xb8;
	[tilespmem:$0x9000] =	vst v63  }
0x1ca: {  	_ =	swait.ge [sflag:s9], $0x4000  }
0x1cb: {  	[sflag:s9] =	ssyncset.done $0x0  }
0x1cc: {  	s0 =	rddreg [dreg:$0x11];
	[sflag:s9] =	ssyncadd.s32 $0xFFFFC000  }
0x1cd: {  	[hbm4b:s0+s2] =	stream.linear.scatter [tilespmem:s6], [sflag:$0x3], $0x4000, $0x38;
	[tilespmem:$0x9000] =	vst v63  }
0x1ce: {  	_ =	swait.ge [sflag:s3], $0x4000  }
0x1cf: {  	[sflag:s3] =	ssyncset.done $0x0  }
0x1d0: {  	[sflag:s3] =	ssyncadd.s32 $0xFFFFC000  }
0x1d1: {  	[tilespmem:s6], [sflag:$0x1] =	stream.indirect.gather [hbm4b:s4+s7], $0x80, s25, s7, $0xb8;
	[tilespmem:$0x9000] =	vst v63  }
0x1d2: {  	_ =	swait.ge [sflag:s8], $0x4000  }
0x1d3: {  	[sflag:s8] =	ssyncset.done $0x0  }
0x1d4: {  	s0 =	rddreg [dreg:$0x12];
	[sflag:s8] =	ssyncadd.s32 $0xFFFFC000  }
0x1d5: {  	[hbm4b:s0+s2] =	stream.linear.scatter [tilespmem:s5], [sflag:$0x3], $0x4000, $0x38;
	[tilespmem:$0x9000] =	vst v63  }
0x1d6: {  	_ =	swait.ge [sflag:s3], $0x4000  }
0x1d7: {  	[sflag:s3] =	ssyncset.done $0x0  }
0x1d8: {  	[sflag:s3] =	ssyncadd.s32 $0xFFFFC000  }
0x1d9: {  	[tilespmem:s5], [sflag:$0x2] =	stream.indirect.gather [hbm4b:s4+s7], $0x80, s24, s7, $0xb8;
	[tilespmem:$0x9000] =	vst v63  }
0x1da: {  	_ =	swait.ge [sflag:s9], $0x4000  }
0x1db: {  	[sflag:s9] =	ssyncset.done $0x0  }
0x1dc: {  	s0 =	rddreg [dreg:$0x13];
	[sflag:s9] =	ssyncadd.s32 $0xFFFFC000  }
0x1dd: {  	[hbm4b:s0+s2] =	stream.linear.scatter [tilespmem:s6], [sflag:$0x3], $0x4000, $0x38;
	[tilespmem:$0x9000] =	vst v63  }
0x1de: {  	_ =	swait.ge [sflag:s3], $0x4000  }
0x1df: {  	[sflag:s3] =	ssyncset.done $0x0  }
0x1e0: {  	[sflag:s3] =	ssyncadd.s32 $0xFFFFC000  }
0x1e1: {  	[tilespmem:s6], [sflag:$0x1] =	stream.indirect.gather [hbm4b:s4+s7], $0x80, s23, s7, $0xb8;
	[tilespmem:$0x9000] =	vst v63  }
0x1e2: {  	_ =	swait.ge [sflag:s8], $0x4000  }
0x1e3: {  	[sflag:s8] =	ssyncset.done $0x0  }
0x1e4: {  	s0 =	rddreg [dreg:$0x14];
	[sflag:s8] =	ssyncadd.s32 $0xFFFFC000  }
0x1e5: {  	[hbm4b:s0+s2] =	stream.linear.scatter [tilespmem:s5], [sflag:$0x3], $0x4000, $0x38;
	[tilespmem:$0x9000] =	vst v63  }
0x1e6: {  	_ =	swait.ge [sflag:s3], $0x4000  }
0x1e7: {  	[sflag:s3] =	ssyncset.done $0x0  }
0x1e8: {  	[sflag:s3] =	ssyncadd.s32 $0xFFFFC000  }
0x1e9: {  	[tilespmem:s5], [sflag:$0x2] =	stream.indirect.gather [hbm4b:s4+s7], $0x80, s22, s7, $0xb8;
	[tilespmem:$0x9000] =	vst v63  }
0x1ea: {  	_ =	swait.ge [sflag:s9], $0x4000  }
0x1eb: {  	[sflag:s9] =	ssyncset.done $0x0  }
0x1ec: {  	s0 =	rddreg [dreg:$0x15];
	[sflag:s9] =	ssyncadd.s32 $0xFFFFC000  }
0x1ed: {  	[hbm4b:s0+s2] =	stream.linear.scatter [tilespmem:s6], [sflag:$0x3], $0x4000, $0x38;
	[tilespmem:$0x9000] =	vst v63  }
0x1ee: {  	_ =	swait.ge [sflag:s3], $0x4000  }
0x1ef: {  	[sflag:s3] =	ssyncset.done $0x0  }
0x1f0: {  	[sflag:s3] =	ssyncadd.s32 $0xFFFFC000  }
0x1f1: {  	[tilespmem:s6], [sflag:$0x1] =	stream.indirect.gather [hbm4b:s4+s7], $0x80, s21, s7, $0xb8;
	[tilespmem:$0x9000] =	vst v63  }
0x1f2: {  	_ =	swait.ge [sflag:s8], $0x4000  }
0x1f3: {  	[sflag:s8] =	ssyncset.done $0x0  }
0x1f4: {  	s0 =	rddreg [dreg:$0x16];
	[sflag:s8] =	ssyncadd.s32 $0xFFFFC000  }
0x1f5: {  	[hbm4b:s0+s2] =	stream.linear.scatter [tilespmem:s5], [sflag:$0x3], $0x4000, $0x38;
	[tilespmem:$0x9000] =	vst v63  }
0x1f6: {  	_ =	swait.ge [sflag:s3], $0x4000  }
0x1f7: {  	[sflag:s3] =	ssyncset.done $0x0  }
0x1f8: {  	[sflag:s3] =	ssyncadd.s32 $0xFFFFC000  }
0x1f9: {  	[tilespmem:s5], [sflag:$0x2] =	stream.indirect.gather [hbm4b:s4+s7], $0x80, s20, s7, $0xb8;
	[tilespmem:$0x9000] =	vst v63  }
0x1fa: {  	_ =	swait.ge [sflag:s9], $0x4000  }
0x1fb: {  	[sflag:s9] =	ssyncset.done $0x0  }
0x1fc: {  	s0 =	rddreg [dreg:$0x17];
	[sflag:s9] =	ssyncadd.s32 $0xFFFFC000  }
0x1fd: {  	[hbm4b:s0+s2] =	stream.linear.scatter [tilespmem:s6], [sflag:$0x3], $0x4000, $0x38;
	[tilespmem:$0x9000] =	vst v63  }
0x1fe: {  	_ =	swait.ge [sflag:s3], $0x4000  }
0x1ff: {  	[sflag:s3] =	ssyncset.done $0x0  }
0x200: {  	[sflag:s3] =	ssyncadd.s32 $0xFFFFC000  }
0x201: {  	[tilespmem:s6], [sflag:$0x1] =	stream.indirect.gather [hbm4b:s4+s7], $0x80, s19, s7, $0xb8;
	[tilespmem:$0x9000] =	vst v63  }
0x202: {  	_ =	swait.ge [sflag:s8], $0x4000  }
0x203: {  	[sflag:s8] =	ssyncset.done $0x0  }
0x204: {  	s0 =	rddreg [dreg:$0x18];
	[sflag:s8] =	ssyncadd.s32 $0xFFFFC000  }
0x205: {  	[hbm4b:s0+s2] =	stream.linear.scatter [tilespmem:s5], [sflag:$0x3], $0x4000, $0x38;
	[tilespmem:$0x9000] =	vst v63  }
0x206: {  	_ =	swait.ge [sflag:s3], $0x4000  }
0x207: {  	[sflag:s3] =	ssyncset.done $0x0  }
0x208: {  	[sflag:s3] =	ssyncadd.s32 $0xFFFFC000  }
0x209: {  	[tilespmem:s5], [sflag:$0x2] =	stream.indirect.gather [hbm4b:s4+s7], $0x80, s18, s7, $0xb8;
	[tilespmem:$0x9000] =	vst v63  }
0x20a: {  	_ =	swait.ge [sflag:s9], $0x4000  }
0x20b: {  	[sflag:s9] =	ssyncset.done $0x0  }
0x20c: {  	s0 =	rddreg [dreg:$0x19];
	[sflag:s9] =	ssyncadd.s32 $0xFFFFC000  }
0x20d: {  	[hbm4b:s0+s2] =	stream.linear.scatter [tilespmem:s6], [sflag:$0x3], $0x4000, $0x38;
	[tilespmem:$0x9000] =	vst v63  }
0x20e: {  	_ =	swait.ge [sflag:s3], $0x4000  }
0x20f: {  	[sflag:s3] =	ssyncset.done $0x0  }
0x210: {  	[sflag:s3] =	ssyncadd.s32 $0xFFFFC000  }
0x211: {  	[tilespmem:s6], [sflag:$0x1] =	stream.indirect.gather [hbm4b:s4+s7], $0x80, s17, s7, $0xb8;
	[tilespmem:$0x9000] =	vst v63  }
0x212: {  	_ =	swait.ge [sflag:s8], $0x4000  }
0x213: {  	[sflag:s8] =	ssyncset.done $0x0  }
0x214: {  	s0 =	rddreg [dreg:$0x1a];
	[sflag:s8] =	ssyncadd.s32 $0xFFFFC000  }
0x215: {  	[hbm4b:s0+s2] =	stream.linear.scatter [tilespmem:s5], [sflag:$0x3], $0x4000, $0x38;
	[tilespmem:$0x9000] =	vst v63  }
0x216: {  	_ =	swait.ge [sflag:s3], $0x4000  }
0x217: {  	[sflag:s3] =	ssyncset.done $0x0  }
0x218: {  	[sflag:s3] =	ssyncadd.s32 $0xFFFFC000  }
0x219: {  	[tilespmem:s5], [sflag:$0x2] =	stream.indirect.gather [hbm4b:s4+s7], $0x80, s16, s7, $0xb8;
	[tilespmem:$0x9000] =	vst v63  }
0x21a: {  	_ =	swait.ge [sflag:s9], $0x4000  }
0x21b: {  	[sflag:s9] =	ssyncset.done $0x0  }
0x21c: {  	s0 =	rddreg [dreg:$0x1b];
	[sflag:s9] =	ssyncadd.s32 $0xFFFFC000  }
0x21d: {  	[hbm4b:s0+s2] =	stream.linear.scatter [tilespmem:s6], [sflag:$0x3], $0x4000, $0x38;
	[tilespmem:$0x9000] =	vst v63  }
0x21e: {  	_ =	swait.ge [sflag:s3], $0x4000  }
0x21f: {  	[sflag:s3] =	ssyncset.done $0x0  }
0x220: {  	[sflag:s3] =	ssyncadd.s32 $0xFFFFC000  }
0x221: {  	[tilespmem:s6], [sflag:$0x1] =	stream.indirect.gather [hbm4b:s4+s7], $0x80, s15, s7, $0xb8;
	[tilespmem:$0x9000] =	vst v63  }
0x222: {  	_ =	swait.ge [sflag:s8], $0x4000  }
0x223: {  	[sflag:s8] =	ssyncset.done $0x0  }
0x224: {  	s0 =	rddreg [dreg:$0x1c];
	[sflag:s8] =	ssyncadd.s32 $0xFFFFC000  }
0x225: {  	[hbm4b:s0+s2] =	stream.linear.scatter [tilespmem:s5], [sflag:$0x3], $0x4000, $0x38;
	[tilespmem:$0x9000] =	vst v63  }
0x226: {  	_ =	swait.ge [sflag:s3], $0x4000  }
0x227: {  	[sflag:s3] =	ssyncset.done $0x0  }
0x228: {  	[sflag:s3] =	ssyncadd.s32 $0xFFFFC000  }
0x229: {  	[tilespmem:s5], [sflag:$0x2] =	stream.indirect.gather [hbm4b:s4+s7], $0x80, s14, s7, $0xb8;
	[tilespmem:$0x9000] =	vst v63  }
0x22a: {  	_ =	swait.ge [sflag:s9], $0x4000  }
0x22b: {  	[sflag:s9] =	ssyncset.done $0x0  }
0x22c: {  	s0 =	rddreg [dreg:$0x1d];
	[sflag:s9] =	ssyncadd.s32 $0xFFFFC000  }
0x22d: {  	[hbm4b:s0+s2] =	stream.linear.scatter [tilespmem:s6], [sflag:$0x3], $0x4000, $0x38;
	[tilespmem:$0x9000] =	vst v63  }
0x22e: {  	_ =	swait.ge [sflag:s3], $0x4000  }
0x22f: {  	[sflag:s3] =	ssyncset.done $0x0  }
0x230: {  	[sflag:s3] =	ssyncadd.s32 $0xFFFFC000  }
0x231: {  	[tilespmem:s6], [sflag:$0x1] =	stream.indirect.gather [hbm4b:s4+s7], $0x80, s13, s7, $0xb8;
	[tilespmem:$0x9000] =	vst v63  }
0x232: {  	_ =	swait.ge [sflag:s8], $0x4000  }
0x233: {  	[sflag:s8] =	ssyncset.done $0x0  }
0x234: {  	s0 =	rddreg [dreg:$0x1e];
	[sflag:s8] =	ssyncadd.s32 $0xFFFFC000  }
0x235: {  	[hbm4b:s0+s2] =	stream.linear.scatter [tilespmem:s5], [sflag:$0x3], $0x4000, $0x38;
	[tilespmem:$0x9000] =	vst v63  }
0x236: {  	_ =	swait.ge [sflag:s3], $0x4000  }
0x237: {  	[sflag:s3] =	ssyncset.done $0x0  }
0x238: {  	[sflag:s3] =	ssyncadd.s32 $0xFFFFC000  }
0x239: {  	[tilespmem:s5], [sflag:$0x2] =	stream.indirect.gather [hbm4b:s4+s7], $0x80, s12, s7, $0xb8;
	[tilespmem:$0x9000] =	vst v63  }
0x23a: {  	_ =	swait.ge [sflag:s9], $0x4000  }
0x23b: {  	[sflag:s9] =	ssyncset.done $0x0  }
0x23c: {  	s0 =	rddreg [dreg:$0x1f];
	[sflag:s9] =	ssyncadd.s32 $0xFFFFC000  }
0x23d: {  	[hbm4b:s0+s2] =	stream.linear.scatter [tilespmem:s6], [sflag:$0x3], $0x4000, $0x38;
	[tilespmem:$0x9000] =	vst v63  }
0x23e: {  	_ =	swait.ge [sflag:s3], $0x4000  }
0x23f: {  	[sflag:s3] =	ssyncset.done $0x0  }
0x240: {  	[sflag:s3] =	ssyncadd.s32 $0xFFFFC000  }
0x241: {  	[tilespmem:s6], [sflag:$0x1] =	stream.indirect.gather [hbm4b:s4+s7], $0x80, s11, s7, $0xb8;
	[tilespmem:$0x9000] =	vst v63  }
0x242: {  	_ =	swait.ge [sflag:s8], $0x4000  }
0x243: {  	s0 =	sld [smem:$0x7F2]  }
0x244: {  	[sflag:s8] =	ssyncset.done $0x0  }
0x245: {  	[sflag:s8] =	ssyncadd.s32 $0xFFFFC000  }
0x246: {  	[hbm4b:s0+s2] =	stream.linear.scatter [tilespmem:s5], [sflag:$0x3], $0x4000, $0x38;
	[tilespmem:$0x9000] =	vst v63  }
0x247: {  	_ =	swait.ge [sflag:s3], $0x4000  }
0x248: {  	[sflag:s3] =	ssyncset.done $0x0  }
0x249: {  	[sflag:s3] =	ssyncadd.s32 $0xFFFFC000  }
0x24a: {  	[tilespmem:s5], [sflag:$0x2] =	stream.indirect.gather [hbm4b:s4+s7], $0x80, s10, s7, $0xb8;
	[tilespmem:$0x9000] =	vst v63  }
0x24b: {  	_ =	swait.ge [sflag:s9], $0x4000  }
0x24c: {  	s0 =	sld [smem:$0x7F3]  }
0x24d: {  	[sflag:s9] =	ssyncset.done $0x0  }
0x24e: {  	[sflag:s9] =	ssyncadd.s32 $0xFFFFC000  }
0x24f: {  	[hbm4b:s0+s2] =	stream.linear.scatter [tilespmem:s6], [sflag:$0x3], $0x4000, $0x38;
	[tilespmem:$0x9000] =	vst v63  }
0x250: {  	_ =	swait.ge [sflag:s3], $0x4000  }
0x251: {  	[sflag:s3] =	ssyncset.done $0x0  }
0x252: {  	[sflag:s3] =	ssyncadd.s32 $0xFFFFC000  }
0x253: {  	_ =	swait.ge [sflag:s8], $0x4000  }
0x254: {  	p1 =	sne.s32 s1, $0x1;
	s0 =	sld [smem:$0x7F4]  }
.Ltmp2:
0x255: {  	[sflag:s8] =	ssyncset.done $0x0;
	(pc) =	sbr.rel @p1 .LBB2_2-.Ltmp2, $4  }
0x256: {  	[sflag:s8] =	ssyncadd.s32 $0xFFFFC000  }
0x257: {  	[hbm4b:s0+s2] =	stream.linear.scatter [tilespmem:s5], [sflag:$0x3], $0x4000, $0x38;
	[tilespmem:$0x9000] =	vst v63  }
0x258: {  	_ =	swait.ge [sflag:s3], $0x4000  }
0x259: {  	s1 =	sadd.s32 $0xFFFFFFFF, s1;
	s0 =	rddreg [dreg:$0x2];
	[sflag:s3] =	ssyncset.done $0x0  }
.LBB2_3:
0x25a: {  	[sflag:s3] =	ssyncadd.s32 @p0 $0xFFFFC000  }
0x25b: {  	[tilespmem:s2], [sflag:$0x3] =	stream.linear.gather [hbm4b:s0+s2], $0x1000, $0x38;
	[tilespmem:$0x9000] =	vst v63  }
0x25c: {  	_ =	swait.ge [sflag:s3], $0x1000  }
0x25d: {  	[sflag:s3] =	ssyncset.done $0x0  }
0x25e: {  	[sflag:s3] =	ssyncadd.s32 $0xFFFFF000  }
0x25f: {  	[tilespmem:s6], [sflag:$0x1] =	stream.indirect.gather [hbm4b:s4+s7], $0x80, s2, s7, $0xb8;
	[tilespmem:$0x9000] =	vst v63  }
0x260: {  	_ = 	snop  }
0x261: {  	[tilespmem:s5], [sflag:$0x2] =	stream.indirect.gather [hbm4b:s4+s7], $0x80, s7, s7, $0xb8;
	[tilespmem:$0x9000] =	vst v63  }
0x262: {  	_ =	swait.ge [sflag:s9], $0x4000  }
0x263: {  	[sflag:s9] =	ssyncset.done $0x0  }
0x264: {  	s1 =	rddreg [dreg:$0x3];
	[sflag:s9] =	ssyncadd.s32 $0xFFFFC000  }
0x265: {  	[hbm4b:s1+s2] =	stream.linear.scatter [tilespmem:s6], [sflag:$0x3], $0x4000, $0x38;
	[tilespmem:$0x9000] =	vst v63  }
0x266: {  	_ =	swait.ge [sflag:s3], $0x4000  }
0x267: {  	s1 =	sld [smem:$0x7F5]  }
0x268: {  	[sflag:s3] =	ssyncset.done $0x0  }
0x269: {  	[sflag:s3] =	ssyncadd.s32 $0xFFFFC000  }
0x26a: {  	[tilespmem:s6], [sflag:$0x1] =	stream.indirect.gather [hbm4b:s4+s7], $0x80, s1, s7, $0xb8;
	[tilespmem:$0x9000] =	vst v63  }
0x26b: {  	_ =	swait.ge [sflag:s8], $0x4000  }
0x26c: {  	[sflag:s8] =	ssyncset.done $0x0  }
0x26d: {  	s1 =	rddreg [dreg:$0x4];
	[sflag:s8] =	ssyncadd.s32 $0xFFFFC000  }
0x26e: {  	[hbm4b:s1+s2] =	stream.linear.scatter [tilespmem:s5], [sflag:$0x3], $0x4000, $0x38;
	[tilespmem:$0x9000] =	vst v63  }
0x26f: {  	_ =	swait.ge [sflag:s3], $0x4000  }
0x270: {  	s1 =	sld [smem:$0x7F6]  }
0x271: {  	[sflag:s3] =	ssyncset.done $0x0  }
0x272: {  	[sflag:s3] =	ssyncadd.s32 $0xFFFFC000  }
0x273: {  	[tilespmem:s5], [sflag:$0x2] =	stream.indirect.gather [hbm4b:s4+s7], $0x80, s1, s7, $0xb8;
	[tilespmem:$0x9000] =	vst v63  }
0x274: {  	_ =	swait.ge [sflag:s9], $0x4000  }
0x275: {  	[sflag:s9] =	ssyncset.done $0x0  }
0x276: {  	s1 =	rddreg [dreg:$0x5];
	[sflag:s9] =	ssyncadd.s32 $0xFFFFC000  }
0x277: {  	[hbm4b:s1+s2] =	stream.linear.scatter [tilespmem:s6], [sflag:$0x3], $0x4000, $0x38;
	[tilespmem:$0x9000] =	vst v63  }
0x278: {  	_ =	swait.ge [sflag:s3], $0x4000  }
0x279: {  	s1 =	sld [smem:$0x7F7]  }
0x27a: {  	[sflag:s3] =	ssyncset.done $0x0  }
0x27b: {  	[sflag:s3] =	ssyncadd.s32 $0xFFFFC000  }
0x27c: {  	[tilespmem:s6], [sflag:$0x1] =	stream.indirect.gather [hbm4b:s4+s7], $0x80, s1, s7, $0xb8;
	[tilespmem:$0x9000] =	vst v63  }
0x27d: {  	_ =	swait.ge [sflag:s8], $0x4000  }
0x27e: {  	[sflag:s8] =	ssyncset.done $0x0  }
0x27f: {  	s1 =	rddreg [dreg:$0x6];
	[sflag:s8] =	ssyncadd.s32 $0xFFFFC000  }
0x280: {  	[hbm4b:s1+s2] =	stream.linear.scatter [tilespmem:s5], [sflag:$0x3], $0x4000, $0x38;
	[tilespmem:$0x9000] =	vst v63  }
0x281: {  	_ =	swait.ge [sflag:s3], $0x4000  }
0x282: {  	s1 =	sld [smem:$0x7F8]  }
0x283: {  	[sflag:s3] =	ssyncset.done $0x0  }
0x284: {  	[sflag:s3] =	ssyncadd.s32 $0xFFFFC000  }
0x285: {  	[tilespmem:s5], [sflag:$0x2] =	stream.indirect.gather [hbm4b:s4+s7], $0x80, s1, s7, $0xb8;
	[tilespmem:$0x9000] =	vst v63  }
0x286: {  	_ =	swait.ge [sflag:s9], $0x4000  }
0x287: {  	[sflag:s9] =	ssyncset.done $0x0  }
0x288: {  	s1 =	rddreg [dreg:$0x7];
	[sflag:s9] =	ssyncadd.s32 $0xFFFFC000  }
0x289: {  	[hbm4b:s1+s2] =	stream.linear.scatter [tilespmem:s6], [sflag:$0x3], $0x4000, $0x38;
	[tilespmem:$0x9000] =	vst v63  }
0x28a: {  	_ =	swait.ge [sflag:s3], $0x4000  }
0x28b: {  	s1 =	sld [smem:$0x7F9]  }
0x28c: {  	[sflag:s3] =	ssyncset.done $0x0  }
0x28d: {  	[sflag:s3] =	ssyncadd.s32 $0xFFFFC000  }
0x28e: {  	[tilespmem:s6], [sflag:$0x1] =	stream.indirect.gather [hbm4b:s4+s7], $0x80, s1, s7, $0xb8;
	[tilespmem:$0x9000] =	vst v63  }
0x28f: {  	_ =	swait.ge [sflag:s8], $0x4000  }
0x290: {  	[sflag:s8] =	ssyncset.done $0x0  }
0x291: {  	s1 =	rddreg [dreg:$0x8];
	[sflag:s8] =	ssyncadd.s32 $0xFFFFC000  }
0x292: {  	[hbm4b:s1+s2] =	stream.linear.scatter [tilespmem:s5], [sflag:$0x3], $0x4000, $0x38;
	[tilespmem:$0x9000] =	vst v63  }
0x293: {  	_ =	swait.ge [sflag:s3], $0x4000  }
0x294: {  	s1 =	sld [smem:$0x7FA]  }
0x295: {  	[sflag:s3] =	ssyncset.done $0x0  }
0x296: {  	[sflag:s3] =	ssyncadd.s32 $0xFFFFC000  }
0x297: {  	[tilespmem:s5], [sflag:$0x2] =	stream.indirect.gather [hbm4b:s4+s7], $0x80, s1, s7, $0xb8;
	[tilespmem:$0x9000] =	vst v63  }
0x298: {  	_ =	swait.ge [sflag:s9], $0x4000  }
0x299: {  	[sflag:s9] =	ssyncset.done $0x0  }
0x29a: {  	s1 =	rddreg [dreg:$0x9];
	[sflag:s9] =	ssyncadd.s32 $0xFFFFC000  }
0x29b: {  	[hbm4b:s1+s2] =	stream.linear.scatter [tilespmem:s6], [sflag:$0x3], $0x4000, $0x38;
	[tilespmem:$0x9000] =	vst v63  }
0x29c: {  	_ =	swait.ge [sflag:s3], $0x4000  }
0x29d: {  	s1 =	sld [smem:$0x7FB]  }
0x29e: {  	[sflag:s3] =	ssyncset.done $0x0  }
0x29f: {  	[sflag:s3] =	ssyncadd.s32 $0xFFFFC000  }
0x2a0: {  	[tilespmem:s6], [sflag:$0x1] =	stream.indirect.gather [hbm4b:s4+s7], $0x80, s1, s7, $0xb8;
	[tilespmem:$0x9000] =	vst v63  }
0x2a1: {  	_ =	swait.ge [sflag:s8], $0x4000  }
0x2a2: {  	[sflag:s8] =	ssyncset.done $0x0  }
0x2a3: {  	s1 =	rddreg [dreg:$0xa];
	[sflag:s8] =	ssyncadd.s32 $0xFFFFC000  }
0x2a4: {  	[hbm4b:s1+s2] =	stream.linear.scatter [tilespmem:s5], [sflag:$0x3], $0x4000, $0x38;
	[tilespmem:$0x9000] =	vst v63  }
0x2a5: {  	_ =	swait.ge [sflag:s3], $0x4000  }
0x2a6: {  	s1 =	sld [smem:$0x7FC]  }
0x2a7: {  	[sflag:s3] =	ssyncset.done $0x0  }
0x2a8: {  	[sflag:s3] =	ssyncadd.s32 $0xFFFFC000  }
0x2a9: {  	[tilespmem:s5], [sflag:$0x2] =	stream.indirect.gather [hbm4b:s4+s7], $0x80, s1, s7, $0xb8;
	[tilespmem:$0x9000] =	vst v63  }
0x2aa: {  	_ =	swait.ge [sflag:s9], $0x4000  }
0x2ab: {  	[sflag:s9] =	ssyncset.done $0x0  }
0x2ac: {  	s1 =	rddreg [dreg:$0xb];
	[sflag:s9] =	ssyncadd.s32 $0xFFFFC000  }
0x2ad: {  	[hbm4b:s1+s2] =	stream.linear.scatter [tilespmem:s6], [sflag:$0x3], $0x4000, $0x38;
	[tilespmem:$0x9000] =	vst v63  }
0x2ae: {  	_ =	swait.ge [sflag:s3], $0x4000  }
0x2af: {  	s1 =	sld [smem:$0x7FD]  }
0x2b0: {  	[sflag:s3] =	ssyncset.done $0x0  }
0x2b1: {  	[sflag:s3] =	ssyncadd.s32 $0xFFFFC000  }
0x2b2: {  	[tilespmem:s6], [sflag:$0x1] =	stream.indirect.gather [hbm4b:s4+s7], $0x80, s1, s7, $0xb8;
	[tilespmem:$0x9000] =	vst v63  }
0x2b3: {  	_ =	swait.ge [sflag:s8], $0x4000  }
0x2b4: {  	[sflag:s8] =	ssyncset.done $0x0  }
0x2b5: {  	s1 =	rddreg [dreg:$0xc];
	[sflag:s8] =	ssyncadd.s32 $0xFFFFC000  }
0x2b6: {  	[hbm4b:s1+s2] =	stream.linear.scatter [tilespmem:s5], [sflag:$0x3], $0x4000, $0x38;
	[tilespmem:$0x9000] =	vst v63  }
0x2b7: {  	_ =	swait.ge [sflag:s3], $0x4000  }
0x2b8: {  	[sflag:s3] =	ssyncset.done $0x0  }
0x2b9: {  	[sflag:s3] =	ssyncadd.s32 $0xFFFFC000  }
0x2ba: {  	[tilespmem:s5], [sflag:$0x2] =	stream.indirect.gather [hbm4b:s4+s7], $0x80, s31, s7, $0xb8;
	[tilespmem:$0x9000] =	vst v63  }
0x2bb: {  	_ =	swait.ge [sflag:s9], $0x4000  }
0x2bc: {  	[sflag:s9] =	ssyncset.done $0x0  }
0x2bd: {  	s31 =	rddreg [dreg:$0xd];
	[sflag:s9] =	ssyncadd.s32 $0xFFFFC000  }
0x2be: {  	[hbm4b:s31+s2] =	stream.linear.scatter [tilespmem:s6], [sflag:$0x3], $0x4000, $0x38;
	[tilespmem:$0x9000] =	vst v63  }
0x2bf: {  	_ =	swait.ge [sflag:s3], $0x4000  }
0x2c0: {  	[sflag:s3] =	ssyncset.done $0x0  }
0x2c1: {  	[sflag:s3] =	ssyncadd.s32 $0xFFFFC000  }
0x2c2: {  	[tilespmem:s6], [sflag:$0x1] =	stream.indirect.gather [hbm4b:s4+s7], $0x80, s30, s7, $0xb8;
	[tilespmem:$0x9000] =	vst v63  }
0x2c3: {  	_ =	swait.ge [sflag:s8], $0x4000  }
0x2c4: {  	[sflag:s8] =	ssyncset.done $0x0  }
0x2c5: {  	s1 =	rddreg [dreg:$0xe];
	[sflag:s8] =	ssyncadd.s32 $0xFFFFC000  }
0x2c6: {  	[hbm4b:s1+s2] =	stream.linear.scatter [tilespmem:s5], [sflag:$0x3], $0x4000, $0x38;
	[tilespmem:$0x9000] =	vst v63  }
0x2c7: {  	_ =	swait.ge [sflag:s3], $0x4000  }
0x2c8: {  	[sflag:s3] =	ssyncset.done $0x0  }
0x2c9: {  	[sflag:s3] =	ssyncadd.s32 $0xFFFFC000  }
0x2ca: {  	[tilespmem:s5], [sflag:$0x2] =	stream.indirect.gather [hbm4b:s4+s7], $0x80, s29, s7, $0xb8;
	[tilespmem:$0x9000] =	vst v63  }
0x2cb: {  	_ =	swait.ge [sflag:s9], $0x4000  }
0x2cc: {  	[sflag:s9] =	ssyncset.done $0x0  }
0x2cd: {  	s30 =	rddreg [dreg:$0xf];
	[sflag:s9] =	ssyncadd.s32 $0xFFFFC000  }
0x2ce: {  	[hbm4b:s30+s2] =	stream.linear.scatter [tilespmem:s6], [sflag:$0x3], $0x4000, $0x38;
	[tilespmem:$0x9000] =	vst v63  }
0x2cf: {  	_ =	swait.ge [sflag:s3], $0x4000  }
0x2d0: {  	[sflag:s3] =	ssyncset.done $0x0  }
0x2d1: {  	[sflag:s3] =	ssyncadd.s32 $0xFFFFC000  }
0x2d2: {  	[tilespmem:s6], [sflag:$0x1] =	stream.indirect.gather [hbm4b:s4+s7], $0x80, s28, s7, $0xb8;
	[tilespmem:$0x9000] =	vst v63  }
0x2d3: {  	_ =	swait.ge [sflag:s8], $0x4000  }
0x2d4: {  	[sflag:s8] =	ssyncset.done $0x0  }
0x2d5: {  	s31 =	rddreg [dreg:$0x10];
	[sflag:s8] =	ssyncadd.s32 $0xFFFFC000  }
0x2d6: {  	[hbm4b:s31+s2] =	stream.linear.scatter [tilespmem:s5], [sflag:$0x3], $0x4000, $0x38;
	[tilespmem:$0x9000] =	vst v63  }
0x2d7: {  	_ =	swait.ge [sflag:s3], $0x4000  }
0x2d8: {  	[sflag:s3] =	ssyncset.done $0x0  }
0x2d9: {  	[sflag:s3] =	ssyncadd.s32 $0xFFFFC000  }
0x2da: {  	[tilespmem:s5], [sflag:$0x2] =	stream.indirect.gather [hbm4b:s4+s7], $0x80, s26, s7, $0xb8;
	[tilespmem:$0x9000] =	vst v63  }
0x2db: {  	_ =	swait.ge [sflag:s9], $0x4000  }
0x2dc: {  	[sflag:s9] =	ssyncset.done $0x0  }
0x2dd: {  	s1 =	rddreg [dreg:$0x11];
	[sflag:s9] =	ssyncadd.s32 $0xFFFFC000  }
0x2de: {  	[hbm4b:s1+s2] =	stream.linear.scatter [tilespmem:s6], [sflag:$0x3], $0x4000, $0x38;
	[tilespmem:$0x9000] =	vst v63  }
0x2df: {  	_ =	swait.ge [sflag:s3], $0x4000  }
0x2e0: {  	[sflag:s3] =	ssyncset.done $0x0  }
0x2e1: {  	[sflag:s3] =	ssyncadd.s32 $0xFFFFC000  }
0x2e2: {  	[tilespmem:s6], [sflag:$0x1] =	stream.indirect.gather [hbm4b:s4+s7], $0x80, s25, s7, $0xb8;
	[tilespmem:$0x9000] =	vst v63  }
0x2e3: {  	_ =	swait.ge [sflag:s8], $0x4000  }
0x2e4: {  	[sflag:s8] =	ssyncset.done $0x0  }
0x2e5: {  	s26 =	rddreg [dreg:$0x12];
	[sflag:s8] =	ssyncadd.s32 $0xFFFFC000  }
0x2e6: {  	[hbm4b:s26+s2] =	stream.linear.scatter [tilespmem:s5], [sflag:$0x3], $0x4000, $0x38;
	[tilespmem:$0x9000] =	vst v63  }
0x2e7: {  	_ =	swait.ge [sflag:s3], $0x4000  }
0x2e8: {  	[sflag:s3] =	ssyncset.done $0x0  }
0x2e9: {  	[sflag:s3] =	ssyncadd.s32 $0xFFFFC000  }
0x2ea: {  	[tilespmem:s5], [sflag:$0x2] =	stream.indirect.gather [hbm4b:s4+s7], $0x80, s24, s7, $0xb8;
	[tilespmem:$0x9000] =	vst v63  }
0x2eb: {  	_ =	swait.ge [sflag:s9], $0x4000  }
0x2ec: {  	[sflag:s9] =	ssyncset.done $0x0  }
0x2ed: {  	s28 =	rddreg [dreg:$0x13];
	[sflag:s9] =	ssyncadd.s32 $0xFFFFC000  }
0x2ee: {  	[hbm4b:s28+s2] =	stream.linear.scatter [tilespmem:s6], [sflag:$0x3], $0x4000, $0x38;
	[tilespmem:$0x9000] =	vst v63  }
0x2ef: {  	_ =	swait.ge [sflag:s3], $0x4000  }
0x2f0: {  	[sflag:s3] =	ssyncset.done $0x0  }
0x2f1: {  	[sflag:s3] =	ssyncadd.s32 $0xFFFFC000  }
0x2f2: {  	[tilespmem:s6], [sflag:$0x1] =	stream.indirect.gather [hbm4b:s4+s7], $0x80, s23, s7, $0xb8;
	[tilespmem:$0x9000] =	vst v63  }
0x2f3: {  	_ =	swait.ge [sflag:s8], $0x4000  }
0x2f4: {  	[sflag:s8] =	ssyncset.done $0x0  }
0x2f5: {  	s29 =	rddreg [dreg:$0x14];
	[sflag:s8] =	ssyncadd.s32 $0xFFFFC000  }
0x2f6: {  	[hbm4b:s29+s2] =	stream.linear.scatter [tilespmem:s5], [sflag:$0x3], $0x4000, $0x38;
	[tilespmem:$0x9000] =	vst v63  }
0x2f7: {  	_ =	swait.ge [sflag:s3], $0x4000  }
0x2f8: {  	[sflag:s3] =	ssyncset.done $0x0  }
0x2f9: {  	[sflag:s3] =	ssyncadd.s32 $0xFFFFC000  }
0x2fa: {  	[tilespmem:s5], [sflag:$0x2] =	stream.indirect.gather [hbm4b:s4+s7], $0x80, s22, s7, $0xb8;
	[tilespmem:$0x9000] =	vst v63  }
0x2fb: {  	_ =	swait.ge [sflag:s9], $0x4000  }
0x2fc: {  	[sflag:s9] =	ssyncset.done $0x0  }
0x2fd: {  	s30 =	rddreg [dreg:$0x15];
	[sflag:s9] =	ssyncadd.s32 $0xFFFFC000  }
0x2fe: {  	[hbm4b:s30+s2] =	stream.linear.scatter [tilespmem:s6], [sflag:$0x3], $0x4000, $0x38;
	[tilespmem:$0x9000] =	vst v63  }
0x2ff: {  	_ =	swait.ge [sflag:s3], $0x4000  }
0x300: {  	[sflag:s3] =	ssyncset.done $0x0  }
0x301: {  	[sflag:s3] =	ssyncadd.s32 $0xFFFFC000  }
0x302: {  	[tilespmem:s6], [sflag:$0x1] =	stream.indirect.gather [hbm4b:s4+s7], $0x80, s21, s7, $0xb8;
	[tilespmem:$0x9000] =	vst v63  }
0x303: {  	_ =	swait.ge [sflag:s8], $0x4000  }
0x304: {  	[sflag:s8] =	ssyncset.done $0x0  }
0x305: {  	s31 =	rddreg [dreg:$0x16];
	[sflag:s8] =	ssyncadd.s32 $0xFFFFC000  }
0x306: {  	[hbm4b:s31+s2] =	stream.linear.scatter [tilespmem:s5], [sflag:$0x3], $0x4000, $0x38;
	[tilespmem:$0x9000] =	vst v63  }
0x307: {  	_ =	swait.ge [sflag:s3], $0x4000  }
0x308: {  	[sflag:s3] =	ssyncset.done $0x0  }
0x309: {  	[sflag:s3] =	ssyncadd.s32 $0xFFFFC000  }
0x30a: {  	[tilespmem:s5], [sflag:$0x2] =	stream.indirect.gather [hbm4b:s4+s7], $0x80, s20, s7, $0xb8;
	[tilespmem:$0x9000] =	vst v63  }
0x30b: {  	_ =	swait.ge [sflag:s9], $0x4000  }
0x30c: {  	[sflag:s9] =	ssyncset.done $0x0  }
0x30d: {  	s1 =	rddreg [dreg:$0x17];
	[sflag:s9] =	ssyncadd.s32 $0xFFFFC000  }
0x30e: {  	[hbm4b:s1+s2] =	stream.linear.scatter [tilespmem:s6], [sflag:$0x3], $0x4000, $0x38;
	[tilespmem:$0x9000] =	vst v63  }
0x30f: {  	_ =	swait.ge [sflag:s3], $0x4000  }
0x310: {  	[sflag:s3] =	ssyncset.done $0x0  }
0x311: {  	[sflag:s3] =	ssyncadd.s32 $0xFFFFC000  }
0x312: {  	[tilespmem:s6], [sflag:$0x1] =	stream.indirect.gather [hbm4b:s4+s7], $0x80, s19, s7, $0xb8;
	[tilespmem:$0x9000] =	vst v63  }
0x313: {  	_ =	swait.ge [sflag:s8], $0x4000  }
0x314: {  	[sflag:s8] =	ssyncset.done $0x0  }
0x315: {  	s19 =	rddreg [dreg:$0x18];
	[sflag:s8] =	ssyncadd.s32 $0xFFFFC000  }
0x316: {  	[hbm4b:s19+s2] =	stream.linear.scatter [tilespmem:s5], [sflag:$0x3], $0x4000, $0x38;
	[tilespmem:$0x9000] =	vst v63  }
0x317: {  	_ =	swait.ge [sflag:s3], $0x4000  }
0x318: {  	[sflag:s3] =	ssyncset.done $0x0  }
0x319: {  	[sflag:s3] =	ssyncadd.s32 $0xFFFFC000  }
0x31a: {  	[tilespmem:s5], [sflag:$0x2] =	stream.indirect.gather [hbm4b:s4+s7], $0x80, s18, s7, $0xb8;
	[tilespmem:$0x9000] =	vst v63  }
0x31b: {  	_ =	swait.ge [sflag:s9], $0x4000  }
0x31c: {  	[sflag:s9] =	ssyncset.done $0x0  }
0x31d: {  	s20 =	rddreg [dreg:$0x19];
	[sflag:s9] =	ssyncadd.s32 $0xFFFFC000  }
0x31e: {  	[hbm4b:s20+s2] =	stream.linear.scatter [tilespmem:s6], [sflag:$0x3], $0x4000, $0x38;
	[tilespmem:$0x9000] =	vst v63  }
0x31f: {  	_ =	swait.ge [sflag:s3], $0x4000  }
0x320: {  	[sflag:s3] =	ssyncset.done $0x0  }
0x321: {  	[sflag:s3] =	ssyncadd.s32 $0xFFFFC000  }
0x322: {  	[tilespmem:s6], [sflag:$0x1] =	stream.indirect.gather [hbm4b:s4+s7], $0x80, s17, s7, $0xb8;
	[tilespmem:$0x9000] =	vst v63  }
0x323: {  	_ =	swait.ge [sflag:s8], $0x4000  }
0x324: {  	[sflag:s8] =	ssyncset.done $0x0  }
0x325: {  	s21 =	rddreg [dreg:$0x1a];
	[sflag:s8] =	ssyncadd.s32 $0xFFFFC000  }
0x326: {  	[hbm4b:s21+s2] =	stream.linear.scatter [tilespmem:s5], [sflag:$0x3], $0x4000, $0x38;
	[tilespmem:$0x9000] =	vst v63  }
0x327: {  	_ =	swait.ge [sflag:s3], $0x4000  }
0x328: {  	[sflag:s3] =	ssyncset.done $0x0  }
0x329: {  	[sflag:s3] =	ssyncadd.s32 $0xFFFFC000  }
0x32a: {  	[tilespmem:s5], [sflag:$0x2] =	stream.indirect.gather [hbm4b:s4+s7], $0x80, s16, s7, $0xb8;
	[tilespmem:$0x9000] =	vst v63  }
0x32b: {  	_ =	swait.ge [sflag:s9], $0x4000  }
0x32c: {  	[sflag:s9] =	ssyncset.done $0x0  }
0x32d: {  	s22 =	rddreg [dreg:$0x1b];
	[sflag:s9] =	ssyncadd.s32 $0xFFFFC000  }
0x32e: {  	[hbm4b:s22+s2] =	stream.linear.scatter [tilespmem:s6], [sflag:$0x3], $0x4000, $0x38;
	[tilespmem:$0x9000] =	vst v63  }
0x32f: {  	_ =	swait.ge [sflag:s3], $0x4000  }
0x330: {  	[sflag:s3] =	ssyncset.done $0x0  }
0x331: {  	[sflag:s3] =	ssyncadd.s32 $0xFFFFC000  }
0x332: {  	[tilespmem:s6], [sflag:$0x1] =	stream.indirect.gather [hbm4b:s4+s7], $0x80, s15, s7, $0xb8;
	[tilespmem:$0x9000] =	vst v63  }
0x333: {  	_ =	swait.ge [sflag:s8], $0x4000  }
0x334: {  	[sflag:s8] =	ssyncset.done $0x0  }
0x335: {  	s23 =	rddreg [dreg:$0x1c];
	[sflag:s8] =	ssyncadd.s32 $0xFFFFC000  }
0x336: {  	[hbm4b:s23+s2] =	stream.linear.scatter [tilespmem:s5], [sflag:$0x3], $0x4000, $0x38;
	[tilespmem:$0x9000] =	vst v63  }
0x337: {  	_ =	swait.ge [sflag:s3], $0x4000  }
0x338: {  	[sflag:s3] =	ssyncset.done $0x0  }
0x339: {  	[sflag:s3] =	ssyncadd.s32 $0xFFFFC000  }
0x33a: {  	[tilespmem:s5], [sflag:$0x2] =	stream.indirect.gather [hbm4b:s4+s7], $0x80, s14, s7, $0xb8;
	[tilespmem:$0x9000] =	vst v63  }
0x33b: {  	_ =	swait.ge [sflag:s9], $0x4000  }
0x33c: {  	[sflag:s9] =	ssyncset.done $0x0  }
0x33d: {  	s24 =	rddreg [dreg:$0x1d];
	[sflag:s9] =	ssyncadd.s32 $0xFFFFC000  }
0x33e: {  	[hbm4b:s24+s2] =	stream.linear.scatter [tilespmem:s6], [sflag:$0x3], $0x4000, $0x38;
	[tilespmem:$0x9000] =	vst v63  }
0x33f: {  	_ =	swait.ge [sflag:s3], $0x4000  }
0x340: {  	[sflag:s3] =	ssyncset.done $0x0  }
0x341: {  	[sflag:s3] =	ssyncadd.s32 $0xFFFFC000  }
0x342: {  	[tilespmem:s6], [sflag:$0x1] =	stream.indirect.gather [hbm4b:s4+s7], $0x80, s13, s7, $0xb8;
	[tilespmem:$0x9000] =	vst v63  }
0x343: {  	_ =	swait.ge [sflag:s8], $0x4000  }
0x344: {  	[sflag:s8] =	ssyncset.done $0x0  }
0x345: {  	s25 =	rddreg [dreg:$0x1e];
	[sflag:s8] =	ssyncadd.s32 $0xFFFFC000  }
0x346: {  	[hbm4b:s25+s2] =	stream.linear.scatter [tilespmem:s5], [sflag:$0x3], $0x4000, $0x38;
	[tilespmem:$0x9000] =	vst v63  }
0x347: {  	_ =	swait.ge [sflag:s3], $0x4000  }
0x348: {  	[sflag:s3] =	ssyncset.done $0x0  }
0x349: {  	[sflag:s3] =	ssyncadd.s32 $0xFFFFC000  }
0x34a: {  	[tilespmem:s5], [sflag:$0x2] =	stream.indirect.gather [hbm4b:s4+s7], $0x80, s12, s7, $0xb8;
	[tilespmem:$0x9000] =	vst v63  }
0x34b: {  	_ =	swait.ge [sflag:s9], $0x4000  }
0x34c: {  	[sflag:s9] =	ssyncset.done $0x0  }
0x34d: {  	s26 =	rddreg [dreg:$0x1f];
	[sflag:s9] =	ssyncadd.s32 $0xFFFFC000  }
0x34e: {  	[hbm4b:s26+s2] =	stream.linear.scatter [tilespmem:s6], [sflag:$0x3], $0x4000, $0x38;
	[tilespmem:$0x9000] =	vst v63  }
0x34f: {  	_ =	swait.ge [sflag:s3], $0x4000  }
0x350: {  	[sflag:s3] =	ssyncset.done $0x0  }
0x351: {  	[sflag:s3] =	ssyncadd.s32 $0xFFFFC000  }
0x352: {  	[tilespmem:s6], [sflag:$0x1] =	stream.indirect.gather [hbm4b:s4+s7], $0x80, s11, s7, $0xb8;
	[tilespmem:$0x9000] =	vst v63  }
0x353: {  	_ =	swait.ge [sflag:s8], $0x4000  }
0x354: {  	s28 =	sld [smem:$0x7F2]  }
0x355: {  	[sflag:s8] =	ssyncset.done $0x0  }
0x356: {  	[sflag:s8] =	ssyncadd.s32 $0xFFFFC000  }
0x357: {  	[hbm4b:s28+s2] =	stream.linear.scatter [tilespmem:s5], [sflag:$0x3], $0x4000, $0x38;
	[tilespmem:$0x9000] =	vst v63  }
0x358: {  	_ =	swait.ge [sflag:s3], $0x4000  }
0x359: {  	[sflag:s3] =	ssyncset.done $0x0  }
0x35a: {  	[sflag:s3] =	ssyncadd.s32 $0xFFFFC000  }
0x35b: {  	[tilespmem:s5], [sflag:$0x2] =	stream.indirect.gather [hbm4b:s4+s7], $0x80, s10, s7, $0xb8;
	[tilespmem:$0x9000] =	vst v63  }
0x35c: {  	_ =	swait.ge [sflag:s9], $0x4000  }
0x35d: {  	s29 =	sld [smem:$0x7F3]  }
0x35e: {  	[sflag:s9] =	ssyncset.done $0x0  }
0x35f: {  	[sflag:s9] =	ssyncadd.s32 $0xFFFFC000  }
0x360: {  	[hbm4b:s29+s2] =	stream.linear.scatter [tilespmem:s6], [sflag:$0x3], $0x4000, $0x38;
	[tilespmem:$0x9000] =	vst v63  }
0x361: {  	_ =	swait.ge [sflag:s3], $0x4000  }
0x362: {  	[sflag:s3] =	ssyncset.done $0x0  }
0x363: {  	[sflag:s3] =	ssyncadd.s32 $0xFFFFC000  }
0x364: {  	_ =	swait.ge [sflag:s8], $0x4000  }
0x365: {  	s30 =	sld [smem:$0x7F4]  }
0x366: {  	[sflag:s8] =	ssyncset.done $0x0  }
0x367: {  	[sflag:s8] =	ssyncadd.s32 $0xFFFFC000  }
0x368: {  	[hbm4b:s30+s2] =	stream.linear.scatter [tilespmem:s5], [sflag:$0x3], $0x4000, $0x38;
	[tilespmem:$0x9000] =	vst v63  }
0x369: {  	_ =	swait.ge [sflag:s3], $0x4000  }
0x36a: {  	[sflag:s3] =	ssyncset.done $0x0  }
0x36b: {  	[sflag:s3] =	ssyncadd.s32 $0xFFFFC000  }
0x36c: {  	_ =	sfence.sel $0x180000  }
0x36d: {  	[bflag:$0x0] =	sbarrier.arrive $0xFFFF  }
0x36e: {  	_ =	strace $0x9000004A  }
0x36f: {  	s31 =	stileid.u32;
	[bflag:$0x2] =	sbarrier.arrive $0xFFFF  }
0x370: {  	p0 =	sne.s32 s31, $0x0;
	s0 =	rddreg [dreg:$0x1]  }
0x371: {  	s0 =	sadd.s32 @!p0 $0x100000, s0  }
0x372: {  	[sflag:s0] =	ssyncadd.tile.s32 @!p0 $0x1;
	_ =	shalt  }
.Lfunc_end2:
_tile_overlayer_lowered:
.L_overlay_start_2:
0x373: {  	(tag) =	ssettag $0x2  }
0x374: {  	s0 =	rddreg [dreg:$0x0];
	s2 =	stileid.u32  }
0x375: {  	s1 =	rddreg [dreg:$0x1];
	p0 =	sne.s32 s2, $0x0  }
0x376: {  	s3 =	rddreg [dreg:$0x2];
	[bflag:$0x3] =	sbarrier.arrive $0xFFFF;
	s2 =	simm.s32 @!p0 $0x1C03  }
0x377: {  	[timem:s3], [sflag:s2] =	dma.local @!p0 [hbm:s0], s1  }
0x378: {  	s0 =	simm.s32 @!p0 $0x3  }
0x379: {  	_ =	swait.ge @!p0 [sflag:s0], s1  }
0x37a: {  	s1 =	ssub.s32 @!p0 $0x0, s1;
	[sflag:s0] =	ssyncset.done @!p0 $0x0  }
0x37b: {  	[sflag:s0] =	ssyncadd.s32 @!p0 s1  }
0x37c: {  	[bflag:$0x3] =	sbarrier.arrive $0xFFFF  }
0x37d: {  	_ =	shalt  }

</sc_bundles>
